<compile_context>
chip_gen: v7x
topology: tpu7x:2x2x1
jax: 0.10.2.dev20260603
libtpu: 0.0.44.dev20260713+nightly
codegen_flags: <defaults>
</compile_context>

<pallas_src>
import functools

import jax
import jax.numpy as jnp
import numpy as np
from jax import lax
from jax.experimental import pallas as pl
from jax.experimental.pallas import tpu as pltpu
from jax.experimental.pallas import tpu_sc as plsc

N = 10000
K = 16
SIZE = 128
HEADS = 8
ATT = 32
HA = HEADS * ATT
DIST_KERNELS = 16
MAX_DIST = 20.0
SEQ_SIZE = 20

T = 320
NP = 10240
GRID = NP // T
E = T * K
EP = NP * K
CH = 128
NW = 32
SCALE = 1.0 / np.sqrt(ATT)


def _np_seg():
    seg = np.zeros((HA, HEADS), np.float32)
    for h in range(HEADS):
        seg[h * ATT:(h + 1) * ATT, h] = 1.0
    return seg

_SEG = _np_seg()
_SEGT = _SEG.T.copy()

_C3 = np.zeros((16, 1), np.float32)
_C3[0:3, 0] = 1.0

_MD = np.zeros((16, 9), np.float32)
for _i in range(3):
    for _j in range(3):
        _MD[_j, 3 * _i + _j] = 1.0
_MO = np.zeros((16, 9), np.float32)
for _i in range(3):
    for _j in range(3):
        _MO[3 + 3 * _i + _j, 3 * _i + _j] = 1.0
_MG = np.zeros((9, 3), np.float32)
for _i in range(3):
    for _j in range(3):
        _MG[3 * _i + _j, _i] = 1.0
_MU2 = np.zeros((16, 27), np.float32)
_MV = np.zeros((16, 27), np.float32)
_MS = np.zeros((27, 9), np.float32)
for _jj in range(3):
    for _ii in range(3):
        for _ll in range(3):
            _c = 9 * _jj + 3 * _ii + _ll
            _MU2[3 + 3 * _jj + _ii, _c] = 1.0
            _MV[3 + 3 * _jj + _ll, _c] = 1.0
            _MS[_c, 3 * _ii + _ll] = 1.0
_MQ = np.zeros((9, 4), np.float32)
for _i, _signs in enumerate([(1, 1, 1), (1, -1, -1), (-1, 1, -1), (-1, -1, 1)]):
    _MQ[0, _i], _MQ[4, _i], _MQ[8, _i] = _signs
_MSGN = np.zeros((9, 4), np.float32)
_MSGN[7, 1], _MSGN[5, 1] = 1.0, -1.0
_MSGN[2, 2], _MSGN[6, 2] = 1.0, -1.0
_MSGN[3, 3], _MSGN[1, 3] = 1.0, -1.0
_CEN = np.linspace(0.0, MAX_DIST, DIST_KERNELS).astype(np.float32)[None, :]
_INV_SIG = DIST_KERNELS / MAX_DIST
_MROT = np.eye(16, dtype=np.float32)
_MROT[14, 14] = _MROT[15, 15] = 0.0
_MROT[14, 15] = _MROT[15, 14] = 1.0
_GSIN = np.zeros((16, 2), np.float32)
_GSIN[14, 0], _GSIN[15, 0] = 1.0, -1.0
_GCOS = np.zeros((16, 2), np.float32)
_GCOS[14, 1] = _GCOS[15, 1] = 1.0
_GMISC = np.zeros((32, 2), np.float32)
_GMISC[13, 0] = 1.0
_GMISC[16, 1] = 1.0
_O0 = np.array([[1.0, 0.0, 0.0, 0.0]], np.float32)


def _sc_gather(table, idx2d, d):
    rows = idx2d.shape[0] * CH
    nch = rows // CH // NW
    dt = table.dtype
    itemsize = 2 if dt == jnp.bfloat16 else 4
    ntab = table.shape[0]
    idx_bytes = nch * CH * 4
    buf_bytes = CH * d * itemsize
    per_sub = (7_600_000 - ntab * d * itemsize) // 16
    NBUF = max(2, min(4, (per_sub - idx_bytes) // buf_bytes))
    assert nch % NBUF == 0

    mesh = plsc.VectorSubcoreMesh(core_axis_name="c", subcore_axis_name="s",
                                  num_cores=2, num_subcores=16)

    @functools.partial(
        pl.kernel,
        out_type=jax.ShapeDtypeStruct((rows, d), dt),
        mesh=mesh,
        compiler_params=pltpu.CompilerParams(use_tc_tiling_on_sc=True),
        scratch_types=[
            pltpu.VMEM((nch, CH), jnp.int32),
            pltpu.VMEM_SHARED((ntab, d), dt),
        ] + [pltpu.VMEM((CH, d), dt)] * NBUF
          + [pltpu.SemaphoreType.DMA] * (2 * NBUF),
    )
    def gk(table_hbm, idx_hbm, out_hbm, idx_v, tab_s, *bufsem):
        bufs = bufsem[:NBUF]
        gsem = bufsem[NBUF:2 * NBUF]
        wsem = bufsem[2 * NBUF:]
        sid = lax.axis_index("s")
        wid = sid * 2 + lax.axis_index("c")
        row0 = wid * nch

        @pl.when(sid == 0)
        def _():
            pltpu.sync_copy(table_hbm, tab_s)

        pltpu.sync_copy(idx_hbm.at[pl.ds(row0, nch)], idx_v)
        plsc.subcore_barrier()

        for b in range(NBUF):
            pltpu.async_copy(tab_s.at[idx_v.at[b]], bufs[b], gsem[b])

        def outer(g, _):
            base = g * NBUF
            for b in range(NBUF):
                i = base + b
                pltpu.make_async_copy(tab_s.at[idx_v.at[i]],
                                      bufs[b], gsem[b]).wait()
                pltpu.async_copy(bufs[b],
                                 out_hbm.at[pl.ds((row0 + i) * CH, CH)], wsem[b])
            for b in range(NBUF):
                nxt = base + NBUF + b

                @pl.when(nxt < nch)
                def _():
                    pltpu.make_async_copy(
                        bufs[b], out_hbm.at[pl.ds((row0 + base + b) * CH, CH)],
                        wsem[b]).wait()
                    pltpu.async_copy(tab_s.at[idx_v.at[nxt]], bufs[b], gsem[b])
            return 0

        lax.fori_loop(0, nch // NBUF, outer, 0)
        for b in range(NBUF):
            i = nch - NBUF + b
            pltpu.make_async_copy(bufs[b],
                                  out_hbm.at[pl.ds((row0 + i) * CH, CH)],
                                  wsem[b]).wait()

    return gk(table, idx2d)


def _rel_body(dist_ref, distg_ref, c3, md, mo, mg, mu2, mv, ms, mq, msgn, cen,
              mrot, gsin, gcos, o0, rel_ref):
    f32 = jnp.float32
    s0 = dist_ref[:, :16]
    y32 = distg_ref[:, :32]
    y = y32[:, :16]
    s = jnp.broadcast_to(s0[:, None, :], (T, K, 16)).reshape(E, 16)
    dd = y - s
    d2 = jnp.dot(dd * dd, c3[...], preferred_element_type=f32)
    dist = jnp.sqrt(d2 + 1e-12)
    vb = jnp.dot(dd, md[...], preferred_element_type=f32)
    ob = jnp.dot(s, mo[...], preferred_element_type=f32)
    rcp = 1.0 / (dist + 1e-6)
    direction = jnp.dot(ob * vb, mg[...], preferred_element_type=f32) * rcp
    u = jnp.dot(s, mu2[...], preferred_element_type=f32)
    v = jnp.dot(y, mv[...], preferred_element_type=f32)
    r9 = jnp.dot(u * v, ms[...], preferred_element_type=f32)
    args = jnp.maximum(1.0 + jnp.dot(r9, mq[...],
                                     preferred_element_type=f32), 1e-6)
    w4 = 0.5 * jnp.sqrt(args)
    sgn = jnp.sign(jnp.dot(r9, msgn[...], preferred_element_type=f32))
    quat = w4 * (sgn + o0[...])
    yrot = jnp.dot(y, mrot[...], preferred_element_type=f32)
    p = s * yrot
    q = s * y
    dsc = (jnp.dot(p, gsin[...], preferred_element_type=f32)
           + jnp.dot(q, gcos[...], preferred_element_type=f32))
    z = (dist - cen[...]) * _INV_SIG
    rbf = jnp.exp(-(z * z))
    rel_ref[...] = jnp.concatenate(
        [rbf, direction, quat, dsc, y32[:, 13:14], y32[:, 16:17],
         jnp.zeros((E, 5), f32)], axis=1)


def _rel_call(dist16p, distg):
    consts = [jnp.asarray(a) for a in
              (_C3, _MD, _MO, _MG, _MU2, _MV, _MS, _MQ, _MSGN, _CEN,
               _MROT, _GSIN, _GCOS, _O0)]
    return pl.pallas_call(
        _rel_body,
        grid=(GRID,),
        in_specs=[pl.BlockSpec((T, SIZE), lambda i: (i, 0)),
                  pl.BlockSpec((E, SIZE), lambda i: (i, 0))]
                 + [_wspec(a.shape) for a in consts],
        out_specs=pl.BlockSpec((E, 32), lambda i: (i, 0)),
        out_shape=jax.ShapeDtypeStruct((EP, 32), jnp.float32),
    )(dist16p, distg, *consts)


def _a1_body(f_ref, d_ref, wpre, bpre, w0, b0, w1, b1, out0_ref, loc_ref,
             d16_ref):
    f32 = jnp.float32
    x = f_ref[...]
    out0 = jnp.dot(x, wpre[...], preferred_element_type=f32) + bpre[...]
    h = jnp.maximum(out0, 0.0)
    h = jnp.maximum(jnp.dot(h, w0[...], preferred_element_type=f32) + b0[...], 0.0)
    loc = jnp.maximum(jnp.dot(h, w1[...], preferred_element_type=f32) + b1[...], 0.0)
    out0_ref[...] = out0
    loc_ref[...] = loc
    d = d_ref[...]
    ang = d[:, 12:13]
    i = pl.program_id(0)
    nid = (i * T + lax.broadcasted_iota(jnp.int32, (T, 1), 0)).astype(f32)
    d16_ref[...] = jnp.concatenate(
        [d[:, :14], jnp.sin(ang), jnp.cos(ang), nid, jnp.zeros((T, 111), f32)],
        axis=1)


def _wspec(shape):
    return pl.BlockSpec(shape, lambda i: tuple(0 for _ in shape))


def _a1_call(fp, dist16p, wpre, bpre, w0, b0, w1, b1):
    return pl.pallas_call(
        _a1_body,
        grid=(GRID,),
        in_specs=[pl.BlockSpec((T, SIZE), lambda i: (i, 0)),
                  pl.BlockSpec((T, 16), lambda i: (i, 0)),
                  _wspec((SIZE, SIZE)), _wspec((1, SIZE)),
                  _wspec((SIZE, SIZE)), _wspec((1, SIZE)),
                  _wspec((SIZE, SIZE)), _wspec((1, SIZE))],
        out_specs=[pl.BlockSpec((T, SIZE), lambda i: (i, 0)),
                   pl.BlockSpec((T, SIZE), lambda i: (i, 0)),
                   pl.BlockSpec((T, SIZE), lambda i: (i, 0))],
        out_shape=[jax.ShapeDtypeStruct((NP, SIZE), jnp.float32),
                   jax.ShapeDtypeStruct((NP, SIZE), jnp.float32),
                   jax.ShapeDtypeStruct((NP, SIZE), jnp.float32)],
    )(fp, dist16p, wpre, bpre, w0, b0, w1, b1)


def _attention_core(q, k, v, seg, segt):
    qe = jnp.broadcast_to(q[:, None, :], (T, K, HA)).reshape(E, HA)
    logits = jnp.dot(qe * k, seg[...],
                     preferred_element_type=jnp.float32) * SCALE
    l3 = logits.reshape(T, K, HEADS)
    m = jnp.max(l3, axis=1, keepdims=True)
    e3 = jnp.exp(l3 - m)
    ssum = jnp.sum(e3, axis=1, keepdims=True)
    w3 = e3 / ssum
    we = jnp.dot(w3.reshape(E, HEADS), segt[...],
                 preferred_element_type=jnp.float32)
    return jnp.sum((we * v).reshape(T, K, HA), axis=1)


def _next_local(out, nw0, nb0, nw1, nb1):
    f32 = jnp.float32
    h = jnp.maximum(out, 0.0)
    h = jnp.maximum(jnp.dot(h, nw0[...], preferred_element_type=f32) + nb0[...], 0.0)
    return jnp.maximum(jnp.dot(h, nw1[...], preferred_element_type=f32) + nb1[...], 0.0)


def _benc_body(combine_out, feats_ref, loc_ref, lg_ref, rel_ref,
               wq, bq, wkf, wkr, bk, wvf, wvr, bv, wo, bo,
               nw0, nb0, nw1, nb1, seg, segt, out_ref):
    f32 = jnp.float32
    loc = loc_ref[...]
    q = jnp.dot(loc, wq[...], preferred_element_type=f32) + bq[...]
    lg = lg_ref[...]
    rel = rel_ref[...]
    k = (jnp.dot(lg, wkf[...], preferred_element_type=f32)
         + jnp.dot(rel, wkr[...], preferred_element_type=f32) + bk[...])
    v = (jnp.dot(lg, wvf[...], preferred_element_type=f32)
         + jnp.dot(rel, wvr[...], preferred_element_type=f32) + bv[...])
    o = _attention_core(q, k, v, seg, segt)
    att = jnp.dot(o, wo[...], preferred_element_type=f32) + bo[...]
    out = feats_ref[...] + att
    nloc = _next_local(out, nw0, nb0, nw1, nb1)
    out_ref[0][...] = out
    out_ref[1][...] = nloc


def _benc_call(combine_out, feats, loc, lg, relp, wq, bq, wkf, wkr, bk,
               wvf, wvr, bv, wo, bo, nw0, nb0, nw1, nb1):
    out_specs = [pl.BlockSpec((T, SIZE), lambda i: (i, 0))] * 2
    out_shape = [jax.ShapeDtypeStruct((NP, SIZE), jnp.float32)] * 2

    def body(*refs):
        _benc_body(combine_out, *refs[:20], refs[20:])

    return pl.pallas_call(
        body,
        grid=(GRID,),
        in_specs=[pl.BlockSpec((T, SIZE), lambda i: (i, 0)),
                  pl.BlockSpec((T, SIZE), lambda i: (i, 0)),
                  pl.BlockSpec((E, SIZE), lambda i: (i, 0)),
                  pl.BlockSpec((E, 32), lambda i: (i, 0)),
                  _wspec((SIZE, HA)), _wspec((1, HA)),
                  _wspec((SIZE, HA)), _wspec((32, HA)), _wspec((1, HA)),
                  _wspec((SIZE, HA)), _wspec((32, HA)), _wspec((1, HA)),
                  _wspec((HA, SIZE)), _wspec((1, SIZE)),
                  _wspec((SIZE, SIZE)), _wspec((1, SIZE)),
                  _wspec((SIZE, SIZE)), _wspec((1, SIZE)),
                  _wspec((HA, HEADS)), _wspec((HEADS, HA))],
        out_specs=out_specs,
        out_shape=out_shape,
    )(feats, loc, lg, relp, wq, bq, wkf, wkr, bk, wvf, wvr, bv, wo, bo,
      nw0, nb0, nw1, nb1, jnp.asarray(_SEG), jnp.asarray(_SEGT))


def _bdec_body(final, feats_ref, loc_ref, lgd_ref, enc_ref, rel_ref,
               wq, bq, wkf, wkr, wks, bk, wvf, wvr, wvs, bv, wo, bo,
               nw0, nb0, nw1, nb1, seg, segt, out_ref=None):
    f32 = jnp.float32
    i = pl.program_id(0)
    rel = rel_ref[...]
    eidx = lax.broadcasted_iota(jnp.int32, (E, 1), 0)
    nid = (i * T + eidx // K).astype(f32)
    pre = rel[:, 26:27] < nid
    lgd = lgd_ref[...]
    encg = enc_ref[...]
    feat_part = jnp.where(pre, lgd, encg)
    seqg = rel[:, 25:26].astype(jnp.int32)
    io32 = lax.broadcasted_iota(jnp.int32, (E, 32), 1)
    oh = jnp.where((seqg == io32) & pre, 1.0, 0.0)
    loc = loc_ref[...]
    q = jnp.dot(loc, wq[...], preferred_element_type=f32) + bq[...]
    k = (jnp.dot(feat_part, wkf[...], preferred_element_type=f32)
         + jnp.dot(rel, wkr[...], preferred_element_type=f32)
         + jnp.dot(oh, wks[...], preferred_element_type=f32) + bk[...])
    v = (jnp.dot(feat_part, wvf[...], preferred_element_type=f32)
         + jnp.dot(rel, wvr[...], preferred_element_type=f32)
         + jnp.dot(oh, wvs[...], preferred_element_type=f32) + bv[...])
    o = _attention_core(q, k, v, seg, segt)
    att = jnp.dot(o, wo[...], preferred_element_type=f32) + bo[...]
    out = feats_ref[...] + att
    if final:
        wpost, bpost = nw0, nb0
        out_ref[...] = jnp.dot(out, wpost[...], preferred_element_type=f32) + bpost[...]
    else:
        nloc = _next_local(out, nw0, nb0, nw1, nb1)
        out_ref[0][...] = out
        out_ref[1][...] = nloc


def _bdec_call(final, feats, loc, lgd, encg, relp,
               wq, bq, wkf, wkr, wks, bk, wvf, wvr, wvs, bv, wo, bo,
               nw0, nb0, nw1, nb1, feats_spec, loc_spec, lgd_spec, enc_spec):
    if final:
        out_specs = pl.BlockSpec((T, 32), lambda i: (i, 0))
        out_shape = jax.ShapeDtypeStruct((NP, 32), jnp.float32)
        mlp_specs = [_wspec((SIZE, 32)), _wspec((1, 32))]
        mlp_args = (nw0, nb0)
    else:
        out_specs = [pl.BlockSpec((T, SIZE), lambda i: (i, 0))] * 2
        out_shape = [jax.ShapeDtypeStruct((NP, SIZE), jnp.float32)] * 2
        mlp_specs = [_wspec((SIZE, SIZE)), _wspec((1, SIZE)),
                     _wspec((SIZE, SIZE)), _wspec((1, SIZE))]
        mlp_args = (nw0, nb0, nw1, nb1)

    def body(*refs):
        if final:
            ins = list(refs[:19]) + [None, None] + list(refs[19:21])
            _bdec_body(final, *ins, refs[21])
        else:
            _bdec_body(final, *refs[:23], refs[23:])

    return pl.pallas_call(
        body,
        grid=(GRID,),
        in_specs=[feats_spec, loc_spec, lgd_spec, enc_spec,
                  pl.BlockSpec((E, 32), lambda i: (i, 0)),
                  _wspec((SIZE, HA)), _wspec((1, HA)),
                  _wspec((SIZE, HA)), _wspec((32, HA)), _wspec((32, HA)),
                  _wspec((1, HA)),
                  _wspec((SIZE, HA)), _wspec((32, HA)), _wspec((32, HA)),
                  _wspec((1, HA)),
                  _wspec((HA, SIZE)), _wspec((1, SIZE))] + mlp_specs
                 + [_wspec((HA, HEADS)), _wspec((HEADS, HA))],
        out_specs=out_specs,
        out_shape=out_shape,
    )(feats, loc, lgd, encg, relp, wq, bq, wkf, wkr, wks, bk,
      wvf, wvr, wvs, bv, wo, bo, *mlp_args,
      jnp.asarray(_SEG), jnp.asarray(_SEGT))


def _row(b):
    return b.reshape(1, -1)


def _pad_rows(w, rows):
    return jnp.pad(w, ((0, rows - w.shape[0]), (0, 0)))


def _enc_weights(bp):
    wk = bp["Wk"]["W"]
    wv = bp["Wv"]["W"]
    return dict(
        wq=bp["Wq"]["W"], bq=_row(bp["Wq"]["b"]),
        wkf=wk[:SIZE], wkr=_pad_rows(wk[SIZE:SIZE + 25], 32),
        bk=_row(bp["Wk"]["b"]),
        wvf=wv[:SIZE], wvr=_pad_rows(wv[SIZE:SIZE + 25], 32),
        bv=_row(bp["Wv"]["b"]),
        wo=bp["Wo"]["W"], bo=_row(bp["Wo"]["b"]),
    )


def _dec_weights(bp):
    wk = bp["Wk"]["W"]
    wv = bp["Wv"]["W"]
    d = _enc_weights(bp)
    d["wks"] = _pad_rows(wk[SIZE + 25:SIZE + 25 + SEQ_SIZE], 32)
    d["wvs"] = _pad_rows(wv[SIZE + 25:SIZE + 25 + SEQ_SIZE], 32)
    return d


def _mlp_weights(bp):
    return (bp["mlp0"]["W"], _row(bp["mlp0"]["b"]),
            bp["mlp1"]["W"], _row(bp["mlp1"]["b"]))


def kernel(features, sequence, distances, structure, params):
    f32 = jnp.float32
    fp = jnp.pad(features.astype(f32), ((0, NP - N), (0, 0)))
    dist16 = jnp.concatenate(
        [distances.astype(f32), sequence.astype(f32)[:, None],
         jnp.zeros((N, 2), f32)], axis=1)
    dist16p = jnp.pad(dist16, ((0, NP - N), (0, 0)))
    connp = jnp.pad(structure.astype(jnp.int32), ((0, NP - N), (0, 0)))
    idx2d = connp.reshape(EP // CH, CH)

    eb0, eb1 = params["enc_blocks"]
    db0, db1 = params["dec_blocks"]
    ew0, ew1 = _enc_weights(eb0), _enc_weights(eb1)
    dw0, dw1 = _dec_weights(db0), _dec_weights(db1)
    wpost = _pad_rows(params["post"]["W"].T, 32).T
    bpost = _pad_rows(_row(params["post"]["b"]).T, 32).T

    out0, loc1, dist16f = _a1_call(fp, dist16p, params["enc_pre"]["W"],
                                   _row(params["enc_pre"]["b"]),
                                   *_mlp_weights(eb0))

    distg = _sc_gather(dist16f, idx2d, SIZE)
    relp = _rel_call(dist16f, distg)

    lg1 = _sc_gather(loc1, idx2d, SIZE)
    out1, loc2 = _benc_call(False, out0, loc1, lg1, relp,
                            **{k: v for k, v in ew0.items()},
                            nw0=_mlp_weights(eb1)[0], nb0=_mlp_weights(eb1)[1],
                            nw1=_mlp_weights(eb1)[2], nb1=_mlp_weights(eb1)[3])

    lg2 = _sc_gather(loc2, idx2d, SIZE)
    out2, loc3 = _benc_call(False, out1, loc2, lg2, relp,
                            **{k: v for k, v in ew1.items()},
                            nw0=_mlp_weights(db0)[0], nb0=_mlp_weights(db0)[1],
                            nw1=_mlp_weights(db0)[2], nb1=_mlp_weights(db0)[3])

    lgE = _sc_gather(out2, idx2d, SIZE)
    lg3 = _sc_gather(loc3, idx2d, SIZE)

    tspec0 = pl.BlockSpec((T, SIZE), lambda i: (i, 0))
    espec0 = pl.BlockSpec((E, SIZE), lambda i: (i, 0))

    out3, loc4 = _bdec_call(False, out2, loc3, lg3, lgE, relp,
                            dw0["wq"], dw0["bq"], dw0["wkf"], dw0["wkr"],
                            dw0["wks"], dw0["bk"], dw0["wvf"], dw0["wvr"],
                            dw0["wvs"], dw0["bv"], dw0["wo"], dw0["bo"],
                            _mlp_weights(db1)[0], _mlp_weights(db1)[1],
                            _mlp_weights(db1)[2], _mlp_weights(db1)[3],
                            tspec0, tspec0, espec0, espec0)

    lg4 = _sc_gather(loc4, idx2d, SIZE)
    final32 = _bdec_call(True, out3, loc4, lg4, lgE, relp,
                         dw1["wq"], dw1["bq"], dw1["wkf"], dw1["wkr"],
                         dw1["wks"], dw1["bk"], dw1["wvf"], dw1["wvr"],
                         dw1["wvs"], dw1["bv"], dw1["wo"], dw1["bo"],
                         wpost, bpost, wpost, bpost,
                         tspec0, tspec0, espec0, espec0)

    return final32[:N, :20]

# --- scband reference (transcript-rebuilt; emitter-appended) ---
"""Pipeline reference for scband-structured-transformer-73031623901636 (READ-ONLY COPY).

The authoritative reference and input builder live on the scoring server;
editing this copy changes nothing except your own understanding.
"""

import jax, jax.numpy as jnp
import numpy as np

N = 10000
K = 16
IN_SIZE = 128
SIZE = 128
OUT_SIZE = 20
HIDDEN = 128
HEADS = 8
ATT = 32
DEPTH = 2
DIST_KERNELS = 16
MAX_DIST = 20.0
SEQ_SIZE = 20
D_REL = DIST_KERNELS + 3 + 4 + 2


def _linear(key, fi, fo):
    W = jax.random.normal(key, (fi, fo), dtype=jnp.float32) / np.sqrt(fi)
    b = jnp.zeros((fo,), dtype=jnp.float32)
    return {"W": W, "b": b}


def _block_params(key, in_size):
    ks = jax.random.split(key, 6)
    return {
        "mlp0": _linear(ks[0], SIZE, HIDDEN),
        "mlp1": _linear(ks[1], HIDDEN, SIZE),
        "Wq": _linear(ks[2], SIZE, HEADS * ATT),
        "Wk": _linear(ks[3], in_size, HEADS * ATT),
        "Wv": _linear(ks[4], in_size, HEADS * ATT),
        "Wo": _linear(ks[5], HEADS * ATT, SIZE),
    }


def setup_inputs(seed: int = 0) -> dict:
    key = jax.random.key(seed)
    ks = jax.random.split(key, 8)
    features = jax.random.normal(ks[0], (N, IN_SIZE), dtype=jnp.float32)
    sequence = jax.random.randint(ks[1], (N,), 0, SEQ_SIZE)
    distances = jax.random.normal(ks[2], (N, 13), dtype=jnp.float32)
    structure = jax.random.randint(ks[3], (N, K), 0, N)
    enc_in = SIZE + D_REL
    dec_in = SIZE + D_REL + SEQ_SIZE
    params = {
        "enc_pre": _linear(ks[4], IN_SIZE, SIZE),
        "enc_blocks": [_block_params(jax.random.fold_in(ks[5], i), enc_in) for i in range(DEPTH)],
        "dec_blocks": [_block_params(jax.random.fold_in(ks[6], i), dec_in) for i in range(DEPTH)],
        "post": _linear(ks[7], SIZE, OUT_SIZE),
    }
    return {"features": features, "sequence": sequence, "distances": distances, "structure": structure, "params": params}


def _apply_linear(p, x):
    return x @ p["W"] + p["b"]


def _gaussian_rbf(d):
    centers = jnp.linspace(0.0, MAX_DIST, DIST_KERNELS)
    sigma = MAX_DIST / DIST_KERNELS
    return jnp.exp(-((d[..., None] - centers) / sigma) ** 2)


def _rot_to_quat(R):
    eps = 1e-6
    tr = R[..., 0, 0] + R[..., 1, 1] + R[..., 2, 2]
    w = 0.5 * jnp.sqrt(jnp.maximum(1.0 + tr, eps))
    x = 0.5 * jnp.sqrt(jnp.maximum(1.0 + R[..., 0, 0] - R[..., 1, 1] - R[..., 2, 2], eps))
    y = 0.5 * jnp.sqrt(jnp.maximum(1.0 + R[..., 1, 1] - R[..., 0, 0] - R[..., 2, 2], eps))
    z = 0.5 * jnp.sqrt(jnp.maximum(1.0 + R[..., 2, 2] - R[..., 0, 0] - R[..., 1, 1], eps))
    x = x * jnp.sign(R[..., 2, 1] - R[..., 1, 2])
    y = y * jnp.sign(R[..., 0, 2] - R[..., 2, 0])
    z = z * jnp.sign(R[..., 1, 0] - R[..., 0, 1])
    return jnp.stack([w, x, y, z], axis=-1)


def _relative_data(distances, conn):
    pos = distances[:, :3]
    ori = distances[:, 3:12].reshape(-1, 3, 3)
    idx = distances[:, 12]
    y_pos = pos[conn]
    y_ori = ori[conn]
    y_idx = idx[conn]
    v = y_pos - pos[:, None, :]
    dist = jnp.sqrt(jnp.sum(v * v, axis=-1) + 1e-12)
    direction = jnp.einsum('nij,nkj->nki', ori, v) / (dist[..., None] + 1e-6)
    R = jnp.einsum('nji,nkjl->nkil', ori, y_ori)
    quat = _rot_to_quat(R)
    dsin = jnp.sin(idx[:, None] - y_idx)[..., None]
    dcos = jnp.cos(idx[:, None] - y_idx)[..., None]
    return jnp.concatenate([_gaussian_rbf(dist), direction, quat, dsin, dcos], axis=-1)


def _mlp(bp, x):
    h = jax.nn.relu(_apply_linear(bp["mlp0"], x))
    return _apply_linear(bp["mlp1"], h)


def _attention(bp, data, query):
    n = query.shape[0]
    q = _apply_linear(bp["Wq"], query).reshape(n, HEADS, ATT)
    k = _apply_linear(bp["Wk"], data).reshape(n, K, HEADS, ATT)
    v = _apply_linear(bp["Wv"], data).reshape(n, K, HEADS, ATT)
    logits = jnp.einsum('nha,nkha->nhk', q, k) / np.sqrt(ATT)
    w = jax.nn.softmax(logits, axis=-1)
    o = jnp.einsum('nhk,nkha->nha', w, v).reshape(n, HEADS * ATT)
    return _apply_linear(bp["Wo"], o)


def _enc_block(bp, feats, conn, rel):
    inputs = jax.nn.relu(feats)
    local = jax.nn.relu(_mlp(bp, inputs))
    data = jnp.concatenate([local[conn], rel], axis=-1)
    att = _attention(bp, data, local)
    return feats + att


def _dec_block(bp, feats, conn, rel, enc_masked, seq_masked, post_mask):
    inputs = jax.nn.relu(feats)
    local = jax.nn.relu(_mlp(bp, inputs))
    dec_data = jnp.where(post_mask, 0.0, local[conn])
    data = jnp.concatenate([enc_masked + dec_data, rel, seq_masked], axis=-1)
    att = _attention(bp, data, local)
    return feats + att


def _forward(features, sequence, distances, structure, params):
    conn = structure
    rel = _relative_data(distances, conn)
    out = _apply_linear(params["enc_pre"], features)
    for bp in params["enc_blocks"]:
        out = _enc_block(bp, out, conn, rel)
    encoding = out
    seq_oh = jax.nn.one_hot(sequence, SEQ_SIZE, dtype=jnp.float32)
    index = jnp.arange(conn.shape[0])[:, None]
    pre = (conn < index)[..., None]
    post = jnp.logical_not(pre)
    enc_masked = jnp.where(pre, 0.0, encoding[conn])
    seq_masked = jnp.where(post, 0.0, seq_oh[conn])
    dout = encoding
    for bp in params["dec_blocks"]:
        dout = _dec_block(bp, dout, conn, rel, enc_masked, seq_masked, post)
    return _apply_linear(params["post"], dout)


def reference(features, sequence, distances, structure, params):
    return _forward(features, sequence, distances, structure, params)

if __name__ == "__main__":
    import jax
    _d = setup_inputs()
    print(jax.jit(kernel)(*tuple(_d.values())))

</pallas_src>

<mosaic_0001>
#map = affine_map<(d0, d1) -> (0, 0)>
module attributes {stable_mosaic.version = 14 : i64} {
  func.func @gk(%arg0: i32, %arg1: i32, %arg2: memref<10240x128xf32, #tpu.memory_space<hbm>>, %arg3: memref<1280x128xi32, #tpu.memory_space<hbm>>, %arg4: memref<163840x128xf32, #tpu.memory_space<hbm>>, %arg5: memref<40x128xi32, #tpu.memory_space<vmem>>, %arg6: memref<10240x128xf32, #tpu.memory_space<vmem_shared>>, %arg7: memref<128x128xf32, #tpu.memory_space<vmem>>, %arg8: memref<128x128xf32, #tpu.memory_space<vmem>>, %arg9: memref<!tpu.dma_semaphore, #tpu.memory_space<semaphore_mem>>, %arg10: memref<!tpu.dma_semaphore, #tpu.memory_space<semaphore_mem>>, %arg11: memref<!tpu.dma_semaphore, #tpu.memory_space<semaphore_mem>>, %arg12: memref<!tpu.dma_semaphore, #tpu.memory_space<semaphore_mem>>) attributes {dimension_semantics = [#tpu.dimension_semantics<core_parallel>, #tpu.dimension_semantics<subcore_parallel>], iteration_bounds = array<i64: 2, 16>, scalar_prefetch = 0 : i64, scratch_operands = 8 : i64, tpu.core_type = #tpu.core_type<sc_vector_subcore>, window_params = [{transform_indices = #map}, {transform_indices = #map}, {transform_indices = #map}]} {
    %mul3A = arith.constant 2 : i32
    %mul3A_0 = arith.muli %arg1, %mul3A : i32
    %add3A = arith.addi %mul3A_0, %arg0 : i32
    %mul3A_1 = arith.constant 40 : i32
    %mul3A_2 = arith.muli %add3A, %mul3A_1 : i32
    %eq3A = arith.constant 0 : i32
    %eq3A_3 = arith.cmpi eq, %arg1, %eq3A : i32
    %convert_element_type3A = arith.extui %eq3A_3 : i1 to i32
    %cond3A = arith.constant 0 : i32
    %cond3A_4 = arith.cmpi ne, %convert_element_type3A, %cond3A : i32
    scf.if %cond3A_4 {
      "tpu.region"() ({
        %run_scoped3A = tpu.sem_alloc : memref<!tpu.dma_semaphore, #tpu.memory_space<semaphore_mem>>
        tpu.enqueue_dma source(%arg2 : memref<10240x128xf32, #tpu.memory_space<hbm>>) target(%arg6 : memref<10240x128xf32, #tpu.memory_space<vmem_shared>>) target_semaphore(%run_scoped3A : memref<!tpu.dma_semaphore, #tpu.memory_space<semaphore_mem>>)
        tpu.wait_dma2 semaphore(%run_scoped3A : memref<!tpu.dma_semaphore, #tpu.memory_space<semaphore_mem>>) src(%arg2 : memref<10240x128xf32, #tpu.memory_space<hbm>>) dst(%arg6 : memref<10240x128xf32, #tpu.memory_space<vmem_shared>>)
        tpu.yield
      }) : () -> ()
    } else {
    }
    "tpu.region"() ({
      %run_scoped3A = tpu.sem_alloc : memref<!tpu.dma_semaphore, #tpu.memory_space<semaphore_mem>>
      %dma_start3A_39 = arith.constant 0 : i32
      %dma_start3A_40 = tpu.memref_slice %arg3[%mul3A_2, %dma_start3A_39] : memref<1280x128xi32, #tpu.memory_space<hbm>> -> memref<40x128xi32, #tpu.memory_space<hbm>>
      %dma_start3A_41 = arith.constant 0 : i32
      %dma_start3A_42 = tpu.memref_slice %arg3[%mul3A_2, %dma_start3A_41] : memref<1280x128xi32, #tpu.memory_space<hbm>> -> memref<40x128xi32, #tpu.memory_space<hbm>>
      tpu.enqueue_dma source(%dma_start3A_42 : memref<40x128xi32, #tpu.memory_space<hbm>>) target(%arg5 : memref<40x128xi32, #tpu.memory_space<vmem>>) target_semaphore(%run_scoped3A : memref<!tpu.dma_semaphore, #tpu.memory_space<semaphore_mem>>)
      %dma_wait3A_43 = arith.constant 0 : i32
      %dma_wait3A_44 = tpu.memref_slice %arg3[%mul3A_2, %dma_wait3A_43] : memref<1280x128xi32, #tpu.memory_space<hbm>> -> memref<40x128xi32, #tpu.memory_space<hbm>>
      %dma_wait3A_45 = arith.constant 0 : i32
      %dma_wait3A_46 = tpu.memref_slice %arg3[%mul3A_2, %dma_wait3A_45] : memref<1280x128xi32, #tpu.memory_space<hbm>> -> memref<40x128xi32, #tpu.memory_space<hbm>>
      tpu.wait_dma2 semaphore(%run_scoped3A : memref<!tpu.dma_semaphore, #tpu.memory_space<semaphore_mem>>) src(%dma_wait3A_46 : memref<40x128xi32, #tpu.memory_space<hbm>>) dst(%arg5 : memref<40x128xi32, #tpu.memory_space<vmem>>)
      tpu.yield
    }) : () -> ()
    %barrier3A = arith.constant 0 : index
    tpu.barrier barrier_id(%barrier3A)
    %dma_start3A = arith.constant 0 : i32
    %dma_start3A_5 = arith.constant 0 : i32
    %dma_start3A_6 = tpu.memref_slice %arg5[%dma_start3A, %dma_start3A_5] : memref<40x128xi32, #tpu.memory_space<vmem>> -> memref<1x128xi32, #tpu.memory_space<vmem>>
    %dma_start3A_7 = tpu.memref_squeeze %dma_start3A_6 : memref<1x128xi32, #tpu.memory_space<vmem>> -> memref<128xi32, #tpu.memory_space<vmem>>
    %dma_start3A_8 = arith.constant 0 : i32
    %dma_start3A_9 = arith.constant 0 : i32
    %dma_start3A_10 = tpu.memref_slice %arg6[%dma_start3A_8, %dma_start3A_9] : memref<10240x128xf32, #tpu.memory_space<vmem_shared>> -> memref<10240x128xf32, #tpu.memory_space<vmem_shared>>
    tpu.enqueue_indirect_dma source(%dma_start3A_10 : memref<10240x128xf32, #tpu.memory_space<vmem_shared>>) target(%arg7 : memref<128x128xf32, #tpu.memory_space<vmem>>) offsets(%dma_start3A_7 : memref<128xi32, #tpu.memory_space<vmem>>) semaphore(%arg9 : memref<!tpu.dma_semaphore, #tpu.memory_space<semaphore_mem>>)
    %dma_start3A_11 = arith.constant 1 : i32
    %dma_start3A_12 = arith.constant 0 : i32
    %dma_start3A_13 = tpu.memref_slice %arg5[%dma_start3A_11, %dma_start3A_12] : memref<40x128xi32, #tpu.memory_space<vmem>> -> memref<1x128xi32, #tpu.memory_space<vmem>>
    %dma_start3A_14 = tpu.memref_squeeze %dma_start3A_13 : memref<1x128xi32, #tpu.memory_space<vmem>> -> memref<128xi32, #tpu.memory_space<vmem>>
    %dma_start3A_15 = arith.constant 0 : i32
    %dma_start3A_16 = arith.constant 0 : i32
    %dma_start3A_17 = tpu.memref_slice %arg6[%dma_start3A_15, %dma_start3A_16] : memref<10240x128xf32, #tpu.memory_space<vmem_shared>> -> memref<10240x128xf32, #tpu.memory_space<vmem_shared>>
    tpu.enqueue_indirect_dma source(%dma_start3A_17 : memref<10240x128xf32, #tpu.memory_space<vmem_shared>>) target(%arg8 : memref<128x128xf32, #tpu.memory_space<vmem>>) offsets(%dma_start3A_14 : memref<128xi32, #tpu.memory_space<vmem>>) semaphore(%arg10 : memref<!tpu.dma_semaphore, #tpu.memory_space<semaphore_mem>>)
    %scan3A = arith.constant 0 : i32
    %scan3A_18 = arith.constant 0 : i32
    %scan3A_19 = arith.constant 20 : i32
    %scan3A_20 = arith.addi %scan3A_18, %scan3A_19 : i32
    %scan3A_21 = arith.constant 1 : i32
    %scan3A_22 = scf.for %scan3A_39 = %scan3A_18 to %scan3A_20 step %scan3A_21 iter_args(%scan3A_40 = %scan3A) -> (i32)  : i32 {
      %mul3A_41 = arith.constant 2 : i32
      %mul3A_42 = arith.muli %scan3A_39, %mul3A_41 : i32
      %add3A_43 = arith.constant 0 : i32
      %add3A_44 = arith.addi %mul3A_42, %add3A_43 : i32
      %dma_wait3A_45 = arith.constant 0 : i32
      %dma_wait3A_46 = tpu.memref_slice %arg5[%add3A_44, %dma_wait3A_45] : memref<40x128xi32, #tpu.memory_space<vmem>> -> memref<1x128xi32, #tpu.memory_space<vmem>>
      %dma_wait3A_47 = tpu.memref_squeeze %dma_wait3A_46 : memref<1x128xi32, #tpu.memory_space<vmem>> -> memref<128xi32, #tpu.memory_space<vmem>>
      %dma_wait3A_48 = arith.constant 0 : i32
      %dma_wait3A_49 = arith.constant 0 : i32
      %dma_wait3A_50 = tpu.memref_slice %arg6[%dma_wait3A_48, %dma_wait3A_49] : memref<10240x128xf32, #tpu.memory_space<vmem_shared>> -> memref<10240x128xf32, #tpu.memory_space<vmem_shared>>
      tpu.wait_indirect_dma semaphore(%arg9 : memref<!tpu.dma_semaphore, #tpu.memory_space<semaphore_mem>>) src(%dma_wait3A_50 : memref<10240x128xf32, #tpu.memory_space<vmem_shared>>) dst(%arg7 : memref<128x128xf32, #tpu.memory_space<vmem>>)
      %add3A_51 = arith.addi %mul3A_2, %add3A_44 : i32
      %mul3A_52 = arith.constant 128 : i32
      %mul3A_53 = arith.muli %add3A_51, %mul3A_52 : i32
      %dma_start3A_54 = arith.constant 0 : i32
      %dma_start3A_55 = tpu.memref_slice %arg4[%mul3A_53, %dma_start3A_54] : memref<163840x128xf32, #tpu.memory_space<hbm>> -> memref<128x128xf32, #tpu.memory_space<hbm>>
      %dma_start3A_56 = arith.constant 0 : i32
      %dma_start3A_57 = tpu.memref_slice %arg4[%mul3A_53, %dma_start3A_56] : memref<163840x128xf32, #tpu.memory_space<hbm>> -> memref<128x128xf32, #tpu.memory_space<hbm>>
      tpu.enqueue_dma source(%arg7 : memref<128x128xf32, #tpu.memory_space<vmem>>) target(%dma_start3A_57 : memref<128x128xf32, #tpu.memory_space<hbm>>) target_semaphore(%arg11 : memref<!tpu.dma_semaphore, #tpu.memory_space<semaphore_mem>>)
      %add3A_58 = arith.constant 1 : i32
      %add3A_59 = arith.addi %mul3A_42, %add3A_58 : i32
      %dma_wait3A_60 = arith.constant 0 : i32
      %dma_wait3A_61 = tpu.memref_slice %arg5[%add3A_59, %dma_wait3A_60] : memref<40x128xi32, #tpu.memory_space<vmem>> -> memref<1x128xi32, #tpu.memory_space<vmem>>
      %dma_wait3A_62 = tpu.memref_squeeze %dma_wait3A_61 : memref<1x128xi32, #tpu.memory_space<vmem>> -> memref<128xi32, #tpu.memory_space<vmem>>
      %dma_wait3A_63 = arith.constant 0 : i32
      %dma_wait3A_64 = arith.constant 0 : i32
      %dma_wait3A_65 = tpu.memref_slice %arg6[%dma_wait3A_63, %dma_wait3A_64] : memref<10240x128xf32, #tpu.memory_space<vmem_shared>> -> memref<10240x128xf32, #tpu.memory_space<vmem_shared>>
      tpu.wait_indirect_dma semaphore(%arg10 : memref<!tpu.dma_semaphore, #tpu.memory_space<semaphore_mem>>) src(%dma_wait3A_65 : memref<10240x128xf32, #tpu.memory_space<vmem_shared>>) dst(%arg8 : memref<128x128xf32, #tpu.memory_space<vmem>>)
      %add3A_66 = arith.addi %mul3A_2, %add3A_59 : i32
      %mul3A_67 = arith.constant 128 : i32
      %mul3A_68 = arith.muli %add3A_66, %mul3A_67 : i32
      %dma_start3A_69 = arith.constant 0 : i32
      %dma_start3A_70 = tpu.memref_slice %arg4[%mul3A_68, %dma_start3A_69] : memref<163840x128xf32, #tpu.memory_space<hbm>> -> memref<128x128xf32, #tpu.memory_space<hbm>>
      %dma_start3A_71 = arith.constant 0 : i32
      %dma_start3A_72 = tpu.memref_slice %arg4[%mul3A_68, %dma_start3A_71] : memref<163840x128xf32, #tpu.memory_space<hbm>> -> memref<128x128xf32, #tpu.memory_space<hbm>>
      tpu.enqueue_dma source(%arg8 : memref<128x128xf32, #tpu.memory_space<vmem>>) target(%dma_start3A_72 : memref<128x128xf32, #tpu.memory_space<hbm>>) target_semaphore(%arg12 : memref<!tpu.dma_semaphore, #tpu.memory_space<semaphore_mem>>)
      %add3A_73 = arith.constant 2 : i32
      %add3A_74 = arith.addi %mul3A_42, %add3A_73 : i32
      %add3A_75 = arith.constant 0 : i32
      %add3A_76 = arith.addi %add3A_74, %add3A_75 : i32
      %lt3A = arith.constant 40 : i32
      %lt3A_77 = arith.cmpi slt, %add3A_76, %lt3A : i32
      %convert_element_type3A_78 = arith.extui %lt3A_77 : i1 to i32
      %cond3A_79 = arith.constant 0 : i32
      %cond3A_80 = arith.cmpi ne, %convert_element_type3A_78, %cond3A_79 : i32
      scf.if %cond3A_80 {
        %add3A_91 = arith.addi %mul3A_2, %mul3A_42 : i32
        %add3A_92 = arith.constant 0 : i32
        %add3A_93 = arith.addi %add3A_91, %add3A_92 : i32
        %mul3A_94 = arith.constant 128 : i32
        %mul3A_95 = arith.muli %add3A_93, %mul3A_94 : i32
        %dma_wait3A_96 = arith.constant 0 : i32
        %dma_wait3A_97 = tpu.memref_slice %arg4[%mul3A_95, %dma_wait3A_96] : memref<163840x128xf32, #tpu.memory_space<hbm>> -> memref<128x128xf32, #tpu.memory_space<hbm>>
        %dma_wait3A_98 = arith.constant 0 : i32
        %dma_wait3A_99 = tpu.memref_slice %arg4[%mul3A_95, %dma_wait3A_98] : memref<163840x128xf32, #tpu.memory_space<hbm>> -> memref<128x128xf32, #tpu.memory_space<hbm>>
        tpu.wait_dma2 semaphore(%arg11 : memref<!tpu.dma_semaphore, #tpu.memory_space<semaphore_mem>>) src(%arg7 : memref<128x128xf32, #tpu.memory_space<vmem>>) dst(%dma_wait3A_99 : memref<128x128xf32, #tpu.memory_space<hbm>>)
        %dma_start3A_100 = arith.constant 0 : i32
        %dma_start3A_101 = tpu.memref_slice %arg5[%add3A_76, %dma_start3A_100] : memref<40x128xi32, #tpu.memory_space<vmem>> -> memref<1x128xi32, #tpu.memory_space<vmem>>
        %dma_start3A_102 = tpu.memref_squeeze %dma_start3A_101 : memref<1x128xi32, #tpu.memory_space<vmem>> -> memref<128xi32, #tpu.memory_space<vmem>>
        %dma_start3A_103 = arith.constant 0 : i32
        %dma_start3A_104 = arith.constant 0 : i32
        %dma_start3A_105 = tpu.memref_slice %arg6[%dma_start3A_103, %dma_start3A_104] : memref<10240x128xf32, #tpu.memory_space<vmem_shared>> -> memref<10240x128xf32, #tpu.memory_space<vmem_shared>>
        tpu.enqueue_indirect_dma source(%dma_start3A_105 : memref<10240x128xf32, #tpu.memory_space<vmem_shared>>) target(%arg7 : memref<128x128xf32, #tpu.memory_space<vmem>>) offsets(%dma_start3A_102 : memref<128xi32, #tpu.memory_space<vmem>>) semaphore(%arg9 : memref<!tpu.dma_semaphore, #tpu.memory_space<semaphore_mem>>)
      } else {
      }
      %add3A_81 = arith.constant 2 : i32
      %add3A_82 = arith.addi %mul3A_42, %add3A_81 : i32
      %add3A_83 = arith.constant 1 : i32
      %add3A_84 = arith.addi %add3A_82, %add3A_83 : i32
      %lt3A_85 = arith.constant 40 : i32
      %lt3A_86 = arith.cmpi slt, %add3A_84, %lt3A_85 : i32
      %convert_element_type3A_87 = arith.extui %lt3A_86 : i1 to i32
      %cond3A_88 = arith.constant 0 : i32
      %cond3A_89 = arith.cmpi ne, %convert_element_type3A_87, %cond3A_88 : i32
      scf.if %cond3A_89 {
        %add3A_91 = arith.addi %mul3A_2, %mul3A_42 : i32
        %add3A_92 = arith.constant 1 : i32
        %add3A_93 = arith.addi %add3A_91, %add3A_92 : i32
        %mul3A_94 = arith.constant 128 : i32
        %mul3A_95 = arith.muli %add3A_93, %mul3A_94 : i32
        %dma_wait3A_96 = arith.constant 0 : i32
        %dma_wait3A_97 = tpu.memref_slice %arg4[%mul3A_95, %dma_wait3A_96] : memref<163840x128xf32, #tpu.memory_space<hbm>> -> memref<128x128xf32, #tpu.memory_space<hbm>>
        %dma_wait3A_98 = arith.constant 0 : i32
        %dma_wait3A_99 = tpu.memref_slice %arg4[%mul3A_95, %dma_wait3A_98] : memref<163840x128xf32, #tpu.memory_space<hbm>> -> memref<128x128xf32, #tpu.memory_space<hbm>>
        tpu.wait_dma2 semaphore(%arg12 : memref<!tpu.dma_semaphore, #tpu.memory_space<semaphore_mem>>) src(%arg8 : memref<128x128xf32, #tpu.memory_space<vmem>>) dst(%dma_wait3A_99 : memref<128x128xf32, #tpu.memory_space<hbm>>)
        %dma_start3A_100 = arith.constant 0 : i32
        %dma_start3A_101 = tpu.memref_slice %arg5[%add3A_84, %dma_start3A_100] : memref<40x128xi32, #tpu.memory_space<vmem>> -> memref<1x128xi32, #tpu.memory_space<vmem>>
        %dma_start3A_102 = tpu.memref_squeeze %dma_start3A_101 : memref<1x128xi32, #tpu.memory_space<vmem>> -> memref<128xi32, #tpu.memory_space<vmem>>
        %dma_start3A_103 = arith.constant 0 : i32
        %dma_start3A_104 = arith.constant 0 : i32
        %dma_start3A_105 = tpu.memref_slice %arg6[%dma_start3A_103, %dma_start3A_104] : memref<10240x128xf32, #tpu.memory_space<vmem_shared>> -> memref<10240x128xf32, #tpu.memory_space<vmem_shared>>
        tpu.enqueue_indirect_dma source(%dma_start3A_105 : memref<10240x128xf32, #tpu.memory_space<vmem_shared>>) target(%arg8 : memref<128x128xf32, #tpu.memory_space<vmem>>) offsets(%dma_start3A_102 : memref<128xi32, #tpu.memory_space<vmem>>) semaphore(%arg10 : memref<!tpu.dma_semaphore, #tpu.memory_space<semaphore_mem>>)
      } else {
      }
      %scan3A_90 = arith.constant 0 : i32
      scf.yield %scan3A_90 : i32
    }
    %scan3A_23 = arith.constant 20 : i32
    %add3A_24 = arith.constant 38 : i32
    %add3A_25 = arith.addi %mul3A_2, %add3A_24 : i32
    %mul3A_26 = arith.constant 128 : i32
    %mul3A_27 = arith.muli %add3A_25, %mul3A_26 : i32
    %dma_wait3A = arith.constant 0 : i32
    %dma_wait3A_28 = tpu.memref_slice %arg4[%mul3A_27, %dma_wait3A] : memref<163840x128xf32, #tpu.memory_space<hbm>> -> memref<128x128xf32, #tpu.memory_space<hbm>>
    %dma_wait3A_29 = arith.constant 0 : i32
    %dma_wait3A_30 = tpu.memref_slice %arg4[%mul3A_27, %dma_wait3A_29] : memref<163840x128xf32, #tpu.memory_space<hbm>> -> memref<128x128xf32, #tpu.memory_space<hbm>>
    tpu.wait_dma2 semaphore(%arg11 : memref<!tpu.dma_semaphore, #tpu.memory_space<semaphore_mem>>) src(%arg7 : memref<128x128xf32, #tpu.memory_space<vmem>>) dst(%dma_wait3A_30 : memref<128x128xf32, #tpu.memory_space<hbm>>)
    %add3A_31 = arith.constant 39 : i32
    %add3A_32 = arith.addi %mul3A_2, %add3A_31 : i32
    %mul3A_33 = arith.constant 128 : i32
    %mul3A_34 = arith.muli %add3A_32, %mul3A_33 : i32
    %dma_wait3A_35 = arith.constant 0 : i32
    %dma_wait3A_36 = tpu.memref_slice %arg4[%mul3A_34, %dma_wait3A_35] : memref<163840x128xf32, #tpu.memory_space<hbm>> -> memref<128x128xf32, #tpu.memory_space<hbm>>
    %dma_wait3A_37 = arith.constant 0 : i32
    %dma_wait3A_38 = tpu.memref_slice %arg4[%mul3A_34, %dma_wait3A_37] : memref<163840x128xf32, #tpu.memory_space<hbm>> -> memref<128x128xf32, #tpu.memory_space<hbm>>
    tpu.wait_dma2 semaphore(%arg12 : memref<!tpu.dma_semaphore, #tpu.memory_space<semaphore_mem>>) src(%arg8 : memref<128x128xf32, #tpu.memory_space<vmem>>) dst(%dma_wait3A_38 : memref<128x128xf32, #tpu.memory_space<hbm>>)
    return
  }
}

#map = affine_map<(d0, d1) -> (0, 0)>
module attributes {stable_mosaic.version = 14 : i64} {
  func.func @gk(%arg0: i32, %arg1: i32, %arg2: memref<10240x128xf32, #tpu.memory_space<hbm>>, %arg3: memref<1280x128xi32, #tpu.memory_space<hbm>>, %arg4: memref<163840x128xf32, #tpu.memory_space<hbm>>, %arg5: memref<40x128xi32, #tpu.memory_space<vmem>>, %arg6: memref<10240x128xf32, #tpu.memory_space<vmem_shared>>, %arg7: memref<128x128xf32, #tpu.memory_space<vmem>>, %arg8: memref<128x128xf32, #tpu.memory_space<vmem>>, %arg9: memref<!tpu.dma_semaphore, #tpu.memory_space<semaphore_mem>>, %arg10: memref<!tpu.dma_semaphore, #tpu.memory_space<semaphore_mem>>, %arg11: memref<!tpu.dma_semaphore, #tpu.memory_space<semaphore_mem>>, %arg12: memref<!tpu.dma_semaphore, #tpu.memory_space<semaphore_mem>>) attributes {dimension_semantics = [#tpu.dimension_semantics<core_parallel>, #tpu.dimension_semantics<subcore_parallel>], iteration_bounds = array<i64: 2, 16>, scalar_prefetch = 0 : i64, scratch_operands = 8 : i64, tpu.core_type = #tpu.core_type<sc_vector_subcore>, window_params = [{transform_indices = #map}, {transform_indices = #map}, {transform_indices = #map}]} {
    %mul3A = arith.constant 2 : i32
    %mul3A_0 = arith.muli %arg1, %mul3A : i32
    %add3A = arith.addi %mul3A_0, %arg0 : i32
    %mul3A_1 = arith.constant 40 : i32
    %mul3A_2 = arith.muli %add3A, %mul3A_1 : i32
    %eq3A = arith.constant 0 : i32
    %eq3A_3 = arith.cmpi eq, %arg1, %eq3A : i32
    %convert_element_type3A = arith.extui %eq3A_3 : i1 to i32
    %cond3A = arith.constant 0 : i32
    %cond3A_4 = arith.cmpi ne, %convert_element_type3A, %cond3A : i32
    scf.if %cond3A_4 {
      "tpu.region"() ({
        %run_scoped3A = tpu.sem_alloc : memref<!tpu.dma_semaphore, #tpu.memory_space<semaphore_mem>>
        tpu.enqueue_dma source(%arg2 : memref<10240x128xf32, #tpu.memory_space<hbm>>) target(%arg6 : memref<10240x128xf32, #tpu.memory_space<vmem_shared>>) target_semaphore(%run_scoped3A : memref<!tpu.dma_semaphore, #tpu.memory_space<semaphore_mem>>)
        tpu.wait_dma2 semaphore(%run_scoped3A : memref<!tpu.dma_semaphore, #tpu.memory_space<semaphore_mem>>) src(%arg2 : memref<10240x128xf32, #tpu.memory_space<hbm>>) dst(%arg6 : memref<10240x128xf32, #tpu.memory_space<vmem_shared>>)
        tpu.yield
      }) : () -> ()
    } else {
    }
    "tpu.region"() ({
      %run_scoped3A = tpu.sem_alloc : memref<!tpu.dma_semaphore, #tpu.memory_space<semaphore_mem>>
      %dma_start3A_39 = arith.constant 0 : i32
      %dma_start3A_40 = tpu.memref_slice %arg3[%mul3A_2, %dma_start3A_39] : memref<1280x128xi32, #tpu.memory_space<hbm>> -> memref<40x128xi32, #tpu.memory_space<hbm>>
      %dma_start3A_41 = arith.constant 0 : i32
      %dma_start3A_42 = tpu.memref_slice %arg3[%mul3A_2, %dma_start3A_41] : memref<1280x128xi32, #tpu.memory_space<hbm>> -> memref<40x128xi32, #tpu.memory_space<hbm>>
      tpu.enqueue_dma source(%dma_start3A_42 : memref<40x128xi32, #tpu.memory_space<hbm>>) target(%arg5 : memref<40x128xi32, #tpu.memory_space<vmem>>) target_semaphore(%run_scoped3A : memref<!tpu.dma_semaphore, #tpu.memory_space<semaphore_mem>>)
      %dma_wait3A_43 = arith.constant 0 : i32
      %dma_wait3A_44 = tpu.memref_slice %arg3[%mul3A_2, %dma_wait3A_43] : memref<1280x128xi32, #tpu.memory_space<hbm>> -> memref<40x128xi32, #tpu.memory_space<hbm>>
      %dma_wait3A_45 = arith.constant 0 : i32
      %dma_wait3A_46 = tpu.memref_slice %arg3[%mul3A_2, %dma_wait3A_45] : memref<1280x128xi32, #tpu.memory_space<hbm>> -> memref<40x128xi32, #tpu.memory_space<hbm>>
      tpu.wait_dma2 semaphore(%run_scoped3A : memref<!tpu.dma_semaphore, #tpu.memory_space<semaphore_mem>>) src(%dma_wait3A_46 : memref<40x128xi32, #tpu.memory_space<hbm>>) dst(%arg5 : memref<40x128xi32, #tpu.memory_space<vmem>>)
      tpu.yield
    }) : () -> ()
    %barrier3A = arith.constant 0 : index
    tpu.barrier barrier_id(%barrier3A)
    %dma_start3A = arith.constant 0 : i32
    %dma_start3A_5 = arith.constant 0 : i32
    %dma_start3A_6 = tpu.memref_slice %arg5[%dma_start3A, %dma_start3A_5] : memref<40x128xi32, #tpu.memory_space<vmem>> -> memref<1x128xi32, #tpu.memory_space<vmem>>
    %dma_start3A_7 = tpu.memref_squeeze %dma_start3A_6 : memref<1x128xi32, #tpu.memory_space<vmem>> -> memref<128xi32, #tpu.memory_space<vmem>>
    %dma_start3A_8 = arith.constant 0 : i32
    %dma_start3A_9 = arith.constant 0 : i32
    %dma_start3A_10 = tpu.memref_slice %arg6[%dma_start3A_8, %dma_start3A_9] : memref<10240x128xf32, #tpu.memory_space<vmem_shared>> -> memref<10240x128xf32, #tpu.memory_space<vmem_shared>>
    tpu.enqueue_indirect_dma source(%dma_start3A_10 : memref<10240x128xf32, #tpu.memory_space<vmem_shared>>) target(%arg7 : memref<128x128xf32, #tpu.memory_space<vmem>>) offsets(%dma_start3A_7 : memref<128xi32, #tpu.memory_space<vmem>>) semaphore(%arg9 : memref<!tpu.dma_semaphore, #tpu.memory_space<semaphore_mem>>)
    %dma_start3A_11 = arith.constant 1 : i32
    %dma_start3A_12 = arith.constant 0 : i32
    %dma_start3A_13 = tpu.memref_slice %arg5[%dma_start3A_11, %dma_start3A_12] : memref<40x128xi32, #tpu.memory_space<vmem>> -> memref<1x128xi32, #tpu.memory_space<vmem>>
    %dma_start3A_14 = tpu.memref_squeeze %dma_start3A_13 : memref<1x128xi32, #tpu.memory_space<vmem>> -> memref<128xi32, #tpu.memory_space<vmem>>
    %dma_start3A_15 = arith.constant 0 : i32
    %dma_start3A_16 = arith.constant 0 : i32
    %dma_start3A_17 = tpu.memref_slice %arg6[%dma_start3A_15, %dma_start3A_16] : memref<10240x128xf32, #tpu.memory_space<vmem_shared>> -> memref<10240x128xf32, #tpu.memory_space<vmem_shared>>
    tpu.enqueue_indirect_dma source(%dma_start3A_17 : memref<10240x128xf32, #tpu.memory_space<vmem_shared>>) target(%arg8 : memref<128x128xf32, #tpu.memory_space<vmem>>) offsets(%dma_start3A_14 : memref<128xi32, #tpu.memory_space<vmem>>) semaphore(%arg10 : memref<!tpu.dma_semaphore, #tpu.memory_space<semaphore_mem>>)
    %scan3A = arith.constant 0 : i32
    %scan3A_18 = arith.constant 0 : i32
    %scan3A_19 = arith.constant 20 : i32
    %scan3A_20 = arith.addi %scan3A_18, %scan3A_19 : i32
    %scan3A_21 = arith.constant 1 : i32
    %scan3A_22 = scf.for %scan3A_39 = %scan3A_18 to %scan3A_20 step %scan3A_21 iter_args(%scan3A_40 = %scan3A) -> (i32)  : i32 {
      %mul3A_41 = arith.constant 2 : i32
      %mul3A_42 = arith.muli %scan3A_39, %mul3A_41 : i32
      %add3A_43 = arith.constant 0 : i32
      %add3A_44 = arith.addi %mul3A_42, %add3A_43 : i32
      %dma_wait3A_45 = arith.constant 0 : i32
      %dma_wait3A_46 = tpu.memref_slice %arg5[%add3A_44, %dma_wait3A_45] : memref<40x128xi32, #tpu.memory_space<vmem>> -> memref<1x128xi32, #tpu.memory_space<vmem>>
      %dma_wait3A_47 = tpu.memref_squeeze %dma_wait3A_46 : memref<1x128xi32, #tpu.memory_space<vmem>> -> memref<128xi32, #tpu.memory_space<vmem>>
      %dma_wait3A_48 = arith.constant 0 : i32
      %dma_wait3A_49 = arith.constant 0 : i32
      %dma_wait3A_50 = tpu.memref_slice %arg6[%dma_wait3A_48, %dma_wait3A_49] : memref<10240x128xf32, #tpu.memory_space<vmem_shared>> -> memref<10240x128xf32, #tpu.memory_space<vmem_shared>>
      tpu.wait_indirect_dma semaphore(%arg9 : memref<!tpu.dma_semaphore, #tpu.memory_space<semaphore_mem>>) src(%dma_wait3A_50 : memref<10240x128xf32, #tpu.memory_space<vmem_shared>>) dst(%arg7 : memref<128x128xf32, #tpu.memory_space<vmem>>)
      %add3A_51 = arith.addi %mul3A_2, %add3A_44 : i32
      %mul3A_52 = arith.constant 128 : i32
      %mul3A_53 = arith.muli %add3A_51, %mul3A_52 : i32
      %dma_start3A_54 = arith.constant 0 : i32
      %dma_start3A_55 = tpu.memref_slice %arg4[%mul3A_53, %dma_start3A_54] : memref<163840x128xf32, #tpu.memory_space<hbm>> -> memref<128x128xf32, #tpu.memory_space<hbm>>
      %dma_start3A_56 = arith.constant 0 : i32
      %dma_start3A_57 = tpu.memref_slice %arg4[%mul3A_53, %dma_start3A_56] : memref<163840x128xf32, #tpu.memory_space<hbm>> -> memref<128x128xf32, #tpu.memory_space<hbm>>
      tpu.enqueue_dma source(%arg7 : memref<128x128xf32, #tpu.memory_space<vmem>>) target(%dma_start3A_57 : memref<128x128xf32, #tpu.memory_space<hbm>>) target_semaphore(%arg11 : memref<!tpu.dma_semaphore, #tpu.memory_space<semaphore_mem>>)
      %add3A_58 = arith.constant 1 : i32
      %add3A_59 = arith.addi %mul3A_42, %add3A_58 : i32
      %dma_wait3A_60 = arith.constant 0 : i32
      %dma_wait3A_61 = tpu.memref_slice %arg5[%add3A_59, %dma_wait3A_60] : memref<40x128xi32, #tpu.memory_space<vmem>> -> memref<1x128xi32, #tpu.memory_space<vmem>>
      %dma_wait3A_62 = tpu.memref_squeeze %dma_wait3A_61 : memref<1x128xi32, #tpu.memory_space<vmem>> -> memref<128xi32, #tpu.memory_space<vmem>>
      %dma_wait3A_63 = arith.constant 0 : i32
      %dma_wait3A_64 = arith.constant 0 : i32
      %dma_wait3A_65 = tpu.memref_slice %arg6[%dma_wait3A_63, %dma_wait3A_64] : memref<10240x128xf32, #tpu.memory_space<vmem_shared>> -> memref<10240x128xf32, #tpu.memory_space<vmem_shared>>
      tpu.wait_indirect_dma semaphore(%arg10 : memref<!tpu.dma_semaphore, #tpu.memory_space<semaphore_mem>>) src(%dma_wait3A_65 : memref<10240x128xf32, #tpu.memory_space<vmem_shared>>) dst(%arg8 : memref<128x128xf32, #tpu.memory_space<vmem>>)
      %add3A_66 = arith.addi %mul3A_2, %add3A_59 : i32
      %mul3A_67 = arith.constant 128 : i32
      %mul3A_68 = arith.muli %add3A_66, %mul3A_67 : i32
      %dma_start3A_69 = arith.constant 0 : i32
      %dma_start3A_70 = tpu.memref_slice %arg4[%mul3A_68, %dma_start3A_69] : memref<163840x128xf32, #tpu.memory_space<hbm>> -> memref<128x128xf32, #tpu.memory_space<hbm>>
      %dma_start3A_71 = arith.constant 0 : i32
      %dma_start3A_72 = tpu.memref_slice %arg4[%mul3A_68, %dma_start3A_71] : memref<163840x128xf32, #tpu.memory_space<hbm>> -> memref<128x128xf32, #tpu.memory_space<hbm>>
      tpu.enqueue_dma source(%arg8 : memref<128x128xf32, #tpu.memory_space<vmem>>) target(%dma_start3A_72 : memref<128x128xf32, #tpu.memory_space<hbm>>) target_semaphore(%arg12 : memref<!tpu.dma_semaphore, #tpu.memory_space<semaphore_mem>>)
      %add3A_73 = arith.constant 2 : i32
      %add3A_74 = arith.addi %mul3A_42, %add3A_73 : i32
      %add3A_75 = arith.constant 0 : i32
      %add3A_76 = arith.addi %add3A_74, %add3A_75 : i32
      %lt3A = arith.constant 40 : i32
      %lt3A_77 = arith.cmpi slt, %add3A_76, %lt3A : i32
      %convert_element_type3A_78 = arith.extui %lt3A_77 : i1 to i32
      %cond3A_79 = arith.constant 0 : i32
      %cond3A_80 = arith.cmpi ne, %convert_element_type3A_78, %cond3A_79 : i32
      scf.if %cond3A_80 {
        %add3A_91 = arith.addi %mul3A_2, %mul3A_42 : i32
        %add3A_92 = arith.constant 0 : i32
        %add3A_93 = arith.addi %add3A_91, %add3A_92 : i32
        %mul3A_94 = arith.constant 128 : i32
        %mul3A_95 = arith.muli %add3A_93, %mul3A_94 : i32
        %dma_wait3A_96 = arith.constant 0 : i32
        %dma_wait3A_97 = tpu.memref_slice %arg4[%mul3A_95, %dma_wait3A_96] : memref<163840x128xf32, #tpu.memory_space<hbm>> -> memref<128x128xf32, #tpu.memory_space<hbm>>
        %dma_wait3A_98 = arith.constant 0 : i32
        %dma_wait3A_99 = tpu.memref_slice %arg4[%mul3A_95, %dma_wait3A_98] : memref<163840x128xf32, #tpu.memory_space<hbm>> -> memref<128x128xf32, #tpu.memory_space<hbm>>
        tpu.wait_dma2 semaphore(%arg11 : memref<!tpu.dma_semaphore, #tpu.memory_space<semaphore_mem>>) src(%arg7 : memref<128x128xf32, #tpu.memory_space<vmem>>) dst(%dma_wait3A_99 : memref<128x128xf32, #tpu.memory_space<hbm>>)
        %dma_start3A_100 = arith.constant 0 : i32
        %dma_start3A_101 = tpu.memref_slice %arg5[%add3A_76, %dma_start3A_100] : memref<40x128xi32, #tpu.memory_space<vmem>> -> memref<1x128xi32, #tpu.memory_space<vmem>>
        %dma_start3A_102 = tpu.memref_squeeze %dma_start3A_101 : memref<1x128xi32, #tpu.memory_space<vmem>> -> memref<128xi32, #tpu.memory_space<vmem>>
        %dma_start3A_103 = arith.constant 0 : i32
        %dma_start3A_104 = arith.constant 0 : i32
        %dma_start3A_105 = tpu.memref_slice %arg6[%dma_start3A_103, %dma_start3A_104] : memref<10240x128xf32, #tpu.memory_space<vmem_shared>> -> memref<10240x128xf32, #tpu.memory_space<vmem_shared>>
        tpu.enqueue_indirect_dma source(%dma_start3A_105 : memref<10240x128xf32, #tpu.memory_space<vmem_shared>>) target(%arg7 : memref<128x128xf32, #tpu.memory_space<vmem>>) offsets(%dma_start3A_102 : memref<128xi32, #tpu.memory_space<vmem>>) semaphore(%arg9 : memref<!tpu.dma_semaphore, #tpu.memory_space<semaphore_mem>>)
      } else {
      }
      %add3A_81 = arith.constant 2 : i32
      %add3A_82 = arith.addi %mul3A_42, %add3A_81 : i32
      %add3A_83 = arith.constant 1 : i32
      %add3A_84 = arith.addi %add3A_82, %add3A_83 : i32
      %lt3A_85 = arith.constant 40 : i32
      %lt3A_86 = arith.cmpi slt, %add3A_84, %lt3A_85 : i32
      %convert_element_type3A_87 = arith.extui %lt3A_86 : i1 to i32
      %cond3A_88 = arith.constant 0 : i32
      %cond3A_89 = arith.cmpi ne, %convert_element_type3A_87, %cond3A_88 : i32
      scf.if %cond3A_89 {
        %add3A_91 = arith.addi %mul3A_2, %mul3A_42 : i32
        %add3A_92 = arith.constant 1 : i32
        %add3A_93 = arith.addi %add3A_91, %add3A_92 : i32
        %mul3A_94 = arith.constant 128 : i32
        %mul3A_95 = arith.muli %add3A_93, %mul3A_94 : i32
        %dma_wait3A_96 = arith.constant 0 : i32
        %dma_wait3A_97 = tpu.memref_slice %arg4[%mul3A_95, %dma_wait3A_96] : memref<163840x128xf32, #tpu.memory_space<hbm>> -> memref<128x128xf32, #tpu.memory_space<hbm>>
        %dma_wait3A_98 = arith.constant 0 : i32
        %dma_wait3A_99 = tpu.memref_slice %arg4[%mul3A_95, %dma_wait3A_98] : memref<163840x128xf32, #tpu.memory_space<hbm>> -> memref<128x128xf32, #tpu.memory_space<hbm>>
        tpu.wait_dma2 semaphore(%arg12 : memref<!tpu.dma_semaphore, #tpu.memory_space<semaphore_mem>>) src(%arg8 : memref<128x128xf32, #tpu.memory_space<vmem>>) dst(%dma_wait3A_99 : memref<128x128xf32, #tpu.memory_space<hbm>>)
        %dma_start3A_100 = arith.constant 0 : i32
        %dma_start3A_101 = tpu.memref_slice %arg5[%add3A_84, %dma_start3A_100] : memref<40x128xi32, #tpu.memory_space<vmem>> -> memref<1x128xi32, #tpu.memory_space<vmem>>
        %dma_start3A_102 = tpu.memref_squeeze %dma_start3A_101 : memref<1x128xi32, #tpu.memory_space<vmem>> -> memref<128xi32, #tpu.memory_space<vmem>>
        %dma_start3A_103 = arith.constant 0 : i32
        %dma_start3A_104 = arith.constant 0 : i32
        %dma_start3A_105 = tpu.memref_slice %arg6[%dma_start3A_103, %dma_start3A_104] : memref<10240x128xf32, #tpu.memory_space<vmem_shared>> -> memref<10240x128xf32, #tpu.memory_space<vmem_shared>>
        tpu.enqueue_indirect_dma source(%dma_start3A_105 : memref<10240x128xf32, #tpu.memory_space<vmem_shared>>) target(%arg8 : memref<128x128xf32, #tpu.memory_space<vmem>>) offsets(%dma_start3A_102 : memref<128xi32, #tpu.memory_space<vmem>>) semaphore(%arg10 : memref<!tpu.dma_semaphore, #tpu.memory_space<semaphore_mem>>)
      } else {
      }
      %scan3A_90 = arith.constant 0 : i32
      scf.yield %scan3A_90 : i32
    }
    %scan3A_23 = arith.constant 20 : i32
    %add3A_24 = arith.constant 38 : i32
    %add3A_25 = arith.addi %mul3A_2, %add3A_24 : i32
    %mul3A_26 = arith.constant 128 : i32
    %mul3A_27 = arith.muli %add3A_25, %mul3A_26 : i32
    %dma_wait3A = arith.constant 0 : i32
    %dma_wait3A_28 = tpu.memref_slice %arg4[%mul3A_27, %dma_wait3A] : memref<163840x128xf32, #tpu.memory_space<hbm>> -> memref<128x128xf32, #tpu.memory_space<hbm>>
    %dma_wait3A_29 = arith.constant 0 : i32
    %dma_wait3A_30 = tpu.memref_slice %arg4[%mul3A_27, %dma_wait3A_29] : memref<163840x128xf32, #tpu.memory_space<hbm>> -> memref<128x128xf32, #tpu.memory_space<hbm>>
    tpu.wait_dma2 semaphore(%arg11 : memref<!tpu.dma_semaphore, #tpu.memory_space<semaphore_mem>>) src(%arg7 : memref<128x128xf32, #tpu.memory_space<vmem>>) dst(%dma_wait3A_30 : memref<128x128xf32, #tpu.memory_space<hbm>>)
    %add3A_31 = arith.constant 39 : i32
    %add3A_32 = arith.addi %mul3A_2, %add3A_31 : i32
    %mul3A_33 = arith.constant 128 : i32
    %mul3A_34 = arith.muli %add3A_32, %mul3A_33 : i32
    %dma_wait3A_35 = arith.constant 0 : i32
    %dma_wait3A_36 = tpu.memref_slice %arg4[%mul3A_34, %dma_wait3A_35] : memref<163840x128xf32, #tpu.memory_space<hbm>> -> memref<128x128xf32, #tpu.memory_space<hbm>>
    %dma_wait3A_37 = arith.constant 0 : i32
    %dma_wait3A_38 = tpu.memref_slice %arg4[%mul3A_34, %dma_wait3A_37] : memref<163840x128xf32, #tpu.memory_space<hbm>> -> memref<128x128xf32, #tpu.memory_space<hbm>>
    tpu.wait_dma2 semaphore(%arg12 : memref<!tpu.dma_semaphore, #tpu.memory_space<semaphore_mem>>) src(%arg8 : memref<128x128xf32, #tpu.memory_space<vmem>>) dst(%dma_wait3A_38 : memref<128x128xf32, #tpu.memory_space<hbm>>)
    return
  }
}

#map = affine_map<(d0, d1) -> (0, 0)>
module attributes {stable_mosaic.version = 14 : i64} {
  func.func @gk(%arg0: i32, %arg1: i32, %arg2: memref<10240x128xf32, #tpu.memory_space<hbm>>, %arg3: memref<1280x128xi32, #tpu.memory_space<hbm>>, %arg4: memref<163840x128xf32, #tpu.memory_space<hbm>>, %arg5: memref<40x128xi32, #tpu.memory_space<vmem>>, %arg6: memref<10240x128xf32, #tpu.memory_space<vmem_shared>>, %arg7: memref<128x128xf32, #tpu.memory_space<vmem>>, %arg8: memref<128x128xf32, #tpu.memory_space<vmem>>, %arg9: memref<!tpu.dma_semaphore, #tpu.memory_space<semaphore_mem>>, %arg10: memref<!tpu.dma_semaphore, #tpu.memory_space<semaphore_mem>>, %arg11: memref<!tpu.dma_semaphore, #tpu.memory_space<semaphore_mem>>, %arg12: memref<!tpu.dma_semaphore, #tpu.memory_space<semaphore_mem>>) attributes {dimension_semantics = [#tpu.dimension_semantics<core_parallel>, #tpu.dimension_semantics<subcore_parallel>], iteration_bounds = array<i64: 2, 16>, scalar_prefetch = 0 : i64, scratch_operands = 8 : i64, tpu.core_type = #tpu.core_type<sc_vector_subcore>, window_params = [{transform_indices = #map}, {transform_indices = #map}, {transform_indices = #map}]} {
    %mul3A = arith.constant 2 : i32
    %mul3A_0 = arith.muli %arg1, %mul3A : i32
    %add3A = arith.addi %mul3A_0, %arg0 : i32
    %mul3A_1 = arith.constant 40 : i32
    %mul3A_2 = arith.muli %add3A, %mul3A_1 : i32
    %eq3A = arith.constant 0 : i32
    %eq3A_3 = arith.cmpi eq, %arg1, %eq3A : i32
    %convert_element_type3A = arith.extui %eq3A_3 : i1 to i32
    %cond3A = arith.constant 0 : i32
    %cond3A_4 = arith.cmpi ne, %convert_element_type3A, %cond3A : i32
    scf.if %cond3A_4 {
      "tpu.region"() ({
        %run_scoped3A = tpu.sem_alloc : memref<!tpu.dma_semaphore, #tpu.memory_space<semaphore_mem>>
        tpu.enqueue_dma source(%arg2 : memref<10240x128xf32, #tpu.memory_space<hbm>>) target(%arg6 : memref<10240x128xf32, #tpu.memory_space<vmem_shared>>) target_semaphore(%run_scoped3A : memref<!tpu.dma_semaphore, #tpu.memory_space<semaphore_mem>>)
        tpu.wait_dma2 semaphore(%run_scoped3A : memref<!tpu.dma_semaphore, #tpu.memory_space<semaphore_mem>>) src(%arg2 : memref<10240x128xf32, #tpu.memory_space<hbm>>) dst(%arg6 : memref<10240x128xf32, #tpu.memory_space<vmem_shared>>)
        tpu.yield
      }) : () -> ()
    } else {
    }
    "tpu.region"() ({
      %run_scoped3A = tpu.sem_alloc : memref<!tpu.dma_semaphore, #tpu.memory_space<semaphore_mem>>
      %dma_start3A_39 = arith.constant 0 : i32
      %dma_start3A_40 = tpu.memref_slice %arg3[%mul3A_2, %dma_start3A_39] : memref<1280x128xi32, #tpu.memory_space<hbm>> -> memref<40x128xi32, #tpu.memory_space<hbm>>
      %dma_start3A_41 = arith.constant 0 : i32
      %dma_start3A_42 = tpu.memref_slice %arg3[%mul3A_2, %dma_start3A_41] : memref<1280x128xi32, #tpu.memory_space<hbm>> -> memref<40x128xi32, #tpu.memory_space<hbm>>
      tpu.enqueue_dma source(%dma_start3A_42 : memref<40x128xi32, #tpu.memory_space<hbm>>) target(%arg5 : memref<40x128xi32, #tpu.memory_space<vmem>>) target_semaphore(%run_scoped3A : memref<!tpu.dma_semaphore, #tpu.memory_space<semaphore_mem>>)
      %dma_wait3A_43 = arith.constant 0 : i32
      %dma_wait3A_44 = tpu.memref_slice %arg3[%mul3A_2, %dma_wait3A_43] : memref<1280x128xi32, #tpu.memory_space<hbm>> -> memref<40x128xi32, #tpu.memory_space<hbm>>
      %dma_wait3A_45 = arith.constant 0 : i32
      %dma_wait3A_46 = tpu.memref_slice %arg3[%mul3A_2, %dma_wait3A_45] : memref<1280x128xi32, #tpu.memory_space<hbm>> -> memref<40x128xi32, #tpu.memory_space<hbm>>
      tpu.wait_dma2 semaphore(%run_scoped3A : memref<!tpu.dma_semaphore, #tpu.memory_space<semaphore_mem>>) src(%dma_wait3A_46 : memref<40x128xi32, #tpu.memory_space<hbm>>) dst(%arg5 : memref<40x128xi32, #tpu.memory_space<vmem>>)
      tpu.yield
    }) : () -> ()
    %barrier3A = arith.constant 0 : index
    tpu.barrier barrier_id(%barrier3A)
    %dma_start3A = arith.constant 0 : i32
    %dma_start3A_5 = arith.constant 0 : i32
    %dma_start3A_6 = tpu.memref_slice %arg5[%dma_start3A, %dma_start3A_5] : memref<40x128xi32, #tpu.memory_space<vmem>> -> memref<1x128xi32, #tpu.memory_space<vmem>>
    %dma_start3A_7 = tpu.memref_squeeze %dma_start3A_6 : memref<1x128xi32, #tpu.memory_space<vmem>> -> memref<128xi32, #tpu.memory_space<vmem>>
    %dma_start3A_8 = arith.constant 0 : i32
    %dma_start3A_9 = arith.constant 0 : i32
    %dma_start3A_10 = tpu.memref_slice %arg6[%dma_start3A_8, %dma_start3A_9] : memref<10240x128xf32, #tpu.memory_space<vmem_shared>> -> memref<10240x128xf32, #tpu.memory_space<vmem_shared>>
    tpu.enqueue_indirect_dma source(%dma_start3A_10 : memref<10240x128xf32, #tpu.memory_space<vmem_shared>>) target(%arg7 : memref<128x128xf32, #tpu.memory_space<vmem>>) offsets(%dma_start3A_7 : memref<128xi32, #tpu.memory_space<vmem>>) semaphore(%arg9 : memref<!tpu.dma_semaphore, #tpu.memory_space<semaphore_mem>>)
    %dma_start3A_11 = arith.constant 1 : i32
    %dma_start3A_12 = arith.constant 0 : i32
    %dma_start3A_13 = tpu.memref_slice %arg5[%dma_start3A_11, %dma_start3A_12] : memref<40x128xi32, #tpu.memory_space<vmem>> -> memref<1x128xi32, #tpu.memory_space<vmem>>
    %dma_start3A_14 = tpu.memref_squeeze %dma_start3A_13 : memref<1x128xi32, #tpu.memory_space<vmem>> -> memref<128xi32, #tpu.memory_space<vmem>>
    %dma_start3A_15 = arith.constant 0 : i32
    %dma_start3A_16 = arith.constant 0 : i32
    %dma_start3A_17 = tpu.memref_slice %arg6[%dma_start3A_15, %dma_start3A_16] : memref<10240x128xf32, #tpu.memory_space<vmem_shared>> -> memref<10240x128xf32, #tpu.memory_space<vmem_shared>>
    tpu.enqueue_indirect_dma source(%dma_start3A_17 : memref<10240x128xf32, #tpu.memory_space<vmem_shared>>) target(%arg8 : memref<128x128xf32, #tpu.memory_space<vmem>>) offsets(%dma_start3A_14 : memref<128xi32, #tpu.memory_space<vmem>>) semaphore(%arg10 : memref<!tpu.dma_semaphore, #tpu.memory_space<semaphore_mem>>)
    %scan3A = arith.constant 0 : i32
    %scan3A_18 = arith.constant 0 : i32
    %scan3A_19 = arith.constant 20 : i32
    %scan3A_20 = arith.addi %scan3A_18, %scan3A_19 : i32
    %scan3A_21 = arith.constant 1 : i32
    %scan3A_22 = scf.for %scan3A_39 = %scan3A_18 to %scan3A_20 step %scan3A_21 iter_args(%scan3A_40 = %scan3A) -> (i32)  : i32 {
      %mul3A_41 = arith.constant 2 : i32
      %mul3A_42 = arith.muli %scan3A_39, %mul3A_41 : i32
      %add3A_43 = arith.constant 0 : i32
      %add3A_44 = arith.addi %mul3A_42, %add3A_43 : i32
      %dma_wait3A_45 = arith.constant 0 : i32
      %dma_wait3A_46 = tpu.memref_slice %arg5[%add3A_44, %dma_wait3A_45] : memref<40x128xi32, #tpu.memory_space<vmem>> -> memref<1x128xi32, #tpu.memory_space<vmem>>
      %dma_wait3A_47 = tpu.memref_squeeze %dma_wait3A_46 : memref<1x128xi32, #tpu.memory_space<vmem>> -> memref<128xi32, #tpu.memory_space<vmem>>
      %dma_wait3A_48 = arith.constant 0 : i32
      %dma_wait3A_49 = arith.constant 0 : i32
      %dma_wait3A_50 = tpu.memref_slice %arg6[%dma_wait3A_48, %dma_wait3A_49] : memref<10240x128xf32, #tpu.memory_space<vmem_shared>> -> memref<10240x128xf32, #tpu.memory_space<vmem_shared>>
      tpu.wait_indirect_dma semaphore(%arg9 : memref<!tpu.dma_semaphore, #tpu.memory_space<semaphore_mem>>) src(%dma_wait3A_50 : memref<10240x128xf32, #tpu.memory_space<vmem_shared>>) dst(%arg7 : memref<128x128xf32, #tpu.memory_space<vmem>>)
      %add3A_51 = arith.addi %mul3A_2, %add3A_44 : i32
      %mul3A_52 = arith.constant 128 : i32
      %mul3A_53 = arith.muli %add3A_51, %mul3A_52 : i32
      %dma_start3A_54 = arith.constant 0 : i32
      %dma_start3A_55 = tpu.memref_slice %arg4[%mul3A_53, %dma_start3A_54] : memref<163840x128xf32, #tpu.memory_space<hbm>> -> memref<128x128xf32, #tpu.memory_space<hbm>>
      %dma_start3A_56 = arith.constant 0 : i32
      %dma_start3A_57 = tpu.memref_slice %arg4[%mul3A_53, %dma_start3A_56] : memref<163840x128xf32, #tpu.memory_space<hbm>> -> memref<128x128xf32, #tpu.memory_space<hbm>>
      tpu.enqueue_dma source(%arg7 : memref<128x128xf32, #tpu.memory_space<vmem>>) target(%dma_start3A_57 : memref<128x128xf32, #tpu.memory_space<hbm>>) target_semaphore(%arg11 : memref<!tpu.dma_semaphore, #tpu.memory_space<semaphore_mem>>)
      %add3A_58 = arith.constant 1 : i32
      %add3A_59 = arith.addi %mul3A_42, %add3A_58 : i32
      %dma_wait3A_60 = arith.constant 0 : i32
      %dma_wait3A_61 = tpu.memref_slice %arg5[%add3A_59, %dma_wait3A_60] : memref<40x128xi32, #tpu.memory_space<vmem>> -> memref<1x128xi32, #tpu.memory_space<vmem>>
      %dma_wait3A_62 = tpu.memref_squeeze %dma_wait3A_61 : memref<1x128xi32, #tpu.memory_space<vmem>> -> memref<128xi32, #tpu.memory_space<vmem>>
      %dma_wait3A_63 = arith.constant 0 : i32
      %dma_wait3A_64 = arith.constant 0 : i32
      %dma_wait3A_65 = tpu.memref_slice %arg6[%dma_wait3A_63, %dma_wait3A_64] : memref<10240x128xf32, #tpu.memory_space<vmem_shared>> -> memref<10240x128xf32, #tpu.memory_space<vmem_shared>>
      tpu.wait_indirect_dma semaphore(%arg10 : memref<!tpu.dma_semaphore, #tpu.memory_space<semaphore_mem>>) src(%dma_wait3A_65 : memref<10240x128xf32, #tpu.memory_space<vmem_shared>>) dst(%arg8 : memref<128x128xf32, #tpu.memory_space<vmem>>)
      %add3A_66 = arith.addi %mul3A_2, %add3A_59 : i32
      %mul3A_67 = arith.constant 128 : i32
      %mul3A_68 = arith.muli %add3A_66, %mul3A_67 : i32
      %dma_start3A_69 = arith.constant 0 : i32
      %dma_start3A_70 = tpu.memref_slice %arg4[%mul3A_68, %dma_start3A_69] : memref<163840x128xf32, #tpu.memory_space<hbm>> -> memref<128x128xf32, #tpu.memory_space<hbm>>
      %dma_start3A_71 = arith.constant 0 : i32
      %dma_start3A_72 = tpu.memref_slice %arg4[%mul3A_68, %dma_start3A_71] : memref<163840x128xf32, #tpu.memory_space<hbm>> -> memref<128x128xf32, #tpu.memory_space<hbm>>
      tpu.enqueue_dma source(%arg8 : memref<128x128xf32, #tpu.memory_space<vmem>>) target(%dma_start3A_72 : memref<128x128xf32, #tpu.memory_space<hbm>>) target_semaphore(%arg12 : memref<!tpu.dma_semaphore, #tpu.memory_space<semaphore_mem>>)
      %add3A_73 = arith.constant 2 : i32
      %add3A_74 = arith.addi %mul3A_42, %add3A_73 : i32
      %add3A_75 = arith.constant 0 : i32
      %add3A_76 = arith.addi %add3A_74, %add3A_75 : i32
      %lt3A = arith.constant 40 : i32
      %lt3A_77 = arith.cmpi slt, %add3A_76, %lt3A : i32
      %convert_element_type3A_78 = arith.extui %lt3A_77 : i1 to i32
      %cond3A_79 = arith.constant 0 : i32
      %cond3A_80 = arith.cmpi ne, %convert_element_type3A_78, %cond3A_79 : i32
      scf.if %cond3A_80 {
        %add3A_91 = arith.addi %mul3A_2, %mul3A_42 : i32
        %add3A_92 = arith.constant 0 : i32
        %add3A_93 = arith.addi %add3A_91, %add3A_92 : i32
        %mul3A_94 = arith.constant 128 : i32
        %mul3A_95 = arith.muli %add3A_93, %mul3A_94 : i32
        %dma_wait3A_96 = arith.constant 0 : i32
        %dma_wait3A_97 = tpu.memref_slice %arg4[%mul3A_95, %dma_wait3A_96] : memref<163840x128xf32, #tpu.memory_space<hbm>> -> memref<128x128xf32, #tpu.memory_space<hbm>>
        %dma_wait3A_98 = arith.constant 0 : i32
        %dma_wait3A_99 = tpu.memref_slice %arg4[%mul3A_95, %dma_wait3A_98] : memref<163840x128xf32, #tpu.memory_space<hbm>> -> memref<128x128xf32, #tpu.memory_space<hbm>>
        tpu.wait_dma2 semaphore(%arg11 : memref<!tpu.dma_semaphore, #tpu.memory_space<semaphore_mem>>) src(%arg7 : memref<128x128xf32, #tpu.memory_space<vmem>>) dst(%dma_wait3A_99 : memref<128x128xf32, #tpu.memory_space<hbm>>)
        %dma_start3A_100 = arith.constant 0 : i32
        %dma_start3A_101 = tpu.memref_slice %arg5[%add3A_76, %dma_start3A_100] : memref<40x128xi32, #tpu.memory_space<vmem>> -> memref<1x128xi32, #tpu.memory_space<vmem>>
        %dma_start3A_102 = tpu.memref_squeeze %dma_start3A_101 : memref<1x128xi32, #tpu.memory_space<vmem>> -> memref<128xi32, #tpu.memory_space<vmem>>
        %dma_start3A_103 = arith.constant 0 : i32
        %dma_start3A_104 = arith.constant 0 : i32
        %dma_start3A_105 = tpu.memref_slice %arg6[%dma_start3A_103, %dma_start3A_104] : memref<10240x128xf32, #tpu.memory_space<vmem_shared>> -> memref<10240x128xf32, #tpu.memory_space<vmem_shared>>
        tpu.enqueue_indirect_dma source(%dma_start3A_105 : memref<10240x128xf32, #tpu.memory_space<vmem_shared>>) target(%arg7 : memref<128x128xf32, #tpu.memory_space<vmem>>) offsets(%dma_start3A_102 : memref<128xi32, #tpu.memory_space<vmem>>) semaphore(%arg9 : memref<!tpu.dma_semaphore, #tpu.memory_space<semaphore_mem>>)
      } else {
      }
      %add3A_81 = arith.constant 2 : i32
      %add3A_82 = arith.addi %mul3A_42, %add3A_81 : i32
      %add3A_83 = arith.constant 1 : i32
      %add3A_84 = arith.addi %add3A_82, %add3A_83 : i32
      %lt3A_85 = arith.constant 40 : i32
      %lt3A_86 = arith.cmpi slt, %add3A_84, %lt3A_85 : i32
      %convert_element_type3A_87 = arith.extui %lt3A_86 : i1 to i32
      %cond3A_88 = arith.constant 0 : i32
      %cond3A_89 = arith.cmpi ne, %convert_element_type3A_87, %cond3A_88 : i32
      scf.if %cond3A_89 {
        %add3A_91 = arith.addi %mul3A_2, %mul3A_42 : i32
        %add3A_92 = arith.constant 1 : i32
        %add3A_93 = arith.addi %add3A_91, %add3A_92 : i32
        %mul3A_94 = arith.constant 128 : i32
        %mul3A_95 = arith.muli %add3A_93, %mul3A_94 : i32
        %dma_wait3A_96 = arith.constant 0 : i32
        %dma_wait3A_97 = tpu.memref_slice %arg4[%mul3A_95, %dma_wait3A_96] : memref<163840x128xf32, #tpu.memory_space<hbm>> -> memref<128x128xf32, #tpu.memory_space<hbm>>
        %dma_wait3A_98 = arith.constant 0 : i32
        %dma_wait3A_99 = tpu.memref_slice %arg4[%mul3A_95, %dma_wait3A_98] : memref<163840x128xf32, #tpu.memory_space<hbm>> -> memref<128x128xf32, #tpu.memory_space<hbm>>
        tpu.wait_dma2 semaphore(%arg12 : memref<!tpu.dma_semaphore, #tpu.memory_space<semaphore_mem>>) src(%arg8 : memref<128x128xf32, #tpu.memory_space<vmem>>) dst(%dma_wait3A_99 : memref<128x128xf32, #tpu.memory_space<hbm>>)
        %dma_start3A_100 = arith.constant 0 : i32
        %dma_start3A_101 = tpu.memref_slice %arg5[%add3A_84, %dma_start3A_100] : memref<40x128xi32, #tpu.memory_space<vmem>> -> memref<1x128xi32, #tpu.memory_space<vmem>>
        %dma_start3A_102 = tpu.memref_squeeze %dma_start3A_101 : memref<1x128xi32, #tpu.memory_space<vmem>> -> memref<128xi32, #tpu.memory_space<vmem>>
        %dma_start3A_103 = arith.constant 0 : i32
        %dma_start3A_104 = arith.constant 0 : i32
        %dma_start3A_105 = tpu.memref_slice %arg6[%dma_start3A_103, %dma_start3A_104] : memref<10240x128xf32, #tpu.memory_space<vmem_shared>> -> memref<10240x128xf32, #tpu.memory_space<vmem_shared>>
        tpu.enqueue_indirect_dma source(%dma_start3A_105 : memref<10240x128xf32, #tpu.memory_space<vmem_shared>>) target(%arg8 : memref<128x128xf32, #tpu.memory_space<vmem>>) offsets(%dma_start3A_102 : memref<128xi32, #tpu.memory_space<vmem>>) semaphore(%arg10 : memref<!tpu.dma_semaphore, #tpu.memory_space<semaphore_mem>>)
      } else {
      }
      %scan3A_90 = arith.constant 0 : i32
      scf.yield %scan3A_90 : i32
    }
    %scan3A_23 = arith.constant 20 : i32
    %add3A_24 = arith.constant 38 : i32
    %add3A_25 = arith.addi %mul3A_2, %add3A_24 : i32
    %mul3A_26 = arith.constant 128 : i32
    %mul3A_27 = arith.muli %add3A_25, %mul3A_26 : i32
    %dma_wait3A = arith.constant 0 : i32
    %dma_wait3A_28 = tpu.memref_slice %arg4[%mul3A_27, %dma_wait3A] : memref<163840x128xf32, #tpu.memory_space<hbm>> -> memref<128x128xf32, #tpu.memory_space<hbm>>
    %dma_wait3A_29 = arith.constant 0 : i32
    %dma_wait3A_30 = tpu.memref_slice %arg4[%mul3A_27, %dma_wait3A_29] : memref<163840x128xf32, #tpu.memory_space<hbm>> -> memref<128x128xf32, #tpu.memory_space<hbm>>
    tpu.wait_dma2 semaphore(%arg11 : memref<!tpu.dma_semaphore, #tpu.memory_space<semaphore_mem>>) src(%arg7 : memref<128x128xf32, #tpu.memory_space<vmem>>) dst(%dma_wait3A_30 : memref<128x128xf32, #tpu.memory_space<hbm>>)
    %add3A_31 = arith.constant 39 : i32
    %add3A_32 = arith.addi %mul3A_2, %add3A_31 : i32
    %mul3A_33 = arith.constant 128 : i32
    %mul3A_34 = arith.muli %add3A_32, %mul3A_33 : i32
    %dma_wait3A_35 = arith.constant 0 : i32
    %dma_wait3A_36 = tpu.memref_slice %arg4[%mul3A_34, %dma_wait3A_35] : memref<163840x128xf32, #tpu.memory_space<hbm>> -> memref<128x128xf32, #tpu.memory_space<hbm>>
    %dma_wait3A_37 = arith.constant 0 : i32
    %dma_wait3A_38 = tpu.memref_slice %arg4[%mul3A_34, %dma_wait3A_37] : memref<163840x128xf32, #tpu.memory_space<hbm>> -> memref<128x128xf32, #tpu.memory_space<hbm>>
    tpu.wait_dma2 semaphore(%arg12 : memref<!tpu.dma_semaphore, #tpu.memory_space<semaphore_mem>>) src(%arg8 : memref<128x128xf32, #tpu.memory_space<vmem>>) dst(%dma_wait3A_38 : memref<128x128xf32, #tpu.memory_space<hbm>>)
    return
  }
}

#map = affine_map<(d0, d1) -> (0, 0)>
module attributes {stable_mosaic.version = 14 : i64} {
  func.func @gk(%arg0: i32, %arg1: i32, %arg2: memref<10240x128xf32, #tpu.memory_space<hbm>>, %arg3: memref<1280x128xi32, #tpu.memory_space<hbm>>, %arg4: memref<163840x128xf32, #tpu.memory_space<hbm>>, %arg5: memref<40x128xi32, #tpu.memory_space<vmem>>, %arg6: memref<10240x128xf32, #tpu.memory_space<vmem_shared>>, %arg7: memref<128x128xf32, #tpu.memory_space<vmem>>, %arg8: memref<128x128xf32, #tpu.memory_space<vmem>>, %arg9: memref<!tpu.dma_semaphore, #tpu.memory_space<semaphore_mem>>, %arg10: memref<!tpu.dma_semaphore, #tpu.memory_space<semaphore_mem>>, %arg11: memref<!tpu.dma_semaphore, #tpu.memory_space<semaphore_mem>>, %arg12: memref<!tpu.dma_semaphore, #tpu.memory_space<semaphore_mem>>) attributes {dimension_semantics = [#tpu.dimension_semantics<core_parallel>, #tpu.dimension_semantics<subcore_parallel>], iteration_bounds = array<i64: 2, 16>, scalar_prefetch = 0 : i64, scratch_operands = 8 : i64, tpu.core_type = #tpu.core_type<sc_vector_subcore>, window_params = [{transform_indices = #map}, {transform_indices = #map}, {transform_indices = #map}]} {
    %mul3A = arith.constant 2 : i32
    %mul3A_0 = arith.muli %arg1, %mul3A : i32
    %add3A = arith.addi %mul3A_0, %arg0 : i32
    %mul3A_1 = arith.constant 40 : i32
    %mul3A_2 = arith.muli %add3A, %mul3A_1 : i32
    %eq3A = arith.constant 0 : i32
    %eq3A_3 = arith.cmpi eq, %arg1, %eq3A : i32
    %convert_element_type3A = arith.extui %eq3A_3 : i1 to i32
    %cond3A = arith.constant 0 : i32
    %cond3A_4 = arith.cmpi ne, %convert_element_type3A, %cond3A : i32
    scf.if %cond3A_4 {
      "tpu.region"() ({
        %run_scoped3A = tpu.sem_alloc : memref<!tpu.dma_semaphore, #tpu.memory_space<semaphore_mem>>
        tpu.enqueue_dma source(%arg2 : memref<10240x128xf32, #tpu.memory_space<hbm>>) target(%arg6 : memref<10240x128xf32, #tpu.memory_space<vmem_shared>>) target_semaphore(%run_scoped3A : memref<!tpu.dma_semaphore, #tpu.memory_space<semaphore_mem>>)
        tpu.wait_dma2 semaphore(%run_scoped3A : memref<!tpu.dma_semaphore, #tpu.memory_space<semaphore_mem>>) src(%arg2 : memref<10240x128xf32, #tpu.memory_space<hbm>>) dst(%arg6 : memref<10240x128xf32, #tpu.memory_space<vmem_shared>>)
        tpu.yield
      }) : () -> ()
    } else {
    }
    "tpu.region"() ({
      %run_scoped3A = tpu.sem_alloc : memref<!tpu.dma_semaphore, #tpu.memory_space<semaphore_mem>>
      %dma_start3A_39 = arith.constant 0 : i32
      %dma_start3A_40 = tpu.memref_slice %arg3[%mul3A_2, %dma_start3A_39] : memref<1280x128xi32, #tpu.memory_space<hbm>> -> memref<40x128xi32, #tpu.memory_space<hbm>>
      %dma_start3A_41 = arith.constant 0 : i32
      %dma_start3A_42 = tpu.memref_slice %arg3[%mul3A_2, %dma_start3A_41] : memref<1280x128xi32, #tpu.memory_space<hbm>> -> memref<40x128xi32, #tpu.memory_space<hbm>>
      tpu.enqueue_dma source(%dma_start3A_42 : memref<40x128xi32, #tpu.memory_space<hbm>>) target(%arg5 : memref<40x128xi32, #tpu.memory_space<vmem>>) target_semaphore(%run_scoped3A : memref<!tpu.dma_semaphore, #tpu.memory_space<semaphore_mem>>)
      %dma_wait3A_43 = arith.constant 0 : i32
      %dma_wait3A_44 = tpu.memref_slice %arg3[%mul3A_2, %dma_wait3A_43] : memref<1280x128xi32, #tpu.memory_space<hbm>> -> memref<40x128xi32, #tpu.memory_space<hbm>>
      %dma_wait3A_45 = arith.constant 0 : i32
      %dma_wait3A_46 = tpu.memref_slice %arg3[%mul3A_2, %dma_wait3A_45] : memref<1280x128xi32, #tpu.memory_space<hbm>> -> memref<40x128xi32, #tpu.memory_space<hbm>>
      tpu.wait_dma2 semaphore(%run_scoped3A : memref<!tpu.dma_semaphore, #tpu.memory_space<semaphore_mem>>) src(%dma_wait3A_46 : memref<40x128xi32, #tpu.memory_space<hbm>>) dst(%arg5 : memref<40x128xi32, #tpu.memory_space<vmem>>)
      tpu.yield
    }) : () -> ()
    %barrier3A = arith.constant 0 : index
    tpu.barrier barrier_id(%barrier3A)
    %dma_start3A = arith.constant 0 : i32
    %dma_start3A_5 = arith.constant 0 : i32
    %dma_start3A_6 = tpu.memref_slice %arg5[%dma_start3A, %dma_start3A_5] : memref<40x128xi32, #tpu.memory_space<vmem>> -> memref<1x128xi32, #tpu.memory_space<vmem>>
    %dma_start3A_7 = tpu.memref_squeeze %dma_start3A_6 : memref<1x128xi32, #tpu.memory_space<vmem>> -> memref<128xi32, #tpu.memory_space<vmem>>
    %dma_start3A_8 = arith.constant 0 : i32
    %dma_start3A_9 = arith.constant 0 : i32
    %dma_start3A_10 = tpu.memref_slice %arg6[%dma_start3A_8, %dma_start3A_9] : memref<10240x128xf32, #tpu.memory_space<vmem_shared>> -> memref<10240x128xf32, #tpu.memory_space<vmem_shared>>
    tpu.enqueue_indirect_dma source(%dma_start3A_10 : memref<10240x128xf32, #tpu.memory_space<vmem_shared>>) target(%arg7 : memref<128x128xf32, #tpu.memory_space<vmem>>) offsets(%dma_start3A_7 : memref<128xi32, #tpu.memory_space<vmem>>) semaphore(%arg9 : memref<!tpu.dma_semaphore, #tpu.memory_space<semaphore_mem>>)
    %dma_start3A_11 = arith.constant 1 : i32
    %dma_start3A_12 = arith.constant 0 : i32
    %dma_start3A_13 = tpu.memref_slice %arg5[%dma_start3A_11, %dma_start3A_12] : memref<40x128xi32, #tpu.memory_space<vmem>> -> memref<1x128xi32, #tpu.memory_space<vmem>>
    %dma_start3A_14 = tpu.memref_squeeze %dma_start3A_13 : memref<1x128xi32, #tpu.memory_space<vmem>> -> memref<128xi32, #tpu.memory_space<vmem>>
    %dma_start3A_15 = arith.constant 0 : i32
    %dma_start3A_16 = arith.constant 0 : i32
    %dma_start3A_17 = tpu.memref_slice %arg6[%dma_start3A_15, %dma_start3A_16] : memref<10240x128xf32, #tpu.memory_space<vmem_shared>> -> memref<10240x128xf32, #tpu.memory_space<vmem_shared>>
    tpu.enqueue_indirect_dma source(%dma_start3A_17 : memref<10240x128xf32, #tpu.memory_space<vmem_shared>>) target(%arg8 : memref<128x128xf32, #tpu.memory_space<vmem>>) offsets(%dma_start3A_14 : memref<128xi32, #tpu.memory_space<vmem>>) semaphore(%arg10 : memref<!tpu.dma_semaphore, #tpu.memory_space<semaphore_mem>>)
    %scan3A = arith.constant 0 : i32
    %scan3A_18 = arith.constant 0 : i32
    %scan3A_19 = arith.constant 20 : i32
    %scan3A_20 = arith.addi %scan3A_18, %scan3A_19 : i32
    %scan3A_21 = arith.constant 1 : i32
    %scan3A_22 = scf.for %scan3A_39 = %scan3A_18 to %scan3A_20 step %scan3A_21 iter_args(%scan3A_40 = %scan3A) -> (i32)  : i32 {
      %mul3A_41 = arith.constant 2 : i32
      %mul3A_42 = arith.muli %scan3A_39, %mul3A_41 : i32
      %add3A_43 = arith.constant 0 : i32
      %add3A_44 = arith.addi %mul3A_42, %add3A_43 : i32
      %dma_wait3A_45 = arith.constant 0 : i32
      %dma_wait3A_46 = tpu.memref_slice %arg5[%add3A_44, %dma_wait3A_45] : memref<40x128xi32, #tpu.memory_space<vmem>> -> memref<1x128xi32, #tpu.memory_space<vmem>>
      %dma_wait3A_47 = tpu.memref_squeeze %dma_wait3A_46 : memref<1x128xi32, #tpu.memory_space<vmem>> -> memref<128xi32, #tpu.memory_space<vmem>>
      %dma_wait3A_48 = arith.constant 0 : i32
      %dma_wait3A_49 = arith.constant 0 : i32
      %dma_wait3A_50 = tpu.memref_slice %arg6[%dma_wait3A_48, %dma_wait3A_49] : memref<10240x128xf32, #tpu.memory_space<vmem_shared>> -> memref<10240x128xf32, #tpu.memory_space<vmem_shared>>
      tpu.wait_indirect_dma semaphore(%arg9 : memref<!tpu.dma_semaphore, #tpu.memory_space<semaphore_mem>>) src(%dma_wait3A_50 : memref<10240x128xf32, #tpu.memory_space<vmem_shared>>) dst(%arg7 : memref<128x128xf32, #tpu.memory_space<vmem>>)
      %add3A_51 = arith.addi %mul3A_2, %add3A_44 : i32
      %mul3A_52 = arith.constant 128 : i32
      %mul3A_53 = arith.muli %add3A_51, %mul3A_52 : i32
      %dma_start3A_54 = arith.constant 0 : i32
      %dma_start3A_55 = tpu.memref_slice %arg4[%mul3A_53, %dma_start3A_54] : memref<163840x128xf32, #tpu.memory_space<hbm>> -> memref<128x128xf32, #tpu.memory_space<hbm>>
      %dma_start3A_56 = arith.constant 0 : i32
      %dma_start3A_57 = tpu.memref_slice %arg4[%mul3A_53, %dma_start3A_56] : memref<163840x128xf32, #tpu.memory_space<hbm>> -> memref<128x128xf32, #tpu.memory_space<hbm>>
      tpu.enqueue_dma source(%arg7 : memref<128x128xf32, #tpu.memory_space<vmem>>) target(%dma_start3A_57 : memref<128x128xf32, #tpu.memory_space<hbm>>) target_semaphore(%arg11 : memref<!tpu.dma_semaphore, #tpu.memory_space<semaphore_mem>>)
      %add3A_58 = arith.constant 1 : i32
      %add3A_59 = arith.addi %mul3A_42, %add3A_58 : i32
      %dma_wait3A_60 = arith.constant 0 : i32
      %dma_wait3A_61 = tpu.memref_slice %arg5[%add3A_59, %dma_wait3A_60] : memref<40x128xi32, #tpu.memory_space<vmem>> -> memref<1x128xi32, #tpu.memory_space<vmem>>
      %dma_wait3A_62 = tpu.memref_squeeze %dma_wait3A_61 : memref<1x128xi32, #tpu.memory_space<vmem>> -> memref<128xi32, #tpu.memory_space<vmem>>
      %dma_wait3A_63 = arith.constant 0 : i32
      %dma_wait3A_64 = arith.constant 0 : i32
      %dma_wait3A_65 = tpu.memref_slice %arg6[%dma_wait3A_63, %dma_wait3A_64] : memref<10240x128xf32, #tpu.memory_space<vmem_shared>> -> memref<10240x128xf32, #tpu.memory_space<vmem_shared>>
      tpu.wait_indirect_dma semaphore(%arg10 : memref<!tpu.dma_semaphore, #tpu.memory_space<semaphore_mem>>) src(%dma_wait3A_65 : memref<10240x128xf32, #tpu.memory_space<vmem_shared>>) dst(%arg8 : memref<128x128xf32, #tpu.memory_space<vmem>>)
      %add3A_66 = arith.addi %mul3A_2, %add3A_59 : i32
      %mul3A_67 = arith.constant 128 : i32
      %mul3A_68 = arith.muli %add3A_66, %mul3A_67 : i32
      %dma_start3A_69 = arith.constant 0 : i32
      %dma_start3A_70 = tpu.memref_slice %arg4[%mul3A_68, %dma_start3A_69] : memref<163840x128xf32, #tpu.memory_space<hbm>> -> memref<128x128xf32, #tpu.memory_space<hbm>>
      %dma_start3A_71 = arith.constant 0 : i32
      %dma_start3A_72 = tpu.memref_slice %arg4[%mul3A_68, %dma_start3A_71] : memref<163840x128xf32, #tpu.memory_space<hbm>> -> memref<128x128xf32, #tpu.memory_space<hbm>>
      tpu.enqueue_dma source(%arg8 : memref<128x128xf32, #tpu.memory_space<vmem>>) target(%dma_start3A_72 : memref<128x128xf32, #tpu.memory_space<hbm>>) target_semaphore(%arg12 : memref<!tpu.dma_semaphore, #tpu.memory_space<semaphore_mem>>)
      %add3A_73 = arith.constant 2 : i32
      %add3A_74 = arith.addi %mul3A_42, %add3A_73 : i32
      %add3A_75 = arith.constant 0 : i32
      %add3A_76 = arith.addi %add3A_74, %add3A_75 : i32
      %lt3A = arith.constant 40 : i32
      %lt3A_77 = arith.cmpi slt, %add3A_76, %lt3A : i32
      %convert_element_type3A_78 = arith.extui %lt3A_77 : i1 to i32
      %cond3A_79 = arith.constant 0 : i32
      %cond3A_80 = arith.cmpi ne, %convert_element_type3A_78, %cond3A_79 : i32
      scf.if %cond3A_80 {
        %add3A_91 = arith.addi %mul3A_2, %mul3A_42 : i32
        %add3A_92 = arith.constant 0 : i32
        %add3A_93 = arith.addi %add3A_91, %add3A_92 : i32
        %mul3A_94 = arith.constant 128 : i32
        %mul3A_95 = arith.muli %add3A_93, %mul3A_94 : i32
        %dma_wait3A_96 = arith.constant 0 : i32
        %dma_wait3A_97 = tpu.memref_slice %arg4[%mul3A_95, %dma_wait3A_96] : memref<163840x128xf32, #tpu.memory_space<hbm>> -> memref<128x128xf32, #tpu.memory_space<hbm>>
        %dma_wait3A_98 = arith.constant 0 : i32
        %dma_wait3A_99 = tpu.memref_slice %arg4[%mul3A_95, %dma_wait3A_98] : memref<163840x128xf32, #tpu.memory_space<hbm>> -> memref<128x128xf32, #tpu.memory_space<hbm>>
        tpu.wait_dma2 semaphore(%arg11 : memref<!tpu.dma_semaphore, #tpu.memory_space<semaphore_mem>>) src(%arg7 : memref<128x128xf32, #tpu.memory_space<vmem>>) dst(%dma_wait3A_99 : memref<128x128xf32, #tpu.memory_space<hbm>>)
        %dma_start3A_100 = arith.constant 0 : i32
        %dma_start3A_101 = tpu.memref_slice %arg5[%add3A_76, %dma_start3A_100] : memref<40x128xi32, #tpu.memory_space<vmem>> -> memref<1x128xi32, #tpu.memory_space<vmem>>
        %dma_start3A_102 = tpu.memref_squeeze %dma_start3A_101 : memref<1x128xi32, #tpu.memory_space<vmem>> -> memref<128xi32, #tpu.memory_space<vmem>>
        %dma_start3A_103 = arith.constant 0 : i32
        %dma_start3A_104 = arith.constant 0 : i32
        %dma_start3A_105 = tpu.memref_slice %arg6[%dma_start3A_103, %dma_start3A_104] : memref<10240x128xf32, #tpu.memory_space<vmem_shared>> -> memref<10240x128xf32, #tpu.memory_space<vmem_shared>>
        tpu.enqueue_indirect_dma source(%dma_start3A_105 : memref<10240x128xf32, #tpu.memory_space<vmem_shared>>) target(%arg7 : memref<128x128xf32, #tpu.memory_space<vmem>>) offsets(%dma_start3A_102 : memref<128xi32, #tpu.memory_space<vmem>>) semaphore(%arg9 : memref<!tpu.dma_semaphore, #tpu.memory_space<semaphore_mem>>)
      } else {
      }
      %add3A_81 = arith.constant 2 : i32
      %add3A_82 = arith.addi %mul3A_42, %add3A_81 : i32
      %add3A_83 = arith.constant 1 : i32
      %add3A_84 = arith.addi %add3A_82, %add3A_83 : i32
      %lt3A_85 = arith.constant 40 : i32
      %lt3A_86 = arith.cmpi slt, %add3A_84, %lt3A_85 : i32
      %convert_element_type3A_87 = arith.extui %lt3A_86 : i1 to i32
      %cond3A_88 = arith.constant 0 : i32
      %cond3A_89 = arith.cmpi ne, %convert_element_type3A_87, %cond3A_88 : i32
      scf.if %cond3A_89 {
        %add3A_91 = arith.addi %mul3A_2, %mul3A_42 : i32
        %add3A_92 = arith.constant 1 : i32
        %add3A_93 = arith.addi %add3A_91, %add3A_92 : i32
        %mul3A_94 = arith.constant 128 : i32
        %mul3A_95 = arith.muli %add3A_93, %mul3A_94 : i32
        %dma_wait3A_96 = arith.constant 0 : i32
        %dma_wait3A_97 = tpu.memref_slice %arg4[%mul3A_95, %dma_wait3A_96] : memref<163840x128xf32, #tpu.memory_space<hbm>> -> memref<128x128xf32, #tpu.memory_space<hbm>>
        %dma_wait3A_98 = arith.constant 0 : i32
        %dma_wait3A_99 = tpu.memref_slice %arg4[%mul3A_95, %dma_wait3A_98] : memref<163840x128xf32, #tpu.memory_space<hbm>> -> memref<128x128xf32, #tpu.memory_space<hbm>>
        tpu.wait_dma2 semaphore(%arg12 : memref<!tpu.dma_semaphore, #tpu.memory_space<semaphore_mem>>) src(%arg8 : memref<128x128xf32, #tpu.memory_space<vmem>>) dst(%dma_wait3A_99 : memref<128x128xf32, #tpu.memory_space<hbm>>)
        %dma_start3A_100 = arith.constant 0 : i32
        %dma_start3A_101 = tpu.memref_slice %arg5[%add3A_84, %dma_start3A_100] : memref<40x128xi32, #tpu.memory_space<vmem>> -> memref<1x128xi32, #tpu.memory_space<vmem>>
        %dma_start3A_102 = tpu.memref_squeeze %dma_start3A_101 : memref<1x128xi32, #tpu.memory_space<vmem>> -> memref<128xi32, #tpu.memory_space<vmem>>
        %dma_start3A_103 = arith.constant 0 : i32
        %dma_start3A_104 = arith.constant 0 : i32
        %dma_start3A_105 = tpu.memref_slice %arg6[%dma_start3A_103, %dma_start3A_104] : memref<10240x128xf32, #tpu.memory_space<vmem_shared>> -> memref<10240x128xf32, #tpu.memory_space<vmem_shared>>
        tpu.enqueue_indirect_dma source(%dma_start3A_105 : memref<10240x128xf32, #tpu.memory_space<vmem_shared>>) target(%arg8 : memref<128x128xf32, #tpu.memory_space<vmem>>) offsets(%dma_start3A_102 : memref<128xi32, #tpu.memory_space<vmem>>) semaphore(%arg10 : memref<!tpu.dma_semaphore, #tpu.memory_space<semaphore_mem>>)
      } else {
      }
      %scan3A_90 = arith.constant 0 : i32
      scf.yield %scan3A_90 : i32
    }
    %scan3A_23 = arith.constant 20 : i32
    %add3A_24 = arith.constant 38 : i32
    %add3A_25 = arith.addi %mul3A_2, %add3A_24 : i32
    %mul3A_26 = arith.constant 128 : i32
    %mul3A_27 = arith.muli %add3A_25, %mul3A_26 : i32
    %dma_wait3A = arith.constant 0 : i32
    %dma_wait3A_28 = tpu.memref_slice %arg4[%mul3A_27, %dma_wait3A] : memref<163840x128xf32, #tpu.memory_space<hbm>> -> memref<128x128xf32, #tpu.memory_space<hbm>>
    %dma_wait3A_29 = arith.constant 0 : i32
    %dma_wait3A_30 = tpu.memref_slice %arg4[%mul3A_27, %dma_wait3A_29] : memref<163840x128xf32, #tpu.memory_space<hbm>> -> memref<128x128xf32, #tpu.memory_space<hbm>>
    tpu.wait_dma2 semaphore(%arg11 : memref<!tpu.dma_semaphore, #tpu.memory_space<semaphore_mem>>) src(%arg7 : memref<128x128xf32, #tpu.memory_space<vmem>>) dst(%dma_wait3A_30 : memref<128x128xf32, #tpu.memory_space<hbm>>)
    %add3A_31 = arith.constant 39 : i32
    %add3A_32 = arith.addi %mul3A_2, %add3A_31 : i32
    %mul3A_33 = arith.constant 128 : i32
    %mul3A_34 = arith.muli %add3A_32, %mul3A_33 : i32
    %dma_wait3A_35 = arith.constant 0 : i32
    %dma_wait3A_36 = tpu.memref_slice %arg4[%mul3A_34, %dma_wait3A_35] : memref<163840x128xf32, #tpu.memory_space<hbm>> -> memref<128x128xf32, #tpu.memory_space<hbm>>
    %dma_wait3A_37 = arith.constant 0 : i32
    %dma_wait3A_38 = tpu.memref_slice %arg4[%mul3A_34, %dma_wait3A_37] : memref<163840x128xf32, #tpu.memory_space<hbm>> -> memref<128x128xf32, #tpu.memory_space<hbm>>
    tpu.wait_dma2 semaphore(%arg12 : memref<!tpu.dma_semaphore, #tpu.memory_space<semaphore_mem>>) src(%arg8 : memref<128x128xf32, #tpu.memory_space<vmem>>) dst(%dma_wait3A_38 : memref<128x128xf32, #tpu.memory_space<hbm>>)
    return
  }
}

#map = affine_map<(d0, d1) -> (0, 0)>
module attributes {stable_mosaic.version = 14 : i64} {
  func.func @gk(%arg0: i32, %arg1: i32, %arg2: memref<10240x128xf32, #tpu.memory_space<hbm>>, %arg3: memref<1280x128xi32, #tpu.memory_space<hbm>>, %arg4: memref<163840x128xf32, #tpu.memory_space<hbm>>, %arg5: memref<40x128xi32, #tpu.memory_space<vmem>>, %arg6: memref<10240x128xf32, #tpu.memory_space<vmem_shared>>, %arg7: memref<128x128xf32, #tpu.memory_space<vmem>>, %arg8: memref<128x128xf32, #tpu.memory_space<vmem>>, %arg9: memref<!tpu.dma_semaphore, #tpu.memory_space<semaphore_mem>>, %arg10: memref<!tpu.dma_semaphore, #tpu.memory_space<semaphore_mem>>, %arg11: memref<!tpu.dma_semaphore, #tpu.memory_space<semaphore_mem>>, %arg12: memref<!tpu.dma_semaphore, #tpu.memory_space<semaphore_mem>>) attributes {dimension_semantics = [#tpu.dimension_semantics<core_parallel>, #tpu.dimension_semantics<subcore_parallel>], iteration_bounds = array<i64: 2, 16>, scalar_prefetch = 0 : i64, scratch_operands = 8 : i64, tpu.core_type = #tpu.core_type<sc_vector_subcore>, window_params = [{transform_indices = #map}, {transform_indices = #map}, {transform_indices = #map}]} {
    %mul3A = arith.constant 2 : i32
    %mul3A_0 = arith.muli %arg1, %mul3A : i32
    %add3A = arith.addi %mul3A_0, %arg0 : i32
    %mul3A_1 = arith.constant 40 : i32
    %mul3A_2 = arith.muli %add3A, %mul3A_1 : i32
    %eq3A = arith.constant 0 : i32
    %eq3A_3 = arith.cmpi eq, %arg1, %eq3A : i32
    %convert_element_type3A = arith.extui %eq3A_3 : i1 to i32
    %cond3A = arith.constant 0 : i32
    %cond3A_4 = arith.cmpi ne, %convert_element_type3A, %cond3A : i32
    scf.if %cond3A_4 {
      "tpu.region"() ({
        %run_scoped3A = tpu.sem_alloc : memref<!tpu.dma_semaphore, #tpu.memory_space<semaphore_mem>>
        tpu.enqueue_dma source(%arg2 : memref<10240x128xf32, #tpu.memory_space<hbm>>) target(%arg6 : memref<10240x128xf32, #tpu.memory_space<vmem_shared>>) target_semaphore(%run_scoped3A : memref<!tpu.dma_semaphore, #tpu.memory_space<semaphore_mem>>)
        tpu.wait_dma2 semaphore(%run_scoped3A : memref<!tpu.dma_semaphore, #tpu.memory_space<semaphore_mem>>) src(%arg2 : memref<10240x128xf32, #tpu.memory_space<hbm>>) dst(%arg6 : memref<10240x128xf32, #tpu.memory_space<vmem_shared>>)
        tpu.yield
      }) : () -> ()
    } else {
    }
    "tpu.region"() ({
      %run_scoped3A = tpu.sem_alloc : memref<!tpu.dma_semaphore, #tpu.memory_space<semaphore_mem>>
      %dma_start3A_39 = arith.constant 0 : i32
      %dma_start3A_40 = tpu.memref_slice %arg3[%mul3A_2, %dma_start3A_39] : memref<1280x128xi32, #tpu.memory_space<hbm>> -> memref<40x128xi32, #tpu.memory_space<hbm>>
      %dma_start3A_41 = arith.constant 0 : i32
      %dma_start3A_42 = tpu.memref_slice %arg3[%mul3A_2, %dma_start3A_41] : memref<1280x128xi32, #tpu.memory_space<hbm>> -> memref<40x128xi32, #tpu.memory_space<hbm>>
      tpu.enqueue_dma source(%dma_start3A_42 : memref<40x128xi32, #tpu.memory_space<hbm>>) target(%arg5 : memref<40x128xi32, #tpu.memory_space<vmem>>) target_semaphore(%run_scoped3A : memref<!tpu.dma_semaphore, #tpu.memory_space<semaphore_mem>>)
      %dma_wait3A_43 = arith.constant 0 : i32
      %dma_wait3A_44 = tpu.memref_slice %arg3[%mul3A_2, %dma_wait3A_43] : memref<1280x128xi32, #tpu.memory_space<hbm>> -> memref<40x128xi32, #tpu.memory_space<hbm>>
      %dma_wait3A_45 = arith.constant 0 : i32
      %dma_wait3A_46 = tpu.memref_slice %arg3[%mul3A_2, %dma_wait3A_45] : memref<1280x128xi32, #tpu.memory_space<hbm>> -> memref<40x128xi32, #tpu.memory_space<hbm>>
      tpu.wait_dma2 semaphore(%run_scoped3A : memref<!tpu.dma_semaphore, #tpu.memory_space<semaphore_mem>>) src(%dma_wait3A_46 : memref<40x128xi32, #tpu.memory_space<hbm>>) dst(%arg5 : memref<40x128xi32, #tpu.memory_space<vmem>>)
      tpu.yield
    }) : () -> ()
    %barrier3A = arith.constant 0 : index
    tpu.barrier barrier_id(%barrier3A)
    %dma_start3A = arith.constant 0 : i32
    %dma_start3A_5 = arith.constant 0 : i32
    %dma_start3A_6 = tpu.memref_slice %arg5[%dma_start3A, %dma_start3A_5] : memref<40x128xi32, #tpu.memory_space<vmem>> -> memref<1x128xi32, #tpu.memory_space<vmem>>
    %dma_start3A_7 = tpu.memref_squeeze %dma_start3A_6 : memref<1x128xi32, #tpu.memory_space<vmem>> -> memref<128xi32, #tpu.memory_space<vmem>>
    %dma_start3A_8 = arith.constant 0 : i32
    %dma_start3A_9 = arith.constant 0 : i32
    %dma_start3A_10 = tpu.memref_slice %arg6[%dma_start3A_8, %dma_start3A_9] : memref<10240x128xf32, #tpu.memory_space<vmem_shared>> -> memref<10240x128xf32, #tpu.memory_space<vmem_shared>>
    tpu.enqueue_indirect_dma source(%dma_start3A_10 : memref<10240x128xf32, #tpu.memory_space<vmem_shared>>) target(%arg7 : memref<128x128xf32, #tpu.memory_space<vmem>>) offsets(%dma_start3A_7 : memref<128xi32, #tpu.memory_space<vmem>>) semaphore(%arg9 : memref<!tpu.dma_semaphore, #tpu.memory_space<semaphore_mem>>)
    %dma_start3A_11 = arith.constant 1 : i32
    %dma_start3A_12 = arith.constant 0 : i32
    %dma_start3A_13 = tpu.memref_slice %arg5[%dma_start3A_11, %dma_start3A_12] : memref<40x128xi32, #tpu.memory_space<vmem>> -> memref<1x128xi32, #tpu.memory_space<vmem>>
    %dma_start3A_14 = tpu.memref_squeeze %dma_start3A_13 : memref<1x128xi32, #tpu.memory_space<vmem>> -> memref<128xi32, #tpu.memory_space<vmem>>
    %dma_start3A_15 = arith.constant 0 : i32
    %dma_start3A_16 = arith.constant 0 : i32
    %dma_start3A_17 = tpu.memref_slice %arg6[%dma_start3A_15, %dma_start3A_16] : memref<10240x128xf32, #tpu.memory_space<vmem_shared>> -> memref<10240x128xf32, #tpu.memory_space<vmem_shared>>
    tpu.enqueue_indirect_dma source(%dma_start3A_17 : memref<10240x128xf32, #tpu.memory_space<vmem_shared>>) target(%arg8 : memref<128x128xf32, #tpu.memory_space<vmem>>) offsets(%dma_start3A_14 : memref<128xi32, #tpu.memory_space<vmem>>) semaphore(%arg10 : memref<!tpu.dma_semaphore, #tpu.memory_space<semaphore_mem>>)
    %scan3A = arith.constant 0 : i32
    %scan3A_18 = arith.constant 0 : i32
    %scan3A_19 = arith.constant 20 : i32
    %scan3A_20 = arith.addi %scan3A_18, %scan3A_19 : i32
    %scan3A_21 = arith.constant 1 : i32
    %scan3A_22 = scf.for %scan3A_39 = %scan3A_18 to %scan3A_20 step %scan3A_21 iter_args(%scan3A_40 = %scan3A) -> (i32)  : i32 {
      %mul3A_41 = arith.constant 2 : i32
      %mul3A_42 = arith.muli %scan3A_39, %mul3A_41 : i32
      %add3A_43 = arith.constant 0 : i32
      %add3A_44 = arith.addi %mul3A_42, %add3A_43 : i32
      %dma_wait3A_45 = arith.constant 0 : i32
      %dma_wait3A_46 = tpu.memref_slice %arg5[%add3A_44, %dma_wait3A_45] : memref<40x128xi32, #tpu.memory_space<vmem>> -> memref<1x128xi32, #tpu.memory_space<vmem>>
      %dma_wait3A_47 = tpu.memref_squeeze %dma_wait3A_46 : memref<1x128xi32, #tpu.memory_space<vmem>> -> memref<128xi32, #tpu.memory_space<vmem>>
      %dma_wait3A_48 = arith.constant 0 : i32
      %dma_wait3A_49 = arith.constant 0 : i32
      %dma_wait3A_50 = tpu.memref_slice %arg6[%dma_wait3A_48, %dma_wait3A_49] : memref<10240x128xf32, #tpu.memory_space<vmem_shared>> -> memref<10240x128xf32, #tpu.memory_space<vmem_shared>>
      tpu.wait_indirect_dma semaphore(%arg9 : memref<!tpu.dma_semaphore, #tpu.memory_space<semaphore_mem>>) src(%dma_wait3A_50 : memref<10240x128xf32, #tpu.memory_space<vmem_shared>>) dst(%arg7 : memref<128x128xf32, #tpu.memory_space<vmem>>)
      %add3A_51 = arith.addi %mul3A_2, %add3A_44 : i32
      %mul3A_52 = arith.constant 128 : i32
      %mul3A_53 = arith.muli %add3A_51, %mul3A_52 : i32
      %dma_start3A_54 = arith.constant 0 : i32
      %dma_start3A_55 = tpu.memref_slice %arg4[%mul3A_53, %dma_start3A_54] : memref<163840x128xf32, #tpu.memory_space<hbm>> -> memref<128x128xf32, #tpu.memory_space<hbm>>
      %dma_start3A_56 = arith.constant 0 : i32
      %dma_start3A_57 = tpu.memref_slice %arg4[%mul3A_53, %dma_start3A_56] : memref<163840x128xf32, #tpu.memory_space<hbm>> -> memref<128x128xf32, #tpu.memory_space<hbm>>
      tpu.enqueue_dma source(%arg7 : memref<128x128xf32, #tpu.memory_space<vmem>>) target(%dma_start3A_57 : memref<128x128xf32, #tpu.memory_space<hbm>>) target_semaphore(%arg11 : memref<!tpu.dma_semaphore, #tpu.memory_space<semaphore_mem>>)
      %add3A_58 = arith.constant 1 : i32
      %add3A_59 = arith.addi %mul3A_42, %add3A_58 : i32
      %dma_wait3A_60 = arith.constant 0 : i32
      %dma_wait3A_61 = tpu.memref_slice %arg5[%add3A_59, %dma_wait3A_60] : memref<40x128xi32, #tpu.memory_space<vmem>> -> memref<1x128xi32, #tpu.memory_space<vmem>>
      %dma_wait3A_62 = tpu.memref_squeeze %dma_wait3A_61 : memref<1x128xi32, #tpu.memory_space<vmem>> -> memref<128xi32, #tpu.memory_space<vmem>>
      %dma_wait3A_63 = arith.constant 0 : i32
      %dma_wait3A_64 = arith.constant 0 : i32
      %dma_wait3A_65 = tpu.memref_slice %arg6[%dma_wait3A_63, %dma_wait3A_64] : memref<10240x128xf32, #tpu.memory_space<vmem_shared>> -> memref<10240x128xf32, #tpu.memory_space<vmem_shared>>
      tpu.wait_indirect_dma semaphore(%arg10 : memref<!tpu.dma_semaphore, #tpu.memory_space<semaphore_mem>>) src(%dma_wait3A_65 : memref<10240x128xf32, #tpu.memory_space<vmem_shared>>) dst(%arg8 : memref<128x128xf32, #tpu.memory_space<vmem>>)
      %add3A_66 = arith.addi %mul3A_2, %add3A_59 : i32
      %mul3A_67 = arith.constant 128 : i32
      %mul3A_68 = arith.muli %add3A_66, %mul3A_67 : i32
      %dma_start3A_69 = arith.constant 0 : i32
      %dma_start3A_70 = tpu.memref_slice %arg4[%mul3A_68, %dma_start3A_69] : memref<163840x128xf32, #tpu.memory_space<hbm>> -> memref<128x128xf32, #tpu.memory_space<hbm>>
      %dma_start3A_71 = arith.constant 0 : i32
      %dma_start3A_72 = tpu.memref_slice %arg4[%mul3A_68, %dma_start3A_71] : memref<163840x128xf32, #tpu.memory_space<hbm>> -> memref<128x128xf32, #tpu.memory_space<hbm>>
      tpu.enqueue_dma source(%arg8 : memref<128x128xf32, #tpu.memory_space<vmem>>) target(%dma_start3A_72 : memref<128x128xf32, #tpu.memory_space<hbm>>) target_semaphore(%arg12 : memref<!tpu.dma_semaphore, #tpu.memory_space<semaphore_mem>>)
      %add3A_73 = arith.constant 2 : i32
      %add3A_74 = arith.addi %mul3A_42, %add3A_73 : i32
      %add3A_75 = arith.constant 0 : i32
      %add3A_76 = arith.addi %add3A_74, %add3A_75 : i32
      %lt3A = arith.constant 40 : i32
      %lt3A_77 = arith.cmpi slt, %add3A_76, %lt3A : i32
      %convert_element_type3A_78 = arith.extui %lt3A_77 : i1 to i32
      %cond3A_79 = arith.constant 0 : i32
      %cond3A_80 = arith.cmpi ne, %convert_element_type3A_78, %cond3A_79 : i32
      scf.if %cond3A_80 {
        %add3A_91 = arith.addi %mul3A_2, %mul3A_42 : i32
        %add3A_92 = arith.constant 0 : i32
        %add3A_93 = arith.addi %add3A_91, %add3A_92 : i32
        %mul3A_94 = arith.constant 128 : i32
        %mul3A_95 = arith.muli %add3A_93, %mul3A_94 : i32
        %dma_wait3A_96 = arith.constant 0 : i32
        %dma_wait3A_97 = tpu.memref_slice %arg4[%mul3A_95, %dma_wait3A_96] : memref<163840x128xf32, #tpu.memory_space<hbm>> -> memref<128x128xf32, #tpu.memory_space<hbm>>
        %dma_wait3A_98 = arith.constant 0 : i32
        %dma_wait3A_99 = tpu.memref_slice %arg4[%mul3A_95, %dma_wait3A_98] : memref<163840x128xf32, #tpu.memory_space<hbm>> -> memref<128x128xf32, #tpu.memory_space<hbm>>
        tpu.wait_dma2 semaphore(%arg11 : memref<!tpu.dma_semaphore, #tpu.memory_space<semaphore_mem>>) src(%arg7 : memref<128x128xf32, #tpu.memory_space<vmem>>) dst(%dma_wait3A_99 : memref<128x128xf32, #tpu.memory_space<hbm>>)
        %dma_start3A_100 = arith.constant 0 : i32
        %dma_start3A_101 = tpu.memref_slice %arg5[%add3A_76, %dma_start3A_100] : memref<40x128xi32, #tpu.memory_space<vmem>> -> memref<1x128xi32, #tpu.memory_space<vmem>>
        %dma_start3A_102 = tpu.memref_squeeze %dma_start3A_101 : memref<1x128xi32, #tpu.memory_space<vmem>> -> memref<128xi32, #tpu.memory_space<vmem>>
        %dma_start3A_103 = arith.constant 0 : i32
        %dma_start3A_104 = arith.constant 0 : i32
        %dma_start3A_105 = tpu.memref_slice %arg6[%dma_start3A_103, %dma_start3A_104] : memref<10240x128xf32, #tpu.memory_space<vmem_shared>> -> memref<10240x128xf32, #tpu.memory_space<vmem_shared>>
        tpu.enqueue_indirect_dma source(%dma_start3A_105 : memref<10240x128xf32, #tpu.memory_space<vmem_shared>>) target(%arg7 : memref<128x128xf32, #tpu.memory_space<vmem>>) offsets(%dma_start3A_102 : memref<128xi32, #tpu.memory_space<vmem>>) semaphore(%arg9 : memref<!tpu.dma_semaphore, #tpu.memory_space<semaphore_mem>>)
      } else {
      }
      %add3A_81 = arith.constant 2 : i32
      %add3A_82 = arith.addi %mul3A_42, %add3A_81 : i32
      %add3A_83 = arith.constant 1 : i32
      %add3A_84 = arith.addi %add3A_82, %add3A_83 : i32
      %lt3A_85 = arith.constant 40 : i32
      %lt3A_86 = arith.cmpi slt, %add3A_84, %lt3A_85 : i32
      %convert_element_type3A_87 = arith.extui %lt3A_86 : i1 to i32
      %cond3A_88 = arith.constant 0 : i32
      %cond3A_89 = arith.cmpi ne, %convert_element_type3A_87, %cond3A_88 : i32
      scf.if %cond3A_89 {
        %add3A_91 = arith.addi %mul3A_2, %mul3A_42 : i32
        %add3A_92 = arith.constant 1 : i32
        %add3A_93 = arith.addi %add3A_91, %add3A_92 : i32
        %mul3A_94 = arith.constant 128 : i32
        %mul3A_95 = arith.muli %add3A_93, %mul3A_94 : i32
        %dma_wait3A_96 = arith.constant 0 : i32
        %dma_wait3A_97 = tpu.memref_slice %arg4[%mul3A_95, %dma_wait3A_96] : memref<163840x128xf32, #tpu.memory_space<hbm>> -> memref<128x128xf32, #tpu.memory_space<hbm>>
        %dma_wait3A_98 = arith.constant 0 : i32
        %dma_wait3A_99 = tpu.memref_slice %arg4[%mul3A_95, %dma_wait3A_98] : memref<163840x128xf32, #tpu.memory_space<hbm>> -> memref<128x128xf32, #tpu.memory_space<hbm>>
        tpu.wait_dma2 semaphore(%arg12 : memref<!tpu.dma_semaphore, #tpu.memory_space<semaphore_mem>>) src(%arg8 : memref<128x128xf32, #tpu.memory_space<vmem>>) dst(%dma_wait3A_99 : memref<128x128xf32, #tpu.memory_space<hbm>>)
        %dma_start3A_100 = arith.constant 0 : i32
        %dma_start3A_101 = tpu.memref_slice %arg5[%add3A_84, %dma_start3A_100] : memref<40x128xi32, #tpu.memory_space<vmem>> -> memref<1x128xi32, #tpu.memory_space<vmem>>
        %dma_start3A_102 = tpu.memref_squeeze %dma_start3A_101 : memref<1x128xi32, #tpu.memory_space<vmem>> -> memref<128xi32, #tpu.memory_space<vmem>>
        %dma_start3A_103 = arith.constant 0 : i32
        %dma_start3A_104 = arith.constant 0 : i32
        %dma_start3A_105 = tpu.memref_slice %arg6[%dma_start3A_103, %dma_start3A_104] : memref<10240x128xf32, #tpu.memory_space<vmem_shared>> -> memref<10240x128xf32, #tpu.memory_space<vmem_shared>>
        tpu.enqueue_indirect_dma source(%dma_start3A_105 : memref<10240x128xf32, #tpu.memory_space<vmem_shared>>) target(%arg8 : memref<128x128xf32, #tpu.memory_space<vmem>>) offsets(%dma_start3A_102 : memref<128xi32, #tpu.memory_space<vmem>>) semaphore(%arg10 : memref<!tpu.dma_semaphore, #tpu.memory_space<semaphore_mem>>)
      } else {
      }
      %scan3A_90 = arith.constant 0 : i32
      scf.yield %scan3A_90 : i32
    }
    %scan3A_23 = arith.constant 20 : i32
    %add3A_24 = arith.constant 38 : i32
    %add3A_25 = arith.addi %mul3A_2, %add3A_24 : i32
    %mul3A_26 = arith.constant 128 : i32
    %mul3A_27 = arith.muli %add3A_25, %mul3A_26 : i32
    %dma_wait3A = arith.constant 0 : i32
    %dma_wait3A_28 = tpu.memref_slice %arg4[%mul3A_27, %dma_wait3A] : memref<163840x128xf32, #tpu.memory_space<hbm>> -> memref<128x128xf32, #tpu.memory_space<hbm>>
    %dma_wait3A_29 = arith.constant 0 : i32
    %dma_wait3A_30 = tpu.memref_slice %arg4[%mul3A_27, %dma_wait3A_29] : memref<163840x128xf32, #tpu.memory_space<hbm>> -> memref<128x128xf32, #tpu.memory_space<hbm>>
    tpu.wait_dma2 semaphore(%arg11 : memref<!tpu.dma_semaphore, #tpu.memory_space<semaphore_mem>>) src(%arg7 : memref<128x128xf32, #tpu.memory_space<vmem>>) dst(%dma_wait3A_30 : memref<128x128xf32, #tpu.memory_space<hbm>>)
    %add3A_31 = arith.constant 39 : i32
    %add3A_32 = arith.addi %mul3A_2, %add3A_31 : i32
    %mul3A_33 = arith.constant 128 : i32
    %mul3A_34 = arith.muli %add3A_32, %mul3A_33 : i32
    %dma_wait3A_35 = arith.constant 0 : i32
    %dma_wait3A_36 = tpu.memref_slice %arg4[%mul3A_34, %dma_wait3A_35] : memref<163840x128xf32, #tpu.memory_space<hbm>> -> memref<128x128xf32, #tpu.memory_space<hbm>>
    %dma_wait3A_37 = arith.constant 0 : i32
    %dma_wait3A_38 = tpu.memref_slice %arg4[%mul3A_34, %dma_wait3A_37] : memref<163840x128xf32, #tpu.memory_space<hbm>> -> memref<128x128xf32, #tpu.memory_space<hbm>>
    tpu.wait_dma2 semaphore(%arg12 : memref<!tpu.dma_semaphore, #tpu.memory_space<semaphore_mem>>) src(%arg8 : memref<128x128xf32, #tpu.memory_space<vmem>>) dst(%dma_wait3A_38 : memref<128x128xf32, #tpu.memory_space<hbm>>)
    return
  }
}

#map = affine_map<(d0, d1) -> (0, 0)>
module attributes {stable_mosaic.version = 14 : i64} {
  func.func @gk(%arg0: i32, %arg1: i32, %arg2: memref<10240x128xf32, #tpu.memory_space<hbm>>, %arg3: memref<1280x128xi32, #tpu.memory_space<hbm>>, %arg4: memref<163840x128xf32, #tpu.memory_space<hbm>>, %arg5: memref<40x128xi32, #tpu.memory_space<vmem>>, %arg6: memref<10240x128xf32, #tpu.memory_space<vmem_shared>>, %arg7: memref<128x128xf32, #tpu.memory_space<vmem>>, %arg8: memref<128x128xf32, #tpu.memory_space<vmem>>, %arg9: memref<!tpu.dma_semaphore, #tpu.memory_space<semaphore_mem>>, %arg10: memref<!tpu.dma_semaphore, #tpu.memory_space<semaphore_mem>>, %arg11: memref<!tpu.dma_semaphore, #tpu.memory_space<semaphore_mem>>, %arg12: memref<!tpu.dma_semaphore, #tpu.memory_space<semaphore_mem>>) attributes {dimension_semantics = [#tpu.dimension_semantics<core_parallel>, #tpu.dimension_semantics<subcore_parallel>], iteration_bounds = array<i64: 2, 16>, scalar_prefetch = 0 : i64, scratch_operands = 8 : i64, tpu.core_type = #tpu.core_type<sc_vector_subcore>, window_params = [{transform_indices = #map}, {transform_indices = #map}, {transform_indices = #map}]} {
    %mul3A = arith.constant 2 : i32
    %mul3A_0 = arith.muli %arg1, %mul3A : i32
    %add3A = arith.addi %mul3A_0, %arg0 : i32
    %mul3A_1 = arith.constant 40 : i32
    %mul3A_2 = arith.muli %add3A, %mul3A_1 : i32
    %eq3A = arith.constant 0 : i32
    %eq3A_3 = arith.cmpi eq, %arg1, %eq3A : i32
    %convert_element_type3A = arith.extui %eq3A_3 : i1 to i32
    %cond3A = arith.constant 0 : i32
    %cond3A_4 = arith.cmpi ne, %convert_element_type3A, %cond3A : i32
    scf.if %cond3A_4 {
      "tpu.region"() ({
        %run_scoped3A = tpu.sem_alloc : memref<!tpu.dma_semaphore, #tpu.memory_space<semaphore_mem>>
        tpu.enqueue_dma source(%arg2 : memref<10240x128xf32, #tpu.memory_space<hbm>>) target(%arg6 : memref<10240x128xf32, #tpu.memory_space<vmem_shared>>) target_semaphore(%run_scoped3A : memref<!tpu.dma_semaphore, #tpu.memory_space<semaphore_mem>>)
        tpu.wait_dma2 semaphore(%run_scoped3A : memref<!tpu.dma_semaphore, #tpu.memory_space<semaphore_mem>>) src(%arg2 : memref<10240x128xf32, #tpu.memory_space<hbm>>) dst(%arg6 : memref<10240x128xf32, #tpu.memory_space<vmem_shared>>)
        tpu.yield
      }) : () -> ()
    } else {
    }
    "tpu.region"() ({
      %run_scoped3A = tpu.sem_alloc : memref<!tpu.dma_semaphore, #tpu.memory_space<semaphore_mem>>
      %dma_start3A_39 = arith.constant 0 : i32
      %dma_start3A_40 = tpu.memref_slice %arg3[%mul3A_2, %dma_start3A_39] : memref<1280x128xi32, #tpu.memory_space<hbm>> -> memref<40x128xi32, #tpu.memory_space<hbm>>
      %dma_start3A_41 = arith.constant 0 : i32
      %dma_start3A_42 = tpu.memref_slice %arg3[%mul3A_2, %dma_start3A_41] : memref<1280x128xi32, #tpu.memory_space<hbm>> -> memref<40x128xi32, #tpu.memory_space<hbm>>
      tpu.enqueue_dma source(%dma_start3A_42 : memref<40x128xi32, #tpu.memory_space<hbm>>) target(%arg5 : memref<40x128xi32, #tpu.memory_space<vmem>>) target_semaphore(%run_scoped3A : memref<!tpu.dma_semaphore, #tpu.memory_space<semaphore_mem>>)
      %dma_wait3A_43 = arith.constant 0 : i32
      %dma_wait3A_44 = tpu.memref_slice %arg3[%mul3A_2, %dma_wait3A_43] : memref<1280x128xi32, #tpu.memory_space<hbm>> -> memref<40x128xi32, #tpu.memory_space<hbm>>
      %dma_wait3A_45 = arith.constant 0 : i32
      %dma_wait3A_46 = tpu.memref_slice %arg3[%mul3A_2, %dma_wait3A_45] : memref<1280x128xi32, #tpu.memory_space<hbm>> -> memref<40x128xi32, #tpu.memory_space<hbm>>
      tpu.wait_dma2 semaphore(%run_scoped3A : memref<!tpu.dma_semaphore, #tpu.memory_space<semaphore_mem>>) src(%dma_wait3A_46 : memref<40x128xi32, #tpu.memory_space<hbm>>) dst(%arg5 : memref<40x128xi32, #tpu.memory_space<vmem>>)
      tpu.yield
    }) : () -> ()
    %barrier3A = arith.constant 0 : index
    tpu.barrier barrier_id(%barrier3A)
    %dma_start3A = arith.constant 0 : i32
    %dma_start3A_5 = arith.constant 0 : i32
    %dma_start3A_6 = tpu.memref_slice %arg5[%dma_start3A, %dma_start3A_5] : memref<40x128xi32, #tpu.memory_space<vmem>> -> memref<1x128xi32, #tpu.memory_space<vmem>>
    %dma_start3A_7 = tpu.memref_squeeze %dma_start3A_6 : memref<1x128xi32, #tpu.memory_space<vmem>> -> memref<128xi32, #tpu.memory_space<vmem>>
    %dma_start3A_8 = arith.constant 0 : i32
    %dma_start3A_9 = arith.constant 0 : i32
    %dma_start3A_10 = tpu.memref_slice %arg6[%dma_start3A_8, %dma_start3A_9] : memref<10240x128xf32, #tpu.memory_space<vmem_shared>> -> memref<10240x128xf32, #tpu.memory_space<vmem_shared>>
    tpu.enqueue_indirect_dma source(%dma_start3A_10 : memref<10240x128xf32, #tpu.memory_space<vmem_shared>>) target(%arg7 : memref<128x128xf32, #tpu.memory_space<vmem>>) offsets(%dma_start3A_7 : memref<128xi32, #tpu.memory_space<vmem>>) semaphore(%arg9 : memref<!tpu.dma_semaphore, #tpu.memory_space<semaphore_mem>>)
    %dma_start3A_11 = arith.constant 1 : i32
    %dma_start3A_12 = arith.constant 0 : i32
    %dma_start3A_13 = tpu.memref_slice %arg5[%dma_start3A_11, %dma_start3A_12] : memref<40x128xi32, #tpu.memory_space<vmem>> -> memref<1x128xi32, #tpu.memory_space<vmem>>
    %dma_start3A_14 = tpu.memref_squeeze %dma_start3A_13 : memref<1x128xi32, #tpu.memory_space<vmem>> -> memref<128xi32, #tpu.memory_space<vmem>>
    %dma_start3A_15 = arith.constant 0 : i32
    %dma_start3A_16 = arith.constant 0 : i32
    %dma_start3A_17 = tpu.memref_slice %arg6[%dma_start3A_15, %dma_start3A_16] : memref<10240x128xf32, #tpu.memory_space<vmem_shared>> -> memref<10240x128xf32, #tpu.memory_space<vmem_shared>>
    tpu.enqueue_indirect_dma source(%dma_start3A_17 : memref<10240x128xf32, #tpu.memory_space<vmem_shared>>) target(%arg8 : memref<128x128xf32, #tpu.memory_space<vmem>>) offsets(%dma_start3A_14 : memref<128xi32, #tpu.memory_space<vmem>>) semaphore(%arg10 : memref<!tpu.dma_semaphore, #tpu.memory_space<semaphore_mem>>)
    %scan3A = arith.constant 0 : i32
    %scan3A_18 = arith.constant 0 : i32
    %scan3A_19 = arith.constant 20 : i32
    %scan3A_20 = arith.addi %scan3A_18, %scan3A_19 : i32
    %scan3A_21 = arith.constant 1 : i32
    %scan3A_22 = scf.for %scan3A_39 = %scan3A_18 to %scan3A_20 step %scan3A_21 iter_args(%scan3A_40 = %scan3A) -> (i32)  : i32 {
      %mul3A_41 = arith.constant 2 : i32
      %mul3A_42 = arith.muli %scan3A_39, %mul3A_41 : i32
      %add3A_43 = arith.constant 0 : i32
      %add3A_44 = arith.addi %mul3A_42, %add3A_43 : i32
      %dma_wait3A_45 = arith.constant 0 : i32
      %dma_wait3A_46 = tpu.memref_slice %arg5[%add3A_44, %dma_wait3A_45] : memref<40x128xi32, #tpu.memory_space<vmem>> -> memref<1x128xi32, #tpu.memory_space<vmem>>
      %dma_wait3A_47 = tpu.memref_squeeze %dma_wait3A_46 : memref<1x128xi32, #tpu.memory_space<vmem>> -> memref<128xi32, #tpu.memory_space<vmem>>
      %dma_wait3A_48 = arith.constant 0 : i32
      %dma_wait3A_49 = arith.constant 0 : i32
      %dma_wait3A_50 = tpu.memref_slice %arg6[%dma_wait3A_48, %dma_wait3A_49] : memref<10240x128xf32, #tpu.memory_space<vmem_shared>> -> memref<10240x128xf32, #tpu.memory_space<vmem_shared>>
      tpu.wait_indirect_dma semaphore(%arg9 : memref<!tpu.dma_semaphore, #tpu.memory_space<semaphore_mem>>) src(%dma_wait3A_50 : memref<10240x128xf32, #tpu.memory_space<vmem_shared>>) dst(%arg7 : memref<128x128xf32, #tpu.memory_space<vmem>>)
      %add3A_51 = arith.addi %mul3A_2, %add3A_44 : i32
      %mul3A_52 = arith.constant 128 : i32
      %mul3A_53 = arith.muli %add3A_51, %mul3A_52 : i32
      %dma_start3A_54 = arith.constant 0 : i32
      %dma_start3A_55 = tpu.memref_slice %arg4[%mul3A_53, %dma_start3A_54] : memref<163840x128xf32, #tpu.memory_space<hbm>> -> memref<128x128xf32, #tpu.memory_space<hbm>>
      %dma_start3A_56 = arith.constant 0 : i32
      %dma_start3A_57 = tpu.memref_slice %arg4[%mul3A_53, %dma_start3A_56] : memref<163840x128xf32, #tpu.memory_space<hbm>> -> memref<128x128xf32, #tpu.memory_space<hbm>>
      tpu.enqueue_dma source(%arg7 : memref<128x128xf32, #tpu.memory_space<vmem>>) target(%dma_start3A_57 : memref<128x128xf32, #tpu.memory_space<hbm>>) target_semaphore(%arg11 : memref<!tpu.dma_semaphore, #tpu.memory_space<semaphore_mem>>)
      %add3A_58 = arith.constant 1 : i32
      %add3A_59 = arith.addi %mul3A_42, %add3A_58 : i32
      %dma_wait3A_60 = arith.constant 0 : i32
      %dma_wait3A_61 = tpu.memref_slice %arg5[%add3A_59, %dma_wait3A_60] : memref<40x128xi32, #tpu.memory_space<vmem>> -> memref<1x128xi32, #tpu.memory_space<vmem>>
      %dma_wait3A_62 = tpu.memref_squeeze %dma_wait3A_61 : memref<1x128xi32, #tpu.memory_space<vmem>> -> memref<128xi32, #tpu.memory_space<vmem>>
      %dma_wait3A_63 = arith.constant 0 : i32
      %dma_wait3A_64 = arith.constant 0 : i32
      %dma_wait3A_65 = tpu.memref_slice %arg6[%dma_wait3A_63, %dma_wait3A_64] : memref<10240x128xf32, #tpu.memory_space<vmem_shared>> -> memref<10240x128xf32, #tpu.memory_space<vmem_shared>>
      tpu.wait_indirect_dma semaphore(%arg10 : memref<!tpu.dma_semaphore, #tpu.memory_space<semaphore_mem>>) src(%dma_wait3A_65 : memref<10240x128xf32, #tpu.memory_space<vmem_shared>>) dst(%arg8 : memref<128x128xf32, #tpu.memory_space<vmem>>)
      %add3A_66 = arith.addi %mul3A_2, %add3A_59 : i32
      %mul3A_67 = arith.constant 128 : i32
      %mul3A_68 = arith.muli %add3A_66, %mul3A_67 : i32
      %dma_start3A_69 = arith.constant 0 : i32
      %dma_start3A_70 = tpu.memref_slice %arg4[%mul3A_68, %dma_start3A_69] : memref<163840x128xf32, #tpu.memory_space<hbm>> -> memref<128x128xf32, #tpu.memory_space<hbm>>
      %dma_start3A_71 = arith.constant 0 : i32
      %dma_start3A_72 = tpu.memref_slice %arg4[%mul3A_68, %dma_start3A_71] : memref<163840x128xf32, #tpu.memory_space<hbm>> -> memref<128x128xf32, #tpu.memory_space<hbm>>
      tpu.enqueue_dma source(%arg8 : memref<128x128xf32, #tpu.memory_space<vmem>>) target(%dma_start3A_72 : memref<128x128xf32, #tpu.memory_space<hbm>>) target_semaphore(%arg12 : memref<!tpu.dma_semaphore, #tpu.memory_space<semaphore_mem>>)
      %add3A_73 = arith.constant 2 : i32
      %add3A_74 = arith.addi %mul3A_42, %add3A_73 : i32
      %add3A_75 = arith.constant 0 : i32
      %add3A_76 = arith.addi %add3A_74, %add3A_75 : i32
      %lt3A = arith.constant 40 : i32
      %lt3A_77 = arith.cmpi slt, %add3A_76, %lt3A : i32
      %convert_element_type3A_78 = arith.extui %lt3A_77 : i1 to i32
      %cond3A_79 = arith.constant 0 : i32
      %cond3A_80 = arith.cmpi ne, %convert_element_type3A_78, %cond3A_79 : i32
      scf.if %cond3A_80 {
        %add3A_91 = arith.addi %mul3A_2, %mul3A_42 : i32
        %add3A_92 = arith.constant 0 : i32
        %add3A_93 = arith.addi %add3A_91, %add3A_92 : i32
        %mul3A_94 = arith.constant 128 : i32
        %mul3A_95 = arith.muli %add3A_93, %mul3A_94 : i32
        %dma_wait3A_96 = arith.constant 0 : i32
        %dma_wait3A_97 = tpu.memref_slice %arg4[%mul3A_95, %dma_wait3A_96] : memref<163840x128xf32, #tpu.memory_space<hbm>> -> memref<128x128xf32, #tpu.memory_space<hbm>>
        %dma_wait3A_98 = arith.constant 0 : i32
        %dma_wait3A_99 = tpu.memref_slice %arg4[%mul3A_95, %dma_wait3A_98] : memref<163840x128xf32, #tpu.memory_space<hbm>> -> memref<128x128xf32, #tpu.memory_space<hbm>>
        tpu.wait_dma2 semaphore(%arg11 : memref<!tpu.dma_semaphore, #tpu.memory_space<semaphore_mem>>) src(%arg7 : memref<128x128xf32, #tpu.memory_space<vmem>>) dst(%dma_wait3A_99 : memref<128x128xf32, #tpu.memory_space<hbm>>)
        %dma_start3A_100 = arith.constant 0 : i32
        %dma_start3A_101 = tpu.memref_slice %arg5[%add3A_76, %dma_start3A_100] : memref<40x128xi32, #tpu.memory_space<vmem>> -> memref<1x128xi32, #tpu.memory_space<vmem>>
        %dma_start3A_102 = tpu.memref_squeeze %dma_start3A_101 : memref<1x128xi32, #tpu.memory_space<vmem>> -> memref<128xi32, #tpu.memory_space<vmem>>
        %dma_start3A_103 = arith.constant 0 : i32
        %dma_start3A_104 = arith.constant 0 : i32
        %dma_start3A_105 = tpu.memref_slice %arg6[%dma_start3A_103, %dma_start3A_104] : memref<10240x128xf32, #tpu.memory_space<vmem_shared>> -> memref<10240x128xf32, #tpu.memory_space<vmem_shared>>
        tpu.enqueue_indirect_dma source(%dma_start3A_105 : memref<10240x128xf32, #tpu.memory_space<vmem_shared>>) target(%arg7 : memref<128x128xf32, #tpu.memory_space<vmem>>) offsets(%dma_start3A_102 : memref<128xi32, #tpu.memory_space<vmem>>) semaphore(%arg9 : memref<!tpu.dma_semaphore, #tpu.memory_space<semaphore_mem>>)
      } else {
      }
      %add3A_81 = arith.constant 2 : i32
      %add3A_82 = arith.addi %mul3A_42, %add3A_81 : i32
      %add3A_83 = arith.constant 1 : i32
      %add3A_84 = arith.addi %add3A_82, %add3A_83 : i32
      %lt3A_85 = arith.constant 40 : i32
      %lt3A_86 = arith.cmpi slt, %add3A_84, %lt3A_85 : i32
      %convert_element_type3A_87 = arith.extui %lt3A_86 : i1 to i32
      %cond3A_88 = arith.constant 0 : i32
      %cond3A_89 = arith.cmpi ne, %convert_element_type3A_87, %cond3A_88 : i32
      scf.if %cond3A_89 {
        %add3A_91 = arith.addi %mul3A_2, %mul3A_42 : i32
        %add3A_92 = arith.constant 1 : i32
        %add3A_93 = arith.addi %add3A_91, %add3A_92 : i32
        %mul3A_94 = arith.constant 128 : i32
        %mul3A_95 = arith.muli %add3A_93, %mul3A_94 : i32
        %dma_wait3A_96 = arith.constant 0 : i32
        %dma_wait3A_97 = tpu.memref_slice %arg4[%mul3A_95, %dma_wait3A_96] : memref<163840x128xf32, #tpu.memory_space<hbm>> -> memref<128x128xf32, #tpu.memory_space<hbm>>
        %dma_wait3A_98 = arith.constant 0 : i32
        %dma_wait3A_99 = tpu.memref_slice %arg4[%mul3A_95, %dma_wait3A_98] : memref<163840x128xf32, #tpu.memory_space<hbm>> -> memref<128x128xf32, #tpu.memory_space<hbm>>
        tpu.wait_dma2 semaphore(%arg12 : memref<!tpu.dma_semaphore, #tpu.memory_space<semaphore_mem>>) src(%arg8 : memref<128x128xf32, #tpu.memory_space<vmem>>) dst(%dma_wait3A_99 : memref<128x128xf32, #tpu.memory_space<hbm>>)
        %dma_start3A_100 = arith.constant 0 : i32
        %dma_start3A_101 = tpu.memref_slice %arg5[%add3A_84, %dma_start3A_100] : memref<40x128xi32, #tpu.memory_space<vmem>> -> memref<1x128xi32, #tpu.memory_space<vmem>>
        %dma_start3A_102 = tpu.memref_squeeze %dma_start3A_101 : memref<1x128xi32, #tpu.memory_space<vmem>> -> memref<128xi32, #tpu.memory_space<vmem>>
        %dma_start3A_103 = arith.constant 0 : i32
        %dma_start3A_104 = arith.constant 0 : i32
        %dma_start3A_105 = tpu.memref_slice %arg6[%dma_start3A_103, %dma_start3A_104] : memref<10240x128xf32, #tpu.memory_space<vmem_shared>> -> memref<10240x128xf32, #tpu.memory_space<vmem_shared>>
        tpu.enqueue_indirect_dma source(%dma_start3A_105 : memref<10240x128xf32, #tpu.memory_space<vmem_shared>>) target(%arg8 : memref<128x128xf32, #tpu.memory_space<vmem>>) offsets(%dma_start3A_102 : memref<128xi32, #tpu.memory_space<vmem>>) semaphore(%arg10 : memref<!tpu.dma_semaphore, #tpu.memory_space<semaphore_mem>>)
      } else {
      }
      %scan3A_90 = arith.constant 0 : i32
      scf.yield %scan3A_90 : i32
    }
    %scan3A_23 = arith.constant 20 : i32
    %add3A_24 = arith.constant 38 : i32
    %add3A_25 = arith.addi %mul3A_2, %add3A_24 : i32
    %mul3A_26 = arith.constant 128 : i32
    %mul3A_27 = arith.muli %add3A_25, %mul3A_26 : i32
    %dma_wait3A = arith.constant 0 : i32
    %dma_wait3A_28 = tpu.memref_slice %arg4[%mul3A_27, %dma_wait3A] : memref<163840x128xf32, #tpu.memory_space<hbm>> -> memref<128x128xf32, #tpu.memory_space<hbm>>
    %dma_wait3A_29 = arith.constant 0 : i32
    %dma_wait3A_30 = tpu.memref_slice %arg4[%mul3A_27, %dma_wait3A_29] : memref<163840x128xf32, #tpu.memory_space<hbm>> -> memref<128x128xf32, #tpu.memory_space<hbm>>
    tpu.wait_dma2 semaphore(%arg11 : memref<!tpu.dma_semaphore, #tpu.memory_space<semaphore_mem>>) src(%arg7 : memref<128x128xf32, #tpu.memory_space<vmem>>) dst(%dma_wait3A_30 : memref<128x128xf32, #tpu.memory_space<hbm>>)
    %add3A_31 = arith.constant 39 : i32
    %add3A_32 = arith.addi %mul3A_2, %add3A_31 : i32
    %mul3A_33 = arith.constant 128 : i32
    %mul3A_34 = arith.muli %add3A_32, %mul3A_33 : i32
    %dma_wait3A_35 = arith.constant 0 : i32
    %dma_wait3A_36 = tpu.memref_slice %arg4[%mul3A_34, %dma_wait3A_35] : memref<163840x128xf32, #tpu.memory_space<hbm>> -> memref<128x128xf32, #tpu.memory_space<hbm>>
    %dma_wait3A_37 = arith.constant 0 : i32
    %dma_wait3A_38 = tpu.memref_slice %arg4[%mul3A_34, %dma_wait3A_37] : memref<163840x128xf32, #tpu.memory_space<hbm>> -> memref<128x128xf32, #tpu.memory_space<hbm>>
    tpu.wait_dma2 semaphore(%arg12 : memref<!tpu.dma_semaphore, #tpu.memory_space<semaphore_mem>>) src(%arg8 : memref<128x128xf32, #tpu.memory_space<vmem>>) dst(%dma_wait3A_38 : memref<128x128xf32, #tpu.memory_space<hbm>>)
    return
  }
}

module attributes {stable_mosaic.version = 14 : i64} {
  func.func @_a1_body(%arg0: i32, %arg1: memref<320x128xf32, #tpu.memory_space<vmem>>, %arg2: memref<320x16xf32, #tpu.memory_space<vmem>>, %arg3: memref<128x128xf32, #tpu.memory_space<vmem>>, %arg4: memref<1x128xf32, #tpu.memory_space<vmem>>, %arg5: memref<128x128xf32, #tpu.memory_space<vmem>>, %arg6: memref<1x128xf32, #tpu.memory_space<vmem>>, %arg7: memref<128x128xf32, #tpu.memory_space<vmem>>, %arg8: memref<1x128xf32, #tpu.memory_space<vmem>>, %arg9: memref<320x128xf32, #tpu.memory_space<vmem>>, %arg10: memref<320x128xf32, #tpu.memory_space<vmem>>, %arg11: memref<320x128xf32, #tpu.memory_space<vmem>>) attributes {dimension_semantics = [#tpu.dimension_semantics<arbitrary>], iteration_bounds = array<i64: 32>, scalar_prefetch = 0 : i64, scratch_operands = 0 : i64, tpu.core_type = #tpu.core_type<tc>, window_params = [{transform_indices = @transform_0, window_bounds = array<i64: 320, 128>}, {transform_indices = @transform_1, window_bounds = array<i64: 320, 16>}, {pipeline_mode = #tpu.pipeline_mode<synchronous>, transform_indices = @transform_2, window_bounds = array<i64: 128, 128>}, {pipeline_mode = #tpu.pipeline_mode<synchronous>, transform_indices = @transform_3, window_bounds = array<i64: 1, 128>}, {pipeline_mode = #tpu.pipeline_mode<synchronous>, transform_indices = @transform_4, window_bounds = array<i64: 128, 128>}, {pipeline_mode = #tpu.pipeline_mode<synchronous>, transform_indices = @transform_5, window_bounds = array<i64: 1, 128>}, {pipeline_mode = #tpu.pipeline_mode<synchronous>, transform_indices = @transform_6, window_bounds = array<i64: 128, 128>}, {pipeline_mode = #tpu.pipeline_mode<synchronous>, transform_indices = @transform_7, window_bounds = array<i64: 1, 128>}, {transform_indices = @transform_8, window_bounds = array<i64: 320, 128>}, {transform_indices = @transform_9, window_bounds = array<i64: 320, 128>}, {transform_indices = @transform_10, window_bounds = array<i64: 320, 128>}]} {
    %get3A = arith.constant 0 : index
    %get3A_0 = arith.constant 0 : index
    %get3A_1 = vector.load %arg1[%get3A, %get3A_0] : memref<320x128xf32, #tpu.memory_space<vmem>>, vector<320x128xf32>
    %get3A_2 = arith.constant 0 : index
    %get3A_3 = arith.constant 0 : index
    %get3A_4 = vector.load %arg3[%get3A_2, %get3A_3] : memref<128x128xf32, #tpu.memory_space<vmem>>, vector<128x128xf32>
    %dot_general3A = arith.constant dense<0.000000e+00> : vector<320x128xf32>
    %dot_general3A_5 = tpu.matmul %get3A_1, %get3A_4, %dot_general3A {dimension_numbers = #tpu.dot_dimension_numbers<[1], [0], [0], [1], [0, 0, 1, 1], [], []>, transpose_lhs_hint = false} : vector<320x128xf32>, vector<128x128xf32>, vector<320x128xf32> -> vector<320x128xf32>
    %get3A_6 = arith.constant 0 : index
    %get3A_7 = arith.constant 0 : index
    %get3A_8 = vector.load %arg4[%get3A_6, %get3A_7] : memref<1x128xf32, #tpu.memory_space<vmem>>, vector<1x128xf32>
    %add3A = vector.broadcast %get3A_8 : vector<1x128xf32> to vector<320x128xf32>
    %add3A_9 = arith.addf %dot_general3A_5, %add3A : vector<320x128xf32>
    %max3A = arith.constant 0.000000e+00 : f32
    %max3A_10 = vector.broadcast %max3A : f32 to vector<320x128xf32>
    %max3A_11 = arith.maximumf %add3A_9, %max3A_10 : vector<320x128xf32>
    %get3A_12 = arith.constant 0 : index
    %get3A_13 = arith.constant 0 : index
    %get3A_14 = vector.load %arg5[%get3A_12, %get3A_13] : memref<128x128xf32, #tpu.memory_space<vmem>>, vector<128x128xf32>
    %dot_general3A_15 = arith.constant dense<0.000000e+00> : vector<320x128xf32>
    %dot_general3A_16 = tpu.matmul %max3A_11, %get3A_14, %dot_general3A_15 {dimension_numbers = #tpu.dot_dimension_numbers<[1], [0], [0], [1], [0, 0, 1, 1], [], []>, transpose_lhs_hint = false} : vector<320x128xf32>, vector<128x128xf32>, vector<320x128xf32> -> vector<320x128xf32>
    %get3A_17 = arith.constant 0 : index
    %get3A_18 = arith.constant 0 : index
    %get3A_19 = vector.load %arg6[%get3A_17, %get3A_18] : memref<1x128xf32, #tpu.memory_space<vmem>>, vector<1x128xf32>
    %add3A_20 = vector.broadcast %get3A_19 : vector<1x128xf32> to vector<320x128xf32>
    %add3A_21 = arith.addf %dot_general3A_16, %add3A_20 : vector<320x128xf32>
    %max3A_22 = arith.constant 0.000000e+00 : f32
    %max3A_23 = vector.broadcast %max3A_22 : f32 to vector<320x128xf32>
    %max3A_24 = arith.maximumf %add3A_21, %max3A_23 : vector<320x128xf32>
    %get3A_25 = arith.constant 0 : index
    %get3A_26 = arith.constant 0 : index
    %get3A_27 = vector.load %arg7[%get3A_25, %get3A_26] : memref<128x128xf32, #tpu.memory_space<vmem>>, vector<128x128xf32>
    %dot_general3A_28 = arith.constant dense<0.000000e+00> : vector<320x128xf32>
    %dot_general3A_29 = tpu.matmul %max3A_24, %get3A_27, %dot_general3A_28 {dimension_numbers = #tpu.dot_dimension_numbers<[1], [0], [0], [1], [0, 0, 1, 1], [], []>, transpose_lhs_hint = false} : vector<320x128xf32>, vector<128x128xf32>, vector<320x128xf32> -> vector<320x128xf32>
    %get3A_30 = arith.constant 0 : index
    %get3A_31 = arith.constant 0 : index
    %get3A_32 = vector.load %arg8[%get3A_30, %get3A_31] : memref<1x128xf32, #tpu.memory_space<vmem>>, vector<1x128xf32>
    %add3A_33 = vector.broadcast %get3A_32 : vector<1x128xf32> to vector<320x128xf32>
    %add3A_34 = arith.addf %dot_general3A_29, %add3A_33 : vector<320x128xf32>
    %max3A_35 = arith.constant 0.000000e+00 : f32
    %max3A_36 = vector.broadcast %max3A_35 : f32 to vector<320x128xf32>
    %max3A_37 = arith.maximumf %add3A_34, %max3A_36 : vector<320x128xf32>
    %swap3A = arith.constant 0 : index
    %swap3A_38 = arith.constant 0 : index
    %swap3A_39 = vector.load %arg9[%swap3A, %swap3A_38] : memref<320x128xf32, #tpu.memory_space<vmem>>, vector<320x128xf32>
    tpu.vector_store %arg9[%swap3A, %swap3A_38], %add3A_9 {strides = array<i32>} : memref<320x128xf32, #tpu.memory_space<vmem>>, vector<320x128xf32>,
    %swap3A_40 = arith.constant 0 : index
    %swap3A_41 = arith.constant 0 : index
    %swap3A_42 = vector.load %arg10[%swap3A_40, %swap3A_41] : memref<320x128xf32, #tpu.memory_space<vmem>>, vector<320x128xf32>
    tpu.vector_store %arg10[%swap3A_40, %swap3A_41], %max3A_37 {strides = array<i32>} : memref<320x128xf32, #tpu.memory_space<vmem>>, vector<320x128xf32>,
    %get3A_43 = arith.constant 0 : index
    %get3A_44 = arith.constant 0 : index
    %get3A_45 = vector.load %arg2[%get3A_43, %get3A_44] : memref<320x16xf32, #tpu.memory_space<vmem>>, vector<320x16xf32>
    %slice3A = vector.extract_strided_slice %get3A_45 {offsets = [0, 12], sizes = [320, 1], strides = [1, 1]} : vector<320x16xf32> to vector<320x1xf32>
    %mul3A = arith.constant 320 : i32
    %mul3A_46 = arith.muli %arg0, %mul3A : i32
    %iota3A = tpu.iota {dimensions = array<i32: 0>} : vector<320x1xi32>
    %add3A_47 = vector.broadcast %mul3A_46 : i32 to vector<320x1xi32>
    %add3A_48 = arith.addi %add3A_47, %iota3A : vector<320x1xi32>
    %convert_element_type3A = arith.sitofp %add3A_48 : vector<320x1xi32> to vector<320x1xf32>
    %slice3A_49 = vector.extract_strided_slice %get3A_45 {offsets = [0, 0], sizes = [320, 14], strides = [1, 1]} : vector<320x16xf32> to vector<320x14xf32>
    %sin3A = math.sin %slice3A : vector<320x1xf32>
    %cos3A = math.cos %slice3A : vector<320x1xf32>
    %broadcast_in_dim3A = arith.constant 0.000000e+00 : f32
    %broadcast_in_dim3A_50 = vector.broadcast %broadcast_in_dim3A : f32 to vector<320x111xf32>
    %concatenate3A = tpu.concatenate %slice3A_49, %sin3A, %cos3A, %convert_element_type3A, %broadcast_in_dim3A_50 in 1 : vector<320x14xf32>, vector<320x1xf32>, vector<320x1xf32>, vector<320x1xf32>, vector<320x111xf32> -> vector<320x128xf32>
    %swap3A_51 = arith.constant 0 : index
    %swap3A_52 = arith.constant 0 : index
    %swap3A_53 = vector.load %arg11[%swap3A_51, %swap3A_52] : memref<320x128xf32, #tpu.memory_space<vmem>>, vector<320x128xf32>
    tpu.vector_store %arg11[%swap3A_51, %swap3A_52], %concatenate3A {strides = array<i32>} : memref<320x128xf32, #tpu.memory_space<vmem>>, vector<320x128xf32>,
    return
  }
  func.func @transform_0(%arg0: i32) -> (i32, i32) {
    %c0_i32 = arith.constant 0 : i32
    %c0_i32_0 = arith.constant 0 : i32
    return %arg0, %c0_i32 : i32, i32
  }
  func.func @transform_1(%arg0: i32) -> (i32, i32) {
    %c0_i32 = arith.constant 0 : i32
    %c0_i32_0 = arith.constant 0 : i32
    return %arg0, %c0_i32 : i32, i32
  }
  func.func @transform_2(%arg0: i32) -> (i32, i32) {
    %c0_i32 = arith.constant 0 : i32
    %c0_i32_0 = arith.constant 0 : i32
    %c0_i32_1 = arith.constant 0 : i32
    return %c0_i32, %c0_i32_0 : i32, i32
  }
  func.func @transform_3(%arg0: i32) -> (i32, i32) {
    %c0_i32 = arith.constant 0 : i32
    %c0_i32_0 = arith.constant 0 : i32
    %c0_i32_1 = arith.constant 0 : i32
    return %c0_i32, %c0_i32_0 : i32, i32
  }
  func.func @transform_4(%arg0: i32) -> (i32, i32) {
    %c0_i32 = arith.constant 0 : i32
    %c0_i32_0 = arith.constant 0 : i32
    %c0_i32_1 = arith.constant 0 : i32
    return %c0_i32, %c0_i32_0 : i32, i32
  }
  func.func @transform_5(%arg0: i32) -> (i32, i32) {
    %c0_i32 = arith.constant 0 : i32
    %c0_i32_0 = arith.constant 0 : i32
    %c0_i32_1 = arith.constant 0 : i32
    return %c0_i32, %c0_i32_0 : i32, i32
  }
  func.func @transform_6(%arg0: i32) -> (i32, i32) {
    %c0_i32 = arith.constant 0 : i32
    %c0_i32_0 = arith.constant 0 : i32
    %c0_i32_1 = arith.constant 0 : i32
    return %c0_i32, %c0_i32_0 : i32, i32
  }
  func.func @transform_7(%arg0: i32) -> (i32, i32) {
    %c0_i32 = arith.constant 0 : i32
    %c0_i32_0 = arith.constant 0 : i32
    %c0_i32_1 = arith.constant 0 : i32
    return %c0_i32, %c0_i32_0 : i32, i32
  }
  func.func @transform_8(%arg0: i32) -> (i32, i32) {
    %c0_i32 = arith.constant 0 : i32
    %c0_i32_0 = arith.constant 0 : i32
    return %arg0, %c0_i32 : i32, i32
  }
  func.func @transform_9(%arg0: i32) -> (i32, i32) {
    %c0_i32 = arith.constant 0 : i32
    %c0_i32_0 = arith.constant 0 : i32
    return %arg0, %c0_i32 : i32, i32
  }
  func.func @transform_10(%arg0: i32) -> (i32, i32) {
    %c0_i32 = arith.constant 0 : i32
    %c0_i32_0 = arith.constant 0 : i32
    return %arg0, %c0_i32 : i32, i32
  }
}

module attributes {stable_mosaic.version = 14 : i64} {
  func.func @_rel_body(%arg0: i32, %arg1: memref<320x128xf32, #tpu.memory_space<vmem>>, %arg2: memref<5120x128xf32, #tpu.memory_space<vmem>>, %arg3: memref<16x1xf32, #tpu.memory_space<vmem>>, %arg4: memref<16x9xf32, #tpu.memory_space<vmem>>, %arg5: memref<16x9xf32, #tpu.memory_space<vmem>>, %arg6: memref<9x3xf32, #tpu.memory_space<vmem>>, %arg7: memref<16x27xf32, #tpu.memory_space<vmem>>, %arg8: memref<16x27xf32, #tpu.memory_space<vmem>>, %arg9: memref<27x9xf32, #tpu.memory_space<vmem>>, %arg10: memref<9x4xf32, #tpu.memory_space<vmem>>, %arg11: memref<9x4xf32, #tpu.memory_space<vmem>>, %arg12: memref<1x16xf32, #tpu.memory_space<vmem>>, %arg13: memref<16x16xf32, #tpu.memory_space<vmem>>, %arg14: memref<16x2xf32, #tpu.memory_space<vmem>>, %arg15: memref<16x2xf32, #tpu.memory_space<vmem>>, %arg16: memref<1x4xf32, #tpu.memory_space<vmem>>, %arg17: memref<5120x32xf32, #tpu.memory_space<vmem>>) attributes {dimension_semantics = [#tpu.dimension_semantics<arbitrary>], iteration_bounds = array<i64: 32>, scalar_prefetch = 0 : i64, scratch_operands = 0 : i64, tpu.core_type = #tpu.core_type<tc>, window_params = [{transform_indices = @transform_0, window_bounds = array<i64: 320, 128>}, {transform_indices = @transform_1, window_bounds = array<i64: 5120, 128>}, {pipeline_mode = #tpu.pipeline_mode<synchronous>, transform_indices = @transform_2, window_bounds = array<i64: 16, 1>}, {pipeline_mode = #tpu.pipeline_mode<synchronous>, transform_indices = @transform_3, window_bounds = array<i64: 16, 9>}, {pipeline_mode = #tpu.pipeline_mode<synchronous>, transform_indices = @transform_4, window_bounds = array<i64: 16, 9>}, {pipeline_mode = #tpu.pipeline_mode<synchronous>, transform_indices = @transform_5, window_bounds = array<i64: 9, 3>}, {pipeline_mode = #tpu.pipeline_mode<synchronous>, transform_indices = @transform_6, window_bounds = array<i64: 16, 27>}, {pipeline_mode = #tpu.pipeline_mode<synchronous>, transform_indices = @transform_7, window_bounds = array<i64: 16, 27>}, {pipeline_mode = #tpu.pipeline_mode<synchronous>, transform_indices = @transform_8, window_bounds = array<i64: 27, 9>}, {pipeline_mode = #tpu.pipeline_mode<synchronous>, transform_indices = @transform_9, window_bounds = array<i64: 9, 4>}, {pipeline_mode = #tpu.pipeline_mode<synchronous>, transform_indices = @transform_10, window_bounds = array<i64: 9, 4>}, {pipeline_mode = #tpu.pipeline_mode<synchronous>, transform_indices = @transform_11, window_bounds = array<i64: 1, 16>}, {pipeline_mode = #tpu.pipeline_mode<synchronous>, transform_indices = @transform_12, window_bounds = array<i64: 16, 16>}, {pipeline_mode = #tpu.pipeline_mode<synchronous>, transform_indices = @transform_13, window_bounds = array<i64: 16, 2>}, {pipeline_mode = #tpu.pipeline_mode<synchronous>, transform_indices = @transform_14, window_bounds = array<i64: 16, 2>}, {pipeline_mode = #tpu.pipeline_mode<synchronous>, transform_indices = @transform_15, window_bounds = array<i64: 1, 4>}, {transform_indices = @transform_16, window_bounds = array<i64: 5120, 32>}]} {
    %get3A = arith.constant 0 : index
    %get3A_0 = arith.constant 0 : index
    %get3A_1 = vector.load %arg1[%get3A, %get3A_0] : memref<320x128xf32, #tpu.memory_space<vmem>>, vector<320x16xf32>
    %get3A_2 = arith.constant 0 : index
    %get3A_3 = arith.constant 0 : index
    %get3A_4 = vector.load %arg2[%get3A_2, %get3A_3] : memref<5120x128xf32, #tpu.memory_space<vmem>>, vector<5120x32xf32>
    %slice3A = vector.extract_strided_slice %get3A_4 {offsets = [0, 0], sizes = [5120, 16], strides = [1, 1]} : vector<5120x32xf32> to vector<5120x16xf32>
    %broadcast_in_dim3A = vector.shape_cast %get3A_1 : vector<320x16xf32> to vector<320x1x16xf32>
    %broadcast_in_dim3A_5 = vector.shape_cast %broadcast_in_dim3A : vector<320x1x16xf32> to vector<320x1x16xf32>
    %broadcast_in_dim3A_6 = vector.broadcast %broadcast_in_dim3A_5 : vector<320x1x16xf32> to vector<320x16x16xf32>
    %reshape3A = vector.shape_cast %broadcast_in_dim3A_6 : vector<320x16x16xf32> to vector<5120x16xf32>
    %sub3A = arith.subf %slice3A, %reshape3A : vector<5120x16xf32>
    %mul3A = arith.mulf %sub3A, %sub3A : vector<5120x16xf32>
    %get3A_7 = arith.constant 0 : index
    %get3A_8 = arith.constant 0 : index
    %get3A_9 = vector.load %arg3[%get3A_7, %get3A_8] : memref<16x1xf32, #tpu.memory_space<vmem>>, vector<16x1xf32>
    %dot_general3A = arith.constant dense<0.000000e+00> : vector<5120x1xf32>
    %dot_general3A_10 = tpu.matmul %mul3A, %get3A_9, %dot_general3A {dimension_numbers = #tpu.dot_dimension_numbers<[1], [0], [0], [1], [0, 0, 1, 1], [], []>, transpose_lhs_hint = false} : vector<5120x16xf32>, vector<16x1xf32>, vector<5120x1xf32> -> vector<5120x1xf32>
    %add3A = arith.constant 9.99999996E-13 : f32
    %add3A_11 = vector.broadcast %add3A : f32 to vector<5120x1xf32>
    %add3A_12 = arith.addf %dot_general3A_10, %add3A_11 : vector<5120x1xf32>
    %sqrt3A = math.sqrt %add3A_12 : vector<5120x1xf32>
    %get3A_13 = arith.constant 0 : index
    %get3A_14 = arith.constant 0 : index
    %get3A_15 = vector.load %arg4[%get3A_13, %get3A_14] : memref<16x9xf32, #tpu.memory_space<vmem>>, vector<16x9xf32>
    %dot_general3A_16 = arith.constant dense<0.000000e+00> : vector<5120x9xf32>
    %dot_general3A_17 = tpu.matmul %sub3A, %get3A_15, %dot_general3A_16 {dimension_numbers = #tpu.dot_dimension_numbers<[1], [0], [0], [1], [0, 0, 1, 1], [], []>, transpose_lhs_hint = false} : vector<5120x16xf32>, vector<16x9xf32>, vector<5120x9xf32> -> vector<5120x9xf32>
    %get3A_18 = arith.constant 0 : index
    %get3A_19 = arith.constant 0 : index
    %get3A_20 = vector.load %arg5[%get3A_18, %get3A_19] : memref<16x9xf32, #tpu.memory_space<vmem>>, vector<16x9xf32>
    %dot_general3A_21 = arith.constant dense<0.000000e+00> : vector<5120x9xf32>
    %dot_general3A_22 = tpu.matmul %reshape3A, %get3A_20, %dot_general3A_21 {dimension_numbers = #tpu.dot_dimension_numbers<[1], [0], [0], [1], [0, 0, 1, 1], [], []>, transpose_lhs_hint = false} : vector<5120x16xf32>, vector<16x9xf32>, vector<5120x9xf32> -> vector<5120x9xf32>
    %add3A_23 = arith.constant 9.99999997E-7 : f32
    %add3A_24 = vector.broadcast %add3A_23 : f32 to vector<5120x1xf32>
    %add3A_25 = arith.addf %sqrt3A, %add3A_24 : vector<5120x1xf32>
    %div3A = arith.constant 1.000000e+00 : f32
    %div3A_26 = vector.broadcast %div3A : f32 to vector<5120x1xf32>
    %div3A_27 = arith.divf %div3A_26, %add3A_25 : vector<5120x1xf32>
    %mul3A_28 = arith.mulf %dot_general3A_22, %dot_general3A_17 : vector<5120x9xf32>
    %get3A_29 = arith.constant 0 : index
    %get3A_30 = arith.constant 0 : index
    %get3A_31 = vector.load %arg6[%get3A_29, %get3A_30] : memref<9x3xf32, #tpu.memory_space<vmem>>, vector<9x3xf32>
    %dot_general3A_32 = arith.constant dense<0.000000e+00> : vector<5120x3xf32>
    %dot_general3A_33 = tpu.matmul %mul3A_28, %get3A_31, %dot_general3A_32 {dimension_numbers = #tpu.dot_dimension_numbers<[1], [0], [0], [1], [0, 0, 1, 1], [], []>, transpose_lhs_hint = false} : vector<5120x9xf32>, vector<9x3xf32>, vector<5120x3xf32> -> vector<5120x3xf32>
    %mul3A_34 = vector.broadcast %div3A_27 : vector<5120x1xf32> to vector<5120x3xf32>
    %mul3A_35 = arith.mulf %dot_general3A_33, %mul3A_34 : vector<5120x3xf32>
    %get3A_36 = arith.constant 0 : index
    %get3A_37 = arith.constant 0 : index
    %get3A_38 = vector.load %arg7[%get3A_36, %get3A_37] : memref<16x27xf32, #tpu.memory_space<vmem>>, vector<16x27xf32>
    %dot_general3A_39 = arith.constant dense<0.000000e+00> : vector<5120x27xf32>
    %dot_general3A_40 = tpu.matmul %reshape3A, %get3A_38, %dot_general3A_39 {dimension_numbers = #tpu.dot_dimension_numbers<[1], [0], [0], [1], [0, 0, 1, 1], [], []>, transpose_lhs_hint = false} : vector<5120x16xf32>, vector<16x27xf32>, vector<5120x27xf32> -> vector<5120x27xf32>
    %get3A_41 = arith.constant 0 : index
    %get3A_42 = arith.constant 0 : index
    %get3A_43 = vector.load %arg8[%get3A_41, %get3A_42] : memref<16x27xf32, #tpu.memory_space<vmem>>, vector<16x27xf32>
    %dot_general3A_44 = arith.constant dense<0.000000e+00> : vector<5120x27xf32>
    %dot_general3A_45 = tpu.matmul %slice3A, %get3A_43, %dot_general3A_44 {dimension_numbers = #tpu.dot_dimension_numbers<[1], [0], [0], [1], [0, 0, 1, 1], [], []>, transpose_lhs_hint = false} : vector<5120x16xf32>, vector<16x27xf32>, vector<5120x27xf32> -> vector<5120x27xf32>
    %mul3A_46 = arith.mulf %dot_general3A_40, %dot_general3A_45 : vector<5120x27xf32>
    %get3A_47 = arith.constant 0 : index
    %get3A_48 = arith.constant 0 : index
    %get3A_49 = vector.load %arg9[%get3A_47, %get3A_48] : memref<27x9xf32, #tpu.memory_space<vmem>>, vector<27x9xf32>
    %dot_general3A_50 = arith.constant dense<0.000000e+00> : vector<5120x9xf32>
    %dot_general3A_51 = tpu.matmul %mul3A_46, %get3A_49, %dot_general3A_50 {dimension_numbers = #tpu.dot_dimension_numbers<[1], [0], [0], [1], [0, 0, 1, 1], [], []>, transpose_lhs_hint = false} : vector<5120x27xf32>, vector<27x9xf32>, vector<5120x9xf32> -> vector<5120x9xf32>
    %get3A_52 = arith.constant 0 : index
    %get3A_53 = arith.constant 0 : index
    %get3A_54 = vector.load %arg10[%get3A_52, %get3A_53] : memref<9x4xf32, #tpu.memory_space<vmem>>, vector<9x4xf32>
    %dot_general3A_55 = arith.constant dense<0.000000e+00> : vector<5120x4xf32>
    %dot_general3A_56 = tpu.matmul %dot_general3A_51, %get3A_54, %dot_general3A_55 {dimension_numbers = #tpu.dot_dimension_numbers<[1], [0], [0], [1], [0, 0, 1, 1], [], []>, transpose_lhs_hint = false} : vector<5120x9xf32>, vector<9x4xf32>, vector<5120x4xf32> -> vector<5120x4xf32>
    %add3A_57 = arith.constant 1.000000e+00 : f32
    %add3A_58 = vector.broadcast %add3A_57 : f32 to vector<5120x4xf32>
    %add3A_59 = arith.addf %add3A_58, %dot_general3A_56 : vector<5120x4xf32>
    %max3A = arith.constant 9.99999997E-7 : f32
    %max3A_60 = vector.broadcast %max3A : f32 to vector<5120x4xf32>
    %max3A_61 = arith.maximumf %add3A_59, %max3A_60 : vector<5120x4xf32>
    %sqrt3A_62 = math.sqrt %max3A_61 : vector<5120x4xf32>
    %mul3A_63 = arith.constant 5.000000e-01 : f32
    %mul3A_64 = vector.broadcast %mul3A_63 : f32 to vector<5120x4xf32>
    %mul3A_65 = arith.mulf %mul3A_64, %sqrt3A_62 : vector<5120x4xf32>
    %get3A_66 = arith.constant 0 : index
    %get3A_67 = arith.constant 0 : index
    %get3A_68 = vector.load %arg11[%get3A_66, %get3A_67] : memref<9x4xf32, #tpu.memory_space<vmem>>, vector<9x4xf32>
    %dot_general3A_69 = arith.constant dense<0.000000e+00> : vector<5120x4xf32>
    %dot_general3A_70 = tpu.matmul %dot_general3A_51, %get3A_68, %dot_general3A_69 {dimension_numbers = #tpu.dot_dimension_numbers<[1], [0], [0], [1], [0, 0, 1, 1], [], []>, transpose_lhs_hint = false} : vector<5120x9xf32>, vector<9x4xf32>, vector<5120x4xf32> -> vector<5120x4xf32>
    %sign3A = tpu.bitcast %dot_general3A_70 : vector<5120x4xf32> -> vector<5120x4xi32>
    %sign3A_71 = arith.constant -2147483648 : i32
    %sign3A_72 = vector.broadcast %sign3A_71 : i32 to vector<5120x4xi32>
    %sign3A_73 = arith.andi %sign3A, %sign3A_72 : vector<5120x4xi32>
    %sign3A_74 = arith.constant 1065353216 : i32
    %sign3A_75 = vector.broadcast %sign3A_74 : i32 to vector<5120x4xi32>
    %sign3A_76 = arith.ori %sign3A_75, %sign3A_73 : vector<5120x4xi32>
    %sign3A_77 = tpu.bitcast %sign3A_76 : vector<5120x4xi32> -> vector<5120x4xf32>
    %sign3A_78 = math.absf %dot_general3A_70 : vector<5120x4xf32>
    %sign3A_79 = arith.constant 0.000000e+00 : f32
    %sign3A_80 = vector.broadcast %sign3A_79 : f32 to vector<5120x4xf32>
    %sign3A_81 = arith.cmpf ogt, %sign3A_78, %sign3A_80 : vector<5120x4xf32>
    %sign3A_82 = arith.select %sign3A_81, %sign3A_77, %dot_general3A_70 : vector<5120x4xi1>, vector<5120x4xf32>
    %get3A_83 = arith.constant 0 : index
    %get3A_84 = arith.constant 0 : index
    %get3A_85 = vector.load %arg16[%get3A_83, %get3A_84] : memref<1x4xf32, #tpu.memory_space<vmem>>, vector<1x4xf32>
    %add3A_86 = vector.broadcast %get3A_85 : vector<1x4xf32> to vector<5120x4xf32>
    %add3A_87 = arith.addf %sign3A_82, %add3A_86 : vector<5120x4xf32>
    %mul3A_88 = arith.mulf %mul3A_65, %add3A_87 : vector<5120x4xf32>
    %get3A_89 = arith.constant 0 : index
    %get3A_90 = arith.constant 0 : index
    %get3A_91 = vector.load %arg13[%get3A_89, %get3A_90] : memref<16x16xf32, #tpu.memory_space<vmem>>, vector<16x16xf32>
    %dot_general3A_92 = arith.constant dense<0.000000e+00> : vector<5120x16xf32>
    %dot_general3A_93 = tpu.matmul %slice3A, %get3A_91, %dot_general3A_92 {dimension_numbers = #tpu.dot_dimension_numbers<[1], [0], [0], [1], [0, 0, 1, 1], [], []>, transpose_lhs_hint = false} : vector<5120x16xf32>, vector<16x16xf32>, vector<5120x16xf32> -> vector<5120x16xf32>
    %mul3A_94 = arith.mulf %reshape3A, %dot_general3A_93 : vector<5120x16xf32>
    %mul3A_95 = arith.mulf %reshape3A, %slice3A : vector<5120x16xf32>
    %get3A_96 = arith.constant 0 : index
    %get3A_97 = arith.constant 0 : index
    %get3A_98 = vector.load %arg14[%get3A_96, %get3A_97] : memref<16x2xf32, #tpu.memory_space<vmem>>, vector<16x2xf32>
    %dot_general3A_99 = arith.constant dense<0.000000e+00> : vector<5120x2xf32>
    %dot_general3A_100 = tpu.matmul %mul3A_94, %get3A_98, %dot_general3A_99 {dimension_numbers = #tpu.dot_dimension_numbers<[1], [0], [0], [1], [0, 0, 1, 1], [], []>, transpose_lhs_hint = false} : vector<5120x16xf32>, vector<16x2xf32>, vector<5120x2xf32> -> vector<5120x2xf32>
    %get3A_101 = arith.constant 0 : index
    %get3A_102 = arith.constant 0 : index
    %get3A_103 = vector.load %arg15[%get3A_101, %get3A_102] : memref<16x2xf32, #tpu.memory_space<vmem>>, vector<16x2xf32>
    %dot_general3A_104 = arith.constant dense<0.000000e+00> : vector<5120x2xf32>
    %dot_general3A_105 = tpu.matmul %mul3A_95, %get3A_103, %dot_general3A_104 {dimension_numbers = #tpu.dot_dimension_numbers<[1], [0], [0], [1], [0, 0, 1, 1], [], []>, transpose_lhs_hint = false} : vector<5120x16xf32>, vector<16x2xf32>, vector<5120x2xf32> -> vector<5120x2xf32>
    %add3A_106 = arith.addf %dot_general3A_100, %dot_general3A_105 : vector<5120x2xf32>
    %get3A_107 = arith.constant 0 : index
    %get3A_108 = arith.constant 0 : index
    %get3A_109 = vector.load %arg12[%get3A_107, %get3A_108] : memref<1x16xf32, #tpu.memory_space<vmem>>, vector<1x16xf32>
    %sub3A_110 = vector.broadcast %sqrt3A : vector<5120x1xf32> to vector<5120x16xf32>
    %sub3A_111 = vector.broadcast %get3A_109 : vector<1x16xf32> to vector<5120x16xf32>
    %sub3A_112 = arith.subf %sub3A_110, %sub3A_111 : vector<5120x16xf32>
    %mul3A_113 = arith.constant 8.000000e-01 : f32
    %mul3A_114 = vector.broadcast %mul3A_113 : f32 to vector<5120x16xf32>
    %mul3A_115 = arith.mulf %sub3A_112, %mul3A_114 : vector<5120x16xf32>
    %mul3A_116 = arith.mulf %mul3A_115, %mul3A_115 : vector<5120x16xf32>
    %neg3A = arith.constant 0.000000e+00 : f32
    %neg3A_117 = vector.broadcast %neg3A : f32 to vector<5120x16xf32>
    %neg3A_118 = arith.subf %neg3A_117, %mul3A_116 : vector<5120x16xf32>
    %exp3A = math.exp %neg3A_118 : vector<5120x16xf32>
    %slice3A_119 = vector.extract_strided_slice %get3A_4 {offsets = [0, 13], sizes = [5120, 1], strides = [1, 1]} : vector<5120x32xf32> to vector<5120x1xf32>
    %slice3A_120 = vector.extract_strided_slice %get3A_4 {offsets = [0, 16], sizes = [5120, 1], strides = [1, 1]} : vector<5120x32xf32> to vector<5120x1xf32>
    %broadcast_in_dim3A_121 = arith.constant 0.000000e+00 : f32
    %broadcast_in_dim3A_122 = vector.broadcast %broadcast_in_dim3A_121 : f32 to vector<5120x5xf32>
    %concatenate3A = tpu.concatenate %exp3A, %mul3A_35, %mul3A_88, %add3A_106, %slice3A_119, %slice3A_120, %broadcast_in_dim3A_122 in 1 : vector<5120x16xf32>, vector<5120x3xf32>, vector<5120x4xf32>, vector<5120x2xf32>, vector<5120x1xf32>, vector<5120x1xf32>, vector<5120x5xf32> -> vector<5120x32xf32>
    %swap3A = arith.constant 0 : index
    %swap3A_123 = arith.constant 0 : index
    %swap3A_124 = vector.load %arg17[%swap3A, %swap3A_123] : memref<5120x32xf32, #tpu.memory_space<vmem>>, vector<5120x32xf32>
    tpu.vector_store %arg17[%swap3A, %swap3A_123], %concatenate3A {strides = array<i32>} : memref<5120x32xf32, #tpu.memory_space<vmem>>, vector<5120x32xf32>,
    return
  }
  func.func @transform_0(%arg0: i32) -> (i32, i32) {
    %c0_i32 = arith.constant 0 : i32
    %c0_i32_0 = arith.constant 0 : i32
    return %arg0, %c0_i32 : i32, i32
  }
  func.func @transform_1(%arg0: i32) -> (i32, i32) {
    %c0_i32 = arith.constant 0 : i32
    %c0_i32_0 = arith.constant 0 : i32
    return %arg0, %c0_i32 : i32, i32
  }
  func.func @transform_2(%arg0: i32) -> (i32, i32) {
    %c0_i32 = arith.constant 0 : i32
    %c0_i32_0 = arith.constant 0 : i32
    %c0_i32_1 = arith.constant 0 : i32
    return %c0_i32, %c0_i32_0 : i32, i32
  }
  func.func @transform_3(%arg0: i32) -> (i32, i32) {
    %c0_i32 = arith.constant 0 : i32
    %c0_i32_0 = arith.constant 0 : i32
    %c0_i32_1 = arith.constant 0 : i32
    return %c0_i32, %c0_i32_0 : i32, i32
  }
  func.func @transform_4(%arg0: i32) -> (i32, i32) {
    %c0_i32 = arith.constant 0 : i32
    %c0_i32_0 = arith.constant 0 : i32
    %c0_i32_1 = arith.constant 0 : i32
    return %c0_i32, %c0_i32_0 : i32, i32
  }
  func.func @transform_5(%arg0: i32) -> (i32, i32) {
    %c0_i32 = arith.constant 0 : i32
    %c0_i32_0 = arith.constant 0 : i32
    %c0_i32_1 = arith.constant 0 : i32
    return %c0_i32, %c0_i32_0 : i32, i32
  }
  func.func @transform_6(%arg0: i32) -> (i32, i32) {
    %c0_i32 = arith.constant 0 : i32
    %c0_i32_0 = arith.constant 0 : i32
    %c0_i32_1 = arith.constant 0 : i32
    return %c0_i32, %c0_i32_0 : i32, i32
  }
  func.func @transform_7(%arg0: i32) -> (i32, i32) {
    %c0_i32 = arith.constant 0 : i32
    %c0_i32_0 = arith.constant 0 : i32
    %c0_i32_1 = arith.constant 0 : i32
    return %c0_i32, %c0_i32_0 : i32, i32
  }
  func.func @transform_8(%arg0: i32) -> (i32, i32) {
    %c0_i32 = arith.constant 0 : i32
    %c0_i32_0 = arith.constant 0 : i32
    %c0_i32_1 = arith.constant 0 : i32
    return %c0_i32, %c0_i32_0 : i32, i32
  }
  func.func @transform_9(%arg0: i32) -> (i32, i32) {
    %c0_i32 = arith.constant 0 : i32
    %c0_i32_0 = arith.constant 0 : i32
    %c0_i32_1 = arith.constant 0 : i32
    return %c0_i32, %c0_i32_0 : i32, i32
  }
  func.func @transform_10(%arg0: i32) -> (i32, i32) {
    %c0_i32 = arith.constant 0 : i32
    %c0_i32_0 = arith.constant 0 : i32
    %c0_i32_1 = arith.constant 0 : i32
    return %c0_i32, %c0_i32_0 : i32, i32
  }
  func.func @transform_11(%arg0: i32) -> (i32, i32) {
    %c0_i32 = arith.constant 0 : i32
    %c0_i32_0 = arith.constant 0 : i32
    %c0_i32_1 = arith.constant 0 : i32
    return %c0_i32, %c0_i32_0 : i32, i32
  }
  func.func @transform_12(%arg0: i32) -> (i32, i32) {
    %c0_i32 = arith.constant 0 : i32
    %c0_i32_0 = arith.constant 0 : i32
    %c0_i32_1 = arith.constant 0 : i32
    return %c0_i32, %c0_i32_0 : i32, i32
  }
  func.func @transform_13(%arg0: i32) -> (i32, i32) {
    %c0_i32 = arith.constant 0 : i32
    %c0_i32_0 = arith.constant 0 : i32
    %c0_i32_1 = arith.constant 0 : i32
    return %c0_i32, %c0_i32_0 : i32, i32
  }
  func.func @transform_14(%arg0: i32) -> (i32, i32) {
    %c0_i32 = arith.constant 0 : i32
    %c0_i32_0 = arith.constant 0 : i32
    %c0_i32_1 = arith.constant 0 : i32
    return %c0_i32, %c0_i32_0 : i32, i32
  }
  func.func @transform_15(%arg0: i32) -> (i32, i32) {
    %c0_i32 = arith.constant 0 : i32
    %c0_i32_0 = arith.constant 0 : i32
    %c0_i32_1 = arith.constant 0 : i32
    return %c0_i32, %c0_i32_0 : i32, i32
  }
  func.func @transform_16(%arg0: i32) -> (i32, i32) {
    %c0_i32 = arith.constant 0 : i32
    %c0_i32_0 = arith.constant 0 : i32
    return %arg0, %c0_i32 : i32, i32
  }
}

module attributes {stable_mosaic.version = 14 : i64} {
  func.func @body(%arg0: i32, %arg1: memref<320x128xf32, #tpu.memory_space<vmem>>, %arg2: memref<320x128xf32, #tpu.memory_space<vmem>>, %arg3: memref<5120x128xf32, #tpu.memory_space<vmem>>, %arg4: memref<5120x32xf32, #tpu.memory_space<vmem>>, %arg5: memref<128x256xf32, #tpu.memory_space<vmem>>, %arg6: memref<1x256xf32, #tpu.memory_space<vmem>>, %arg7: memref<128x256xf32, #tpu.memory_space<vmem>>, %arg8: memref<32x256xf32, #tpu.memory_space<vmem>>, %arg9: memref<1x256xf32, #tpu.memory_space<vmem>>, %arg10: memref<128x256xf32, #tpu.memory_space<vmem>>, %arg11: memref<32x256xf32, #tpu.memory_space<vmem>>, %arg12: memref<1x256xf32, #tpu.memory_space<vmem>>, %arg13: memref<256x128xf32, #tpu.memory_space<vmem>>, %arg14: memref<1x128xf32, #tpu.memory_space<vmem>>, %arg15: memref<128x128xf32, #tpu.memory_space<vmem>>, %arg16: memref<1x128xf32, #tpu.memory_space<vmem>>, %arg17: memref<128x128xf32, #tpu.memory_space<vmem>>, %arg18: memref<1x128xf32, #tpu.memory_space<vmem>>, %arg19: memref<256x8xf32, #tpu.memory_space<vmem>>, %arg20: memref<8x256xf32, #tpu.memory_space<vmem>>, %arg21: memref<320x128xf32, #tpu.memory_space<vmem>>, %arg22: memref<320x128xf32, #tpu.memory_space<vmem>>) attributes {dimension_semantics = [#tpu.dimension_semantics<arbitrary>], iteration_bounds = array<i64: 32>, scalar_prefetch = 0 : i64, scratch_operands = 0 : i64, tpu.core_type = #tpu.core_type<tc>, window_params = [{transform_indices = @transform_0, window_bounds = array<i64: 320, 128>}, {transform_indices = @transform_1, window_bounds = array<i64: 320, 128>}, {transform_indices = @transform_2, window_bounds = array<i64: 5120, 128>}, {transform_indices = @transform_3, window_bounds = array<i64: 5120, 32>}, {pipeline_mode = #tpu.pipeline_mode<synchronous>, transform_indices = @transform_4, window_bounds = array<i64: 128, 256>}, {pipeline_mode = #tpu.pipeline_mode<synchronous>, transform_indices = @transform_5, window_bounds = array<i64: 1, 256>}, {pipeline_mode = #tpu.pipeline_mode<synchronous>, transform_indices = @transform_6, window_bounds = array<i64: 128, 256>}, {pipeline_mode = #tpu.pipeline_mode<synchronous>, transform_indices = @transform_7, window_bounds = array<i64: 32, 256>}, {pipeline_mode = #tpu.pipeline_mode<synchronous>, transform_indices = @transform_8, window_bounds = array<i64: 1, 256>}, {pipeline_mode = #tpu.pipeline_mode<synchronous>, transform_indices = @transform_9, window_bounds = array<i64: 128, 256>}, {pipeline_mode = #tpu.pipeline_mode<synchronous>, transform_indices = @transform_10, window_bounds = array<i64: 32, 256>}, {pipeline_mode = #tpu.pipeline_mode<synchronous>, transform_indices = @transform_11, window_bounds = array<i64: 1, 256>}, {pipeline_mode = #tpu.pipeline_mode<synchronous>, transform_indices = @transform_12, window_bounds = array<i64: 256, 128>}, {pipeline_mode = #tpu.pipeline_mode<synchronous>, transform_indices = @transform_13, window_bounds = array<i64: 1, 128>}, {pipeline_mode = #tpu.pipeline_mode<synchronous>, transform_indices = @transform_14, window_bounds = array<i64: 128, 128>}, {pipeline_mode = #tpu.pipeline_mode<synchronous>, transform_indices = @transform_15, window_bounds = array<i64: 1, 128>}, {pipeline_mode = #tpu.pipeline_mode<synchronous>, transform_indices = @transform_16, window_bounds = array<i64: 128, 128>}, {pipeline_mode = #tpu.pipeline_mode<synchronous>, transform_indices = @transform_17, window_bounds = array<i64: 1, 128>}, {pipeline_mode = #tpu.pipeline_mode<synchronous>, transform_indices = @transform_18, window_bounds = array<i64: 256, 8>}, {pipeline_mode = #tpu.pipeline_mode<synchronous>, transform_indices = @transform_19, window_bounds = array<i64: 8, 256>}, {transform_indices = @transform_20, window_bounds = array<i64: 320, 128>}, {transform_indices = @transform_21, window_bounds = array<i64: 320, 128>}]} {
    %get3A = arith.constant 0 : index
    %get3A_0 = arith.constant 0 : index
    %get3A_1 = vector.load %arg2[%get3A, %get3A_0] : memref<320x128xf32, #tpu.memory_space<vmem>>, vector<320x128xf32>
    %get3A_2 = arith.constant 0 : index
    %get3A_3 = arith.constant 0 : index
    %get3A_4 = vector.load %arg5[%get3A_2, %get3A_3] : memref<128x256xf32, #tpu.memory_space<vmem>>, vector<128x256xf32>
    %dot_general3A = arith.constant dense<0.000000e+00> : vector<320x256xf32>
    %dot_general3A_5 = tpu.matmul %get3A_1, %get3A_4, %dot_general3A {dimension_numbers = #tpu.dot_dimension_numbers<[1], [0], [0], [1], [0, 0, 1, 1], [], []>, transpose_lhs_hint = false} : vector<320x128xf32>, vector<128x256xf32>, vector<320x256xf32> -> vector<320x256xf32>
    %get3A_6 = arith.constant 0 : index
    %get3A_7 = arith.constant 0 : index
    %get3A_8 = vector.load %arg6[%get3A_6, %get3A_7] : memref<1x256xf32, #tpu.memory_space<vmem>>, vector<1x256xf32>
    %add3A = vector.broadcast %get3A_8 : vector<1x256xf32> to vector<320x256xf32>
    %add3A_9 = arith.addf %dot_general3A_5, %add3A : vector<320x256xf32>
    %get3A_10 = arith.constant 0 : index
    %get3A_11 = arith.constant 0 : index
    %get3A_12 = vector.load %arg3[%get3A_10, %get3A_11] : memref<5120x128xf32, #tpu.memory_space<vmem>>, vector<5120x128xf32>
    %get3A_13 = arith.constant 0 : index
    %get3A_14 = arith.constant 0 : index
    %get3A_15 = vector.load %arg4[%get3A_13, %get3A_14] : memref<5120x32xf32, #tpu.memory_space<vmem>>, vector<5120x32xf32>
    %get3A_16 = arith.constant 0 : index
    %get3A_17 = arith.constant 0 : index
    %get3A_18 = vector.load %arg7[%get3A_16, %get3A_17] : memref<128x256xf32, #tpu.memory_space<vmem>>, vector<128x256xf32>
    %dot_general3A_19 = arith.constant dense<0.000000e+00> : vector<5120x256xf32>
    %dot_general3A_20 = tpu.matmul %get3A_12, %get3A_18, %dot_general3A_19 {dimension_numbers = #tpu.dot_dimension_numbers<[1], [0], [0], [1], [0, 0, 1, 1], [], []>, transpose_lhs_hint = false} : vector<5120x128xf32>, vector<128x256xf32>, vector<5120x256xf32> -> vector<5120x256xf32>
    %get3A_21 = arith.constant 0 : index
    %get3A_22 = arith.constant 0 : index
    %get3A_23 = vector.load %arg8[%get3A_21, %get3A_22] : memref<32x256xf32, #tpu.memory_space<vmem>>, vector<32x256xf32>
    %dot_general3A_24 = arith.constant dense<0.000000e+00> : vector<5120x256xf32>
    %dot_general3A_25 = tpu.matmul %get3A_15, %get3A_23, %dot_general3A_24 {dimension_numbers = #tpu.dot_dimension_numbers<[1], [0], [0], [1], [0, 0, 1, 1], [], []>, transpose_lhs_hint = false} : vector<5120x32xf32>, vector<32x256xf32>, vector<5120x256xf32> -> vector<5120x256xf32>
    %add3A_26 = arith.addf %dot_general3A_20, %dot_general3A_25 : vector<5120x256xf32>
    %get3A_27 = arith.constant 0 : index
    %get3A_28 = arith.constant 0 : index
    %get3A_29 = vector.load %arg9[%get3A_27, %get3A_28] : memref<1x256xf32, #tpu.memory_space<vmem>>, vector<1x256xf32>
    %add3A_30 = vector.broadcast %get3A_29 : vector<1x256xf32> to vector<5120x256xf32>
    %add3A_31 = arith.addf %add3A_26, %add3A_30 : vector<5120x256xf32>
    %get3A_32 = arith.constant 0 : index
    %get3A_33 = arith.constant 0 : index
    %get3A_34 = vector.load %arg10[%get3A_32, %get3A_33] : memref<128x256xf32, #tpu.memory_space<vmem>>, vector<128x256xf32>
    %dot_general3A_35 = arith.constant dense<0.000000e+00> : vector<5120x256xf32>
    %dot_general3A_36 = tpu.matmul %get3A_12, %get3A_34, %dot_general3A_35 {dimension_numbers = #tpu.dot_dimension_numbers<[1], [0], [0], [1], [0, 0, 1, 1], [], []>, transpose_lhs_hint = false} : vector<5120x128xf32>, vector<128x256xf32>, vector<5120x256xf32> -> vector<5120x256xf32>
    %get3A_37 = arith.constant 0 : index
    %get3A_38 = arith.constant 0 : index
    %get3A_39 = vector.load %arg11[%get3A_37, %get3A_38] : memref<32x256xf32, #tpu.memory_space<vmem>>, vector<32x256xf32>
    %dot_general3A_40 = arith.constant dense<0.000000e+00> : vector<5120x256xf32>
    %dot_general3A_41 = tpu.matmul %get3A_15, %get3A_39, %dot_general3A_40 {dimension_numbers = #tpu.dot_dimension_numbers<[1], [0], [0], [1], [0, 0, 1, 1], [], []>, transpose_lhs_hint = false} : vector<5120x32xf32>, vector<32x256xf32>, vector<5120x256xf32> -> vector<5120x256xf32>
    %add3A_42 = arith.addf %dot_general3A_36, %dot_general3A_41 : vector<5120x256xf32>
    %get3A_43 = arith.constant 0 : index
    %get3A_44 = arith.constant 0 : index
    %get3A_45 = vector.load %arg12[%get3A_43, %get3A_44] : memref<1x256xf32, #tpu.memory_space<vmem>>, vector<1x256xf32>
    %add3A_46 = vector.broadcast %get3A_45 : vector<1x256xf32> to vector<5120x256xf32>
    %add3A_47 = arith.addf %add3A_42, %add3A_46 : vector<5120x256xf32>
    %broadcast_in_dim3A = vector.shape_cast %add3A_9 : vector<320x256xf32> to vector<320x1x256xf32>
    %broadcast_in_dim3A_48 = vector.shape_cast %broadcast_in_dim3A : vector<320x1x256xf32> to vector<320x1x256xf32>
    %broadcast_in_dim3A_49 = vector.broadcast %broadcast_in_dim3A_48 : vector<320x1x256xf32> to vector<320x16x256xf32>
    %reshape3A = vector.shape_cast %broadcast_in_dim3A_49 : vector<320x16x256xf32> to vector<5120x256xf32>
    %mul3A = arith.mulf %reshape3A, %add3A_31 : vector<5120x256xf32>
    %get3A_50 = arith.constant 0 : index
    %get3A_51 = arith.constant 0 : index
    %get3A_52 = vector.load %arg19[%get3A_50, %get3A_51] : memref<256x8xf32, #tpu.memory_space<vmem>>, vector<256x8xf32>
    %dot_general3A_53 = arith.constant dense<0.000000e+00> : vector<5120x8xf32>
    %dot_general3A_54 = tpu.matmul %mul3A, %get3A_52, %dot_general3A_53 {dimension_numbers = #tpu.dot_dimension_numbers<[1], [0], [0], [1], [0, 0, 1, 1], [], []>, transpose_lhs_hint = false} : vector<5120x256xf32>, vector<256x8xf32>, vector<5120x8xf32> -> vector<5120x8xf32>
    %mul3A_55 = arith.constant 0.176776692 : f32
    %mul3A_56 = vector.broadcast %mul3A_55 : f32 to vector<5120x8xf32>
    %mul3A_57 = arith.mulf %dot_general3A_54, %mul3A_56 : vector<5120x8xf32>
    %reshape3A_58 = vector.shape_cast %mul3A_57 : vector<5120x8xf32> to vector<320x16x8xf32>
    %reduce_max3A = arith.constant dense<0xFF800000> : vector<320x8xf32>
    %reduce_max3A_59 = vector.multi_reduction <maximumf>, %reshape3A_58, %reduce_max3A [1] : vector<320x16x8xf32> to vector<320x8xf32>
    %broadcast_in_dim3A_60 = vector.shape_cast %reduce_max3A_59 : vector<320x8xf32> to vector<320x1x8xf32>
    %sub3A = vector.broadcast %broadcast_in_dim3A_60 : vector<320x1x8xf32> to vector<320x16x8xf32>
    %sub3A_61 = arith.subf %reshape3A_58, %sub3A : vector<320x16x8xf32>
    %exp3A = math.exp %sub3A_61 : vector<320x16x8xf32>
    %reduce_sum3A = arith.constant dense<0.000000e+00> : vector<320x8xf32>
    %reduce_sum3A_62 = vector.multi_reduction <add>, %exp3A, %reduce_sum3A [1] : vector<320x16x8xf32> to vector<320x8xf32>
    %broadcast_in_dim3A_63 = vector.shape_cast %reduce_sum3A_62 : vector<320x8xf32> to vector<320x1x8xf32>
    %div3A = vector.broadcast %broadcast_in_dim3A_63 : vector<320x1x8xf32> to vector<320x16x8xf32>
    %div3A_64 = arith.divf %exp3A, %div3A : vector<320x16x8xf32>
    %reshape3A_65 = vector.shape_cast %div3A_64 : vector<320x16x8xf32> to vector<5120x8xf32>
    %get3A_66 = arith.constant 0 : index
    %get3A_67 = arith.constant 0 : index
    %get3A_68 = vector.load %arg20[%get3A_66, %get3A_67] : memref<8x256xf32, #tpu.memory_space<vmem>>, vector<8x256xf32>
    %dot_general3A_69 = arith.constant dense<0.000000e+00> : vector<5120x256xf32>
    %dot_general3A_70 = tpu.matmul %reshape3A_65, %get3A_68, %dot_general3A_69 {dimension_numbers = #tpu.dot_dimension_numbers<[1], [0], [0], [1], [0, 0, 1, 1], [], []>, transpose_lhs_hint = false} : vector<5120x8xf32>, vector<8x256xf32>, vector<5120x256xf32> -> vector<5120x256xf32>
    %mul3A_71 = arith.mulf %dot_general3A_70, %add3A_47 : vector<5120x256xf32>
    %reshape3A_72 = vector.shape_cast %mul3A_71 : vector<5120x256xf32> to vector<320x16x256xf32>
    %reduce_sum3A_73 = arith.constant dense<0.000000e+00> : vector<320x256xf32>
    %reduce_sum3A_74 = vector.multi_reduction <add>, %reshape3A_72, %reduce_sum3A_73 [1] : vector<320x16x256xf32> to vector<320x256xf32>
    %get3A_75 = arith.constant 0 : index
    %get3A_76 = arith.constant 0 : index
    %get3A_77 = vector.load %arg13[%get3A_75, %get3A_76] : memref<256x128xf32, #tpu.memory_space<vmem>>, vector<256x128xf32>
    %dot_general3A_78 = arith.constant dense<0.000000e+00> : vector<320x128xf32>
    %dot_general3A_79 = tpu.matmul %reduce_sum3A_74, %get3A_77, %dot_general3A_78 {dimension_numbers = #tpu.dot_dimension_numbers<[1], [0], [0], [1], [0, 0, 1, 1], [], []>, transpose_lhs_hint = false} : vector<320x256xf32>, vector<256x128xf32>, vector<320x128xf32> -> vector<320x128xf32>
    %get3A_80 = arith.constant 0 : index
    %get3A_81 = arith.constant 0 : index
    %get3A_82 = vector.load %arg14[%get3A_80, %get3A_81] : memref<1x128xf32, #tpu.memory_space<vmem>>, vector<1x128xf32>
    %add3A_83 = vector.broadcast %get3A_82 : vector<1x128xf32> to vector<320x128xf32>
    %add3A_84 = arith.addf %dot_general3A_79, %add3A_83 : vector<320x128xf32>
    %get3A_85 = arith.constant 0 : index
    %get3A_86 = arith.constant 0 : index
    %get3A_87 = vector.load %arg1[%get3A_85, %get3A_86] : memref<320x128xf32, #tpu.memory_space<vmem>>, vector<320x128xf32>
    %add3A_88 = arith.addf %get3A_87, %add3A_84 : vector<320x128xf32>
    %max3A = arith.constant 0.000000e+00 : f32
    %max3A_89 = vector.broadcast %max3A : f32 to vector<320x128xf32>
    %max3A_90 = arith.maximumf %add3A_88, %max3A_89 : vector<320x128xf32>
    %get3A_91 = arith.constant 0 : index
    %get3A_92 = arith.constant 0 : index
    %get3A_93 = vector.load %arg15[%get3A_91, %get3A_92] : memref<128x128xf32, #tpu.memory_space<vmem>>, vector<128x128xf32>
    %dot_general3A_94 = arith.constant dense<0.000000e+00> : vector<320x128xf32>
    %dot_general3A_95 = tpu.matmul %max3A_90, %get3A_93, %dot_general3A_94 {dimension_numbers = #tpu.dot_dimension_numbers<[1], [0], [0], [1], [0, 0, 1, 1], [], []>, transpose_lhs_hint = false} : vector<320x128xf32>, vector<128x128xf32>, vector<320x128xf32> -> vector<320x128xf32>
    %get3A_96 = arith.constant 0 : index
    %get3A_97 = arith.constant 0 : index
    %get3A_98 = vector.load %arg16[%get3A_96, %get3A_97] : memref<1x128xf32, #tpu.memory_space<vmem>>, vector<1x128xf32>
    %add3A_99 = vector.broadcast %get3A_98 : vector<1x128xf32> to vector<320x128xf32>
    %add3A_100 = arith.addf %dot_general3A_95, %add3A_99 : vector<320x128xf32>
    %max3A_101 = arith.constant 0.000000e+00 : f32
    %max3A_102 = vector.broadcast %max3A_101 : f32 to vector<320x128xf32>
    %max3A_103 = arith.maximumf %add3A_100, %max3A_102 : vector<320x128xf32>
    %get3A_104 = arith.constant 0 : index
    %get3A_105 = arith.constant 0 : index
    %get3A_106 = vector.load %arg17[%get3A_104, %get3A_105] : memref<128x128xf32, #tpu.memory_space<vmem>>, vector<128x128xf32>
    %dot_general3A_107 = arith.constant dense<0.000000e+00> : vector<320x128xf32>
    %dot_general3A_108 = tpu.matmul %max3A_103, %get3A_106, %dot_general3A_107 {dimension_numbers = #tpu.dot_dimension_numbers<[1], [0], [0], [1], [0, 0, 1, 1], [], []>, transpose_lhs_hint = false} : vector<320x128xf32>, vector<128x128xf32>, vector<320x128xf32> -> vector<320x128xf32>
    %get3A_109 = arith.constant 0 : index
    %get3A_110 = arith.constant 0 : index
    %get3A_111 = vector.load %arg18[%get3A_109, %get3A_110] : memref<1x128xf32, #tpu.memory_space<vmem>>, vector<1x128xf32>
    %add3A_112 = vector.broadcast %get3A_111 : vector<1x128xf32> to vector<320x128xf32>
    %add3A_113 = arith.addf %dot_general3A_108, %add3A_112 : vector<320x128xf32>
    %max3A_114 = arith.constant 0.000000e+00 : f32
    %max3A_115 = vector.broadcast %max3A_114 : f32 to vector<320x128xf32>
    %max3A_116 = arith.maximumf %add3A_113, %max3A_115 : vector<320x128xf32>
    %swap3A = arith.constant 0 : index
    %swap3A_117 = arith.constant 0 : index
    %swap3A_118 = vector.load %arg21[%swap3A, %swap3A_117] : memref<320x128xf32, #tpu.memory_space<vmem>>, vector<320x128xf32>
    tpu.vector_store %arg21[%swap3A, %swap3A_117], %add3A_88 {strides = array<i32>} : memref<320x128xf32, #tpu.memory_space<vmem>>, vector<320x128xf32>,
    %swap3A_119 = arith.constant 0 : index
    %swap3A_120 = arith.constant 0 : index
    %swap3A_121 = vector.load %arg22[%swap3A_119, %swap3A_120] : memref<320x128xf32, #tpu.memory_space<vmem>>, vector<320x128xf32>
    tpu.vector_store %arg22[%swap3A_119, %swap3A_120], %max3A_116 {strides = array<i32>} : memref<320x128xf32, #tpu.memory_space<vmem>>, vector<320x128xf32>,
    return
  }
  func.func @transform_0(%arg0: i32) -> (i32, i32) {
    %c0_i32 = arith.constant 0 : i32
    %c0_i32_0 = arith.constant 0 : i32
    return %arg0, %c0_i32 : i32, i32
  }
  func.func @transform_1(%arg0: i32) -> (i32, i32) {
    %c0_i32 = arith.constant 0 : i32
    %c0_i32_0 = arith.constant 0 : i32
    return %arg0, %c0_i32 : i32, i32
  }
  func.func @transform_2(%arg0: i32) -> (i32, i32) {
    %c0_i32 = arith.constant 0 : i32
    %c0_i32_0 = arith.constant 0 : i32
    return %arg0, %c0_i32 : i32, i32
  }
  func.func @transform_3(%arg0: i32) -> (i32, i32) {
    %c0_i32 = arith.constant 0 : i32
    %c0_i32_0 = arith.constant 0 : i32
    return %arg0, %c0_i32 : i32, i32
  }
  func.func @transform_4(%arg0: i32) -> (i32, i32) {
    %c0_i32 = arith.constant 0 : i32
    %c0_i32_0 = arith.constant 0 : i32
    %c0_i32_1 = arith.constant 0 : i32
    return %c0_i32, %c0_i32_0 : i32, i32
  }
  func.func @transform_5(%arg0: i32) -> (i32, i32) {
    %c0_i32 = arith.constant 0 : i32
    %c0_i32_0 = arith.constant 0 : i32
    %c0_i32_1 = arith.constant 0 : i32
    return %c0_i32, %c0_i32_0 : i32, i32
  }
  func.func @transform_6(%arg0: i32) -> (i32, i32) {
    %c0_i32 = arith.constant 0 : i32
    %c0_i32_0 = arith.constant 0 : i32
    %c0_i32_1 = arith.constant 0 : i32
    return %c0_i32, %c0_i32_0 : i32, i32
  }
  func.func @transform_7(%arg0: i32) -> (i32, i32) {
    %c0_i32 = arith.constant 0 : i32
    %c0_i32_0 = arith.constant 0 : i32
    %c0_i32_1 = arith.constant 0 : i32
    return %c0_i32, %c0_i32_0 : i32, i32
  }
  func.func @transform_8(%arg0: i32) -> (i32, i32) {
    %c0_i32 = arith.constant 0 : i32
    %c0_i32_0 = arith.constant 0 : i32
    %c0_i32_1 = arith.constant 0 : i32
    return %c0_i32, %c0_i32_0 : i32, i32
  }
  func.func @transform_9(%arg0: i32) -> (i32, i32) {
    %c0_i32 = arith.constant 0 : i32
    %c0_i32_0 = arith.constant 0 : i32
    %c0_i32_1 = arith.constant 0 : i32
    return %c0_i32, %c0_i32_0 : i32, i32
  }
  func.func @transform_10(%arg0: i32) -> (i32, i32) {
    %c0_i32 = arith.constant 0 : i32
    %c0_i32_0 = arith.constant 0 : i32
    %c0_i32_1 = arith.constant 0 : i32
    return %c0_i32, %c0_i32_0 : i32, i32
  }
  func.func @transform_11(%arg0: i32) -> (i32, i32) {
    %c0_i32 = arith.constant 0 : i32
    %c0_i32_0 = arith.constant 0 : i32
    %c0_i32_1 = arith.constant 0 : i32
    return %c0_i32, %c0_i32_0 : i32, i32
  }
  func.func @transform_12(%arg0: i32) -> (i32, i32) {
    %c0_i32 = arith.constant 0 : i32
    %c0_i32_0 = arith.constant 0 : i32
    %c0_i32_1 = arith.constant 0 : i32
    return %c0_i32, %c0_i32_0 : i32, i32
  }
  func.func @transform_13(%arg0: i32) -> (i32, i32) {
    %c0_i32 = arith.constant 0 : i32
    %c0_i32_0 = arith.constant 0 : i32
    %c0_i32_1 = arith.constant 0 : i32
    return %c0_i32, %c0_i32_0 : i32, i32
  }
  func.func @transform_14(%arg0: i32) -> (i32, i32) {
    %c0_i32 = arith.constant 0 : i32
    %c0_i32_0 = arith.constant 0 : i32
    %c0_i32_1 = arith.constant 0 : i32
    return %c0_i32, %c0_i32_0 : i32, i32
  }
  func.func @transform_15(%arg0: i32) -> (i32, i32) {
    %c0_i32 = arith.constant 0 : i32
    %c0_i32_0 = arith.constant 0 : i32
    %c0_i32_1 = arith.constant 0 : i32
    return %c0_i32, %c0_i32_0 : i32, i32
  }
  func.func @transform_16(%arg0: i32) -> (i32, i32) {
    %c0_i32 = arith.constant 0 : i32
    %c0_i32_0 = arith.constant 0 : i32
    %c0_i32_1 = arith.constant 0 : i32
    return %c0_i32, %c0_i32_0 : i32, i32
  }
  func.func @transform_17(%arg0: i32) -> (i32, i32) {
    %c0_i32 = arith.constant 0 : i32
    %c0_i32_0 = arith.constant 0 : i32
    %c0_i32_1 = arith.constant 0 : i32
    return %c0_i32, %c0_i32_0 : i32, i32
  }
  func.func @transform_18(%arg0: i32) -> (i32, i32) {
    %c0_i32 = arith.constant 0 : i32
    %c0_i32_0 = arith.constant 0 : i32
    %c0_i32_1 = arith.constant 0 : i32
    return %c0_i32, %c0_i32_0 : i32, i32
  }
  func.func @transform_19(%arg0: i32) -> (i32, i32) {
    %c0_i32 = arith.constant 0 : i32
    %c0_i32_0 = arith.constant 0 : i32
    %c0_i32_1 = arith.constant 0 : i32
    return %c0_i32, %c0_i32_0 : i32, i32
  }
  func.func @transform_20(%arg0: i32) -> (i32, i32) {
    %c0_i32 = arith.constant 0 : i32
    %c0_i32_0 = arith.constant 0 : i32
    return %arg0, %c0_i32 : i32, i32
  }
  func.func @transform_21(%arg0: i32) -> (i32, i32) {
    %c0_i32 = arith.constant 0 : i32
    %c0_i32_0 = arith.constant 0 : i32
    return %arg0, %c0_i32 : i32, i32
  }
}

module attributes {stable_mosaic.version = 14 : i64} {
  func.func @body(%arg0: i32, %arg1: memref<320x128xf32, #tpu.memory_space<vmem>>, %arg2: memref<320x128xf32, #tpu.memory_space<vmem>>, %arg3: memref<5120x128xf32, #tpu.memory_space<vmem>>, %arg4: memref<5120x128xf32, #tpu.memory_space<vmem>>, %arg5: memref<5120x32xf32, #tpu.memory_space<vmem>>, %arg6: memref<128x256xf32, #tpu.memory_space<vmem>>, %arg7: memref<1x256xf32, #tpu.memory_space<vmem>>, %arg8: memref<128x256xf32, #tpu.memory_space<vmem>>, %arg9: memref<32x256xf32, #tpu.memory_space<vmem>>, %arg10: memref<32x256xf32, #tpu.memory_space<vmem>>, %arg11: memref<1x256xf32, #tpu.memory_space<vmem>>, %arg12: memref<128x256xf32, #tpu.memory_space<vmem>>, %arg13: memref<32x256xf32, #tpu.memory_space<vmem>>, %arg14: memref<32x256xf32, #tpu.memory_space<vmem>>, %arg15: memref<1x256xf32, #tpu.memory_space<vmem>>, %arg16: memref<256x128xf32, #tpu.memory_space<vmem>>, %arg17: memref<1x128xf32, #tpu.memory_space<vmem>>, %arg18: memref<128x128xf32, #tpu.memory_space<vmem>>, %arg19: memref<1x128xf32, #tpu.memory_space<vmem>>, %arg20: memref<128x128xf32, #tpu.memory_space<vmem>>, %arg21: memref<1x128xf32, #tpu.memory_space<vmem>>, %arg22: memref<256x8xf32, #tpu.memory_space<vmem>>, %arg23: memref<8x256xf32, #tpu.memory_space<vmem>>, %arg24: memref<320x128xf32, #tpu.memory_space<vmem>>, %arg25: memref<320x128xf32, #tpu.memory_space<vmem>>) attributes {dimension_semantics = [#tpu.dimension_semantics<arbitrary>], iteration_bounds = array<i64: 32>, scalar_prefetch = 0 : i64, scratch_operands = 0 : i64, tpu.core_type = #tpu.core_type<tc>, window_params = [{transform_indices = @transform_0, window_bounds = array<i64: 320, 128>}, {transform_indices = @transform_1, window_bounds = array<i64: 320, 128>}, {transform_indices = @transform_2, window_bounds = array<i64: 5120, 128>}, {transform_indices = @transform_3, window_bounds = array<i64: 5120, 128>}, {transform_indices = @transform_4, window_bounds = array<i64: 5120, 32>}, {pipeline_mode = #tpu.pipeline_mode<synchronous>, transform_indices = @transform_5, window_bounds = array<i64: 128, 256>}, {pipeline_mode = #tpu.pipeline_mode<synchronous>, transform_indices = @transform_6, window_bounds = array<i64: 1, 256>}, {pipeline_mode = #tpu.pipeline_mode<synchronous>, transform_indices = @transform_7, window_bounds = array<i64: 128, 256>}, {pipeline_mode = #tpu.pipeline_mode<synchronous>, transform_indices = @transform_8, window_bounds = array<i64: 32, 256>}, {pipeline_mode = #tpu.pipeline_mode<synchronous>, transform_indices = @transform_9, window_bounds = array<i64: 32, 256>}, {pipeline_mode = #tpu.pipeline_mode<synchronous>, transform_indices = @transform_10, window_bounds = array<i64: 1, 256>}, {pipeline_mode = #tpu.pipeline_mode<synchronous>, transform_indices = @transform_11, window_bounds = array<i64: 128, 256>}, {pipeline_mode = #tpu.pipeline_mode<synchronous>, transform_indices = @transform_12, window_bounds = array<i64: 32, 256>}, {pipeline_mode = #tpu.pipeline_mode<synchronous>, transform_indices = @transform_13, window_bounds = array<i64: 32, 256>}, {pipeline_mode = #tpu.pipeline_mode<synchronous>, transform_indices = @transform_14, window_bounds = array<i64: 1, 256>}, {pipeline_mode = #tpu.pipeline_mode<synchronous>, transform_indices = @transform_15, window_bounds = array<i64: 256, 128>}, {pipeline_mode = #tpu.pipeline_mode<synchronous>, transform_indices = @transform_16, window_bounds = array<i64: 1, 128>}, {pipeline_mode = #tpu.pipeline_mode<synchronous>, transform_indices = @transform_17, window_bounds = array<i64: 128, 128>}, {pipeline_mode = #tpu.pipeline_mode<synchronous>, transform_indices = @transform_18, window_bounds = array<i64: 1, 128>}, {pipeline_mode = #tpu.pipeline_mode<synchronous>, transform_indices = @transform_19, window_bounds = array<i64: 128, 128>}, {pipeline_mode = #tpu.pipeline_mode<synchronous>, transform_indices = @transform_20, window_bounds = array<i64: 1, 128>}, {pipeline_mode = #tpu.pipeline_mode<synchronous>, transform_indices = @transform_21, window_bounds = array<i64: 256, 8>}, {pipeline_mode = #tpu.pipeline_mode<synchronous>, transform_indices = @transform_22, window_bounds = array<i64: 8, 256>}, {transform_indices = @transform_23, window_bounds = array<i64: 320, 128>}, {transform_indices = @transform_24, window_bounds = array<i64: 320, 128>}]} {
    %get3A = arith.constant 0 : index
    %get3A_0 = arith.constant 0 : index
    %get3A_1 = vector.load %arg5[%get3A, %get3A_0] : memref<5120x32xf32, #tpu.memory_space<vmem>>, vector<5120x32xf32>
    %iota3A = tpu.iota {dimensions = array<i32: 0>} : vector<5120x1xi32>
    %mul3A = arith.constant 320 : i32
    %mul3A_2 = arith.muli %arg0, %mul3A : i32
    %jit3A = arith.constant 16 : i32
    %div3A = vector.broadcast %jit3A : i32 to vector<5120x1xi32>
    %div3A_3 = arith.divsi %iota3A, %div3A : vector<5120x1xi32>
    %sign3A = arith.constant 0 : i32
    %sign3A_4 = vector.broadcast %sign3A : i32 to vector<5120x1xi32>
    %sign3A_5 = arith.cmpi sgt, %iota3A, %sign3A_4 : vector<5120x1xi32>
    %sign3A_6 = arith.extui %sign3A_5 : vector<5120x1xi1> to vector<5120x1xi32>
    %sign3A_7 = arith.constant 0 : i32
    %sign3A_8 = vector.broadcast %sign3A_7 : i32 to vector<5120x1xi32>
    %sign3A_9 = arith.cmpi slt, %iota3A, %sign3A_8 : vector<5120x1xi32>
    %sign3A_10 = arith.extui %sign3A_9 : vector<5120x1xi1> to vector<5120x1xi32>
    %sign3A_11 = arith.subi %sign3A_6, %sign3A_10 : vector<5120x1xi32>
    %sign3A_12 = arith.constant 0 : i32
    %sign3A_13 = arith.cmpi sgt, %jit3A, %sign3A_12 : i32
    %sign3A_14 = arith.extui %sign3A_13 : i1 to i32
    %sign3A_15 = arith.constant 0 : i32
    %sign3A_16 = arith.cmpi slt, %jit3A, %sign3A_15 : i32
    %sign3A_17 = arith.extui %sign3A_16 : i1 to i32
    %sign3A_18 = arith.subi %sign3A_14, %sign3A_17 : i32
    %ne3A = vector.broadcast %sign3A_18 : i32 to vector<5120x1xi32>
    %ne3A_19 = arith.cmpi ne, %sign3A_11, %ne3A : vector<5120x1xi32>
    %rem3A = vector.broadcast %jit3A : i32 to vector<5120x1xi32>
    %rem3A_20 = arith.remsi %iota3A, %rem3A : vector<5120x1xi32>
    %ne3A_21 = arith.constant 0 : i32
    %ne3A_22 = vector.broadcast %ne3A_21 : i32 to vector<5120x1xi32>
    %ne3A_23 = arith.cmpi ne, %rem3A_20, %ne3A_22 : vector<5120x1xi32>
    %and3A = arith.andi %ne3A_19, %ne3A_23 : vector<5120x1xi1>
    %sub3A = arith.constant 1 : i32
    %sub3A_24 = vector.broadcast %sub3A : i32 to vector<5120x1xi32>
    %sub3A_25 = arith.subi %div3A_3, %sub3A_24 : vector<5120x1xi32>
    %select_n3A = arith.select %and3A, %sub3A_25, %div3A_3 : vector<5120x1xi1>, vector<5120x1xi32>
    %add3A = vector.broadcast %mul3A_2 : i32 to vector<5120x1xi32>
    %add3A_26 = arith.addi %add3A, %select_n3A : vector<5120x1xi32>
    %convert_element_type3A = arith.sitofp %add3A_26 : vector<5120x1xi32> to vector<5120x1xf32>
    %slice3A = vector.extract_strided_slice %get3A_1 {offsets = [0, 26], sizes = [5120, 1], strides = [1, 1]} : vector<5120x32xf32> to vector<5120x1xf32>
    %lt3A = arith.cmpf olt, %slice3A, %convert_element_type3A : vector<5120x1xf32>
    %get3A_27 = arith.constant 0 : index
    %get3A_28 = arith.constant 0 : index
    %get3A_29 = vector.load %arg3[%get3A_27, %get3A_28] : memref<5120x128xf32, #tpu.memory_space<vmem>>, vector<5120x128xf32>
    %get3A_30 = arith.constant 0 : index
    %get3A_31 = arith.constant 0 : index
    %get3A_32 = vector.load %arg4[%get3A_30, %get3A_31] : memref<5120x128xf32, #tpu.memory_space<vmem>>, vector<5120x128xf32>
    %broadcast_in_dim3A = vector.shape_cast %lt3A : vector<5120x1xi1> to vector<5120x1xi1>
    %broadcast_in_dim3A_33 = vector.broadcast %broadcast_in_dim3A : vector<5120x1xi1> to vector<5120x128xi1>
    %select_n3A_34 = arith.select %broadcast_in_dim3A_33, %get3A_29, %get3A_32 : vector<5120x128xi1>, vector<5120x128xf32>
    %slice3A_35 = vector.extract_strided_slice %get3A_1 {offsets = [0, 25], sizes = [5120, 1], strides = [1, 1]} : vector<5120x32xf32> to vector<5120x1xf32>
    %convert_element_type3A_36 = arith.fptosi %slice3A_35 : vector<5120x1xf32> to vector<5120x1xi32>
    %iota3A_37 = tpu.iota {dimensions = array<i32: 1>} : vector<5120x32xi32>
    %eq3A = vector.broadcast %convert_element_type3A_36 : vector<5120x1xi32> to vector<5120x32xi32>
    %eq3A_38 = arith.cmpi eq, %eq3A, %iota3A_37 : vector<5120x32xi32>
    %and3A_39 = vector.broadcast %lt3A : vector<5120x1xi1> to vector<5120x32xi1>
    %and3A_40 = arith.andi %eq3A_38, %and3A_39 : vector<5120x32xi1>
    %jit3A_41 = arith.constant 1.000000e+00 : f32
    %jit3A_42 = arith.constant 0.000000e+00 : f32
    %broadcast_in_dim3A_43 = vector.broadcast %jit3A_41 : f32 to vector<5120x32xf32>
    %broadcast_in_dim3A_44 = vector.broadcast %jit3A_42 : f32 to vector<5120x32xf32>
    %select_n3A_45 = arith.select %and3A_40, %broadcast_in_dim3A_43, %broadcast_in_dim3A_44 : vector<5120x32xi1>, vector<5120x32xf32>
    %get3A_46 = arith.constant 0 : index
    %get3A_47 = arith.constant 0 : index
    %get3A_48 = vector.load %arg2[%get3A_46, %get3A_47] : memref<320x128xf32, #tpu.memory_space<vmem>>, vector<320x128xf32>
    %get3A_49 = arith.constant 0 : index
    %get3A_50 = arith.constant 0 : index
    %get3A_51 = vector.load %arg6[%get3A_49, %get3A_50] : memref<128x256xf32, #tpu.memory_space<vmem>>, vector<128x256xf32>
    %dot_general3A = arith.constant dense<0.000000e+00> : vector<320x256xf32>
    %dot_general3A_52 = tpu.matmul %get3A_48, %get3A_51, %dot_general3A {dimension_numbers = #tpu.dot_dimension_numbers<[1], [0], [0], [1], [0, 0, 1, 1], [], []>, transpose_lhs_hint = false} : vector<320x128xf32>, vector<128x256xf32>, vector<320x256xf32> -> vector<320x256xf32>
    %get3A_53 = arith.constant 0 : index
    %get3A_54 = arith.constant 0 : index
    %get3A_55 = vector.load %arg7[%get3A_53, %get3A_54] : memref<1x256xf32, #tpu.memory_space<vmem>>, vector<1x256xf32>
    %add3A_56 = vector.broadcast %get3A_55 : vector<1x256xf32> to vector<320x256xf32>
    %add3A_57 = arith.addf %dot_general3A_52, %add3A_56 : vector<320x256xf32>
    %get3A_58 = arith.constant 0 : index
    %get3A_59 = arith.constant 0 : index
    %get3A_60 = vector.load %arg8[%get3A_58, %get3A_59] : memref<128x256xf32, #tpu.memory_space<vmem>>, vector<128x256xf32>
    %dot_general3A_61 = arith.constant dense<0.000000e+00> : vector<5120x256xf32>
    %dot_general3A_62 = tpu.matmul %select_n3A_34, %get3A_60, %dot_general3A_61 {dimension_numbers = #tpu.dot_dimension_numbers<[1], [0], [0], [1], [0, 0, 1, 1], [], []>, transpose_lhs_hint = false} : vector<5120x128xf32>, vector<128x256xf32>, vector<5120x256xf32> -> vector<5120x256xf32>
    %get3A_63 = arith.constant 0 : index
    %get3A_64 = arith.constant 0 : index
    %get3A_65 = vector.load %arg9[%get3A_63, %get3A_64] : memref<32x256xf32, #tpu.memory_space<vmem>>, vector<32x256xf32>
    %dot_general3A_66 = arith.constant dense<0.000000e+00> : vector<5120x256xf32>
    %dot_general3A_67 = tpu.matmul %get3A_1, %get3A_65, %dot_general3A_66 {dimension_numbers = #tpu.dot_dimension_numbers<[1], [0], [0], [1], [0, 0, 1, 1], [], []>, transpose_lhs_hint = false} : vector<5120x32xf32>, vector<32x256xf32>, vector<5120x256xf32> -> vector<5120x256xf32>
    %add3A_68 = arith.addf %dot_general3A_62, %dot_general3A_67 : vector<5120x256xf32>
    %get3A_69 = arith.constant 0 : index
    %get3A_70 = arith.constant 0 : index
    %get3A_71 = vector.load %arg10[%get3A_69, %get3A_70] : memref<32x256xf32, #tpu.memory_space<vmem>>, vector<32x256xf32>
    %dot_general3A_72 = arith.constant dense<0.000000e+00> : vector<5120x256xf32>
    %dot_general3A_73 = tpu.matmul %select_n3A_45, %get3A_71, %dot_general3A_72 {dimension_numbers = #tpu.dot_dimension_numbers<[1], [0], [0], [1], [0, 0, 1, 1], [], []>, transpose_lhs_hint = false} : vector<5120x32xf32>, vector<32x256xf32>, vector<5120x256xf32> -> vector<5120x256xf32>
    %add3A_74 = arith.addf %add3A_68, %dot_general3A_73 : vector<5120x256xf32>
    %get3A_75 = arith.constant 0 : index
    %get3A_76 = arith.constant 0 : index
    %get3A_77 = vector.load %arg11[%get3A_75, %get3A_76] : memref<1x256xf32, #tpu.memory_space<vmem>>, vector<1x256xf32>
    %add3A_78 = vector.broadcast %get3A_77 : vector<1x256xf32> to vector<5120x256xf32>
    %add3A_79 = arith.addf %add3A_74, %add3A_78 : vector<5120x256xf32>
    %get3A_80 = arith.constant 0 : index
    %get3A_81 = arith.constant 0 : index
    %get3A_82 = vector.load %arg12[%get3A_80, %get3A_81] : memref<128x256xf32, #tpu.memory_space<vmem>>, vector<128x256xf32>
    %dot_general3A_83 = arith.constant dense<0.000000e+00> : vector<5120x256xf32>
    %dot_general3A_84 = tpu.matmul %select_n3A_34, %get3A_82, %dot_general3A_83 {dimension_numbers = #tpu.dot_dimension_numbers<[1], [0], [0], [1], [0, 0, 1, 1], [], []>, transpose_lhs_hint = false} : vector<5120x128xf32>, vector<128x256xf32>, vector<5120x256xf32> -> vector<5120x256xf32>
    %get3A_85 = arith.constant 0 : index
    %get3A_86 = arith.constant 0 : index
    %get3A_87 = vector.load %arg13[%get3A_85, %get3A_86] : memref<32x256xf32, #tpu.memory_space<vmem>>, vector<32x256xf32>
    %dot_general3A_88 = arith.constant dense<0.000000e+00> : vector<5120x256xf32>
    %dot_general3A_89 = tpu.matmul %get3A_1, %get3A_87, %dot_general3A_88 {dimension_numbers = #tpu.dot_dimension_numbers<[1], [0], [0], [1], [0, 0, 1, 1], [], []>, transpose_lhs_hint = false} : vector<5120x32xf32>, vector<32x256xf32>, vector<5120x256xf32> -> vector<5120x256xf32>
    %add3A_90 = arith.addf %dot_general3A_84, %dot_general3A_89 : vector<5120x256xf32>
    %get3A_91 = arith.constant 0 : index
    %get3A_92 = arith.constant 0 : index
    %get3A_93 = vector.load %arg14[%get3A_91, %get3A_92] : memref<32x256xf32, #tpu.memory_space<vmem>>, vector<32x256xf32>
    %dot_general3A_94 = arith.constant dense<0.000000e+00> : vector<5120x256xf32>
    %dot_general3A_95 = tpu.matmul %select_n3A_45, %get3A_93, %dot_general3A_94 {dimension_numbers = #tpu.dot_dimension_numbers<[1], [0], [0], [1], [0, 0, 1, 1], [], []>, transpose_lhs_hint = false} : vector<5120x32xf32>, vector<32x256xf32>, vector<5120x256xf32> -> vector<5120x256xf32>
    %add3A_96 = arith.addf %add3A_90, %dot_general3A_95 : vector<5120x256xf32>
    %get3A_97 = arith.constant 0 : index
    %get3A_98 = arith.constant 0 : index
    %get3A_99 = vector.load %arg15[%get3A_97, %get3A_98] : memref<1x256xf32, #tpu.memory_space<vmem>>, vector<1x256xf32>
    %add3A_100 = vector.broadcast %get3A_99 : vector<1x256xf32> to vector<5120x256xf32>
    %add3A_101 = arith.addf %add3A_96, %add3A_100 : vector<5120x256xf32>
    %broadcast_in_dim3A_102 = vector.shape_cast %add3A_57 : vector<320x256xf32> to vector<320x1x256xf32>
    %broadcast_in_dim3A_103 = vector.shape_cast %broadcast_in_dim3A_102 : vector<320x1x256xf32> to vector<320x1x256xf32>
    %broadcast_in_dim3A_104 = vector.broadcast %broadcast_in_dim3A_103 : vector<320x1x256xf32> to vector<320x16x256xf32>
    %reshape3A = vector.shape_cast %broadcast_in_dim3A_104 : vector<320x16x256xf32> to vector<5120x256xf32>
    %mul3A_105 = arith.mulf %reshape3A, %add3A_79 : vector<5120x256xf32>
    %get3A_106 = arith.constant 0 : index
    %get3A_107 = arith.constant 0 : index
    %get3A_108 = vector.load %arg22[%get3A_106, %get3A_107] : memref<256x8xf32, #tpu.memory_space<vmem>>, vector<256x8xf32>
    %dot_general3A_109 = arith.constant dense<0.000000e+00> : vector<5120x8xf32>
    %dot_general3A_110 = tpu.matmul %mul3A_105, %get3A_108, %dot_general3A_109 {dimension_numbers = #tpu.dot_dimension_numbers<[1], [0], [0], [1], [0, 0, 1, 1], [], []>, transpose_lhs_hint = false} : vector<5120x256xf32>, vector<256x8xf32>, vector<5120x8xf32> -> vector<5120x8xf32>
    %mul3A_111 = arith.constant 0.176776692 : f32
    %mul3A_112 = vector.broadcast %mul3A_111 : f32 to vector<5120x8xf32>
    %mul3A_113 = arith.mulf %dot_general3A_110, %mul3A_112 : vector<5120x8xf32>
    %reshape3A_114 = vector.shape_cast %mul3A_113 : vector<5120x8xf32> to vector<320x16x8xf32>
    %reduce_max3A = arith.constant dense<0xFF800000> : vector<320x8xf32>
    %reduce_max3A_115 = vector.multi_reduction <maximumf>, %reshape3A_114, %reduce_max3A [1] : vector<320x16x8xf32> to vector<320x8xf32>
    %broadcast_in_dim3A_116 = vector.shape_cast %reduce_max3A_115 : vector<320x8xf32> to vector<320x1x8xf32>
    %sub3A_117 = vector.broadcast %broadcast_in_dim3A_116 : vector<320x1x8xf32> to vector<320x16x8xf32>
    %sub3A_118 = arith.subf %reshape3A_114, %sub3A_117 : vector<320x16x8xf32>
    %exp3A = math.exp %sub3A_118 : vector<320x16x8xf32>
    %reduce_sum3A = arith.constant dense<0.000000e+00> : vector<320x8xf32>
    %reduce_sum3A_119 = vector.multi_reduction <add>, %exp3A, %reduce_sum3A [1] : vector<320x16x8xf32> to vector<320x8xf32>
    %broadcast_in_dim3A_120 = vector.shape_cast %reduce_sum3A_119 : vector<320x8xf32> to vector<320x1x8xf32>
    %div3A_121 = vector.broadcast %broadcast_in_dim3A_120 : vector<320x1x8xf32> to vector<320x16x8xf32>
    %div3A_122 = arith.divf %exp3A, %div3A_121 : vector<320x16x8xf32>
    %reshape3A_123 = vector.shape_cast %div3A_122 : vector<320x16x8xf32> to vector<5120x8xf32>
    %get3A_124 = arith.constant 0 : index
    %get3A_125 = arith.constant 0 : index
    %get3A_126 = vector.load %arg23[%get3A_124, %get3A_125] : memref<8x256xf32, #tpu.memory_space<vmem>>, vector<8x256xf32>
    %dot_general3A_127 = arith.constant dense<0.000000e+00> : vector<5120x256xf32>
    %dot_general3A_128 = tpu.matmul %reshape3A_123, %get3A_126, %dot_general3A_127 {dimension_numbers = #tpu.dot_dimension_numbers<[1], [0], [0], [1], [0, 0, 1, 1], [], []>, transpose_lhs_hint = false} : vector<5120x8xf32>, vector<8x256xf32>, vector<5120x256xf32> -> vector<5120x256xf32>
    %mul3A_129 = arith.mulf %dot_general3A_128, %add3A_101 : vector<5120x256xf32>
    %reshape3A_130 = vector.shape_cast %mul3A_129 : vector<5120x256xf32> to vector<320x16x256xf32>
    %reduce_sum3A_131 = arith.constant dense<0.000000e+00> : vector<320x256xf32>
    %reduce_sum3A_132 = vector.multi_reduction <add>, %reshape3A_130, %reduce_sum3A_131 [1] : vector<320x16x256xf32> to vector<320x256xf32>
    %get3A_133 = arith.constant 0 : index
    %get3A_134 = arith.constant 0 : index
    %get3A_135 = vector.load %arg16[%get3A_133, %get3A_134] : memref<256x128xf32, #tpu.memory_space<vmem>>, vector<256x128xf32>
    %dot_general3A_136 = arith.constant dense<0.000000e+00> : vector<320x128xf32>
    %dot_general3A_137 = tpu.matmul %reduce_sum3A_132, %get3A_135, %dot_general3A_136 {dimension_numbers = #tpu.dot_dimension_numbers<[1], [0], [0], [1], [0, 0, 1, 1], [], []>, transpose_lhs_hint = false} : vector<320x256xf32>, vector<256x128xf32>, vector<320x128xf32> -> vector<320x128xf32>
    %get3A_138 = arith.constant 0 : index
    %get3A_139 = arith.constant 0 : index
    %get3A_140 = vector.load %arg17[%get3A_138, %get3A_139] : memref<1x128xf32, #tpu.memory_space<vmem>>, vector<1x128xf32>
    %add3A_141 = vector.broadcast %get3A_140 : vector<1x128xf32> to vector<320x128xf32>
    %add3A_142 = arith.addf %dot_general3A_137, %add3A_141 : vector<320x128xf32>
    %get3A_143 = arith.constant 0 : index
    %get3A_144 = arith.constant 0 : index
    %get3A_145 = vector.load %arg1[%get3A_143, %get3A_144] : memref<320x128xf32, #tpu.memory_space<vmem>>, vector<320x128xf32>
    %add3A_146 = arith.addf %get3A_145, %add3A_142 : vector<320x128xf32>
    %max3A = arith.constant 0.000000e+00 : f32
    %max3A_147 = vector.broadcast %max3A : f32 to vector<320x128xf32>
    %max3A_148 = arith.maximumf %add3A_146, %max3A_147 : vector<320x128xf32>
    %get3A_149 = arith.constant 0 : index
    %get3A_150 = arith.constant 0 : index
    %get3A_151 = vector.load %arg18[%get3A_149, %get3A_150] : memref<128x128xf32, #tpu.memory_space<vmem>>, vector<128x128xf32>
    %dot_general3A_152 = arith.constant dense<0.000000e+00> : vector<320x128xf32>
    %dot_general3A_153 = tpu.matmul %max3A_148, %get3A_151, %dot_general3A_152 {dimension_numbers = #tpu.dot_dimension_numbers<[1], [0], [0], [1], [0, 0, 1, 1], [], []>, transpose_lhs_hint = false} : vector<320x128xf32>, vector<128x128xf32>, vector<320x128xf32> -> vector<320x128xf32>
    %get3A_154 = arith.constant 0 : index
    %get3A_155 = arith.constant 0 : index
    %get3A_156 = vector.load %arg19[%get3A_154, %get3A_155] : memref<1x128xf32, #tpu.memory_space<vmem>>, vector<1x128xf32>
    %add3A_157 = vector.broadcast %get3A_156 : vector<1x128xf32> to vector<320x128xf32>
    %add3A_158 = arith.addf %dot_general3A_153, %add3A_157 : vector<320x128xf32>
    %max3A_159 = arith.constant 0.000000e+00 : f32
    %max3A_160 = vector.broadcast %max3A_159 : f32 to vector<320x128xf32>
    %max3A_161 = arith.maximumf %add3A_158, %max3A_160 : vector<320x128xf32>
    %get3A_162 = arith.constant 0 : index
    %get3A_163 = arith.constant 0 : index
    %get3A_164 = vector.load %arg20[%get3A_162, %get3A_163] : memref<128x128xf32, #tpu.memory_space<vmem>>, vector<128x128xf32>
    %dot_general3A_165 = arith.constant dense<0.000000e+00> : vector<320x128xf32>
    %dot_general3A_166 = tpu.matmul %max3A_161, %get3A_164, %dot_general3A_165 {dimension_numbers = #tpu.dot_dimension_numbers<[1], [0], [0], [1], [0, 0, 1, 1], [], []>, transpose_lhs_hint = false} : vector<320x128xf32>, vector<128x128xf32>, vector<320x128xf32> -> vector<320x128xf32>
    %get3A_167 = arith.constant 0 : index
    %get3A_168 = arith.constant 0 : index
    %get3A_169 = vector.load %arg21[%get3A_167, %get3A_168] : memref<1x128xf32, #tpu.memory_space<vmem>>, vector<1x128xf32>
    %add3A_170 = vector.broadcast %get3A_169 : vector<1x128xf32> to vector<320x128xf32>
    %add3A_171 = arith.addf %dot_general3A_166, %add3A_170 : vector<320x128xf32>
    %max3A_172 = arith.constant 0.000000e+00 : f32
    %max3A_173 = vector.broadcast %max3A_172 : f32 to vector<320x128xf32>
    %max3A_174 = arith.maximumf %add3A_171, %max3A_173 : vector<320x128xf32>
    %swap3A = arith.constant 0 : index
    %swap3A_175 = arith.constant 0 : index
    %swap3A_176 = vector.load %arg24[%swap3A, %swap3A_175] : memref<320x128xf32, #tpu.memory_space<vmem>>, vector<320x128xf32>
    tpu.vector_store %arg24[%swap3A, %swap3A_175], %add3A_146 {strides = array<i32>} : memref<320x128xf32, #tpu.memory_space<vmem>>, vector<320x128xf32>,
    %swap3A_177 = arith.constant 0 : index
    %swap3A_178 = arith.constant 0 : index
    %swap3A_179 = vector.load %arg25[%swap3A_177, %swap3A_178] : memref<320x128xf32, #tpu.memory_space<vmem>>, vector<320x128xf32>
    tpu.vector_store %arg25[%swap3A_177, %swap3A_178], %max3A_174 {strides = array<i32>} : memref<320x128xf32, #tpu.memory_space<vmem>>, vector<320x128xf32>,
    return
  }
  func.func @transform_0(%arg0: i32) -> (i32, i32) {
    %c0_i32 = arith.constant 0 : i32
    %c0_i32_0 = arith.constant 0 : i32
    return %arg0, %c0_i32 : i32, i32
  }
  func.func @transform_1(%arg0: i32) -> (i32, i32) {
    %c0_i32 = arith.constant 0 : i32
    %c0_i32_0 = arith.constant 0 : i32
    return %arg0, %c0_i32 : i32, i32
  }
  func.func @transform_2(%arg0: i32) -> (i32, i32) {
    %c0_i32 = arith.constant 0 : i32
    %c0_i32_0 = arith.constant 0 : i32
    return %arg0, %c0_i32 : i32, i32
  }
  func.func @transform_3(%arg0: i32) -> (i32, i32) {
    %c0_i32 = arith.constant 0 : i32
    %c0_i32_0 = arith.constant 0 : i32
    return %arg0, %c0_i32 : i32, i32
  }
  func.func @transform_4(%arg0: i32) -> (i32, i32) {
    %c0_i32 = arith.constant 0 : i32
    %c0_i32_0 = arith.constant 0 : i32
    return %arg0, %c0_i32 : i32, i32
  }
  func.func @transform_5(%arg0: i32) -> (i32, i32) {
    %c0_i32 = arith.constant 0 : i32
    %c0_i32_0 = arith.constant 0 : i32
    %c0_i32_1 = arith.constant 0 : i32
    return %c0_i32, %c0_i32_0 : i32, i32
  }
  func.func @transform_6(%arg0: i32) -> (i32, i32) {
    %c0_i32 = arith.constant 0 : i32
    %c0_i32_0 = arith.constant 0 : i32
    %c0_i32_1 = arith.constant 0 : i32
    return %c0_i32, %c0_i32_0 : i32, i32
  }
  func.func @transform_7(%arg0: i32) -> (i32, i32) {
    %c0_i32 = arith.constant 0 : i32
    %c0_i32_0 = arith.constant 0 : i32
    %c0_i32_1 = arith.constant 0 : i32
    return %c0_i32, %c0_i32_0 : i32, i32
  }
  func.func @transform_8(%arg0: i32) -> (i32, i32) {
    %c0_i32 = arith.constant 0 : i32
    %c0_i32_0 = arith.constant 0 : i32
    %c0_i32_1 = arith.constant 0 : i32
    return %c0_i32, %c0_i32_0 : i32, i32
  }
  func.func @transform_9(%arg0: i32) -> (i32, i32) {
    %c0_i32 = arith.constant 0 : i32
    %c0_i32_0 = arith.constant 0 : i32
    %c0_i32_1 = arith.constant 0 : i32
    return %c0_i32, %c0_i32_0 : i32, i32
  }
  func.func @transform_10(%arg0: i32) -> (i32, i32) {
    %c0_i32 = arith.constant 0 : i32
    %c0_i32_0 = arith.constant 0 : i32
    %c0_i32_1 = arith.constant 0 : i32
    return %c0_i32, %c0_i32_0 : i32, i32
  }
  func.func @transform_11(%arg0: i32) -> (i32, i32) {
    %c0_i32 = arith.constant 0 : i32
    %c0_i32_0 = arith.constant 0 : i32
    %c0_i32_1 = arith.constant 0 : i32
    return %c0_i32, %c0_i32_0 : i32, i32
  }
  func.func @transform_12(%arg0: i32) -> (i32, i32) {
    %c0_i32 = arith.constant 0 : i32
    %c0_i32_0 = arith.constant 0 : i32
    %c0_i32_1 = arith.constant 0 : i32
    return %c0_i32, %c0_i32_0 : i32, i32
  }
  func.func @transform_13(%arg0: i32) -> (i32, i32) {
    %c0_i32 = arith.constant 0 : i32
    %c0_i32_0 = arith.constant 0 : i32
    %c0_i32_1 = arith.constant 0 : i32
    return %c0_i32, %c0_i32_0 : i32, i32
  }
  func.func @transform_14(%arg0: i32) -> (i32, i32) {
    %c0_i32 = arith.constant 0 : i32
    %c0_i32_0 = arith.constant 0 : i32
    %c0_i32_1 = arith.constant 0 : i32
    return %c0_i32, %c0_i32_0 : i32, i32
  }
  func.func @transform_15(%arg0: i32) -> (i32, i32) {
    %c0_i32 = arith.constant 0 : i32
    %c0_i32_0 = arith.constant 0 : i32
    %c0_i32_1 = arith.constant 0 : i32
    return %c0_i32, %c0_i32_0 : i32, i32
  }
  func.func @transform_16(%arg0: i32) -> (i32, i32) {
    %c0_i32 = arith.constant 0 : i32
    %c0_i32_0 = arith.constant 0 : i32
    %c0_i32_1 = arith.constant 0 : i32
    return %c0_i32, %c0_i32_0 : i32, i32
  }
  func.func @transform_17(%arg0: i32) -> (i32, i32) {
    %c0_i32 = arith.constant 0 : i32
    %c0_i32_0 = arith.constant 0 : i32
    %c0_i32_1 = arith.constant 0 : i32
    return %c0_i32, %c0_i32_0 : i32, i32
  }
  func.func @transform_18(%arg0: i32) -> (i32, i32) {
    %c0_i32 = arith.constant 0 : i32
    %c0_i32_0 = arith.constant 0 : i32
    %c0_i32_1 = arith.constant 0 : i32
    return %c0_i32, %c0_i32_0 : i32, i32
  }
  func.func @transform_19(%arg0: i32) -> (i32, i32) {
    %c0_i32 = arith.constant 0 : i32
    %c0_i32_0 = arith.constant 0 : i32
    %c0_i32_1 = arith.constant 0 : i32
    return %c0_i32, %c0_i32_0 : i32, i32
  }
  func.func @transform_20(%arg0: i32) -> (i32, i32) {
    %c0_i32 = arith.constant 0 : i32
    %c0_i32_0 = arith.constant 0 : i32
    %c0_i32_1 = arith.constant 0 : i32
    return %c0_i32, %c0_i32_0 : i32, i32
  }
  func.func @transform_21(%arg0: i32) -> (i32, i32) {
    %c0_i32 = arith.constant 0 : i32
    %c0_i32_0 = arith.constant 0 : i32
    %c0_i32_1 = arith.constant 0 : i32
    return %c0_i32, %c0_i32_0 : i32, i32
  }
  func.func @transform_22(%arg0: i32) -> (i32, i32) {
    %c0_i32 = arith.constant 0 : i32
    %c0_i32_0 = arith.constant 0 : i32
    %c0_i32_1 = arith.constant 0 : i32
    return %c0_i32, %c0_i32_0 : i32, i32
  }
  func.func @transform_23(%arg0: i32) -> (i32, i32) {
    %c0_i32 = arith.constant 0 : i32
    %c0_i32_0 = arith.constant 0 : i32
    return %arg0, %c0_i32 : i32, i32
  }
  func.func @transform_24(%arg0: i32) -> (i32, i32) {
    %c0_i32 = arith.constant 0 : i32
    %c0_i32_0 = arith.constant 0 : i32
    return %arg0, %c0_i32 : i32, i32
  }
}

module attributes {stable_mosaic.version = 14 : i64} {
  func.func @body(%arg0: i32, %arg1: memref<320x128xf32, #tpu.memory_space<vmem>>, %arg2: memref<320x128xf32, #tpu.memory_space<vmem>>, %arg3: memref<5120x128xf32, #tpu.memory_space<vmem>>, %arg4: memref<5120x128xf32, #tpu.memory_space<vmem>>, %arg5: memref<5120x32xf32, #tpu.memory_space<vmem>>, %arg6: memref<128x256xf32, #tpu.memory_space<vmem>>, %arg7: memref<1x256xf32, #tpu.memory_space<vmem>>, %arg8: memref<128x256xf32, #tpu.memory_space<vmem>>, %arg9: memref<32x256xf32, #tpu.memory_space<vmem>>, %arg10: memref<32x256xf32, #tpu.memory_space<vmem>>, %arg11: memref<1x256xf32, #tpu.memory_space<vmem>>, %arg12: memref<128x256xf32, #tpu.memory_space<vmem>>, %arg13: memref<32x256xf32, #tpu.memory_space<vmem>>, %arg14: memref<32x256xf32, #tpu.memory_space<vmem>>, %arg15: memref<1x256xf32, #tpu.memory_space<vmem>>, %arg16: memref<256x128xf32, #tpu.memory_space<vmem>>, %arg17: memref<1x128xf32, #tpu.memory_space<vmem>>, %arg18: memref<128x32xf32, #tpu.memory_space<vmem>>, %arg19: memref<1x32xf32, #tpu.memory_space<vmem>>, %arg20: memref<256x8xf32, #tpu.memory_space<vmem>>, %arg21: memref<8x256xf32, #tpu.memory_space<vmem>>, %arg22: memref<320x32xf32, #tpu.memory_space<vmem>>) attributes {dimension_semantics = [#tpu.dimension_semantics<arbitrary>], iteration_bounds = array<i64: 32>, scalar_prefetch = 0 : i64, scratch_operands = 0 : i64, tpu.core_type = #tpu.core_type<tc>, window_params = [{transform_indices = @transform_0, window_bounds = array<i64: 320, 128>}, {transform_indices = @transform_1, window_bounds = array<i64: 320, 128>}, {transform_indices = @transform_2, window_bounds = array<i64: 5120, 128>}, {transform_indices = @transform_3, window_bounds = array<i64: 5120, 128>}, {transform_indices = @transform_4, window_bounds = array<i64: 5120, 32>}, {pipeline_mode = #tpu.pipeline_mode<synchronous>, transform_indices = @transform_5, window_bounds = array<i64: 128, 256>}, {pipeline_mode = #tpu.pipeline_mode<synchronous>, transform_indices = @transform_6, window_bounds = array<i64: 1, 256>}, {pipeline_mode = #tpu.pipeline_mode<synchronous>, transform_indices = @transform_7, window_bounds = array<i64: 128, 256>}, {pipeline_mode = #tpu.pipeline_mode<synchronous>, transform_indices = @transform_8, window_bounds = array<i64: 32, 256>}, {pipeline_mode = #tpu.pipeline_mode<synchronous>, transform_indices = @transform_9, window_bounds = array<i64: 32, 256>}, {pipeline_mode = #tpu.pipeline_mode<synchronous>, transform_indices = @transform_10, window_bounds = array<i64: 1, 256>}, {pipeline_mode = #tpu.pipeline_mode<synchronous>, transform_indices = @transform_11, window_bounds = array<i64: 128, 256>}, {pipeline_mode = #tpu.pipeline_mode<synchronous>, transform_indices = @transform_12, window_bounds = array<i64: 32, 256>}, {pipeline_mode = #tpu.pipeline_mode<synchronous>, transform_indices = @transform_13, window_bounds = array<i64: 32, 256>}, {pipeline_mode = #tpu.pipeline_mode<synchronous>, transform_indices = @transform_14, window_bounds = array<i64: 1, 256>}, {pipeline_mode = #tpu.pipeline_mode<synchronous>, transform_indices = @transform_15, window_bounds = array<i64: 256, 128>}, {pipeline_mode = #tpu.pipeline_mode<synchronous>, transform_indices = @transform_16, window_bounds = array<i64: 1, 128>}, {pipeline_mode = #tpu.pipeline_mode<synchronous>, transform_indices = @transform_17, window_bounds = array<i64: 128, 32>}, {pipeline_mode = #tpu.pipeline_mode<synchronous>, transform_indices = @transform_18, window_bounds = array<i64: 1, 32>}, {pipeline_mode = #tpu.pipeline_mode<synchronous>, transform_indices = @transform_19, window_bounds = array<i64: 256, 8>}, {pipeline_mode = #tpu.pipeline_mode<synchronous>, transform_indices = @transform_20, window_bounds = array<i64: 8, 256>}, {transform_indices = @transform_21, window_bounds = array<i64: 320, 32>}]} {
    %get3A = arith.constant 0 : index
    %get3A_0 = arith.constant 0 : index
    %get3A_1 = vector.load %arg5[%get3A, %get3A_0] : memref<5120x32xf32, #tpu.memory_space<vmem>>, vector<5120x32xf32>
    %iota3A = tpu.iota {dimensions = array<i32: 0>} : vector<5120x1xi32>
    %mul3A = arith.constant 320 : i32
    %mul3A_2 = arith.muli %arg0, %mul3A : i32
    %jit3A = arith.constant 16 : i32
    %div3A = vector.broadcast %jit3A : i32 to vector<5120x1xi32>
    %div3A_3 = arith.divsi %iota3A, %div3A : vector<5120x1xi32>
    %sign3A = arith.constant 0 : i32
    %sign3A_4 = vector.broadcast %sign3A : i32 to vector<5120x1xi32>
    %sign3A_5 = arith.cmpi sgt, %iota3A, %sign3A_4 : vector<5120x1xi32>
    %sign3A_6 = arith.extui %sign3A_5 : vector<5120x1xi1> to vector<5120x1xi32>
    %sign3A_7 = arith.constant 0 : i32
    %sign3A_8 = vector.broadcast %sign3A_7 : i32 to vector<5120x1xi32>
    %sign3A_9 = arith.cmpi slt, %iota3A, %sign3A_8 : vector<5120x1xi32>
    %sign3A_10 = arith.extui %sign3A_9 : vector<5120x1xi1> to vector<5120x1xi32>
    %sign3A_11 = arith.subi %sign3A_6, %sign3A_10 : vector<5120x1xi32>
    %sign3A_12 = arith.constant 0 : i32
    %sign3A_13 = arith.cmpi sgt, %jit3A, %sign3A_12 : i32
    %sign3A_14 = arith.extui %sign3A_13 : i1 to i32
    %sign3A_15 = arith.constant 0 : i32
    %sign3A_16 = arith.cmpi slt, %jit3A, %sign3A_15 : i32
    %sign3A_17 = arith.extui %sign3A_16 : i1 to i32
    %sign3A_18 = arith.subi %sign3A_14, %sign3A_17 : i32
    %ne3A = vector.broadcast %sign3A_18 : i32 to vector<5120x1xi32>
    %ne3A_19 = arith.cmpi ne, %sign3A_11, %ne3A : vector<5120x1xi32>
    %rem3A = vector.broadcast %jit3A : i32 to vector<5120x1xi32>
    %rem3A_20 = arith.remsi %iota3A, %rem3A : vector<5120x1xi32>
    %ne3A_21 = arith.constant 0 : i32
    %ne3A_22 = vector.broadcast %ne3A_21 : i32 to vector<5120x1xi32>
    %ne3A_23 = arith.cmpi ne, %rem3A_20, %ne3A_22 : vector<5120x1xi32>
    %and3A = arith.andi %ne3A_19, %ne3A_23 : vector<5120x1xi1>
    %sub3A = arith.constant 1 : i32
    %sub3A_24 = vector.broadcast %sub3A : i32 to vector<5120x1xi32>
    %sub3A_25 = arith.subi %div3A_3, %sub3A_24 : vector<5120x1xi32>
    %select_n3A = arith.select %and3A, %sub3A_25, %div3A_3 : vector<5120x1xi1>, vector<5120x1xi32>
    %add3A = vector.broadcast %mul3A_2 : i32 to vector<5120x1xi32>
    %add3A_26 = arith.addi %add3A, %select_n3A : vector<5120x1xi32>
    %convert_element_type3A = arith.sitofp %add3A_26 : vector<5120x1xi32> to vector<5120x1xf32>
    %slice3A = vector.extract_strided_slice %get3A_1 {offsets = [0, 26], sizes = [5120, 1], strides = [1, 1]} : vector<5120x32xf32> to vector<5120x1xf32>
    %lt3A = arith.cmpf olt, %slice3A, %convert_element_type3A : vector<5120x1xf32>
    %get3A_27 = arith.constant 0 : index
    %get3A_28 = arith.constant 0 : index
    %get3A_29 = vector.load %arg3[%get3A_27, %get3A_28] : memref<5120x128xf32, #tpu.memory_space<vmem>>, vector<5120x128xf32>
    %get3A_30 = arith.constant 0 : index
    %get3A_31 = arith.constant 0 : index
    %get3A_32 = vector.load %arg4[%get3A_30, %get3A_31] : memref<5120x128xf32, #tpu.memory_space<vmem>>, vector<5120x128xf32>
    %broadcast_in_dim3A = vector.shape_cast %lt3A : vector<5120x1xi1> to vector<5120x1xi1>
    %broadcast_in_dim3A_33 = vector.broadcast %broadcast_in_dim3A : vector<5120x1xi1> to vector<5120x128xi1>
    %select_n3A_34 = arith.select %broadcast_in_dim3A_33, %get3A_29, %get3A_32 : vector<5120x128xi1>, vector<5120x128xf32>
    %slice3A_35 = vector.extract_strided_slice %get3A_1 {offsets = [0, 25], sizes = [5120, 1], strides = [1, 1]} : vector<5120x32xf32> to vector<5120x1xf32>
    %convert_element_type3A_36 = arith.fptosi %slice3A_35 : vector<5120x1xf32> to vector<5120x1xi32>
    %iota3A_37 = tpu.iota {dimensions = array<i32: 1>} : vector<5120x32xi32>
    %eq3A = vector.broadcast %convert_element_type3A_36 : vector<5120x1xi32> to vector<5120x32xi32>
    %eq3A_38 = arith.cmpi eq, %eq3A, %iota3A_37 : vector<5120x32xi32>
    %and3A_39 = vector.broadcast %lt3A : vector<5120x1xi1> to vector<5120x32xi1>
    %and3A_40 = arith.andi %eq3A_38, %and3A_39 : vector<5120x32xi1>
    %jit3A_41 = arith.constant 1.000000e+00 : f32
    %jit3A_42 = arith.constant 0.000000e+00 : f32
    %broadcast_in_dim3A_43 = vector.broadcast %jit3A_41 : f32 to vector<5120x32xf32>
    %broadcast_in_dim3A_44 = vector.broadcast %jit3A_42 : f32 to vector<5120x32xf32>
    %select_n3A_45 = arith.select %and3A_40, %broadcast_in_dim3A_43, %broadcast_in_dim3A_44 : vector<5120x32xi1>, vector<5120x32xf32>
    %get3A_46 = arith.constant 0 : index
    %get3A_47 = arith.constant 0 : index
    %get3A_48 = vector.load %arg2[%get3A_46, %get3A_47] : memref<320x128xf32, #tpu.memory_space<vmem>>, vector<320x128xf32>
    %get3A_49 = arith.constant 0 : index
    %get3A_50 = arith.constant 0 : index
    %get3A_51 = vector.load %arg6[%get3A_49, %get3A_50] : memref<128x256xf32, #tpu.memory_space<vmem>>, vector<128x256xf32>
    %dot_general3A = arith.constant dense<0.000000e+00> : vector<320x256xf32>
    %dot_general3A_52 = tpu.matmul %get3A_48, %get3A_51, %dot_general3A {dimension_numbers = #tpu.dot_dimension_numbers<[1], [0], [0], [1], [0, 0, 1, 1], [], []>, transpose_lhs_hint = false} : vector<320x128xf32>, vector<128x256xf32>, vector<320x256xf32> -> vector<320x256xf32>
    %get3A_53 = arith.constant 0 : index
    %get3A_54 = arith.constant 0 : index
    %get3A_55 = vector.load %arg7[%get3A_53, %get3A_54] : memref<1x256xf32, #tpu.memory_space<vmem>>, vector<1x256xf32>
    %add3A_56 = vector.broadcast %get3A_55 : vector<1x256xf32> to vector<320x256xf32>
    %add3A_57 = arith.addf %dot_general3A_52, %add3A_56 : vector<320x256xf32>
    %get3A_58 = arith.constant 0 : index
    %get3A_59 = arith.constant 0 : index
    %get3A_60 = vector.load %arg8[%get3A_58, %get3A_59] : memref<128x256xf32, #tpu.memory_space<vmem>>, vector<128x256xf32>
    %dot_general3A_61 = arith.constant dense<0.000000e+00> : vector<5120x256xf32>
    %dot_general3A_62 = tpu.matmul %select_n3A_34, %get3A_60, %dot_general3A_61 {dimension_numbers = #tpu.dot_dimension_numbers<[1], [0], [0], [1], [0, 0, 1, 1], [], []>, transpose_lhs_hint = false} : vector<5120x128xf32>, vector<128x256xf32>, vector<5120x256xf32> -> vector<5120x256xf32>
    %get3A_63 = arith.constant 0 : index
    %get3A_64 = arith.constant 0 : index
    %get3A_65 = vector.load %arg9[%get3A_63, %get3A_64] : memref<32x256xf32, #tpu.memory_space<vmem>>, vector<32x256xf32>
    %dot_general3A_66 = arith.constant dense<0.000000e+00> : vector<5120x256xf32>
    %dot_general3A_67 = tpu.matmul %get3A_1, %get3A_65, %dot_general3A_66 {dimension_numbers = #tpu.dot_dimension_numbers<[1], [0], [0], [1], [0, 0, 1, 1], [], []>, transpose_lhs_hint = false} : vector<5120x32xf32>, vector<32x256xf32>, vector<5120x256xf32> -> vector<5120x256xf32>
    %add3A_68 = arith.addf %dot_general3A_62, %dot_general3A_67 : vector<5120x256xf32>
    %get3A_69 = arith.constant 0 : index
    %get3A_70 = arith.constant 0 : index
    %get3A_71 = vector.load %arg10[%get3A_69, %get3A_70] : memref<32x256xf32, #tpu.memory_space<vmem>>, vector<32x256xf32>
    %dot_general3A_72 = arith.constant dense<0.000000e+00> : vector<5120x256xf32>
    %dot_general3A_73 = tpu.matmul %select_n3A_45, %get3A_71, %dot_general3A_72 {dimension_numbers = #tpu.dot_dimension_numbers<[1], [0], [0], [1], [0, 0, 1, 1], [], []>, transpose_lhs_hint = false} : vector<5120x32xf32>, vector<32x256xf32>, vector<5120x256xf32> -> vector<5120x256xf32>
    %add3A_74 = arith.addf %add3A_68, %dot_general3A_73 : vector<5120x256xf32>
    %get3A_75 = arith.constant 0 : index
    %get3A_76 = arith.constant 0 : index
    %get3A_77 = vector.load %arg11[%get3A_75, %get3A_76] : memref<1x256xf32, #tpu.memory_space<vmem>>, vector<1x256xf32>
    %add3A_78 = vector.broadcast %get3A_77 : vector<1x256xf32> to vector<5120x256xf32>
    %add3A_79 = arith.addf %add3A_74, %add3A_78 : vector<5120x256xf32>
    %get3A_80 = arith.constant 0 : index
    %get3A_81 = arith.constant 0 : index
    %get3A_82 = vector.load %arg12[%get3A_80, %get3A_81] : memref<128x256xf32, #tpu.memory_space<vmem>>, vector<128x256xf32>
    %dot_general3A_83 = arith.constant dense<0.000000e+00> : vector<5120x256xf32>
    %dot_general3A_84 = tpu.matmul %select_n3A_34, %get3A_82, %dot_general3A_83 {dimension_numbers = #tpu.dot_dimension_numbers<[1], [0], [0], [1], [0, 0, 1, 1], [], []>, transpose_lhs_hint = false} : vector<5120x128xf32>, vector<128x256xf32>, vector<5120x256xf32> -> vector<5120x256xf32>
    %get3A_85 = arith.constant 0 : index
    %get3A_86 = arith.constant 0 : index
    %get3A_87 = vector.load %arg13[%get3A_85, %get3A_86] : memref<32x256xf32, #tpu.memory_space<vmem>>, vector<32x256xf32>
    %dot_general3A_88 = arith.constant dense<0.000000e+00> : vector<5120x256xf32>
    %dot_general3A_89 = tpu.matmul %get3A_1, %get3A_87, %dot_general3A_88 {dimension_numbers = #tpu.dot_dimension_numbers<[1], [0], [0], [1], [0, 0, 1, 1], [], []>, transpose_lhs_hint = false} : vector<5120x32xf32>, vector<32x256xf32>, vector<5120x256xf32> -> vector<5120x256xf32>
    %add3A_90 = arith.addf %dot_general3A_84, %dot_general3A_89 : vector<5120x256xf32>
    %get3A_91 = arith.constant 0 : index
    %get3A_92 = arith.constant 0 : index
    %get3A_93 = vector.load %arg14[%get3A_91, %get3A_92] : memref<32x256xf32, #tpu.memory_space<vmem>>, vector<32x256xf32>
    %dot_general3A_94 = arith.constant dense<0.000000e+00> : vector<5120x256xf32>
    %dot_general3A_95 = tpu.matmul %select_n3A_45, %get3A_93, %dot_general3A_94 {dimension_numbers = #tpu.dot_dimension_numbers<[1], [0], [0], [1], [0, 0, 1, 1], [], []>, transpose_lhs_hint = false} : vector<5120x32xf32>, vector<32x256xf32>, vector<5120x256xf32> -> vector<5120x256xf32>
    %add3A_96 = arith.addf %add3A_90, %dot_general3A_95 : vector<5120x256xf32>
    %get3A_97 = arith.constant 0 : index
    %get3A_98 = arith.constant 0 : index
    %get3A_99 = vector.load %arg15[%get3A_97, %get3A_98] : memref<1x256xf32, #tpu.memory_space<vmem>>, vector<1x256xf32>
    %add3A_100 = vector.broadcast %get3A_99 : vector<1x256xf32> to vector<5120x256xf32>
    %add3A_101 = arith.addf %add3A_96, %add3A_100 : vector<5120x256xf32>
    %broadcast_in_dim3A_102 = vector.shape_cast %add3A_57 : vector<320x256xf32> to vector<320x1x256xf32>
    %broadcast_in_dim3A_103 = vector.shape_cast %broadcast_in_dim3A_102 : vector<320x1x256xf32> to vector<320x1x256xf32>
    %broadcast_in_dim3A_104 = vector.broadcast %broadcast_in_dim3A_103 : vector<320x1x256xf32> to vector<320x16x256xf32>
    %reshape3A = vector.shape_cast %broadcast_in_dim3A_104 : vector<320x16x256xf32> to vector<5120x256xf32>
    %mul3A_105 = arith.mulf %reshape3A, %add3A_79 : vector<5120x256xf32>
    %get3A_106 = arith.constant 0 : index
    %get3A_107 = arith.constant 0 : index
    %get3A_108 = vector.load %arg20[%get3A_106, %get3A_107] : memref<256x8xf32, #tpu.memory_space<vmem>>, vector<256x8xf32>
    %dot_general3A_109 = arith.constant dense<0.000000e+00> : vector<5120x8xf32>
    %dot_general3A_110 = tpu.matmul %mul3A_105, %get3A_108, %dot_general3A_109 {dimension_numbers = #tpu.dot_dimension_numbers<[1], [0], [0], [1], [0, 0, 1, 1], [], []>, transpose_lhs_hint = false} : vector<5120x256xf32>, vector<256x8xf32>, vector<5120x8xf32> -> vector<5120x8xf32>
    %mul3A_111 = arith.constant 0.176776692 : f32
    %mul3A_112 = vector.broadcast %mul3A_111 : f32 to vector<5120x8xf32>
    %mul3A_113 = arith.mulf %dot_general3A_110, %mul3A_112 : vector<5120x8xf32>
    %reshape3A_114 = vector.shape_cast %mul3A_113 : vector<5120x8xf32> to vector<320x16x8xf32>
    %reduce_max3A = arith.constant dense<0xFF800000> : vector<320x8xf32>
    %reduce_max3A_115 = vector.multi_reduction <maximumf>, %reshape3A_114, %reduce_max3A [1] : vector<320x16x8xf32> to vector<320x8xf32>
    %broadcast_in_dim3A_116 = vector.shape_cast %reduce_max3A_115 : vector<320x8xf32> to vector<320x1x8xf32>
    %sub3A_117 = vector.broadcast %broadcast_in_dim3A_116 : vector<320x1x8xf32> to vector<320x16x8xf32>
    %sub3A_118 = arith.subf %reshape3A_114, %sub3A_117 : vector<320x16x8xf32>
    %exp3A = math.exp %sub3A_118 : vector<320x16x8xf32>
    %reduce_sum3A = arith.constant dense<0.000000e+00> : vector<320x8xf32>
    %reduce_sum3A_119 = vector.multi_reduction <add>, %exp3A, %reduce_sum3A [1] : vector<320x16x8xf32> to vector<320x8xf32>
    %broadcast_in_dim3A_120 = vector.shape_cast %reduce_sum3A_119 : vector<320x8xf32> to vector<320x1x8xf32>
    %div3A_121 = vector.broadcast %broadcast_in_dim3A_120 : vector<320x1x8xf32> to vector<320x16x8xf32>
    %div3A_122 = arith.divf %exp3A, %div3A_121 : vector<320x16x8xf32>
    %reshape3A_123 = vector.shape_cast %div3A_122 : vector<320x16x8xf32> to vector<5120x8xf32>
    %get3A_124 = arith.constant 0 : index
    %get3A_125 = arith.constant 0 : index
    %get3A_126 = vector.load %arg21[%get3A_124, %get3A_125] : memref<8x256xf32, #tpu.memory_space<vmem>>, vector<8x256xf32>
    %dot_general3A_127 = arith.constant dense<0.000000e+00> : vector<5120x256xf32>
    %dot_general3A_128 = tpu.matmul %reshape3A_123, %get3A_126, %dot_general3A_127 {dimension_numbers = #tpu.dot_dimension_numbers<[1], [0], [0], [1], [0, 0, 1, 1], [], []>, transpose_lhs_hint = false} : vector<5120x8xf32>, vector<8x256xf32>, vector<5120x256xf32> -> vector<5120x256xf32>
    %mul3A_129 = arith.mulf %dot_general3A_128, %add3A_101 : vector<5120x256xf32>
    %reshape3A_130 = vector.shape_cast %mul3A_129 : vector<5120x256xf32> to vector<320x16x256xf32>
    %reduce_sum3A_131 = arith.constant dense<0.000000e+00> : vector<320x256xf32>
    %reduce_sum3A_132 = vector.multi_reduction <add>, %reshape3A_130, %reduce_sum3A_131 [1] : vector<320x16x256xf32> to vector<320x256xf32>
    %get3A_133 = arith.constant 0 : index
    %get3A_134 = arith.constant 0 : index
    %get3A_135 = vector.load %arg16[%get3A_133, %get3A_134] : memref<256x128xf32, #tpu.memory_space<vmem>>, vector<256x128xf32>
    %dot_general3A_136 = arith.constant dense<0.000000e+00> : vector<320x128xf32>
    %dot_general3A_137 = tpu.matmul %reduce_sum3A_132, %get3A_135, %dot_general3A_136 {dimension_numbers = #tpu.dot_dimension_numbers<[1], [0], [0], [1], [0, 0, 1, 1], [], []>, transpose_lhs_hint = false} : vector<320x256xf32>, vector<256x128xf32>, vector<320x128xf32> -> vector<320x128xf32>
    %get3A_138 = arith.constant 0 : index
    %get3A_139 = arith.constant 0 : index
    %get3A_140 = vector.load %arg17[%get3A_138, %get3A_139] : memref<1x128xf32, #tpu.memory_space<vmem>>, vector<1x128xf32>
    %add3A_141 = vector.broadcast %get3A_140 : vector<1x128xf32> to vector<320x128xf32>
    %add3A_142 = arith.addf %dot_general3A_137, %add3A_141 : vector<320x128xf32>
    %get3A_143 = arith.constant 0 : index
    %get3A_144 = arith.constant 0 : index
    %get3A_145 = vector.load %arg1[%get3A_143, %get3A_144] : memref<320x128xf32, #tpu.memory_space<vmem>>, vector<320x128xf32>
    %add3A_146 = arith.addf %get3A_145, %add3A_142 : vector<320x128xf32>
    %get3A_147 = arith.constant 0 : index
    %get3A_148 = arith.constant 0 : index
    %get3A_149 = vector.load %arg18[%get3A_147, %get3A_148] : memref<128x32xf32, #tpu.memory_space<vmem>>, vector<128x32xf32>
    %dot_general3A_150 = arith.constant dense<0.000000e+00> : vector<320x32xf32>
    %dot_general3A_151 = tpu.matmul %add3A_146, %get3A_149, %dot_general3A_150 {dimension_numbers = #tpu.dot_dimension_numbers<[1], [0], [0], [1], [0, 0, 1, 1], [], []>, transpose_lhs_hint = false} : vector<320x128xf32>, vector<128x32xf32>, vector<320x32xf32> -> vector<320x32xf32>
    %get3A_152 = arith.constant 0 : index
    %get3A_153 = arith.constant 0 : index
    %get3A_154 = vector.load %arg19[%get3A_152, %get3A_153] : memref<1x32xf32, #tpu.memory_space<vmem>>, vector<1x32xf32>
    %add3A_155 = vector.broadcast %get3A_154 : vector<1x32xf32> to vector<320x32xf32>
    %add3A_156 = arith.addf %dot_general3A_151, %add3A_155 : vector<320x32xf32>
    %swap3A = arith.constant 0 : index
    %swap3A_157 = arith.constant 0 : index
    %swap3A_158 = vector.load %arg22[%swap3A, %swap3A_157] : memref<320x32xf32, #tpu.memory_space<vmem>>, vector<320x32xf32>
    tpu.vector_store %arg22[%swap3A, %swap3A_157], %add3A_156 {strides = array<i32>} : memref<320x32xf32, #tpu.memory_space<vmem>>, vector<320x32xf32>,
    return
  }
  func.func @transform_0(%arg0: i32) -> (i32, i32) {
    %c0_i32 = arith.constant 0 : i32
    %c0_i32_0 = arith.constant 0 : i32
    return %arg0, %c0_i32 : i32, i32
  }
  func.func @transform_1(%arg0: i32) -> (i32, i32) {
    %c0_i32 = arith.constant 0 : i32
    %c0_i32_0 = arith.constant 0 : i32
    return %arg0, %c0_i32 : i32, i32
  }
  func.func @transform_2(%arg0: i32) -> (i32, i32) {
    %c0_i32 = arith.constant 0 : i32
    %c0_i32_0 = arith.constant 0 : i32
    return %arg0, %c0_i32 : i32, i32
  }
  func.func @transform_3(%arg0: i32) -> (i32, i32) {
    %c0_i32 = arith.constant 0 : i32
    %c0_i32_0 = arith.constant 0 : i32
    return %arg0, %c0_i32 : i32, i32
  }
  func.func @transform_4(%arg0: i32) -> (i32, i32) {
    %c0_i32 = arith.constant 0 : i32
    %c0_i32_0 = arith.constant 0 : i32
    return %arg0, %c0_i32 : i32, i32
  }
  func.func @transform_5(%arg0: i32) -> (i32, i32) {
    %c0_i32 = arith.constant 0 : i32
    %c0_i32_0 = arith.constant 0 : i32
    %c0_i32_1 = arith.constant 0 : i32
    return %c0_i32, %c0_i32_0 : i32, i32
  }
  func.func @transform_6(%arg0: i32) -> (i32, i32) {
    %c0_i32 = arith.constant 0 : i32
    %c0_i32_0 = arith.constant 0 : i32
    %c0_i32_1 = arith.constant 0 : i32
    return %c0_i32, %c0_i32_0 : i32, i32
  }
  func.func @transform_7(%arg0: i32) -> (i32, i32) {
    %c0_i32 = arith.constant 0 : i32
    %c0_i32_0 = arith.constant 0 : i32
    %c0_i32_1 = arith.constant 0 : i32
    return %c0_i32, %c0_i32_0 : i32, i32
  }
  func.func @transform_8(%arg0: i32) -> (i32, i32) {
    %c0_i32 = arith.constant 0 : i32
    %c0_i32_0 = arith.constant 0 : i32
    %c0_i32_1 = arith.constant 0 : i32
    return %c0_i32, %c0_i32_0 : i32, i32
  }
  func.func @transform_9(%arg0: i32) -> (i32, i32) {
    %c0_i32 = arith.constant 0 : i32
    %c0_i32_0 = arith.constant 0 : i32
    %c0_i32_1 = arith.constant 0 : i32
    return %c0_i32, %c0_i32_0 : i32, i32
  }
  func.func @transform_10(%arg0: i32) -> (i32, i32) {
    %c0_i32 = arith.constant 0 : i32
    %c0_i32_0 = arith.constant 0 : i32
    %c0_i32_1 = arith.constant 0 : i32
    return %c0_i32, %c0_i32_0 : i32, i32
  }
  func.func @transform_11(%arg0: i32) -> (i32, i32) {
    %c0_i32 = arith.constant 0 : i32
    %c0_i32_0 = arith.constant 0 : i32
    %c0_i32_1 = arith.constant 0 : i32
    return %c0_i32, %c0_i32_0 : i32, i32
  }
  func.func @transform_12(%arg0: i32) -> (i32, i32) {
    %c0_i32 = arith.constant 0 : i32
    %c0_i32_0 = arith.constant 0 : i32
    %c0_i32_1 = arith.constant 0 : i32
    return %c0_i32, %c0_i32_0 : i32, i32
  }
  func.func @transform_13(%arg0: i32) -> (i32, i32) {
    %c0_i32 = arith.constant 0 : i32
    %c0_i32_0 = arith.constant 0 : i32
    %c0_i32_1 = arith.constant 0 : i32
    return %c0_i32, %c0_i32_0 : i32, i32
  }
  func.func @transform_14(%arg0: i32) -> (i32, i32) {
    %c0_i32 = arith.constant 0 : i32
    %c0_i32_0 = arith.constant 0 : i32
    %c0_i32_1 = arith.constant 0 : i32
    return %c0_i32, %c0_i32_0 : i32, i32
  }
  func.func @transform_15(%arg0: i32) -> (i32, i32) {
    %c0_i32 = arith.constant 0 : i32
    %c0_i32_0 = arith.constant 0 : i32
    %c0_i32_1 = arith.constant 0 : i32
    return %c0_i32, %c0_i32_0 : i32, i32
  }
  func.func @transform_16(%arg0: i32) -> (i32, i32) {
    %c0_i32 = arith.constant 0 : i32
    %c0_i32_0 = arith.constant 0 : i32
    %c0_i32_1 = arith.constant 0 : i32
    return %c0_i32, %c0_i32_0 : i32, i32
  }
  func.func @transform_17(%arg0: i32) -> (i32, i32) {
    %c0_i32 = arith.constant 0 : i32
    %c0_i32_0 = arith.constant 0 : i32
    %c0_i32_1 = arith.constant 0 : i32
    return %c0_i32, %c0_i32_0 : i32, i32
  }
  func.func @transform_18(%arg0: i32) -> (i32, i32) {
    %c0_i32 = arith.constant 0 : i32
    %c0_i32_0 = arith.constant 0 : i32
    %c0_i32_1 = arith.constant 0 : i32
    return %c0_i32, %c0_i32_0 : i32, i32
  }
  func.func @transform_19(%arg0: i32) -> (i32, i32) {
    %c0_i32 = arith.constant 0 : i32
    %c0_i32_0 = arith.constant 0 : i32
    %c0_i32_1 = arith.constant 0 : i32
    return %c0_i32, %c0_i32_0 : i32, i32
  }
  func.func @transform_20(%arg0: i32) -> (i32, i32) {
    %c0_i32 = arith.constant 0 : i32
    %c0_i32_0 = arith.constant 0 : i32
    %c0_i32_1 = arith.constant 0 : i32
    return %c0_i32, %c0_i32_0 : i32, i32
  }
  func.func @transform_21(%arg0: i32) -> (i32, i32) {
    %c0_i32 = arith.constant 0 : i32
    %c0_i32_0 = arith.constant 0 : i32
    return %arg0, %c0_i32 : i32, i32
  }
}

</mosaic_0001>

<sc_bundles>
// kernel: kernel.14.cloned.1.call-start
scs
__scs_entry_jumppad:
0x0: {  	(pc) =	sbr.rel $0x88, $3  }
0x1: {  	(tag) =	ssettag $0x0;
	lr =	simm.s32 $0x1  }
0x2: {  	[smem:$0x3F69] =	sst lr;
	_ =	strace $0xD0000000  }
0x3: {  	_ = 	snop  }
0x4: {  	_ = 	snop  }
0x5: {  	_ = 	snop  }
0x6: {  	_ = 	snop  }
0x7: {  	_ = 	snop  }
__scs_overlays_trampoline_lowered:
0x8: {  	[smem:$0x3F78] =	sst s0  }
0x9: {  	[smem:$0x3F79] =	sst s1  }
0xa: {  	[smem:$0x3F7A] =	sst s2  }
0xb: {  	[smem:$0x3F7B] =	sst s3  }
0xc: {  	[smem:$0x3F7C] =	sst s4  }
0xd: {  	[smem:$0x3F7D] =	sst s5  }
0xe: {  	[smem:$0x3F7E] =	sst s6  }
0xf: {  	[smem:$0x3F7F] =	sst s7  }
0x10: {  	[smem:$0x3F80] =	sst s8  }
0x11: {  	[smem:$0x3F81] =	sst s9;
	s0 =	simm.s32 @!p0 $0x0  }
0x12: {  	s1 =	sld [smem:$0x3F67];
	s0 =	simm.s32 @p0 $0x1  }
0x13: {  	[smem:$0x3F82] =	sst s0;
	s0 =	simm.s32 @!p1 $0x0  }
0x14: {  	s2 =	sld [smem:$0x3F66];
	s0 =	simm.s32 @p1 $0x1  }
0x15: {  	[smem:$0x3F83] =	sst s0;
	s0 =	simm.s32 @!p2 $0x0  }
0x16: {  	s3 =	sld [smem:$0x3FDB];
	s0 =	simm.s32 @p2 $0x1  }
0x17: {  	s4 =	simm.s32 $0x1BF5;
	[smem:$0x3F85] =	sst s0  }
0x18: {  	s0 =	sld [smem:$0x3F68];
	_ =	swait.ge [sflag:s4], $0x0  }
0x19: {  	s7 =	sld [smem:$0x3F69]  }
0x1a: {  	s8 =	sadd.s32 $0xFFFFE003, lr  }
0x1b: {  	s9 =	sadd.s32 $0xFFFFFEF7, lr;
	s5 =	simm.s32 $0xFFFFFFFF;
	p2 =	slt.u32 s8, $0xFFFFF086  }
0x1c: {  	p1 =	slt.u32 s9, $0xF7A;
	s5 =	simm.s32 @!p2 $0x0  }
0x1d: {  	s5 =	simm.s32 @p1 $0x1;
	p0 =	seq.s32 s7, s2  }
0x1e: {  	s7 =	smul.u32 @!p0 $0xF7A, s2;
	p2 =	seq.s32 @!p0 s5, $0x0  }
0x1f: {  	s9 =	smul.u32 $0xF7A, s1;
	s8 =	simm.s32 @!p0 $0x1BF5;
	p2 =	por !p2, p0  }
0x20: {  	[sflag:s8] =	ssyncset.s32 @!p0 $0xFFFFF086;
	s6 =	sadd.s32 @!p0 s3, s7;
	s7 =	simm.s32 @!p0 $0x108  }
0x21: {  	s3 =	sadd.s32 s3, s9;
	s6 =	sadd.s32 @!p0 $0x88, s6;
	s7 =	simm.s32 @p2 $0x1082  }
0x22: {  	[simem:s7], [sflag:s8] =	dma.local @!p0 [hbm:s6], $0xF7A  }
0x23: {  	s9 =	sor.u32 $0xD0000000, s2;
	s6 =	simm.s32 $0x108;
	_ =	swait.ge @!p0 [sflag:s8], $0x0  }
0x24: {  	s3 =	sadd.s32 $0x88, s3;
	s6 =	simm.s32 @!p1 $0x1082;
	[sflag:s4] =	ssyncset.s32 $0xFFFFF086  }
0x25: {  	[simem:s6], [sflag:s4] =	dma.local [hbm:s3], $0xF7A  }
0x26: {  	[smem:$0x3F69] =	sst s1;
	(tag) =	ssettag s2;
	_ =	strace s9  }
0x27: {  	s1 =	sld [smem:$0x3F79]  }
0x28: {  	s2 =	sld [smem:$0x3F7A]  }
0x29: {  	s4 =	sld [smem:$0x3F7C]  }
0x2a: {  	p0 =	seq.s32 s5, $0x0;
	s5 =	sld [smem:$0x3F7D]  }
0x2b: {  	s6 =	sld [smem:$0x3F7E]  }
0x2c: {  	s7 =	sld [smem:$0x3F7F]  }
0x2d: {  	s3 =	simm.s32 $0x108;
	s8 =	sld [smem:$0x3F80]  }
0x2e: {  	s3 =	simm.s32 @!p0 $0x1082;
	s9 =	sld [smem:$0x3F81]  }
0x2f: {  	lr =	sadd.s32 s0, s3;
	s0 =	sld [smem:$0x3F78]  }
0x30: {  	s3 =	sld [smem:$0x3F7B]  }
0x31: {  	[smem:$0x3F84] =	sst s10  }
0x32: {  	s10 =	sld [smem:$0x3F82];
	_ =	sdelay $0x3  }
0x33: {  	p0 =	seq.s32 s10, $0x1;
	s10 =	sld [smem:$0x3F84];
	_ =	sdelay $0x3  }
0x34: {  	[smem:$0x3F84] =	sst s10  }
0x35: {  	s10 =	sld [smem:$0x3F83];
	_ =	sdelay $0x3  }
0x36: {  	p1 =	seq.s32 s10, $0x1;
	s10 =	sld [smem:$0x3F84];
	_ =	sdelay $0x3  }
0x37: {  	[smem:$0x3F84] =	sst s10  }
0x38: {  	s10 =	sld [smem:$0x3F85]  }
0x39: {  	_ = 	snop;
	(pc) =	sbr.ind lr, $3  }
0x3a: {  	_ = 	snop  }
0x3b: {  	_ = 	snop  }
0x3c: {  	p2 =	seq.s32 s10, $0x1;
	s10 =	sld [smem:$0x3F84]  }
0x3d: {  	_ =	shalt  }
0x3e: {  	_ =	shalt  }
0x3f: {  	_ =	shalt  }
0x40: {  	_ =	shalt  }
0x41: {  	_ =	shalt  }
0x42: {  	_ =	shalt  }
0x43: {  	_ =	shalt  }
0x44: {  	_ =	shalt  }
0x45: {  	_ =	shalt  }
0x46: {  	_ =	shalt  }
0x47: {  	_ =	shalt  }
0x48: {  	_ =	shalt  }
0x49: {  	_ =	shalt  }
0x4a: {  	_ =	shalt  }
0x4b: {  	_ =	shalt  }
0x4c: {  	_ =	shalt  }
0x4d: {  	_ =	shalt  }
0x4e: {  	_ =	shalt  }
0x4f: {  	_ =	shalt  }
0x50: {  	_ =	shalt  }
0x51: {  	_ =	shalt  }
0x52: {  	_ =	shalt  }
0x53: {  	_ =	shalt  }
0x54: {  	_ =	shalt  }
0x55: {  	_ =	shalt  }
0x56: {  	_ =	shalt  }
0x57: {  	_ =	shalt  }
0x58: {  	_ =	shalt  }
0x59: {  	_ =	shalt  }
0x5a: {  	_ =	shalt  }
0x5b: {  	_ =	shalt  }
0x5c: {  	_ =	shalt  }
0x5d: {  	_ =	shalt  }
0x5e: {  	_ =	shalt  }
0x5f: {  	_ =	shalt  }
0x60: {  	_ =	shalt  }
0x61: {  	_ =	shalt  }
0x62: {  	_ =	shalt  }
0x63: {  	_ =	shalt  }
0x64: {  	_ =	shalt  }
0x65: {  	_ =	shalt  }
0x66: {  	_ =	shalt  }
0x67: {  	_ =	shalt  }
0x68: {  	_ =	shalt  }
0x69: {  	_ =	shalt  }
0x6a: {  	_ =	shalt  }
0x6b: {  	_ =	shalt  }
0x6c: {  	_ =	shalt  }
0x6d: {  	_ =	shalt  }
0x6e: {  	_ =	shalt  }
0x6f: {  	_ =	shalt  }
0x70: {  	_ =	shalt  }
0x71: {  	_ =	shalt  }
0x72: {  	_ =	shalt  }
0x73: {  	_ =	shalt  }
0x74: {  	_ =	shalt  }
0x75: {  	_ =	shalt  }
0x76: {  	_ =	shalt  }
0x77: {  	_ =	shalt  }
0x78: {  	_ =	shalt  }
0x79: {  	_ =	shalt  }
0x7a: {  	_ =	shalt  }
0x7b: {  	_ =	shalt  }
0x7c: {  	_ =	shalt  }
0x7d: {  	_ =	shalt  }
0x7e: {  	_ =	shalt  }
0x7f: {  	_ =	shalt  }
0x80: {  	_ =	shalt  }
0x81: {  	_ =	shalt  }
0x82: {  	_ =	shalt  }
0x83: {  	_ =	shalt  }
0x84: {  	_ =	shalt  }
0x85: {  	_ =	shalt  }
0x86: {  	_ =	shalt  }
0x87: {  	_ =	shalt  }
.Lfunc_end0:
.L_simem_size_0:
called_computation_lowered:
.L_overlay_start_0:
0x88: {  	s2 =	sld [smem:$0x3FD9]  }
0x89: {  	s3 =	sld [smem:$0x3FFE];
	_ =	sdelay $0x1  }
0x8a: {  	s1 =	srdreg.scid  }
0x8b: {  	s0 =	sand.u32 $0x1, s1  }
0x8c: {  	s17 =	sshll.u32 s0, $0xA;
	s2 =	sadd.s32 s3, s2  }
0x8d: {  	s2 =	sadd.s32 s2, s17  }
0x8e: {  	[smem:$0x3F90] =	sst s2  }
0x8f: {  	_ = 	snop  }
0x90: {  	s2 =	sld [smem:$0x3FD0];
	(tm) =	ssettm $0x1  }
0x91: {  	s18 =	sld [smem:$0x3FFB];
	_ =	sdelay $0x3  }
0x92: {  	_ =	strace s18  }
0x93: {  	s3 =	sld [smem:$0x3FFC];
	_ =	sdelay $0x3  }
0x94: {  	_ =	strace s3  }
0x95: {  	s3 =	sld [smem:$0x3FFD];
	_ =	sdelay $0x3  }
0x96: {  	_ =	strace s3  }
0x97: {  	_ =	strace $0x8FFFFFFF  }
0x98: {  	s19 =	sld [smem:$0x3FDB];
	_ =	sdelay $0x1  }
0x99: {  	s4 =	simm.s32 $_scs_section_size  }
0x9a: {  	s5 =	simm.s32 $_size__tile_overlayer_lowered;
	s6 =	simm.s32 $_tile_overlayer_lowered  }
0x9b: {  	s22 =	simm.s32 $0x1BFF;
	s21 =	sshll.u32 s6, $0x1;
	s3 =	sadd.s32 s4, s19  }
0x9c: {  	s7 =	simm.s32 $0x0;
	s20 =	sshll.u32 s5, $0x1;
	s5 =	sadd.s32 s21, s3  }
0x9d: {  	[timem:s7], [sflag:s22] =	dma.local [hbm:s5], s20  }
0x9e: {  	_ =	swait.ge [sflag:s22], s20  }
0x9f: {  	s4 =	ssub.s32 $0x0, s20;
	[sflag:s22] =	ssyncset.done $0x0  }
0xa0: {  	[sflag:s22] =	ssyncadd.s32 s4;
	_ =	sdelay $0x1  }
0xa1: {  	s23 =	simm.s32 $0x1B8B  }
0xa2: {  	_ =	swait.ge [sflag:s23], $0x1  }
0xa3: {  	[sflag:s23] =	ssyncset.done $0x0  }
0xa4: {  	s25 =	simm.s32 $0x1B8E;
	s24 =	sld [smem:$0x3FFE];
	[sflag:s23] =	ssyncadd.s32 $0xFFFFFFFF  }
0xa5: {  	s26 =	simm.s32 $execute0_lowered;
	[smem:$0x3FD2] =	sst s25  }
0xa6: {  	s5 =	sshll.u32 s26, $0x1;
	_ =	strace $0x80000046;
	[dreg:$0x1] =	wrdreg $0xFFFFFFFF  }
0xa7: {  	s28 =	simm.s32 $_size_execute0_lowered;
	s3 =	sadd.s32 s3, s5;
	[dreg:$0x0] =	wrdreg $0x0  }
0xa8: {  	s5 =	sshll.u32 s28, $0x1;
	[dreg:$0x2] =	wrdreg s3  }
0xa9: {  	[dreg:$0x3] =	wrdreg s5  }
0xaa: {  	[dreg:$0x4] =	wrdreg $0xC0  }
0xab: {  	_ =	task [dreg:s7], $0x5FFFF  }
0xac: {  	[dreg:$0x1] =	wrdreg $0xFFFFFFFF  }
0xad: {  	[dreg:$0x0] =	wrdreg $0x60  }
0xae: {  	[dreg:$0x2] =	wrdreg s24  }
0xaf: {  	[dreg:$0x3] =	wrdreg s2  }
0xb0: {  	[dreg:$0x4] =	wrdreg $0x14000  }
0xb1: {  	[dreg:$0x5] =	wrdreg $0x9  }
0xb2: {  	_ =	task.clear_ibuf [dreg:s7], $0x6FFFF;
	_ =	strace $0x90000046  }
0xb3: {  	s29 =	simm.s32 $0x9;
	_ =	strace $0x80000048  }
0xb4: {  	_ =	swait.ge [sflag:s29], $0x1  }
0xb5: {  	[sflag:s29] =	ssyncadd.s32 $0xFFFFFFFF  }
0xb6: {  	_ =	strace $0x90000048  }
0xb7: {  	_ =	sfence  }
0xb8: {  	s30 =	sld [smem:$0x0];
	_ =	sdelay $0x2  }
0xb9: {  	s31 =	sshll.u32 s1, $0xD;
	s1 =	sshrl.u32 s1, $0x2  }
0xba: {  	s3 =	sand.u32 $0x4000, s31;
	s1 =	sadd.s32 s1, s30  }
0xbb: {  	s0 =	sor.u32 s3, s0;
	s1 =	sshll.u32 s1, $0x11  }
0xbc: {  	s0 =	sor.u32 s1, s0  }
0xbd: {  	s0 =	sadd.s32 $0x8F2B, s0  }
0xbe: {  	[sflag:s0] =	ssyncadd.remote.s32 $0x1  }
0xbf: {  	_ =	sfence.sel $0xFFFF  }
0xc0: {  	[dreg:$0x0] =	wrdreg $0xFFFFFFFF;
	(pc) =	sbr.abs _section_cstart, $3  }
0xc1: {  	[dreg:$0x1] =	wrdreg $0xFFFFFFFF  }
0xc2: {  	_ =	task.clear_ibuf [dreg:s7], $0x2FFFF;
	_ =	strace $0x9FFFFFFF  }
0xc3: {  	(tm) =	ssettm $0x7FFFFFFF  }
tec
execute0_lowered:
.L_overlay_start_1:
0x0: {  	(tag) =	ssettag $0x1  }
0x1: {  	s4 =	rddreg [dreg:$0x0]  }
0x2: {  	s5 =	rddreg [dreg:$0x1];
	s0 =	srdreg.scid  }
0x3: {  	s8 =	stileid.u32;
	s1 =	rddreg [dreg:$0x2];
	s2 =	simm.s32 $0x0  }
0x4: {  	s14 =	simm.s32 $0x19400;
	s15 =	simm.s32 $0x1;
	s16 =	simm.s32 $0x2  }
0x5: {  	s17 =	simm.s32 $0x3;
	s18 =	simm.s32 $0x4;
	s19 =	simm.s32 $0x0  }
0x6: {  	s9 =	sand.u32 $0x1, s0;
	s0 =	rddreg [dreg:$0x3];
	s12 =	smul.u32 $0x50, s8  }
0x7: {  	s3 =	sshll.u32 s8, $0x1;
	[smem:$0x7FF] =	sst s2;
	s31 =	smul.u32 $0x28000, s8  }
0x8: {  	s13 =	sadd.s32 $0x88000, s4;
	p0 =	sne.s32 s8, $0x0;
	s28 =	smul.u32 $0x28, s9  }
0x9: {  	s3 =	sor.u32 s9, s3;
	s7 =	ssub.s32 $0x2, s9;
	s9 =	smul.u32 $0x14000, s9  }
0xa: {  	_ =	strace $0x80000047;
	s6 =	smul.u32 $0x280, s3;
	s11 =	sshrl.u32 s7, $0x1  }
0xb: {  	s10 =	smul.u32 $0x14000, s3;
	s3 =	sadd.s32 $0x10000, s4;
	s7 =	ssub.s32 s7, s11  }
0xc: {  	s30 =	sadd.s32 s28, s12;
	s11 =	sadd.s32 s31, s13;
	s12 =	simm.s32 $0x80  }
0xd: {  	s4 =	sadd.s32 s5, s6;
	s5 =	smax.u32 s7, $0x1;
	s29 =	sadd.s32 s13, s10  }
0xe: {  	s10 =	sshll.u32 s30, $0xB;
	s9 =	sadd.s32 s9, s11;
	s11 =	simm.s32 $0x5  }
0xf: {  	s6 =	sadd.s32 $0x13000, s29;
	s7 =	sadd.s32 $0x13800, s29;
	s10 =	sadd.s32 s10, s13  }
0x10: {  	s13 =	simm.s32 $0x15400;
	s8 =	sadd.s32 $0x800, s10;
	s10 =	sshrl.u32 @!p0 s1, $0x3  }
.LBB2_1:
0x11: {  	s20 =	simm.s32 @!p0 $0x1C05  }
0x12: {  	[spmem:s10], [sflag:s20] =	dma.local @!p0 [hbm:s3], $0x28000  }
0x13: {  	s20 =	simm.s32 @!p0 $0x5  }
0x14: {  	_ =	swait.ge @!p0 [sflag:s20], $0x28000  }
0x15: {  	[sflag:s20] =	ssyncset.done @!p0 $0x0  }
0x16: {  	[sflag:s20] =	ssyncadd.s32 @!p0 $0xFFFD8000  }
0x17: {  	[tilespmem:s2], [sflag:$0x5] =	stream.linear.gather [hbm4b:s4+s2], $0x1400, $0x38;
	[tilespmem:$0x1D400] =	vst v63  }
0x18: {  	_ =	swait.ge [sflag:s11], $0x1400  }
0x19: {  	[sflag:s11] =	ssyncset.done $0x0  }
0x1a: {  	[sflag:s11] =	ssyncadd.s32 $0xFFFFEC00  }
0x1b: {  	[bflag:$0x0] =	sbarrier.arrive $0xFFFF  }
0x1c: {  	[tilespmem:s13], [sflag:$0x1] =	stream.indirect.gather [spmem:s1], $0x80, s2, s12, $0xb8;
	[tilespmem:$0x1D400] =	vst v63  }
0x1d: {  	_ = 	snop  }
0x1e: {  	[tilespmem:s14], [sflag:$0x2] =	stream.indirect.gather [spmem:s1], $0x80, s12, s12, $0xb8;
	[tilespmem:$0x1D400] =	vst v63  }
0x1f: {  	_ =	swait.ge [sflag:s15], $0x4000  }
0x20: {  	[sflag:s15] =	ssyncset.done $0x0  }
0x21: {  	s29 =	sadd.s32 $0x0, s9;
	[sflag:s15] =	ssyncadd.s32 $0xFFFFC000  }
0x22: {  	[hbm4b:s29+s2] =	stream.linear.scatter [tilespmem:s13], [sflag:$0x3], $0x4000, $0x38;
	[tilespmem:$0x1D400] =	vst v63  }
0x23: {  	_ =	swait.ge [sflag:s16], $0x4000  }
0x24: {  	[sflag:s16] =	ssyncset.done $0x0  }
0x25: {  	s30 =	sadd.s32 $0x0, s8;
	[sflag:s16] =	ssyncadd.s32 $0xFFFFC000  }
0x26: {  	[hbm4b:s30+s2] =	stream.linear.scatter [tilespmem:s14], [sflag:$0x4], $0x4000, $0x38;
	[tilespmem:$0x1D400] =	vst v63  }
0x27: {  	_ =	swait.ge [sflag:s17], $0x4000  }
0x28: {  	[sflag:s17] =	ssyncset.done $0x0  }
0x29: {  	s31 =	simm.s32 $0x100;
	[sflag:s17] =	ssyncadd.s32 $0xFFFFC000  }
0x2a: {  	[tilespmem:s13], [sflag:$0x1] =	stream.indirect.gather [spmem:s1], $0x80, s31, s12, $0xb8;
	[tilespmem:$0x1D400] =	vst v63  }
0x2b: {  	_ =	swait.ge [sflag:s18], $0x4000  }
0x2c: {  	s21 =	simm.s32 $0x1000;
	[sflag:s18] =	ssyncset.done $0x0  }
0x2d: {  	s22 =	simm.s32 $0x280;
	s20 =	simm.s32 $0x180;
	[sflag:s18] =	ssyncadd.s32 $0xFFFFC000  }
.LBB2_2:
0x2e: {  	[tilespmem:s14], [sflag:$0x2] =	stream.indirect.gather [spmem:s1], $0x80, s20, s12, $0xb8;
	[tilespmem:$0x1D400] =	vst v63  }
0x2f: {  	s23 =	smov.u32 s21;
	s20 =	smov.u32 s22  }
0x30: {  	p1 =	sne.s32 s21, $0x12000;
	s21 =	sadd.s32 $0x1000, s21;
	_ =	swait.ge [sflag:s15], $0x4000  }
0x31: {  	[sflag:s15] =	ssyncset.done $0x0  }
0x32: {  	s24 =	sadd.s32 s23, s9;
	[sflag:s15] =	ssyncadd.s32 $0xFFFFC000  }
0x33: {  	[hbm4b:s24+s2] =	stream.linear.scatter [tilespmem:s13], [sflag:$0x3], $0x4000, $0x38;
	[tilespmem:$0x1D400] =	vst v63  }
0x34: {  	_ =	swait.ge [sflag:s16], $0x4000  }
0x35: {  	[sflag:s16] =	ssyncset.done $0x0  }
0x36: {  	s23 =	sadd.s32 s23, s8;
	[sflag:s16] =	ssyncadd.s32 $0xFFFFC000  }
0x37: {  	[hbm4b:s23+s2] =	stream.linear.scatter [tilespmem:s14], [sflag:$0x4], $0x4000, $0x38;
	[tilespmem:$0x1D400] =	vst v63  }
0x38: {  	_ =	swait.ge [sflag:s17], $0x4000  }
0x39: {  	[sflag:s17] =	ssyncset.done $0x0  }
.Ltmp0:
0x3a: {  	s23 =	sadd.s32 $0xFFFFFF80, s22;
	[sflag:s17] =	ssyncadd.s32 $0xFFFFC000;
	(pc) =	sbr.rel @p1 .LBB2_2-.Ltmp0, $4  }
0x3b: {  	[tilespmem:s13], [sflag:$0x1] =	stream.indirect.gather [spmem:s1], $0x80, s23, s12, $0xb8;
	[tilespmem:$0x1D400] =	vst v63  }
0x3c: {  	_ =	swait.ge [sflag:s18], $0x4000  }
0x3d: {  	[sflag:s18] =	ssyncset.done $0x0  }
0x3e: {  	s22 =	sadd.s32 $0x100, s22;
	[sflag:s18] =	ssyncadd.s32 $0xFFFFC000  }
0x3f: {  	[tilespmem:s14], [sflag:$0x2] =	stream.indirect.gather [spmem:s1], $0x80, s20, s12, $0xb8;
	[tilespmem:$0x1D400] =	vst v63  }
0x40: {  	_ =	swait.ge [sflag:s15], $0x4000  }
0x41: {  	[sflag:s15] =	ssyncset.done $0x0  }
0x42: {  	[sflag:s15] =	ssyncadd.s32 $0xFFFFC000  }
0x43: {  	[hbm4b:s6+s2] =	stream.linear.scatter [tilespmem:s13], [sflag:$0x3], $0x4000, $0x38;
	[tilespmem:$0x1D400] =	vst v63  }
0x44: {  	_ =	swait.ge [sflag:s16], $0x4000  }
0x45: {  	[sflag:s16] =	ssyncset.done $0x0  }
0x46: {  	s19 =	sadd.s32 $0x1, s19;
	[sflag:s16] =	ssyncadd.s32 $0xFFFFC000  }
0x47: {  	[hbm4b:s7+s2] =	stream.linear.scatter [tilespmem:s14], [sflag:$0x4], $0x4000, $0x38;
	[tilespmem:$0x1D400] =	vst v63  }
0x48: {  	p1 =	sne.s32 s19, s5;
	_ =	swait.ge [sflag:s17], $0x4000  }
.Ltmp1:
0x49: {  	[sflag:s17] =	ssyncset.done $0x0;
	(pc) =	sbr.rel @p1 .LBB2_1-.Ltmp1, $4  }
0x4a: {  	[sflag:s17] =	ssyncadd.s32 $0xFFFFC000  }
0x4b: {  	_ =	swait.ge [sflag:s18], $0x4000  }
0x4c: {  	[sflag:s18] =	ssyncset.done $0x0  }
0x4d: {  	[sflag:s18] =	ssyncadd.s32 $0xFFFFC000  }
0x4e: {  	_ =	sfence.sel $0x180000  }
0x4f: {  	[bflag:$0x0] =	sbarrier.arrive $0xFFFF  }
0x50: {  	_ =	strace $0x90000047  }
0x51: {  	s0 =	sadd.s32 @!p0 $0x100000, s0;
	[bflag:$0x2] =	sbarrier.arrive $0xFFFF  }
0x52: {  	[sflag:s0] =	ssyncadd.tile.s32 @!p0 $0x1;
	_ =	shalt  }
.Lfunc_end2:
_tile_overlayer_lowered:
.L_overlay_start_2:
0x53: {  	(tag) =	ssettag $0x2  }
0x54: {  	s0 =	rddreg [dreg:$0x0];
	s2 =	stileid.u32  }
0x55: {  	s1 =	rddreg [dreg:$0x1];
	p0 =	sne.s32 s2, $0x0  }
0x56: {  	s3 =	rddreg [dreg:$0x2];
	[bflag:$0x3] =	sbarrier.arrive $0xFFFF;
	s2 =	simm.s32 @!p0 $0x1C05  }
0x57: {  	[timem:s3], [sflag:s2] =	dma.local @!p0 [hbm:s0], s1  }
0x58: {  	s0 =	simm.s32 @!p0 $0x5  }
0x59: {  	_ =	swait.ge @!p0 [sflag:s0], s1  }
0x5a: {  	s1 =	ssub.s32 @!p0 $0x0, s1;
	[sflag:s0] =	ssyncset.done @!p0 $0x0  }
0x5b: {  	[sflag:s0] =	ssyncadd.s32 @!p0 s1  }
0x5c: {  	[bflag:$0x3] =	sbarrier.arrive $0xFFFF  }
0x5d: {  	_ =	shalt  }

// kernel: kernel.17.cloned.1.call-start
scs
__scs_entry_jumppad:
0x0: {  	(pc) =	sbr.rel $0x88, $3  }
0x1: {  	(tag) =	ssettag $0x0;
	lr =	simm.s32 $0x1  }
0x2: {  	[smem:$0x3F69] =	sst lr;
	_ =	strace $0xD0000000  }
0x3: {  	_ = 	snop  }
0x4: {  	_ = 	snop  }
0x5: {  	_ = 	snop  }
0x6: {  	_ = 	snop  }
0x7: {  	_ = 	snop  }
__scs_overlays_trampoline_lowered:
0x8: {  	[smem:$0x3F78] =	sst s0  }
0x9: {  	[smem:$0x3F79] =	sst s1  }
0xa: {  	[smem:$0x3F7A] =	sst s2  }
0xb: {  	[smem:$0x3F7B] =	sst s3  }
0xc: {  	[smem:$0x3F7C] =	sst s4  }
0xd: {  	[smem:$0x3F7D] =	sst s5  }
0xe: {  	[smem:$0x3F7E] =	sst s6  }
0xf: {  	[smem:$0x3F7F] =	sst s7  }
0x10: {  	[smem:$0x3F80] =	sst s8  }
0x11: {  	[smem:$0x3F81] =	sst s9;
	s0 =	simm.s32 @!p0 $0x0  }
0x12: {  	s1 =	sld [smem:$0x3F67];
	s0 =	simm.s32 @p0 $0x1  }
0x13: {  	[smem:$0x3F82] =	sst s0;
	s0 =	simm.s32 @!p1 $0x0  }
0x14: {  	s2 =	sld [smem:$0x3F66];
	s0 =	simm.s32 @p1 $0x1  }
0x15: {  	[smem:$0x3F83] =	sst s0;
	s0 =	simm.s32 @!p2 $0x0  }
0x16: {  	s3 =	sld [smem:$0x3FDB];
	s0 =	simm.s32 @p2 $0x1  }
0x17: {  	s4 =	simm.s32 $0x1BF5;
	[smem:$0x3F85] =	sst s0  }
0x18: {  	s0 =	sld [smem:$0x3F68];
	_ =	swait.ge [sflag:s4], $0x0  }
0x19: {  	s7 =	sld [smem:$0x3F69]  }
0x1a: {  	s8 =	sadd.s32 $0xFFFFE003, lr  }
0x1b: {  	s9 =	sadd.s32 $0xFFFFFEF7, lr;
	s5 =	simm.s32 $0xFFFFFFFF;
	p2 =	slt.u32 s8, $0xFFFFF086  }
0x1c: {  	p1 =	slt.u32 s9, $0xF7A;
	s5 =	simm.s32 @!p2 $0x0  }
0x1d: {  	s5 =	simm.s32 @p1 $0x1;
	p0 =	seq.s32 s7, s2  }
0x1e: {  	s7 =	smul.u32 @!p0 $0xF7A, s2;
	p2 =	seq.s32 @!p0 s5, $0x0  }
0x1f: {  	s9 =	smul.u32 $0xF7A, s1;
	s8 =	simm.s32 @!p0 $0x1BF5;
	p2 =	por !p2, p0  }
0x20: {  	[sflag:s8] =	ssyncset.s32 @!p0 $0xFFFFF086;
	s6 =	sadd.s32 @!p0 s3, s7;
	s7 =	simm.s32 @!p0 $0x108  }
0x21: {  	s3 =	sadd.s32 s3, s9;
	s6 =	sadd.s32 @!p0 $0x88, s6;
	s7 =	simm.s32 @p2 $0x1082  }
0x22: {  	[simem:s7], [sflag:s8] =	dma.local @!p0 [hbm:s6], $0xF7A  }
0x23: {  	s9 =	sor.u32 $0xD0000000, s2;
	s6 =	simm.s32 $0x108;
	_ =	swait.ge @!p0 [sflag:s8], $0x0  }
0x24: {  	s3 =	sadd.s32 $0x88, s3;
	s6 =	simm.s32 @!p1 $0x1082;
	[sflag:s4] =	ssyncset.s32 $0xFFFFF086  }
0x25: {  	[simem:s6], [sflag:s4] =	dma.local [hbm:s3], $0xF7A  }
0x26: {  	[smem:$0x3F69] =	sst s1;
	(tag) =	ssettag s2;
	_ =	strace s9  }
0x27: {  	s1 =	sld [smem:$0x3F79]  }
0x28: {  	s2 =	sld [smem:$0x3F7A]  }
0x29: {  	s4 =	sld [smem:$0x3F7C]  }
0x2a: {  	p0 =	seq.s32 s5, $0x0;
	s5 =	sld [smem:$0x3F7D]  }
0x2b: {  	s6 =	sld [smem:$0x3F7E]  }
0x2c: {  	s7 =	sld [smem:$0x3F7F]  }
0x2d: {  	s3 =	simm.s32 $0x108;
	s8 =	sld [smem:$0x3F80]  }
0x2e: {  	s3 =	simm.s32 @!p0 $0x1082;
	s9 =	sld [smem:$0x3F81]  }
0x2f: {  	lr =	sadd.s32 s0, s3;
	s0 =	sld [smem:$0x3F78]  }
0x30: {  	s3 =	sld [smem:$0x3F7B]  }
0x31: {  	[smem:$0x3F84] =	sst s10  }
0x32: {  	s10 =	sld [smem:$0x3F82];
	_ =	sdelay $0x3  }
0x33: {  	p0 =	seq.s32 s10, $0x1;
	s10 =	sld [smem:$0x3F84];
	_ =	sdelay $0x3  }
0x34: {  	[smem:$0x3F84] =	sst s10  }
0x35: {  	s10 =	sld [smem:$0x3F83];
	_ =	sdelay $0x3  }
0x36: {  	p1 =	seq.s32 s10, $0x1;
	s10 =	sld [smem:$0x3F84];
	_ =	sdelay $0x3  }
0x37: {  	[smem:$0x3F84] =	sst s10  }
0x38: {  	s10 =	sld [smem:$0x3F85]  }
0x39: {  	_ = 	snop;
	(pc) =	sbr.ind lr, $3  }
0x3a: {  	_ = 	snop  }
0x3b: {  	_ = 	snop  }
0x3c: {  	p2 =	seq.s32 s10, $0x1;
	s10 =	sld [smem:$0x3F84]  }
0x3d: {  	_ =	shalt  }
0x3e: {  	_ =	shalt  }
0x3f: {  	_ =	shalt  }
0x40: {  	_ =	shalt  }
0x41: {  	_ =	shalt  }
0x42: {  	_ =	shalt  }
0x43: {  	_ =	shalt  }
0x44: {  	_ =	shalt  }
0x45: {  	_ =	shalt  }
0x46: {  	_ =	shalt  }
0x47: {  	_ =	shalt  }
0x48: {  	_ =	shalt  }
0x49: {  	_ =	shalt  }
0x4a: {  	_ =	shalt  }
0x4b: {  	_ =	shalt  }
0x4c: {  	_ =	shalt  }
0x4d: {  	_ =	shalt  }
0x4e: {  	_ =	shalt  }
0x4f: {  	_ =	shalt  }
0x50: {  	_ =	shalt  }
0x51: {  	_ =	shalt  }
0x52: {  	_ =	shalt  }
0x53: {  	_ =	shalt  }
0x54: {  	_ =	shalt  }
0x55: {  	_ =	shalt  }
0x56: {  	_ =	shalt  }
0x57: {  	_ =	shalt  }
0x58: {  	_ =	shalt  }
0x59: {  	_ =	shalt  }
0x5a: {  	_ =	shalt  }
0x5b: {  	_ =	shalt  }
0x5c: {  	_ =	shalt  }
0x5d: {  	_ =	shalt  }
0x5e: {  	_ =	shalt  }
0x5f: {  	_ =	shalt  }
0x60: {  	_ =	shalt  }
0x61: {  	_ =	shalt  }
0x62: {  	_ =	shalt  }
0x63: {  	_ =	shalt  }
0x64: {  	_ =	shalt  }
0x65: {  	_ =	shalt  }
0x66: {  	_ =	shalt  }
0x67: {  	_ =	shalt  }
0x68: {  	_ =	shalt  }
0x69: {  	_ =	shalt  }
0x6a: {  	_ =	shalt  }
0x6b: {  	_ =	shalt  }
0x6c: {  	_ =	shalt  }
0x6d: {  	_ =	shalt  }
0x6e: {  	_ =	shalt  }
0x6f: {  	_ =	shalt  }
0x70: {  	_ =	shalt  }
0x71: {  	_ =	shalt  }
0x72: {  	_ =	shalt  }
0x73: {  	_ =	shalt  }
0x74: {  	_ =	shalt  }
0x75: {  	_ =	shalt  }
0x76: {  	_ =	shalt  }
0x77: {  	_ =	shalt  }
0x78: {  	_ =	shalt  }
0x79: {  	_ =	shalt  }
0x7a: {  	_ =	shalt  }
0x7b: {  	_ =	shalt  }
0x7c: {  	_ =	shalt  }
0x7d: {  	_ =	shalt  }
0x7e: {  	_ =	shalt  }
0x7f: {  	_ =	shalt  }
0x80: {  	_ =	shalt  }
0x81: {  	_ =	shalt  }
0x82: {  	_ =	shalt  }
0x83: {  	_ =	shalt  }
0x84: {  	_ =	shalt  }
0x85: {  	_ =	shalt  }
0x86: {  	_ =	shalt  }
0x87: {  	_ =	shalt  }
.Lfunc_end0:
.L_simem_size_0:
called_computation.1_lowered:
.L_overlay_start_0:
0x88: {  	s2 =	sld [smem:$0x3FD9]  }
0x89: {  	s3 =	sld [smem:$0x3FFE];
	_ =	sdelay $0x1  }
0x8a: {  	s1 =	srdreg.scid  }
0x8b: {  	s0 =	sand.u32 $0x1, s1  }
0x8c: {  	s17 =	sshll.u32 s0, $0xA;
	s2 =	sadd.s32 s3, s2  }
0x8d: {  	s2 =	sadd.s32 s2, s17  }
0x8e: {  	[smem:$0x3F90] =	sst s2  }
0x8f: {  	_ = 	snop  }
0x90: {  	s18 =	sld [smem:$0x3FD0];
	(tm) =	ssettm $0x1  }
0x91: {  	s19 =	sld [smem:$0x3FFB];
	_ =	sdelay $0x3  }
0x92: {  	_ =	strace s19  }
0x93: {  	s2 =	sld [smem:$0x3FFC];
	_ =	sdelay $0x3  }
0x94: {  	_ =	strace s2  }
0x95: {  	s2 =	sld [smem:$0x3FFD];
	_ =	sdelay $0x3  }
0x96: {  	_ =	strace s2  }
0x97: {  	_ =	strace $0x8FFFFFFF  }
0x98: {  	s20 =	sld [smem:$0x3FDB];
	_ =	sdelay $0x1  }
0x99: {  	s4 =	simm.s32 $_scs_section_size  }
0x9a: {  	s5 =	simm.s32 $_size__tile_overlayer_lowered;
	s6 =	simm.s32 $_tile_overlayer_lowered  }
0x9b: {  	s7 =	simm.s32 $0x1BFF;
	s21 =	sshll.u32 s6, $0x1;
	s4 =	sadd.s32 s4, s20  }
0x9c: {  	s22 =	simm.s32 $0x0;
	s5 =	sshll.u32 s5, $0x1;
	s6 =	sadd.s32 s21, s4  }
0x9d: {  	[timem:s22], [sflag:s7] =	dma.local [hbm:s6], s5  }
0x9e: {  	_ =	swait.ge [sflag:s7], s5  }
0x9f: {  	s5 =	ssub.s32 $0x0, s5;
	[sflag:s7] =	ssyncset.done $0x0  }
0xa0: {  	[sflag:s7] =	ssyncadd.s32 s5;
	_ =	sdelay $0x1  }
0xa1: {  	s23 =	simm.s32 $0x1B8B  }
0xa2: {  	_ =	swait.ge [sflag:s23], $0x1  }
0xa3: {  	[sflag:s23] =	ssyncset.done $0x0  }
0xa4: {  	[sflag:s23] =	ssyncadd.s32 $0xFFFFFFFF  }
0xa5: {  	s5 =	sld [smem:$0x0]  }
0xa6: {  	s6 =	sand.u32 $0xFFFFFFFE, s1  }
0xa7: {  	p0 =	sne.s32 s1, s6  }
0xa8: {  	s6 =	sshll.u32 @p0 s6, $0xE  }
0xa9: {  	s6 =	sadd.s32 @p0 $0x11B8D, s6;
	s7 =	sshll.u32 @p0 s5, $0x11  }
0xaa: {  	s6 =	sor.u32 @p0 s7, s6  }
0xab: {  	[sflag:s6] =	ssyncadd.remote.s32 @p0 $0x1;
	_ =	sdelay $0x1  }
0xac: {  	s6 =	simm.s32 @p0 $0x1B8D  }
0xad: {  	_ =	swait.eq @p0 [sflag:s6], $0x1  }
0xae: {  	[sflag:s6] =	ssyncadd.s32 @p0 $0xFFFFFFFF  }
0xaf: {  	s7 =	sshll.u32 @!p0 s1, $0xE  }
0xb0: {  	s7 =	sor.u32 @!p0 $0x4000, s7;
	s6 =	simm.s32 @!p0 $0x1B8D  }
0xb1: {  	s5 =	sshll.u32 @!p0 s5, $0x11;
	s7 =	sadd.s32 @!p0 $0x11B8D, s7;
	_ =	swait.eq @!p0 [sflag:s6], $0x1  }
0xb2: {  	s5 =	sor.u32 @!p0 s5, s7;
	[sflag:s6] =	ssyncadd.s32 @!p0 $0xFFFFFFFF  }
0xb3: {  	s25 =	simm.s32 $0x1B8E;
	s24 =	sld [smem:$0x3FFE];
	[sflag:s5] =	ssyncadd.remote.s32 @!p0 $0x1  }
0xb4: {  	s26 =	simm.s32 $execute0_lowered;
	[smem:$0x3FD2] =	sst s25  }
0xb5: {  	s6 =	sshll.u32 s26, $0x1;
	_ =	strace $0x80000049;
	[dreg:$0x1] =	wrdreg $0xFFFFFFFF  }
0xb6: {  	s28 =	simm.s32 $_size_execute0_lowered;
	s4 =	sadd.s32 s4, s6;
	[dreg:$0x0] =	wrdreg $0x0  }
0xb7: {  	s6 =	sshll.u32 s28, $0x1;
	[dreg:$0x2] =	wrdreg s4  }
0xb8: {  	[dreg:$0x3] =	wrdreg s6  }
0xb9: {  	[dreg:$0x4] =	wrdreg $0xC0  }
0xba: {  	_ =	task [dreg:s22], $0x5FFFF  }
0xbb: {  	[dreg:$0x1] =	wrdreg $0xFFFFFFFF  }
0xbc: {  	[dreg:$0x0] =	wrdreg $0x60  }
0xbd: {  	[dreg:$0x2] =	wrdreg s24  }
0xbe: {  	[dreg:$0x3] =	wrdreg s18  }
0xbf: {  	[dreg:$0x4] =	wrdreg $0x14000  }
0xc0: {  	[dreg:$0x5] =	wrdreg $0xA  }
0xc1: {  	_ =	task.clear_ibuf [dreg:s22], $0x6FFFF;
	_ =	strace $0x90000049  }
0xc2: {  	s29 =	simm.s32 $0xA;
	_ =	strace $0x8000004B  }
0xc3: {  	_ =	swait.ge [sflag:s29], $0x1  }
0xc4: {  	[sflag:s29] =	ssyncadd.s32 $0xFFFFFFFF  }
0xc5: {  	_ =	strace $0x9000004B  }
0xc6: {  	_ =	sfence  }
0xc7: {  	s30 =	sld [smem:$0x0];
	_ =	sdelay $0x2  }
0xc8: {  	s31 =	sshll.u32 s1, $0xD;
	s1 =	sshrl.u32 s1, $0x2  }
0xc9: {  	s4 =	sand.u32 $0x4000, s31;
	s1 =	sadd.s32 s1, s30  }
0xca: {  	s0 =	sor.u32 s4, s0;
	s1 =	sshll.u32 s1, $0x11  }
0xcb: {  	s0 =	sor.u32 s1, s0  }
0xcc: {  	s0 =	sadd.s32 $0x8F2B, s0  }
0xcd: {  	[sflag:s0] =	ssyncadd.remote.s32 $0x1  }
0xce: {  	_ =	sfence.sel $0xFFFF  }
0xcf: {  	[dreg:$0x0] =	wrdreg $0xFFFFFFFF;
	(pc) =	sbr.abs _section_cstart, $3  }
0xd0: {  	[dreg:$0x1] =	wrdreg $0xFFFFFFFF  }
0xd1: {  	_ =	task.clear_ibuf [dreg:s22], $0x2FFFF;
	_ =	strace $0x9FFFFFFF  }
0xd2: {  	(tm) =	ssettm $0x7FFFFFFF  }
0xd3: {  	_ =	shalt  }
tec
execute0_lowered:
.L_overlay_start_1:
0x0: {  	(tag) =	ssettag $0x1  }
0x1: {  	s4 =	rddreg [dreg:$0x0]  }
0x2: {  	s5 =	rddreg [dreg:$0x1];
	s0 =	srdreg.scid  }
0x3: {  	s8 =	stileid.u32;
	s1 =	rddreg [dreg:$0x2];
	s2 =	simm.s32 $0x0  }
0x4: {  	s14 =	simm.s32 $0x19400;
	s15 =	simm.s32 $0x1;
	s16 =	simm.s32 $0x2  }
0x5: {  	s17 =	simm.s32 $0x3;
	s18 =	simm.s32 $0x4;
	s19 =	simm.s32 $0x0  }
0x6: {  	s9 =	sand.u32 $0x1, s0;
	s0 =	rddreg [dreg:$0x3];
	s12 =	smul.u32 $0x50, s8  }
0x7: {  	s3 =	sshll.u32 s8, $0x1;
	[smem:$0x7FF] =	sst s2;
	s31 =	smul.u32 $0x28000, s8  }
0x8: {  	s13 =	sadd.s32 $0x308000, s4;
	p0 =	sne.s32 s8, $0x0;
	s28 =	smul.u32 $0x28, s9  }
0x9: {  	s3 =	sor.u32 s9, s3;
	s7 =	ssub.s32 $0x2, s9;
	s9 =	smul.u32 $0x14000, s9  }
0xa: {  	_ =	strace $0x8000004A;
	s6 =	smul.u32 $0x280, s3;
	s11 =	sshrl.u32 s7, $0x1  }
0xb: {  	s10 =	smul.u32 $0x14000, s3;
	s3 =	sadd.s32 $0x38000, s4;
	s7 =	ssub.s32 s7, s11  }
0xc: {  	s30 =	sadd.s32 s28, s12;
	s11 =	sadd.s32 s31, s13;
	s12 =	simm.s32 $0x80  }
0xd: {  	s4 =	sadd.s32 s5, s6;
	s5 =	smax.u32 s7, $0x1;
	s29 =	sadd.s32 s13, s10  }
0xe: {  	s10 =	sshll.u32 s30, $0xB;
	s9 =	sadd.s32 s9, s11;
	s11 =	simm.s32 $0x5  }
0xf: {  	s6 =	sadd.s32 $0x13000, s29;
	s7 =	sadd.s32 $0x13800, s29;
	s10 =	sadd.s32 s10, s13  }
0x10: {  	s13 =	simm.s32 $0x15400;
	s8 =	sadd.s32 $0x800, s10;
	s10 =	sshrl.u32 @!p0 s1, $0x3  }
.LBB2_1:
0x11: {  	s20 =	simm.s32 @!p0 $0x1C05  }
0x12: {  	[spmem:s10], [sflag:s20] =	dma.local @!p0 [hbm:s3], $0x28000  }
0x13: {  	s20 =	simm.s32 @!p0 $0x5  }
0x14: {  	_ =	swait.ge @!p0 [sflag:s20], $0x28000  }
0x15: {  	[sflag:s20] =	ssyncset.done @!p0 $0x0  }
0x16: {  	[sflag:s20] =	ssyncadd.s32 @!p0 $0xFFFD8000  }
0x17: {  	[tilespmem:s2], [sflag:$0x5] =	stream.linear.gather [hbm4b:s4+s2], $0x1400, $0x38;
	[tilespmem:$0x1D400] =	vst v63  }
0x18: {  	_ =	swait.ge [sflag:s11], $0x1400  }
0x19: {  	[sflag:s11] =	ssyncset.done $0x0  }
0x1a: {  	[sflag:s11] =	ssyncadd.s32 $0xFFFFEC00  }
0x1b: {  	[bflag:$0x0] =	sbarrier.arrive $0xFFFF  }
0x1c: {  	[tilespmem:s13], [sflag:$0x1] =	stream.indirect.gather [spmem:s1], $0x80, s2, s12, $0xb8;
	[tilespmem:$0x1D400] =	vst v63  }
0x1d: {  	_ = 	snop  }
0x1e: {  	[tilespmem:s14], [sflag:$0x2] =	stream.indirect.gather [spmem:s1], $0x80, s12, s12, $0xb8;
	[tilespmem:$0x1D400] =	vst v63  }
0x1f: {  	_ =	swait.ge [sflag:s15], $0x4000  }
0x20: {  	[sflag:s15] =	ssyncset.done $0x0  }
0x21: {  	s29 =	sadd.s32 $0x0, s9;
	[sflag:s15] =	ssyncadd.s32 $0xFFFFC000  }
0x22: {  	[hbm4b:s29+s2] =	stream.linear.scatter [tilespmem:s13], [sflag:$0x3], $0x4000, $0x38;
	[tilespmem:$0x1D400] =	vst v63  }
0x23: {  	_ =	swait.ge [sflag:s16], $0x4000  }
0x24: {  	[sflag:s16] =	ssyncset.done $0x0  }
0x25: {  	s30 =	sadd.s32 $0x0, s8;
	[sflag:s16] =	ssyncadd.s32 $0xFFFFC000  }
0x26: {  	[hbm4b:s30+s2] =	stream.linear.scatter [tilespmem:s14], [sflag:$0x4], $0x4000, $0x38;
	[tilespmem:$0x1D400] =	vst v63  }
0x27: {  	_ =	swait.ge [sflag:s17], $0x4000  }
0x28: {  	[sflag:s17] =	ssyncset.done $0x0  }
0x29: {  	s31 =	simm.s32 $0x100;
	[sflag:s17] =	ssyncadd.s32 $0xFFFFC000  }
0x2a: {  	[tilespmem:s13], [sflag:$0x1] =	stream.indirect.gather [spmem:s1], $0x80, s31, s12, $0xb8;
	[tilespmem:$0x1D400] =	vst v63  }
0x2b: {  	_ =	swait.ge [sflag:s18], $0x4000  }
0x2c: {  	s21 =	simm.s32 $0x1000;
	[sflag:s18] =	ssyncset.done $0x0  }
0x2d: {  	s22 =	simm.s32 $0x280;
	s20 =	simm.s32 $0x180;
	[sflag:s18] =	ssyncadd.s32 $0xFFFFC000  }
.LBB2_2:
0x2e: {  	[tilespmem:s14], [sflag:$0x2] =	stream.indirect.gather [spmem:s1], $0x80, s20, s12, $0xb8;
	[tilespmem:$0x1D400] =	vst v63  }
0x2f: {  	s23 =	smov.u32 s21;
	s20 =	smov.u32 s22  }
0x30: {  	p1 =	sne.s32 s21, $0x12000;
	s21 =	sadd.s32 $0x1000, s21;
	_ =	swait.ge [sflag:s15], $0x4000  }
0x31: {  	[sflag:s15] =	ssyncset.done $0x0  }
0x32: {  	s24 =	sadd.s32 s23, s9;
	[sflag:s15] =	ssyncadd.s32 $0xFFFFC000  }
0x33: {  	[hbm4b:s24+s2] =	stream.linear.scatter [tilespmem:s13], [sflag:$0x3], $0x4000, $0x38;
	[tilespmem:$0x1D400] =	vst v63  }
0x34: {  	_ =	swait.ge [sflag:s16], $0x4000  }
0x35: {  	[sflag:s16] =	ssyncset.done $0x0  }
0x36: {  	s23 =	sadd.s32 s23, s8;
	[sflag:s16] =	ssyncadd.s32 $0xFFFFC000  }
0x37: {  	[hbm4b:s23+s2] =	stream.linear.scatter [tilespmem:s14], [sflag:$0x4], $0x4000, $0x38;
	[tilespmem:$0x1D400] =	vst v63  }
0x38: {  	_ =	swait.ge [sflag:s17], $0x4000  }
0x39: {  	[sflag:s17] =	ssyncset.done $0x0  }
.Ltmp0:
0x3a: {  	s23 =	sadd.s32 $0xFFFFFF80, s22;
	[sflag:s17] =	ssyncadd.s32 $0xFFFFC000;
	(pc) =	sbr.rel @p1 .LBB2_2-.Ltmp0, $4  }
0x3b: {  	[tilespmem:s13], [sflag:$0x1] =	stream.indirect.gather [spmem:s1], $0x80, s23, s12, $0xb8;
	[tilespmem:$0x1D400] =	vst v63  }
0x3c: {  	_ =	swait.ge [sflag:s18], $0x4000  }
0x3d: {  	[sflag:s18] =	ssyncset.done $0x0  }
0x3e: {  	s22 =	sadd.s32 $0x100, s22;
	[sflag:s18] =	ssyncadd.s32 $0xFFFFC000  }
0x3f: {  	[tilespmem:s14], [sflag:$0x2] =	stream.indirect.gather [spmem:s1], $0x80, s20, s12, $0xb8;
	[tilespmem:$0x1D400] =	vst v63  }
0x40: {  	_ =	swait.ge [sflag:s15], $0x4000  }
0x41: {  	[sflag:s15] =	ssyncset.done $0x0  }
0x42: {  	[sflag:s15] =	ssyncadd.s32 $0xFFFFC000  }
0x43: {  	[hbm4b:s6+s2] =	stream.linear.scatter [tilespmem:s13], [sflag:$0x3], $0x4000, $0x38;
	[tilespmem:$0x1D400] =	vst v63  }
0x44: {  	_ =	swait.ge [sflag:s16], $0x4000  }
0x45: {  	[sflag:s16] =	ssyncset.done $0x0  }
0x46: {  	s19 =	sadd.s32 $0x1, s19;
	[sflag:s16] =	ssyncadd.s32 $0xFFFFC000  }
0x47: {  	[hbm4b:s7+s2] =	stream.linear.scatter [tilespmem:s14], [sflag:$0x4], $0x4000, $0x38;
	[tilespmem:$0x1D400] =	vst v63  }
0x48: {  	p1 =	sne.s32 s19, s5;
	_ =	swait.ge [sflag:s17], $0x4000  }
.Ltmp1:
0x49: {  	[sflag:s17] =	ssyncset.done $0x0;
	(pc) =	sbr.rel @p1 .LBB2_1-.Ltmp1, $4  }
0x4a: {  	[sflag:s17] =	ssyncadd.s32 $0xFFFFC000  }
0x4b: {  	_ =	swait.ge [sflag:s18], $0x4000  }
0x4c: {  	[sflag:s18] =	ssyncset.done $0x0  }
0x4d: {  	[sflag:s18] =	ssyncadd.s32 $0xFFFFC000  }
0x4e: {  	_ =	sfence.sel $0x180000  }
0x4f: {  	[bflag:$0x0] =	sbarrier.arrive $0xFFFF  }
0x50: {  	_ =	strace $0x9000004A  }
0x51: {  	s0 =	sadd.s32 @!p0 $0x100000, s0;
	[bflag:$0x2] =	sbarrier.arrive $0xFFFF  }
0x52: {  	[sflag:s0] =	ssyncadd.tile.s32 @!p0 $0x1;
	_ =	shalt  }
.Lfunc_end2:
_tile_overlayer_lowered:
.L_overlay_start_2:
0x53: {  	(tag) =	ssettag $0x2  }
0x54: {  	s0 =	rddreg [dreg:$0x0];
	s2 =	stileid.u32  }
0x55: {  	s1 =	rddreg [dreg:$0x1];
	p0 =	sne.s32 s2, $0x0  }
0x56: {  	s3 =	rddreg [dreg:$0x2];
	[bflag:$0x3] =	sbarrier.arrive $0xFFFF;
	s2 =	simm.s32 @!p0 $0x1C05  }
0x57: {  	[timem:s3], [sflag:s2] =	dma.local @!p0 [hbm:s0], s1  }
0x58: {  	s0 =	simm.s32 @!p0 $0x5  }
0x59: {  	_ =	swait.ge @!p0 [sflag:s0], s1  }
0x5a: {  	s1 =	ssub.s32 @!p0 $0x0, s1;
	[sflag:s0] =	ssyncset.done @!p0 $0x0  }
0x5b: {  	[sflag:s0] =	ssyncadd.s32 @!p0 s1  }
0x5c: {  	[bflag:$0x3] =	sbarrier.arrive $0xFFFF  }
0x5d: {  	_ =	shalt  }

// kernel: kernel.20.cloned.1.call-start
scs
__scs_entry_jumppad:
0x0: {  	(pc) =	sbr.rel $0x88, $3  }
0x1: {  	(tag) =	ssettag $0x0;
	lr =	simm.s32 $0x1  }
0x2: {  	[smem:$0x3F69] =	sst lr;
	_ =	strace $0xD0000000  }
0x3: {  	_ = 	snop  }
0x4: {  	_ = 	snop  }
0x5: {  	_ = 	snop  }
0x6: {  	_ = 	snop  }
0x7: {  	_ = 	snop  }
__scs_overlays_trampoline_lowered:
0x8: {  	[smem:$0x3F78] =	sst s0  }
0x9: {  	[smem:$0x3F79] =	sst s1  }
0xa: {  	[smem:$0x3F7A] =	sst s2  }
0xb: {  	[smem:$0x3F7B] =	sst s3  }
0xc: {  	[smem:$0x3F7C] =	sst s4  }
0xd: {  	[smem:$0x3F7D] =	sst s5  }
0xe: {  	[smem:$0x3F7E] =	sst s6  }
0xf: {  	[smem:$0x3F7F] =	sst s7  }
0x10: {  	[smem:$0x3F80] =	sst s8  }
0x11: {  	[smem:$0x3F81] =	sst s9;
	s0 =	simm.s32 @!p0 $0x0  }
0x12: {  	s1 =	sld [smem:$0x3F67];
	s0 =	simm.s32 @p0 $0x1  }
0x13: {  	[smem:$0x3F82] =	sst s0;
	s0 =	simm.s32 @!p1 $0x0  }
0x14: {  	s2 =	sld [smem:$0x3F66];
	s0 =	simm.s32 @p1 $0x1  }
0x15: {  	[smem:$0x3F83] =	sst s0;
	s0 =	simm.s32 @!p2 $0x0  }
0x16: {  	s3 =	sld [smem:$0x3FDB];
	s0 =	simm.s32 @p2 $0x1  }
0x17: {  	s4 =	simm.s32 $0x1BF5;
	[smem:$0x3F85] =	sst s0  }
0x18: {  	s0 =	sld [smem:$0x3F68];
	_ =	swait.ge [sflag:s4], $0x0  }
0x19: {  	s7 =	sld [smem:$0x3F69]  }
0x1a: {  	s8 =	sadd.s32 $0xFFFFE003, lr  }
0x1b: {  	s9 =	sadd.s32 $0xFFFFFEF7, lr;
	s5 =	simm.s32 $0xFFFFFFFF;
	p2 =	slt.u32 s8, $0xFFFFF086  }
0x1c: {  	p1 =	slt.u32 s9, $0xF7A;
	s5 =	simm.s32 @!p2 $0x0  }
0x1d: {  	s5 =	simm.s32 @p1 $0x1;
	p0 =	seq.s32 s7, s2  }
0x1e: {  	s7 =	smul.u32 @!p0 $0xF7A, s2;
	p2 =	seq.s32 @!p0 s5, $0x0  }
0x1f: {  	s9 =	smul.u32 $0xF7A, s1;
	s8 =	simm.s32 @!p0 $0x1BF5;
	p2 =	por !p2, p0  }
0x20: {  	[sflag:s8] =	ssyncset.s32 @!p0 $0xFFFFF086;
	s6 =	sadd.s32 @!p0 s3, s7;
	s7 =	simm.s32 @!p0 $0x108  }
0x21: {  	s3 =	sadd.s32 s3, s9;
	s6 =	sadd.s32 @!p0 $0x88, s6;
	s7 =	simm.s32 @p2 $0x1082  }
0x22: {  	[simem:s7], [sflag:s8] =	dma.local @!p0 [hbm:s6], $0xF7A  }
0x23: {  	s9 =	sor.u32 $0xD0000000, s2;
	s6 =	simm.s32 $0x108;
	_ =	swait.ge @!p0 [sflag:s8], $0x0  }
0x24: {  	s3 =	sadd.s32 $0x88, s3;
	s6 =	simm.s32 @!p1 $0x1082;
	[sflag:s4] =	ssyncset.s32 $0xFFFFF086  }
0x25: {  	[simem:s6], [sflag:s4] =	dma.local [hbm:s3], $0xF7A  }
0x26: {  	[smem:$0x3F69] =	sst s1;
	(tag) =	ssettag s2;
	_ =	strace s9  }
0x27: {  	s1 =	sld [smem:$0x3F79]  }
0x28: {  	s2 =	sld [smem:$0x3F7A]  }
0x29: {  	s4 =	sld [smem:$0x3F7C]  }
0x2a: {  	p0 =	seq.s32 s5, $0x0;
	s5 =	sld [smem:$0x3F7D]  }
0x2b: {  	s6 =	sld [smem:$0x3F7E]  }
0x2c: {  	s7 =	sld [smem:$0x3F7F]  }
0x2d: {  	s3 =	simm.s32 $0x108;
	s8 =	sld [smem:$0x3F80]  }
0x2e: {  	s3 =	simm.s32 @!p0 $0x1082;
	s9 =	sld [smem:$0x3F81]  }
0x2f: {  	lr =	sadd.s32 s0, s3;
	s0 =	sld [smem:$0x3F78]  }
0x30: {  	s3 =	sld [smem:$0x3F7B]  }
0x31: {  	[smem:$0x3F84] =	sst s10  }
0x32: {  	s10 =	sld [smem:$0x3F82];
	_ =	sdelay $0x3  }
0x33: {  	p0 =	seq.s32 s10, $0x1;
	s10 =	sld [smem:$0x3F84];
	_ =	sdelay $0x3  }
0x34: {  	[smem:$0x3F84] =	sst s10  }
0x35: {  	s10 =	sld [smem:$0x3F83];
	_ =	sdelay $0x3  }
0x36: {  	p1 =	seq.s32 s10, $0x1;
	s10 =	sld [smem:$0x3F84];
	_ =	sdelay $0x3  }
0x37: {  	[smem:$0x3F84] =	sst s10  }
0x38: {  	s10 =	sld [smem:$0x3F85]  }
0x39: {  	_ = 	snop;
	(pc) =	sbr.ind lr, $3  }
0x3a: {  	_ = 	snop  }
0x3b: {  	_ = 	snop  }
0x3c: {  	p2 =	seq.s32 s10, $0x1;
	s10 =	sld [smem:$0x3F84]  }
0x3d: {  	_ =	shalt  }
0x3e: {  	_ =	shalt  }
0x3f: {  	_ =	shalt  }
0x40: {  	_ =	shalt  }
0x41: {  	_ =	shalt  }
0x42: {  	_ =	shalt  }
0x43: {  	_ =	shalt  }
0x44: {  	_ =	shalt  }
0x45: {  	_ =	shalt  }
0x46: {  	_ =	shalt  }
0x47: {  	_ =	shalt  }
0x48: {  	_ =	shalt  }
0x49: {  	_ =	shalt  }
0x4a: {  	_ =	shalt  }
0x4b: {  	_ =	shalt  }
0x4c: {  	_ =	shalt  }
0x4d: {  	_ =	shalt  }
0x4e: {  	_ =	shalt  }
0x4f: {  	_ =	shalt  }
0x50: {  	_ =	shalt  }
0x51: {  	_ =	shalt  }
0x52: {  	_ =	shalt  }
0x53: {  	_ =	shalt  }
0x54: {  	_ =	shalt  }
0x55: {  	_ =	shalt  }
0x56: {  	_ =	shalt  }
0x57: {  	_ =	shalt  }
0x58: {  	_ =	shalt  }
0x59: {  	_ =	shalt  }
0x5a: {  	_ =	shalt  }
0x5b: {  	_ =	shalt  }
0x5c: {  	_ =	shalt  }
0x5d: {  	_ =	shalt  }
0x5e: {  	_ =	shalt  }
0x5f: {  	_ =	shalt  }
0x60: {  	_ =	shalt  }
0x61: {  	_ =	shalt  }
0x62: {  	_ =	shalt  }
0x63: {  	_ =	shalt  }
0x64: {  	_ =	shalt  }
0x65: {  	_ =	shalt  }
0x66: {  	_ =	shalt  }
0x67: {  	_ =	shalt  }
0x68: {  	_ =	shalt  }
0x69: {  	_ =	shalt  }
0x6a: {  	_ =	shalt  }
0x6b: {  	_ =	shalt  }
0x6c: {  	_ =	shalt  }
0x6d: {  	_ =	shalt  }
0x6e: {  	_ =	shalt  }
0x6f: {  	_ =	shalt  }
0x70: {  	_ =	shalt  }
0x71: {  	_ =	shalt  }
0x72: {  	_ =	shalt  }
0x73: {  	_ =	shalt  }
0x74: {  	_ =	shalt  }
0x75: {  	_ =	shalt  }
0x76: {  	_ =	shalt  }
0x77: {  	_ =	shalt  }
0x78: {  	_ =	shalt  }
0x79: {  	_ =	shalt  }
0x7a: {  	_ =	shalt  }
0x7b: {  	_ =	shalt  }
0x7c: {  	_ =	shalt  }
0x7d: {  	_ =	shalt  }
0x7e: {  	_ =	shalt  }
0x7f: {  	_ =	shalt  }
0x80: {  	_ =	shalt  }
0x81: {  	_ =	shalt  }
0x82: {  	_ =	shalt  }
0x83: {  	_ =	shalt  }
0x84: {  	_ =	shalt  }
0x85: {  	_ =	shalt  }
0x86: {  	_ =	shalt  }
0x87: {  	_ =	shalt  }
.Lfunc_end0:
.L_simem_size_0:
called_computation.2_lowered:
.L_overlay_start_0:
0x88: {  	s2 =	sld [smem:$0x3FD9]  }
0x89: {  	s3 =	sld [smem:$0x3FFE];
	_ =	sdelay $0x1  }
0x8a: {  	s1 =	srdreg.scid  }
0x8b: {  	s0 =	sand.u32 $0x1, s1  }
0x8c: {  	s17 =	sshll.u32 s0, $0xA;
	s2 =	sadd.s32 s3, s2  }
0x8d: {  	s2 =	sadd.s32 s2, s17  }
0x8e: {  	[smem:$0x3F90] =	sst s2  }
0x8f: {  	_ = 	snop  }
0x90: {  	s2 =	sld [smem:$0x3FD0];
	(tm) =	ssettm $0x1  }
0x91: {  	s18 =	sld [smem:$0x3FFB];
	_ =	sdelay $0x3  }
0x92: {  	_ =	strace s18  }
0x93: {  	s3 =	sld [smem:$0x3FFC];
	_ =	sdelay $0x3  }
0x94: {  	_ =	strace s3  }
0x95: {  	s3 =	sld [smem:$0x3FFD];
	_ =	sdelay $0x3  }
0x96: {  	_ =	strace s3  }
0x97: {  	_ =	strace $0x8FFFFFFF  }
0x98: {  	s19 =	sld [smem:$0x3FDB];
	_ =	sdelay $0x1  }
0x99: {  	s4 =	simm.s32 $_scs_section_size  }
0x9a: {  	s5 =	simm.s32 $_size__tile_overlayer_lowered;
	s6 =	simm.s32 $_tile_overlayer_lowered  }
0x9b: {  	s22 =	simm.s32 $0x1BFF;
	s21 =	sshll.u32 s6, $0x1;
	s3 =	sadd.s32 s4, s19  }
0x9c: {  	s7 =	simm.s32 $0x0;
	s20 =	sshll.u32 s5, $0x1;
	s5 =	sadd.s32 s21, s3  }
0x9d: {  	[timem:s7], [sflag:s22] =	dma.local [hbm:s5], s20  }
0x9e: {  	_ =	swait.ge [sflag:s22], s20  }
0x9f: {  	s4 =	ssub.s32 $0x0, s20;
	[sflag:s22] =	ssyncset.done $0x0  }
0xa0: {  	[sflag:s22] =	ssyncadd.s32 s4;
	_ =	sdelay $0x1  }
0xa1: {  	s23 =	simm.s32 $0x1B8B  }
0xa2: {  	_ =	swait.ge [sflag:s23], $0x1  }
0xa3: {  	[sflag:s23] =	ssyncset.done $0x0  }
0xa4: {  	s25 =	simm.s32 $0x1B8E;
	s24 =	sld [smem:$0x3FFE];
	[sflag:s23] =	ssyncadd.s32 $0xFFFFFFFF  }
0xa5: {  	s26 =	simm.s32 $execute0_lowered;
	[smem:$0x3FD2] =	sst s25  }
0xa6: {  	s5 =	sshll.u32 s26, $0x1;
	_ =	strace $0x8000004C;
	[dreg:$0x1] =	wrdreg $0xFFFFFFFF  }
0xa7: {  	s28 =	simm.s32 $_size_execute0_lowered;
	s3 =	sadd.s32 s3, s5;
	[dreg:$0x0] =	wrdreg $0x0  }
0xa8: {  	s5 =	sshll.u32 s28, $0x1;
	[dreg:$0x2] =	wrdreg s3  }
0xa9: {  	[dreg:$0x3] =	wrdreg s5  }
0xaa: {  	[dreg:$0x4] =	wrdreg $0xC0  }
0xab: {  	_ =	task [dreg:s7], $0x5FFFF  }
0xac: {  	[dreg:$0x1] =	wrdreg $0xFFFFFFFF  }
0xad: {  	[dreg:$0x0] =	wrdreg $0x60  }
0xae: {  	[dreg:$0x2] =	wrdreg s24  }
0xaf: {  	[dreg:$0x3] =	wrdreg s2  }
0xb0: {  	[dreg:$0x4] =	wrdreg $0x14000  }
0xb1: {  	[dreg:$0x5] =	wrdreg $0x9  }
0xb2: {  	_ =	task.clear_ibuf [dreg:s7], $0x6FFFF;
	_ =	strace $0x9000004C  }
0xb3: {  	s29 =	simm.s32 $0x9;
	_ =	strace $0x8000004E  }
0xb4: {  	_ =	swait.ge [sflag:s29], $0x1  }
0xb5: {  	[sflag:s29] =	ssyncadd.s32 $0xFFFFFFFF  }
0xb6: {  	_ =	strace $0x9000004E  }
0xb7: {  	_ =	sfence  }
0xb8: {  	s30 =	sld [smem:$0x0];
	_ =	sdelay $0x2  }
0xb9: {  	s31 =	sshll.u32 s1, $0xD;
	s1 =	sshrl.u32 s1, $0x2  }
0xba: {  	s3 =	sand.u32 $0x4000, s31;
	s1 =	sadd.s32 s1, s30  }
0xbb: {  	s0 =	sor.u32 s3, s0;
	s1 =	sshll.u32 s1, $0x11  }
0xbc: {  	s0 =	sor.u32 s1, s0  }
0xbd: {  	s0 =	sadd.s32 $0x8F2B, s0  }
0xbe: {  	[sflag:s0] =	ssyncadd.remote.s32 $0x1  }
0xbf: {  	_ =	sfence.sel $0xFFFF  }
0xc0: {  	[dreg:$0x0] =	wrdreg $0xFFFFFFFF;
	(pc) =	sbr.abs _section_cstart, $3  }
0xc1: {  	[dreg:$0x1] =	wrdreg $0xFFFFFFFF  }
0xc2: {  	_ =	task.clear_ibuf [dreg:s7], $0x2FFFF;
	_ =	strace $0x9FFFFFFF  }
0xc3: {  	(tm) =	ssettm $0x7FFFFFFF  }
tec
execute0_lowered:
.L_overlay_start_1:
0x0: {  	(tag) =	ssettag $0x1  }
0x1: {  	s4 =	rddreg [dreg:$0x0]  }
0x2: {  	s5 =	rddreg [dreg:$0x1];
	s0 =	srdreg.scid  }
0x3: {  	s8 =	stileid.u32;
	s1 =	rddreg [dreg:$0x2];
	s2 =	simm.s32 $0x0  }
0x4: {  	s14 =	simm.s32 $0x19400;
	s15 =	simm.s32 $0x1;
	s16 =	simm.s32 $0x2  }
0x5: {  	s17 =	simm.s32 $0x3;
	s18 =	simm.s32 $0x4;
	s19 =	simm.s32 $0x0  }
0x6: {  	s9 =	sand.u32 $0x1, s0;
	s0 =	rddreg [dreg:$0x3];
	s12 =	smul.u32 $0x50, s8  }
0x7: {  	s3 =	sshll.u32 s8, $0x1;
	[smem:$0x7FF] =	sst s2;
	s31 =	smul.u32 $0x28000, s8  }
0x8: {  	s13 =	sadd.s32 $0x38000, s4;
	p0 =	sne.s32 s8, $0x0;
	s28 =	smul.u32 $0x28, s9  }
0x9: {  	s3 =	sor.u32 s9, s3;
	s7 =	ssub.s32 $0x2, s9;
	s9 =	smul.u32 $0x14000, s9  }
0xa: {  	_ =	strace $0x8000004D;
	s6 =	smul.u32 $0x280, s3;
	s11 =	sshrl.u32 s7, $0x1  }
0xb: {  	s10 =	smul.u32 $0x14000, s3;
	s3 =	sadd.s32 $0x10000, s4;
	s7 =	ssub.s32 s7, s11  }
0xc: {  	s30 =	sadd.s32 s28, s12;
	s11 =	sadd.s32 s31, s13;
	s12 =	simm.s32 $0x80  }
0xd: {  	s4 =	sadd.s32 s5, s6;
	s5 =	smax.u32 s7, $0x1;
	s29 =	sadd.s32 s13, s10  }
0xe: {  	s10 =	sshll.u32 s30, $0xB;
	s9 =	sadd.s32 s9, s11;
	s11 =	simm.s32 $0x5  }
0xf: {  	s6 =	sadd.s32 $0x13000, s29;
	s7 =	sadd.s32 $0x13800, s29;
	s10 =	sadd.s32 s10, s13  }
0x10: {  	s13 =	simm.s32 $0x15400;
	s8 =	sadd.s32 $0x800, s10;
	s10 =	sshrl.u32 @!p0 s1, $0x3  }
.LBB2_1:
0x11: {  	s20 =	simm.s32 @!p0 $0x1C05  }
0x12: {  	[spmem:s10], [sflag:s20] =	dma.local @!p0 [hbm:s3], $0x28000  }
0x13: {  	s20 =	simm.s32 @!p0 $0x5  }
0x14: {  	_ =	swait.ge @!p0 [sflag:s20], $0x28000  }
0x15: {  	[sflag:s20] =	ssyncset.done @!p0 $0x0  }
0x16: {  	[sflag:s20] =	ssyncadd.s32 @!p0 $0xFFFD8000  }
0x17: {  	[tilespmem:s2], [sflag:$0x5] =	stream.linear.gather [hbm4b:s4+s2], $0x1400, $0x38;
	[tilespmem:$0x1D400] =	vst v63  }
0x18: {  	_ =	swait.ge [sflag:s11], $0x1400  }
0x19: {  	[sflag:s11] =	ssyncset.done $0x0  }
0x1a: {  	[sflag:s11] =	ssyncadd.s32 $0xFFFFEC00  }
0x1b: {  	[bflag:$0x0] =	sbarrier.arrive $0xFFFF  }
0x1c: {  	[tilespmem:s13], [sflag:$0x1] =	stream.indirect.gather [spmem:s1], $0x80, s2, s12, $0xb8;
	[tilespmem:$0x1D400] =	vst v63  }
0x1d: {  	_ = 	snop  }
0x1e: {  	[tilespmem:s14], [sflag:$0x2] =	stream.indirect.gather [spmem:s1], $0x80, s12, s12, $0xb8;
	[tilespmem:$0x1D400] =	vst v63  }
0x1f: {  	_ =	swait.ge [sflag:s15], $0x4000  }
0x20: {  	[sflag:s15] =	ssyncset.done $0x0  }
0x21: {  	s29 =	sadd.s32 $0x0, s9;
	[sflag:s15] =	ssyncadd.s32 $0xFFFFC000  }
0x22: {  	[hbm4b:s29+s2] =	stream.linear.scatter [tilespmem:s13], [sflag:$0x3], $0x4000, $0x38;
	[tilespmem:$0x1D400] =	vst v63  }
0x23: {  	_ =	swait.ge [sflag:s16], $0x4000  }
0x24: {  	[sflag:s16] =	ssyncset.done $0x0  }
0x25: {  	s30 =	sadd.s32 $0x0, s8;
	[sflag:s16] =	ssyncadd.s32 $0xFFFFC000  }
0x26: {  	[hbm4b:s30+s2] =	stream.linear.scatter [tilespmem:s14], [sflag:$0x4], $0x4000, $0x38;
	[tilespmem:$0x1D400] =	vst v63  }
0x27: {  	_ =	swait.ge [sflag:s17], $0x4000  }
0x28: {  	[sflag:s17] =	ssyncset.done $0x0  }
0x29: {  	s31 =	simm.s32 $0x100;
	[sflag:s17] =	ssyncadd.s32 $0xFFFFC000  }
0x2a: {  	[tilespmem:s13], [sflag:$0x1] =	stream.indirect.gather [spmem:s1], $0x80, s31, s12, $0xb8;
	[tilespmem:$0x1D400] =	vst v63  }
0x2b: {  	_ =	swait.ge [sflag:s18], $0x4000  }
0x2c: {  	s21 =	simm.s32 $0x1000;
	[sflag:s18] =	ssyncset.done $0x0  }
0x2d: {  	s22 =	simm.s32 $0x280;
	s20 =	simm.s32 $0x180;
	[sflag:s18] =	ssyncadd.s32 $0xFFFFC000  }
.LBB2_2:
0x2e: {  	[tilespmem:s14], [sflag:$0x2] =	stream.indirect.gather [spmem:s1], $0x80, s20, s12, $0xb8;
	[tilespmem:$0x1D400] =	vst v63  }
0x2f: {  	s23 =	smov.u32 s21;
	s20 =	smov.u32 s22  }
0x30: {  	p1 =	sne.s32 s21, $0x12000;
	s21 =	sadd.s32 $0x1000, s21;
	_ =	swait.ge [sflag:s15], $0x4000  }
0x31: {  	[sflag:s15] =	ssyncset.done $0x0  }
0x32: {  	s24 =	sadd.s32 s23, s9;
	[sflag:s15] =	ssyncadd.s32 $0xFFFFC000  }
0x33: {  	[hbm4b:s24+s2] =	stream.linear.scatter [tilespmem:s13], [sflag:$0x3], $0x4000, $0x38;
	[tilespmem:$0x1D400] =	vst v63  }
0x34: {  	_ =	swait.ge [sflag:s16], $0x4000  }
0x35: {  	[sflag:s16] =	ssyncset.done $0x0  }
0x36: {  	s23 =	sadd.s32 s23, s8;
	[sflag:s16] =	ssyncadd.s32 $0xFFFFC000  }
0x37: {  	[hbm4b:s23+s2] =	stream.linear.scatter [tilespmem:s14], [sflag:$0x4], $0x4000, $0x38;
	[tilespmem:$0x1D400] =	vst v63  }
0x38: {  	_ =	swait.ge [sflag:s17], $0x4000  }
0x39: {  	[sflag:s17] =	ssyncset.done $0x0  }
.Ltmp0:
0x3a: {  	s23 =	sadd.s32 $0xFFFFFF80, s22;
	[sflag:s17] =	ssyncadd.s32 $0xFFFFC000;
	(pc) =	sbr.rel @p1 .LBB2_2-.Ltmp0, $4  }
0x3b: {  	[tilespmem:s13], [sflag:$0x1] =	stream.indirect.gather [spmem:s1], $0x80, s23, s12, $0xb8;
	[tilespmem:$0x1D400] =	vst v63  }
0x3c: {  	_ =	swait.ge [sflag:s18], $0x4000  }
0x3d: {  	[sflag:s18] =	ssyncset.done $0x0  }
0x3e: {  	s22 =	sadd.s32 $0x100, s22;
	[sflag:s18] =	ssyncadd.s32 $0xFFFFC000  }
0x3f: {  	[tilespmem:s14], [sflag:$0x2] =	stream.indirect.gather [spmem:s1], $0x80, s20, s12, $0xb8;
	[tilespmem:$0x1D400] =	vst v63  }
0x40: {  	_ =	swait.ge [sflag:s15], $0x4000  }
0x41: {  	[sflag:s15] =	ssyncset.done $0x0  }
0x42: {  	[sflag:s15] =	ssyncadd.s32 $0xFFFFC000  }
0x43: {  	[hbm4b:s6+s2] =	stream.linear.scatter [tilespmem:s13], [sflag:$0x3], $0x4000, $0x38;
	[tilespmem:$0x1D400] =	vst v63  }
0x44: {  	_ =	swait.ge [sflag:s16], $0x4000  }
0x45: {  	[sflag:s16] =	ssyncset.done $0x0  }
0x46: {  	s19 =	sadd.s32 $0x1, s19;
	[sflag:s16] =	ssyncadd.s32 $0xFFFFC000  }
0x47: {  	[hbm4b:s7+s2] =	stream.linear.scatter [tilespmem:s14], [sflag:$0x4], $0x4000, $0x38;
	[tilespmem:$0x1D400] =	vst v63  }
0x48: {  	p1 =	sne.s32 s19, s5;
	_ =	swait.ge [sflag:s17], $0x4000  }
.Ltmp1:
0x49: {  	[sflag:s17] =	ssyncset.done $0x0;
	(pc) =	sbr.rel @p1 .LBB2_1-.Ltmp1, $4  }
0x4a: {  	[sflag:s17] =	ssyncadd.s32 $0xFFFFC000  }
0x4b: {  	_ =	swait.ge [sflag:s18], $0x4000  }
0x4c: {  	[sflag:s18] =	ssyncset.done $0x0  }
0x4d: {  	[sflag:s18] =	ssyncadd.s32 $0xFFFFC000  }
0x4e: {  	_ =	sfence.sel $0x180000  }
0x4f: {  	[bflag:$0x0] =	sbarrier.arrive $0xFFFF  }
0x50: {  	_ =	strace $0x9000004D  }
0x51: {  	s0 =	sadd.s32 @!p0 $0x100000, s0;
	[bflag:$0x2] =	sbarrier.arrive $0xFFFF  }
0x52: {  	[sflag:s0] =	ssyncadd.tile.s32 @!p0 $0x1;
	_ =	shalt  }
.Lfunc_end2:
_tile_overlayer_lowered:
.L_overlay_start_2:
0x53: {  	(tag) =	ssettag $0x2  }
0x54: {  	s0 =	rddreg [dreg:$0x0];
	s2 =	stileid.u32  }
0x55: {  	s1 =	rddreg [dreg:$0x1];
	p0 =	sne.s32 s2, $0x0  }
0x56: {  	s3 =	rddreg [dreg:$0x2];
	[bflag:$0x3] =	sbarrier.arrive $0xFFFF;
	s2 =	simm.s32 @!p0 $0x1C05  }
0x57: {  	[timem:s3], [sflag:s2] =	dma.local @!p0 [hbm:s0], s1  }
0x58: {  	s0 =	simm.s32 @!p0 $0x5  }
0x59: {  	_ =	swait.ge @!p0 [sflag:s0], s1  }
0x5a: {  	s1 =	ssub.s32 @!p0 $0x0, s1;
	[sflag:s0] =	ssyncset.done @!p0 $0x0  }
0x5b: {  	[sflag:s0] =	ssyncadd.s32 @!p0 s1  }
0x5c: {  	[bflag:$0x3] =	sbarrier.arrive $0xFFFF  }
0x5d: {  	_ =	shalt  }

// kernel: kernel.23.cloned.1.call-start
scs
__scs_entry_jumppad:
0x0: {  	(pc) =	sbr.rel $0x88, $3  }
0x1: {  	(tag) =	ssettag $0x0;
	lr =	simm.s32 $0x1  }
0x2: {  	[smem:$0x3F69] =	sst lr;
	_ =	strace $0xD0000000  }
0x3: {  	_ = 	snop  }
0x4: {  	_ = 	snop  }
0x5: {  	_ = 	snop  }
0x6: {  	_ = 	snop  }
0x7: {  	_ = 	snop  }
__scs_overlays_trampoline_lowered:
0x8: {  	[smem:$0x3F78] =	sst s0  }
0x9: {  	[smem:$0x3F79] =	sst s1  }
0xa: {  	[smem:$0x3F7A] =	sst s2  }
0xb: {  	[smem:$0x3F7B] =	sst s3  }
0xc: {  	[smem:$0x3F7C] =	sst s4  }
0xd: {  	[smem:$0x3F7D] =	sst s5  }
0xe: {  	[smem:$0x3F7E] =	sst s6  }
0xf: {  	[smem:$0x3F7F] =	sst s7  }
0x10: {  	[smem:$0x3F80] =	sst s8  }
0x11: {  	[smem:$0x3F81] =	sst s9;
	s0 =	simm.s32 @!p0 $0x0  }
0x12: {  	s1 =	sld [smem:$0x3F67];
	s0 =	simm.s32 @p0 $0x1  }
0x13: {  	[smem:$0x3F82] =	sst s0;
	s0 =	simm.s32 @!p1 $0x0  }
0x14: {  	s2 =	sld [smem:$0x3F66];
	s0 =	simm.s32 @p1 $0x1  }
0x15: {  	[smem:$0x3F83] =	sst s0;
	s0 =	simm.s32 @!p2 $0x0  }
0x16: {  	s3 =	sld [smem:$0x3FDB];
	s0 =	simm.s32 @p2 $0x1  }
0x17: {  	s4 =	simm.s32 $0x1BF5;
	[smem:$0x3F85] =	sst s0  }
0x18: {  	s0 =	sld [smem:$0x3F68];
	_ =	swait.ge [sflag:s4], $0x0  }
0x19: {  	s7 =	sld [smem:$0x3F69]  }
0x1a: {  	s8 =	sadd.s32 $0xFFFFE003, lr  }
0x1b: {  	s9 =	sadd.s32 $0xFFFFFEF7, lr;
	s5 =	simm.s32 $0xFFFFFFFF;
	p2 =	slt.u32 s8, $0xFFFFF086  }
0x1c: {  	p1 =	slt.u32 s9, $0xF7A;
	s5 =	simm.s32 @!p2 $0x0  }
0x1d: {  	s5 =	simm.s32 @p1 $0x1;
	p0 =	seq.s32 s7, s2  }
0x1e: {  	s7 =	smul.u32 @!p0 $0xF7A, s2;
	p2 =	seq.s32 @!p0 s5, $0x0  }
0x1f: {  	s9 =	smul.u32 $0xF7A, s1;
	s8 =	simm.s32 @!p0 $0x1BF5;
	p2 =	por !p2, p0  }
0x20: {  	[sflag:s8] =	ssyncset.s32 @!p0 $0xFFFFF086;
	s6 =	sadd.s32 @!p0 s3, s7;
	s7 =	simm.s32 @!p0 $0x108  }
0x21: {  	s3 =	sadd.s32 s3, s9;
	s6 =	sadd.s32 @!p0 $0x88, s6;
	s7 =	simm.s32 @p2 $0x1082  }
0x22: {  	[simem:s7], [sflag:s8] =	dma.local @!p0 [hbm:s6], $0xF7A  }
0x23: {  	s9 =	sor.u32 $0xD0000000, s2;
	s6 =	simm.s32 $0x108;
	_ =	swait.ge @!p0 [sflag:s8], $0x0  }
0x24: {  	s3 =	sadd.s32 $0x88, s3;
	s6 =	simm.s32 @!p1 $0x1082;
	[sflag:s4] =	ssyncset.s32 $0xFFFFF086  }
0x25: {  	[simem:s6], [sflag:s4] =	dma.local [hbm:s3], $0xF7A  }
0x26: {  	[smem:$0x3F69] =	sst s1;
	(tag) =	ssettag s2;
	_ =	strace s9  }
0x27: {  	s1 =	sld [smem:$0x3F79]  }
0x28: {  	s2 =	sld [smem:$0x3F7A]  }
0x29: {  	s4 =	sld [smem:$0x3F7C]  }
0x2a: {  	p0 =	seq.s32 s5, $0x0;
	s5 =	sld [smem:$0x3F7D]  }
0x2b: {  	s6 =	sld [smem:$0x3F7E]  }
0x2c: {  	s7 =	sld [smem:$0x3F7F]  }
0x2d: {  	s3 =	simm.s32 $0x108;
	s8 =	sld [smem:$0x3F80]  }
0x2e: {  	s3 =	simm.s32 @!p0 $0x1082;
	s9 =	sld [smem:$0x3F81]  }
0x2f: {  	lr =	sadd.s32 s0, s3;
	s0 =	sld [smem:$0x3F78]  }
0x30: {  	s3 =	sld [smem:$0x3F7B]  }
0x31: {  	[smem:$0x3F84] =	sst s10  }
0x32: {  	s10 =	sld [smem:$0x3F82];
	_ =	sdelay $0x3  }
0x33: {  	p0 =	seq.s32 s10, $0x1;
	s10 =	sld [smem:$0x3F84];
	_ =	sdelay $0x3  }
0x34: {  	[smem:$0x3F84] =	sst s10  }
0x35: {  	s10 =	sld [smem:$0x3F83];
	_ =	sdelay $0x3  }
0x36: {  	p1 =	seq.s32 s10, $0x1;
	s10 =	sld [smem:$0x3F84];
	_ =	sdelay $0x3  }
0x37: {  	[smem:$0x3F84] =	sst s10  }
0x38: {  	s10 =	sld [smem:$0x3F85]  }
0x39: {  	_ = 	snop;
	(pc) =	sbr.ind lr, $3  }
0x3a: {  	_ = 	snop  }
0x3b: {  	_ = 	snop  }
0x3c: {  	p2 =	seq.s32 s10, $0x1;
	s10 =	sld [smem:$0x3F84]  }
0x3d: {  	_ =	shalt  }
0x3e: {  	_ =	shalt  }
0x3f: {  	_ =	shalt  }
0x40: {  	_ =	shalt  }
0x41: {  	_ =	shalt  }
0x42: {  	_ =	shalt  }
0x43: {  	_ =	shalt  }
0x44: {  	_ =	shalt  }
0x45: {  	_ =	shalt  }
0x46: {  	_ =	shalt  }
0x47: {  	_ =	shalt  }
0x48: {  	_ =	shalt  }
0x49: {  	_ =	shalt  }
0x4a: {  	_ =	shalt  }
0x4b: {  	_ =	shalt  }
0x4c: {  	_ =	shalt  }
0x4d: {  	_ =	shalt  }
0x4e: {  	_ =	shalt  }
0x4f: {  	_ =	shalt  }
0x50: {  	_ =	shalt  }
0x51: {  	_ =	shalt  }
0x52: {  	_ =	shalt  }
0x53: {  	_ =	shalt  }
0x54: {  	_ =	shalt  }
0x55: {  	_ =	shalt  }
0x56: {  	_ =	shalt  }
0x57: {  	_ =	shalt  }
0x58: {  	_ =	shalt  }
0x59: {  	_ =	shalt  }
0x5a: {  	_ =	shalt  }
0x5b: {  	_ =	shalt  }
0x5c: {  	_ =	shalt  }
0x5d: {  	_ =	shalt  }
0x5e: {  	_ =	shalt  }
0x5f: {  	_ =	shalt  }
0x60: {  	_ =	shalt  }
0x61: {  	_ =	shalt  }
0x62: {  	_ =	shalt  }
0x63: {  	_ =	shalt  }
0x64: {  	_ =	shalt  }
0x65: {  	_ =	shalt  }
0x66: {  	_ =	shalt  }
0x67: {  	_ =	shalt  }
0x68: {  	_ =	shalt  }
0x69: {  	_ =	shalt  }
0x6a: {  	_ =	shalt  }
0x6b: {  	_ =	shalt  }
0x6c: {  	_ =	shalt  }
0x6d: {  	_ =	shalt  }
0x6e: {  	_ =	shalt  }
0x6f: {  	_ =	shalt  }
0x70: {  	_ =	shalt  }
0x71: {  	_ =	shalt  }
0x72: {  	_ =	shalt  }
0x73: {  	_ =	shalt  }
0x74: {  	_ =	shalt  }
0x75: {  	_ =	shalt  }
0x76: {  	_ =	shalt  }
0x77: {  	_ =	shalt  }
0x78: {  	_ =	shalt  }
0x79: {  	_ =	shalt  }
0x7a: {  	_ =	shalt  }
0x7b: {  	_ =	shalt  }
0x7c: {  	_ =	shalt  }
0x7d: {  	_ =	shalt  }
0x7e: {  	_ =	shalt  }
0x7f: {  	_ =	shalt  }
0x80: {  	_ =	shalt  }
0x81: {  	_ =	shalt  }
0x82: {  	_ =	shalt  }
0x83: {  	_ =	shalt  }
0x84: {  	_ =	shalt  }
0x85: {  	_ =	shalt  }
0x86: {  	_ =	shalt  }
0x87: {  	_ =	shalt  }
.Lfunc_end0:
.L_simem_size_0:
called_computation.3_lowered:
.L_overlay_start_0:
0x88: {  	s2 =	sld [smem:$0x3FD9]  }
0x89: {  	s3 =	sld [smem:$0x3FFE];
	_ =	sdelay $0x1  }
0x8a: {  	s1 =	srdreg.scid  }
0x8b: {  	s0 =	sand.u32 $0x1, s1  }
0x8c: {  	s17 =	sshll.u32 s0, $0xA;
	s2 =	sadd.s32 s3, s2  }
0x8d: {  	s2 =	sadd.s32 s2, s17  }
0x8e: {  	[smem:$0x3F90] =	sst s2  }
0x8f: {  	_ = 	snop  }
0x90: {  	s2 =	sld [smem:$0x3FD0];
	(tm) =	ssettm $0x1  }
0x91: {  	s18 =	sld [smem:$0x3FFB];
	_ =	sdelay $0x3  }
0x92: {  	_ =	strace s18  }
0x93: {  	s3 =	sld [smem:$0x3FFC];
	_ =	sdelay $0x3  }
0x94: {  	_ =	strace s3  }
0x95: {  	s3 =	sld [smem:$0x3FFD];
	_ =	sdelay $0x3  }
0x96: {  	_ =	strace s3  }
0x97: {  	_ =	strace $0x8FFFFFFF  }
0x98: {  	s19 =	sld [smem:$0x3FDB];
	_ =	sdelay $0x1  }
0x99: {  	s4 =	simm.s32 $_scs_section_size  }
0x9a: {  	s5 =	simm.s32 $_size__tile_overlayer_lowered;
	s6 =	simm.s32 $_tile_overlayer_lowered  }
0x9b: {  	s22 =	simm.s32 $0x1BFF;
	s21 =	sshll.u32 s6, $0x1;
	s3 =	sadd.s32 s4, s19  }
0x9c: {  	s7 =	simm.s32 $0x0;
	s20 =	sshll.u32 s5, $0x1;
	s5 =	sadd.s32 s21, s3  }
0x9d: {  	[timem:s7], [sflag:s22] =	dma.local [hbm:s5], s20  }
0x9e: {  	_ =	swait.ge [sflag:s22], s20  }
0x9f: {  	s4 =	ssub.s32 $0x0, s20;
	[sflag:s22] =	ssyncset.done $0x0  }
0xa0: {  	[sflag:s22] =	ssyncadd.s32 s4;
	_ =	sdelay $0x1  }
0xa1: {  	s23 =	simm.s32 $0x1B8B  }
0xa2: {  	_ =	swait.ge [sflag:s23], $0x1  }
0xa3: {  	[sflag:s23] =	ssyncset.done $0x0  }
0xa4: {  	s25 =	simm.s32 $0x1B8E;
	s24 =	sld [smem:$0x3FFE];
	[sflag:s23] =	ssyncadd.s32 $0xFFFFFFFF  }
0xa5: {  	s26 =	simm.s32 $execute0_lowered;
	[smem:$0x3FD2] =	sst s25  }
0xa6: {  	s5 =	sshll.u32 s26, $0x1;
	_ =	strace $0x8000004F;
	[dreg:$0x1] =	wrdreg $0xFFFFFFFF  }
0xa7: {  	s28 =	simm.s32 $_size_execute0_lowered;
	s3 =	sadd.s32 s3, s5;
	[dreg:$0x0] =	wrdreg $0x0  }
0xa8: {  	s5 =	sshll.u32 s28, $0x1;
	[dreg:$0x2] =	wrdreg s3  }
0xa9: {  	[dreg:$0x3] =	wrdreg s5  }
0xaa: {  	[dreg:$0x4] =	wrdreg $0xC0  }
0xab: {  	_ =	task [dreg:s7], $0x5FFFF  }
0xac: {  	[dreg:$0x1] =	wrdreg $0xFFFFFFFF  }
0xad: {  	[dreg:$0x0] =	wrdreg $0x60  }
0xae: {  	[dreg:$0x2] =	wrdreg s24  }
0xaf: {  	[dreg:$0x3] =	wrdreg s2  }
0xb0: {  	[dreg:$0x4] =	wrdreg $0x14000  }
0xb1: {  	[dreg:$0x5] =	wrdreg $0x9  }
0xb2: {  	_ =	task.clear_ibuf [dreg:s7], $0x6FFFF;
	_ =	strace $0x9000004F  }
0xb3: {  	s29 =	simm.s32 $0x9;
	_ =	strace $0x80000051  }
0xb4: {  	_ =	swait.ge [sflag:s29], $0x1  }
0xb5: {  	[sflag:s29] =	ssyncadd.s32 $0xFFFFFFFF  }
0xb6: {  	_ =	strace $0x90000051  }
0xb7: {  	_ =	sfence  }
0xb8: {  	s30 =	sld [smem:$0x0];
	_ =	sdelay $0x2  }
0xb9: {  	s31 =	sshll.u32 s1, $0xD;
	s1 =	sshrl.u32 s1, $0x2  }
0xba: {  	s3 =	sand.u32 $0x4000, s31;
	s1 =	sadd.s32 s1, s30  }
0xbb: {  	s0 =	sor.u32 s3, s0;
	s1 =	sshll.u32 s1, $0x11  }
0xbc: {  	s0 =	sor.u32 s1, s0  }
0xbd: {  	s0 =	sadd.s32 $0x8F2B, s0  }
0xbe: {  	[sflag:s0] =	ssyncadd.remote.s32 $0x1  }
0xbf: {  	_ =	sfence.sel $0xFFFF  }
0xc0: {  	[dreg:$0x0] =	wrdreg $0xFFFFFFFF;
	(pc) =	sbr.abs _section_cstart, $3  }
0xc1: {  	[dreg:$0x1] =	wrdreg $0xFFFFFFFF  }
0xc2: {  	_ =	task.clear_ibuf [dreg:s7], $0x2FFFF;
	_ =	strace $0x9FFFFFFF  }
0xc3: {  	(tm) =	ssettm $0x7FFFFFFF  }
tec
execute0_lowered:
.L_overlay_start_1:
0x0: {  	(tag) =	ssettag $0x1  }
0x1: {  	s4 =	rddreg [dreg:$0x0]  }
0x2: {  	s5 =	rddreg [dreg:$0x1];
	s0 =	srdreg.scid  }
0x3: {  	s8 =	stileid.u32;
	s1 =	rddreg [dreg:$0x2];
	s2 =	simm.s32 $0x0  }
0x4: {  	s14 =	simm.s32 $0x19400;
	s15 =	simm.s32 $0x1;
	s16 =	simm.s32 $0x2  }
0x5: {  	s17 =	simm.s32 $0x3;
	s18 =	simm.s32 $0x4;
	s19 =	simm.s32 $0x0  }
0x6: {  	s9 =	sand.u32 $0x1, s0;
	s0 =	rddreg [dreg:$0x3];
	s12 =	smul.u32 $0x50, s8  }
0x7: {  	s3 =	sshll.u32 s8, $0x1;
	[smem:$0x7FF] =	sst s2;
	s31 =	smul.u32 $0x28000, s8  }
0x8: {  	s13 =	sadd.s32 $0x60000, s4;
	p0 =	sne.s32 s8, $0x0;
	s28 =	smul.u32 $0x28, s9  }
0x9: {  	s3 =	sor.u32 s9, s3;
	s7 =	ssub.s32 $0x2, s9;
	s9 =	smul.u32 $0x14000, s9  }
0xa: {  	_ =	strace $0x80000050;
	s6 =	smul.u32 $0x280, s3;
	s11 =	sshrl.u32 s7, $0x1  }
0xb: {  	s10 =	smul.u32 $0x14000, s3;
	s3 =	sadd.s32 $0x10000, s4;
	s7 =	ssub.s32 s7, s11  }
0xc: {  	s30 =	sadd.s32 s28, s12;
	s11 =	sadd.s32 s31, s13;
	s12 =	simm.s32 $0x80  }
0xd: {  	s4 =	sadd.s32 s5, s6;
	s5 =	smax.u32 s7, $0x1;
	s29 =	sadd.s32 s13, s10  }
0xe: {  	s10 =	sshll.u32 s30, $0xB;
	s9 =	sadd.s32 s9, s11;
	s11 =	simm.s32 $0x5  }
0xf: {  	s6 =	sadd.s32 $0x13000, s29;
	s7 =	sadd.s32 $0x13800, s29;
	s10 =	sadd.s32 s10, s13  }
0x10: {  	s13 =	simm.s32 $0x15400;
	s8 =	sadd.s32 $0x800, s10;
	s10 =	sshrl.u32 @!p0 s1, $0x3  }
.LBB2_1:
0x11: {  	s20 =	simm.s32 @!p0 $0x1C05  }
0x12: {  	[spmem:s10], [sflag:s20] =	dma.local @!p0 [hbm:s3], $0x28000  }
0x13: {  	s20 =	simm.s32 @!p0 $0x5  }
0x14: {  	_ =	swait.ge @!p0 [sflag:s20], $0x28000  }
0x15: {  	[sflag:s20] =	ssyncset.done @!p0 $0x0  }
0x16: {  	[sflag:s20] =	ssyncadd.s32 @!p0 $0xFFFD8000  }
0x17: {  	[tilespmem:s2], [sflag:$0x5] =	stream.linear.gather [hbm4b:s4+s2], $0x1400, $0x38;
	[tilespmem:$0x1D400] =	vst v63  }
0x18: {  	_ =	swait.ge [sflag:s11], $0x1400  }
0x19: {  	[sflag:s11] =	ssyncset.done $0x0  }
0x1a: {  	[sflag:s11] =	ssyncadd.s32 $0xFFFFEC00  }
0x1b: {  	[bflag:$0x0] =	sbarrier.arrive $0xFFFF  }
0x1c: {  	[tilespmem:s13], [sflag:$0x1] =	stream.indirect.gather [spmem:s1], $0x80, s2, s12, $0xb8;
	[tilespmem:$0x1D400] =	vst v63  }
0x1d: {  	_ = 	snop  }
0x1e: {  	[tilespmem:s14], [sflag:$0x2] =	stream.indirect.gather [spmem:s1], $0x80, s12, s12, $0xb8;
	[tilespmem:$0x1D400] =	vst v63  }
0x1f: {  	_ =	swait.ge [sflag:s15], $0x4000  }
0x20: {  	[sflag:s15] =	ssyncset.done $0x0  }
0x21: {  	s29 =	sadd.s32 $0x0, s9;
	[sflag:s15] =	ssyncadd.s32 $0xFFFFC000  }
0x22: {  	[hbm4b:s29+s2] =	stream.linear.scatter [tilespmem:s13], [sflag:$0x3], $0x4000, $0x38;
	[tilespmem:$0x1D400] =	vst v63  }
0x23: {  	_ =	swait.ge [sflag:s16], $0x4000  }
0x24: {  	[sflag:s16] =	ssyncset.done $0x0  }
0x25: {  	s30 =	sadd.s32 $0x0, s8;
	[sflag:s16] =	ssyncadd.s32 $0xFFFFC000  }
0x26: {  	[hbm4b:s30+s2] =	stream.linear.scatter [tilespmem:s14], [sflag:$0x4], $0x4000, $0x38;
	[tilespmem:$0x1D400] =	vst v63  }
0x27: {  	_ =	swait.ge [sflag:s17], $0x4000  }
0x28: {  	[sflag:s17] =	ssyncset.done $0x0  }
0x29: {  	s31 =	simm.s32 $0x100;
	[sflag:s17] =	ssyncadd.s32 $0xFFFFC000  }
0x2a: {  	[tilespmem:s13], [sflag:$0x1] =	stream.indirect.gather [spmem:s1], $0x80, s31, s12, $0xb8;
	[tilespmem:$0x1D400] =	vst v63  }
0x2b: {  	_ =	swait.ge [sflag:s18], $0x4000  }
0x2c: {  	s21 =	simm.s32 $0x1000;
	[sflag:s18] =	ssyncset.done $0x0  }
0x2d: {  	s22 =	simm.s32 $0x280;
	s20 =	simm.s32 $0x180;
	[sflag:s18] =	ssyncadd.s32 $0xFFFFC000  }
.LBB2_2:
0x2e: {  	[tilespmem:s14], [sflag:$0x2] =	stream.indirect.gather [spmem:s1], $0x80, s20, s12, $0xb8;
	[tilespmem:$0x1D400] =	vst v63  }
0x2f: {  	s23 =	smov.u32 s21;
	s20 =	smov.u32 s22  }
0x30: {  	p1 =	sne.s32 s21, $0x12000;
	s21 =	sadd.s32 $0x1000, s21;
	_ =	swait.ge [sflag:s15], $0x4000  }
0x31: {  	[sflag:s15] =	ssyncset.done $0x0  }
0x32: {  	s24 =	sadd.s32 s23, s9;
	[sflag:s15] =	ssyncadd.s32 $0xFFFFC000  }
0x33: {  	[hbm4b:s24+s2] =	stream.linear.scatter [tilespmem:s13], [sflag:$0x3], $0x4000, $0x38;
	[tilespmem:$0x1D400] =	vst v63  }
0x34: {  	_ =	swait.ge [sflag:s16], $0x4000  }
0x35: {  	[sflag:s16] =	ssyncset.done $0x0  }
0x36: {  	s23 =	sadd.s32 s23, s8;
	[sflag:s16] =	ssyncadd.s32 $0xFFFFC000  }
0x37: {  	[hbm4b:s23+s2] =	stream.linear.scatter [tilespmem:s14], [sflag:$0x4], $0x4000, $0x38;
	[tilespmem:$0x1D400] =	vst v63  }
0x38: {  	_ =	swait.ge [sflag:s17], $0x4000  }
0x39: {  	[sflag:s17] =	ssyncset.done $0x0  }
.Ltmp0:
0x3a: {  	s23 =	sadd.s32 $0xFFFFFF80, s22;
	[sflag:s17] =	ssyncadd.s32 $0xFFFFC000;
	(pc) =	sbr.rel @p1 .LBB2_2-.Ltmp0, $4  }
0x3b: {  	[tilespmem:s13], [sflag:$0x1] =	stream.indirect.gather [spmem:s1], $0x80, s23, s12, $0xb8;
	[tilespmem:$0x1D400] =	vst v63  }
0x3c: {  	_ =	swait.ge [sflag:s18], $0x4000  }
0x3d: {  	[sflag:s18] =	ssyncset.done $0x0  }
0x3e: {  	s22 =	sadd.s32 $0x100, s22;
	[sflag:s18] =	ssyncadd.s32 $0xFFFFC000  }
0x3f: {  	[tilespmem:s14], [sflag:$0x2] =	stream.indirect.gather [spmem:s1], $0x80, s20, s12, $0xb8;
	[tilespmem:$0x1D400] =	vst v63  }
0x40: {  	_ =	swait.ge [sflag:s15], $0x4000  }
0x41: {  	[sflag:s15] =	ssyncset.done $0x0  }
0x42: {  	[sflag:s15] =	ssyncadd.s32 $0xFFFFC000  }
0x43: {  	[hbm4b:s6+s2] =	stream.linear.scatter [tilespmem:s13], [sflag:$0x3], $0x4000, $0x38;
	[tilespmem:$0x1D400] =	vst v63  }
0x44: {  	_ =	swait.ge [sflag:s16], $0x4000  }
0x45: {  	[sflag:s16] =	ssyncset.done $0x0  }
0x46: {  	s19 =	sadd.s32 $0x1, s19;
	[sflag:s16] =	ssyncadd.s32 $0xFFFFC000  }
0x47: {  	[hbm4b:s7+s2] =	stream.linear.scatter [tilespmem:s14], [sflag:$0x4], $0x4000, $0x38;
	[tilespmem:$0x1D400] =	vst v63  }
0x48: {  	p1 =	sne.s32 s19, s5;
	_ =	swait.ge [sflag:s17], $0x4000  }
.Ltmp1:
0x49: {  	[sflag:s17] =	ssyncset.done $0x0;
	(pc) =	sbr.rel @p1 .LBB2_1-.Ltmp1, $4  }
0x4a: {  	[sflag:s17] =	ssyncadd.s32 $0xFFFFC000  }
0x4b: {  	_ =	swait.ge [sflag:s18], $0x4000  }
0x4c: {  	[sflag:s18] =	ssyncset.done $0x0  }
0x4d: {  	[sflag:s18] =	ssyncadd.s32 $0xFFFFC000  }
0x4e: {  	_ =	sfence.sel $0x180000  }
0x4f: {  	[bflag:$0x0] =	sbarrier.arrive $0xFFFF  }
0x50: {  	_ =	strace $0x90000050  }
0x51: {  	s0 =	sadd.s32 @!p0 $0x100000, s0;
	[bflag:$0x2] =	sbarrier.arrive $0xFFFF  }
0x52: {  	[sflag:s0] =	ssyncadd.tile.s32 @!p0 $0x1;
	_ =	shalt  }
.Lfunc_end2:
_tile_overlayer_lowered:
.L_overlay_start_2:
0x53: {  	(tag) =	ssettag $0x2  }
0x54: {  	s0 =	rddreg [dreg:$0x0];
	s2 =	stileid.u32  }
0x55: {  	s1 =	rddreg [dreg:$0x1];
	p0 =	sne.s32 s2, $0x0  }
0x56: {  	s3 =	rddreg [dreg:$0x2];
	[bflag:$0x3] =	sbarrier.arrive $0xFFFF;
	s2 =	simm.s32 @!p0 $0x1C05  }
0x57: {  	[timem:s3], [sflag:s2] =	dma.local @!p0 [hbm:s0], s1  }
0x58: {  	s0 =	simm.s32 @!p0 $0x5  }
0x59: {  	_ =	swait.ge @!p0 [sflag:s0], s1  }
0x5a: {  	s1 =	ssub.s32 @!p0 $0x0, s1;
	[sflag:s0] =	ssyncset.done @!p0 $0x0  }
0x5b: {  	[sflag:s0] =	ssyncadd.s32 @!p0 s1  }
0x5c: {  	[bflag:$0x3] =	sbarrier.arrive $0xFFFF  }
0x5d: {  	_ =	shalt  }

// kernel: kernel.26.cloned.1.call-start
scs
__scs_entry_jumppad:
0x0: {  	(pc) =	sbr.rel $0x88, $3  }
0x1: {  	(tag) =	ssettag $0x0;
	lr =	simm.s32 $0x1  }
0x2: {  	[smem:$0x3F69] =	sst lr;
	_ =	strace $0xD0000000  }
0x3: {  	_ = 	snop  }
0x4: {  	_ = 	snop  }
0x5: {  	_ = 	snop  }
0x6: {  	_ = 	snop  }
0x7: {  	_ = 	snop  }
__scs_overlays_trampoline_lowered:
0x8: {  	[smem:$0x3F78] =	sst s0  }
0x9: {  	[smem:$0x3F79] =	sst s1  }
0xa: {  	[smem:$0x3F7A] =	sst s2  }
0xb: {  	[smem:$0x3F7B] =	sst s3  }
0xc: {  	[smem:$0x3F7C] =	sst s4  }
0xd: {  	[smem:$0x3F7D] =	sst s5  }
0xe: {  	[smem:$0x3F7E] =	sst s6  }
0xf: {  	[smem:$0x3F7F] =	sst s7  }
0x10: {  	[smem:$0x3F80] =	sst s8  }
0x11: {  	[smem:$0x3F81] =	sst s9;
	s0 =	simm.s32 @!p0 $0x0  }
0x12: {  	s1 =	sld [smem:$0x3F67];
	s0 =	simm.s32 @p0 $0x1  }
0x13: {  	[smem:$0x3F82] =	sst s0;
	s0 =	simm.s32 @!p1 $0x0  }
0x14: {  	s2 =	sld [smem:$0x3F66];
	s0 =	simm.s32 @p1 $0x1  }
0x15: {  	[smem:$0x3F83] =	sst s0;
	s0 =	simm.s32 @!p2 $0x0  }
0x16: {  	s3 =	sld [smem:$0x3FDB];
	s0 =	simm.s32 @p2 $0x1  }
0x17: {  	s4 =	simm.s32 $0x1BF5;
	[smem:$0x3F85] =	sst s0  }
0x18: {  	s0 =	sld [smem:$0x3F68];
	_ =	swait.ge [sflag:s4], $0x0  }
0x19: {  	s7 =	sld [smem:$0x3F69]  }
0x1a: {  	s8 =	sadd.s32 $0xFFFFE003, lr  }
0x1b: {  	s9 =	sadd.s32 $0xFFFFFEF7, lr;
	s5 =	simm.s32 $0xFFFFFFFF;
	p2 =	slt.u32 s8, $0xFFFFF086  }
0x1c: {  	p1 =	slt.u32 s9, $0xF7A;
	s5 =	simm.s32 @!p2 $0x0  }
0x1d: {  	s5 =	simm.s32 @p1 $0x1;
	p0 =	seq.s32 s7, s2  }
0x1e: {  	s7 =	smul.u32 @!p0 $0xF7A, s2;
	p2 =	seq.s32 @!p0 s5, $0x0  }
0x1f: {  	s9 =	smul.u32 $0xF7A, s1;
	s8 =	simm.s32 @!p0 $0x1BF5;
	p2 =	por !p2, p0  }
0x20: {  	[sflag:s8] =	ssyncset.s32 @!p0 $0xFFFFF086;
	s6 =	sadd.s32 @!p0 s3, s7;
	s7 =	simm.s32 @!p0 $0x108  }
0x21: {  	s3 =	sadd.s32 s3, s9;
	s6 =	sadd.s32 @!p0 $0x88, s6;
	s7 =	simm.s32 @p2 $0x1082  }
0x22: {  	[simem:s7], [sflag:s8] =	dma.local @!p0 [hbm:s6], $0xF7A  }
0x23: {  	s9 =	sor.u32 $0xD0000000, s2;
	s6 =	simm.s32 $0x108;
	_ =	swait.ge @!p0 [sflag:s8], $0x0  }
0x24: {  	s3 =	sadd.s32 $0x88, s3;
	s6 =	simm.s32 @!p1 $0x1082;
	[sflag:s4] =	ssyncset.s32 $0xFFFFF086  }
0x25: {  	[simem:s6], [sflag:s4] =	dma.local [hbm:s3], $0xF7A  }
0x26: {  	[smem:$0x3F69] =	sst s1;
	(tag) =	ssettag s2;
	_ =	strace s9  }
0x27: {  	s1 =	sld [smem:$0x3F79]  }
0x28: {  	s2 =	sld [smem:$0x3F7A]  }
0x29: {  	s4 =	sld [smem:$0x3F7C]  }
0x2a: {  	p0 =	seq.s32 s5, $0x0;
	s5 =	sld [smem:$0x3F7D]  }
0x2b: {  	s6 =	sld [smem:$0x3F7E]  }
0x2c: {  	s7 =	sld [smem:$0x3F7F]  }
0x2d: {  	s3 =	simm.s32 $0x108;
	s8 =	sld [smem:$0x3F80]  }
0x2e: {  	s3 =	simm.s32 @!p0 $0x1082;
	s9 =	sld [smem:$0x3F81]  }
0x2f: {  	lr =	sadd.s32 s0, s3;
	s0 =	sld [smem:$0x3F78]  }
0x30: {  	s3 =	sld [smem:$0x3F7B]  }
0x31: {  	[smem:$0x3F84] =	sst s10  }
0x32: {  	s10 =	sld [smem:$0x3F82];
	_ =	sdelay $0x3  }
0x33: {  	p0 =	seq.s32 s10, $0x1;
	s10 =	sld [smem:$0x3F84];
	_ =	sdelay $0x3  }
0x34: {  	[smem:$0x3F84] =	sst s10  }
0x35: {  	s10 =	sld [smem:$0x3F83];
	_ =	sdelay $0x3  }
0x36: {  	p1 =	seq.s32 s10, $0x1;
	s10 =	sld [smem:$0x3F84];
	_ =	sdelay $0x3  }
0x37: {  	[smem:$0x3F84] =	sst s10  }
0x38: {  	s10 =	sld [smem:$0x3F85]  }
0x39: {  	_ = 	snop;
	(pc) =	sbr.ind lr, $3  }
0x3a: {  	_ = 	snop  }
0x3b: {  	_ = 	snop  }
0x3c: {  	p2 =	seq.s32 s10, $0x1;
	s10 =	sld [smem:$0x3F84]  }
0x3d: {  	_ =	shalt  }
0x3e: {  	_ =	shalt  }
0x3f: {  	_ =	shalt  }
0x40: {  	_ =	shalt  }
0x41: {  	_ =	shalt  }
0x42: {  	_ =	shalt  }
0x43: {  	_ =	shalt  }
0x44: {  	_ =	shalt  }
0x45: {  	_ =	shalt  }
0x46: {  	_ =	shalt  }
0x47: {  	_ =	shalt  }
0x48: {  	_ =	shalt  }
0x49: {  	_ =	shalt  }
0x4a: {  	_ =	shalt  }
0x4b: {  	_ =	shalt  }
0x4c: {  	_ =	shalt  }
0x4d: {  	_ =	shalt  }
0x4e: {  	_ =	shalt  }
0x4f: {  	_ =	shalt  }
0x50: {  	_ =	shalt  }
0x51: {  	_ =	shalt  }
0x52: {  	_ =	shalt  }
0x53: {  	_ =	shalt  }
0x54: {  	_ =	shalt  }
0x55: {  	_ =	shalt  }
0x56: {  	_ =	shalt  }
0x57: {  	_ =	shalt  }
0x58: {  	_ =	shalt  }
0x59: {  	_ =	shalt  }
0x5a: {  	_ =	shalt  }
0x5b: {  	_ =	shalt  }
0x5c: {  	_ =	shalt  }
0x5d: {  	_ =	shalt  }
0x5e: {  	_ =	shalt  }
0x5f: {  	_ =	shalt  }
0x60: {  	_ =	shalt  }
0x61: {  	_ =	shalt  }
0x62: {  	_ =	shalt  }
0x63: {  	_ =	shalt  }
0x64: {  	_ =	shalt  }
0x65: {  	_ =	shalt  }
0x66: {  	_ =	shalt  }
0x67: {  	_ =	shalt  }
0x68: {  	_ =	shalt  }
0x69: {  	_ =	shalt  }
0x6a: {  	_ =	shalt  }
0x6b: {  	_ =	shalt  }
0x6c: {  	_ =	shalt  }
0x6d: {  	_ =	shalt  }
0x6e: {  	_ =	shalt  }
0x6f: {  	_ =	shalt  }
0x70: {  	_ =	shalt  }
0x71: {  	_ =	shalt  }
0x72: {  	_ =	shalt  }
0x73: {  	_ =	shalt  }
0x74: {  	_ =	shalt  }
0x75: {  	_ =	shalt  }
0x76: {  	_ =	shalt  }
0x77: {  	_ =	shalt  }
0x78: {  	_ =	shalt  }
0x79: {  	_ =	shalt  }
0x7a: {  	_ =	shalt  }
0x7b: {  	_ =	shalt  }
0x7c: {  	_ =	shalt  }
0x7d: {  	_ =	shalt  }
0x7e: {  	_ =	shalt  }
0x7f: {  	_ =	shalt  }
0x80: {  	_ =	shalt  }
0x81: {  	_ =	shalt  }
0x82: {  	_ =	shalt  }
0x83: {  	_ =	shalt  }
0x84: {  	_ =	shalt  }
0x85: {  	_ =	shalt  }
0x86: {  	_ =	shalt  }
0x87: {  	_ =	shalt  }
.Lfunc_end0:
.L_simem_size_0:
called_computation.4_lowered:
.L_overlay_start_0:
0x88: {  	s2 =	sld [smem:$0x3FD9]  }
0x89: {  	s3 =	sld [smem:$0x3FFE];
	_ =	sdelay $0x1  }
0x8a: {  	s1 =	srdreg.scid  }
0x8b: {  	s0 =	sand.u32 $0x1, s1  }
0x8c: {  	s17 =	sshll.u32 s0, $0xA;
	s2 =	sadd.s32 s3, s2  }
0x8d: {  	s2 =	sadd.s32 s2, s17  }
0x8e: {  	[smem:$0x3F90] =	sst s2  }
0x8f: {  	_ = 	snop  }
0x90: {  	s18 =	sld [smem:$0x3FD0];
	(tm) =	ssettm $0x1  }
0x91: {  	s19 =	sld [smem:$0x3FFB];
	_ =	sdelay $0x3  }
0x92: {  	_ =	strace s19  }
0x93: {  	s2 =	sld [smem:$0x3FFC];
	_ =	sdelay $0x3  }
0x94: {  	_ =	strace s2  }
0x95: {  	s2 =	sld [smem:$0x3FFD];
	_ =	sdelay $0x3  }
0x96: {  	_ =	strace s2  }
0x97: {  	_ =	strace $0x8FFFFFFF  }
0x98: {  	s20 =	sld [smem:$0x3FDB];
	_ =	sdelay $0x1  }
0x99: {  	s4 =	simm.s32 $_scs_section_size  }
0x9a: {  	s5 =	simm.s32 $_size__tile_overlayer_lowered;
	s6 =	simm.s32 $_tile_overlayer_lowered  }
0x9b: {  	s7 =	simm.s32 $0x1BFF;
	s21 =	sshll.u32 s6, $0x1;
	s4 =	sadd.s32 s4, s20  }
0x9c: {  	s22 =	simm.s32 $0x0;
	s5 =	sshll.u32 s5, $0x1;
	s6 =	sadd.s32 s21, s4  }
0x9d: {  	[timem:s22], [sflag:s7] =	dma.local [hbm:s6], s5  }
0x9e: {  	_ =	swait.ge [sflag:s7], s5  }
0x9f: {  	s5 =	ssub.s32 $0x0, s5;
	[sflag:s7] =	ssyncset.done $0x0  }
0xa0: {  	[sflag:s7] =	ssyncadd.s32 s5;
	_ =	sdelay $0x1  }
0xa1: {  	s23 =	simm.s32 $0x1B8B  }
0xa2: {  	_ =	swait.ge [sflag:s23], $0x1  }
0xa3: {  	[sflag:s23] =	ssyncset.done $0x0  }
0xa4: {  	[sflag:s23] =	ssyncadd.s32 $0xFFFFFFFF  }
0xa5: {  	s5 =	sld [smem:$0x0]  }
0xa6: {  	s6 =	sand.u32 $0xFFFFFFFE, s1  }
0xa7: {  	p0 =	sne.s32 s1, s6  }
0xa8: {  	s6 =	sshll.u32 @p0 s6, $0xE  }
0xa9: {  	s6 =	sadd.s32 @p0 $0x11B8D, s6;
	s7 =	sshll.u32 @p0 s5, $0x11  }
0xaa: {  	s6 =	sor.u32 @p0 s7, s6  }
0xab: {  	[sflag:s6] =	ssyncadd.remote.s32 @p0 $0x1;
	_ =	sdelay $0x1  }
0xac: {  	s6 =	simm.s32 @p0 $0x1B8D  }
0xad: {  	_ =	swait.eq @p0 [sflag:s6], $0x1  }
0xae: {  	[sflag:s6] =	ssyncadd.s32 @p0 $0xFFFFFFFF  }
0xaf: {  	s7 =	sshll.u32 @!p0 s1, $0xE  }
0xb0: {  	s7 =	sor.u32 @!p0 $0x4000, s7;
	s6 =	simm.s32 @!p0 $0x1B8D  }
0xb1: {  	s5 =	sshll.u32 @!p0 s5, $0x11;
	s7 =	sadd.s32 @!p0 $0x11B8D, s7;
	_ =	swait.eq @!p0 [sflag:s6], $0x1  }
0xb2: {  	s5 =	sor.u32 @!p0 s5, s7;
	[sflag:s6] =	ssyncadd.s32 @!p0 $0xFFFFFFFF  }
0xb3: {  	s25 =	simm.s32 $0x1B8E;
	s24 =	sld [smem:$0x3FFE];
	[sflag:s5] =	ssyncadd.remote.s32 @!p0 $0x1  }
0xb4: {  	s26 =	simm.s32 $execute0_lowered;
	[smem:$0x3FD2] =	sst s25  }
0xb5: {  	s6 =	sshll.u32 s26, $0x1;
	_ =	strace $0x80000052;
	[dreg:$0x1] =	wrdreg $0xFFFFFFFF  }
0xb6: {  	s28 =	simm.s32 $_size_execute0_lowered;
	s4 =	sadd.s32 s4, s6;
	[dreg:$0x0] =	wrdreg $0x0  }
0xb7: {  	s6 =	sshll.u32 s28, $0x1;
	[dreg:$0x2] =	wrdreg s4  }
0xb8: {  	[dreg:$0x3] =	wrdreg s6  }
0xb9: {  	[dreg:$0x4] =	wrdreg $0xC0  }
0xba: {  	_ =	task [dreg:s22], $0x5FFFF  }
0xbb: {  	[dreg:$0x1] =	wrdreg $0xFFFFFFFF  }
0xbc: {  	[dreg:$0x0] =	wrdreg $0x60  }
0xbd: {  	[dreg:$0x2] =	wrdreg s24  }
0xbe: {  	[dreg:$0x3] =	wrdreg s18  }
0xbf: {  	[dreg:$0x4] =	wrdreg $0x14000  }
0xc0: {  	[dreg:$0x5] =	wrdreg $0xA  }
0xc1: {  	_ =	task.clear_ibuf [dreg:s22], $0x6FFFF;
	_ =	strace $0x90000052  }
0xc2: {  	s29 =	simm.s32 $0xA;
	_ =	strace $0x80000054  }
0xc3: {  	_ =	swait.ge [sflag:s29], $0x1  }
0xc4: {  	[sflag:s29] =	ssyncadd.s32 $0xFFFFFFFF  }
0xc5: {  	_ =	strace $0x90000054  }
0xc6: {  	_ =	sfence  }
0xc7: {  	s30 =	sld [smem:$0x0];
	_ =	sdelay $0x2  }
0xc8: {  	s31 =	sshll.u32 s1, $0xD;
	s1 =	sshrl.u32 s1, $0x2  }
0xc9: {  	s4 =	sand.u32 $0x4000, s31;
	s1 =	sadd.s32 s1, s30  }
0xca: {  	s0 =	sor.u32 s4, s0;
	s1 =	sshll.u32 s1, $0x11  }
0xcb: {  	s0 =	sor.u32 s1, s0  }
0xcc: {  	s0 =	sadd.s32 $0x8F2B, s0  }
0xcd: {  	[sflag:s0] =	ssyncadd.remote.s32 $0x1  }
0xce: {  	_ =	sfence.sel $0xFFFF  }
0xcf: {  	[dreg:$0x0] =	wrdreg $0xFFFFFFFF;
	(pc) =	sbr.abs _section_cstart, $3  }
0xd0: {  	[dreg:$0x1] =	wrdreg $0xFFFFFFFF  }
0xd1: {  	_ =	task.clear_ibuf [dreg:s22], $0x2FFFF;
	_ =	strace $0x9FFFFFFF  }
0xd2: {  	(tm) =	ssettm $0x7FFFFFFF  }
0xd3: {  	_ =	shalt  }
tec
execute0_lowered:
.L_overlay_start_1:
0x0: {  	(tag) =	ssettag $0x1  }
0x1: {  	s4 =	rddreg [dreg:$0x0]  }
0x2: {  	s5 =	rddreg [dreg:$0x1];
	s0 =	srdreg.scid  }
0x3: {  	s8 =	stileid.u32;
	s1 =	rddreg [dreg:$0x2];
	s2 =	simm.s32 $0x0  }
0x4: {  	s14 =	simm.s32 $0x19400;
	s15 =	simm.s32 $0x1;
	s16 =	simm.s32 $0x2  }
0x5: {  	s17 =	simm.s32 $0x3;
	s18 =	simm.s32 $0x4;
	s19 =	simm.s32 $0x0  }
0x6: {  	s9 =	sand.u32 $0x1, s0;
	s0 =	rddreg [dreg:$0x3];
	s12 =	smul.u32 $0x50, s8  }
0x7: {  	s3 =	sshll.u32 s8, $0x1;
	[smem:$0x7FF] =	sst s2;
	s31 =	smul.u32 $0x28000, s8  }
0x8: {  	s13 =	sadd.s32 $0x2E0000, s4;
	p0 =	sne.s32 s8, $0x0;
	s28 =	smul.u32 $0x28, s9  }
0x9: {  	s3 =	sor.u32 s9, s3;
	s7 =	ssub.s32 $0x2, s9;
	s9 =	smul.u32 $0x14000, s9  }
0xa: {  	_ =	strace $0x80000053;
	s6 =	smul.u32 $0x280, s3;
	s11 =	sshrl.u32 s7, $0x1  }
0xb: {  	s10 =	smul.u32 $0x14000, s3;
	s3 =	sadd.s32 $0x38000, s4;
	s7 =	ssub.s32 s7, s11  }
0xc: {  	s30 =	sadd.s32 s28, s12;
	s11 =	sadd.s32 s31, s13;
	s12 =	simm.s32 $0x80  }
0xd: {  	s4 =	sadd.s32 s5, s6;
	s5 =	smax.u32 s7, $0x1;
	s29 =	sadd.s32 s13, s10  }
0xe: {  	s10 =	sshll.u32 s30, $0xB;
	s9 =	sadd.s32 s9, s11;
	s11 =	simm.s32 $0x5  }
0xf: {  	s6 =	sadd.s32 $0x13000, s29;
	s7 =	sadd.s32 $0x13800, s29;
	s10 =	sadd.s32 s10, s13  }
0x10: {  	s13 =	simm.s32 $0x15400;
	s8 =	sadd.s32 $0x800, s10;
	s10 =	sshrl.u32 @!p0 s1, $0x3  }
.LBB2_1:
0x11: {  	s20 =	simm.s32 @!p0 $0x1C05  }
0x12: {  	[spmem:s10], [sflag:s20] =	dma.local @!p0 [hbm:s3], $0x28000  }
0x13: {  	s20 =	simm.s32 @!p0 $0x5  }
0x14: {  	_ =	swait.ge @!p0 [sflag:s20], $0x28000  }
0x15: {  	[sflag:s20] =	ssyncset.done @!p0 $0x0  }
0x16: {  	[sflag:s20] =	ssyncadd.s32 @!p0 $0xFFFD8000  }
0x17: {  	[tilespmem:s2], [sflag:$0x5] =	stream.linear.gather [hbm4b:s4+s2], $0x1400, $0x38;
	[tilespmem:$0x1D400] =	vst v63  }
0x18: {  	_ =	swait.ge [sflag:s11], $0x1400  }
0x19: {  	[sflag:s11] =	ssyncset.done $0x0  }
0x1a: {  	[sflag:s11] =	ssyncadd.s32 $0xFFFFEC00  }
0x1b: {  	[bflag:$0x0] =	sbarrier.arrive $0xFFFF  }
0x1c: {  	[tilespmem:s13], [sflag:$0x1] =	stream.indirect.gather [spmem:s1], $0x80, s2, s12, $0xb8;
	[tilespmem:$0x1D400] =	vst v63  }
0x1d: {  	_ = 	snop  }
0x1e: {  	[tilespmem:s14], [sflag:$0x2] =	stream.indirect.gather [spmem:s1], $0x80, s12, s12, $0xb8;
	[tilespmem:$0x1D400] =	vst v63  }
0x1f: {  	_ =	swait.ge [sflag:s15], $0x4000  }
0x20: {  	[sflag:s15] =	ssyncset.done $0x0  }
0x21: {  	s29 =	sadd.s32 $0x0, s9;
	[sflag:s15] =	ssyncadd.s32 $0xFFFFC000  }
0x22: {  	[hbm4b:s29+s2] =	stream.linear.scatter [tilespmem:s13], [sflag:$0x3], $0x4000, $0x38;
	[tilespmem:$0x1D400] =	vst v63  }
0x23: {  	_ =	swait.ge [sflag:s16], $0x4000  }
0x24: {  	[sflag:s16] =	ssyncset.done $0x0  }
0x25: {  	s30 =	sadd.s32 $0x0, s8;
	[sflag:s16] =	ssyncadd.s32 $0xFFFFC000  }
0x26: {  	[hbm4b:s30+s2] =	stream.linear.scatter [tilespmem:s14], [sflag:$0x4], $0x4000, $0x38;
	[tilespmem:$0x1D400] =	vst v63  }
0x27: {  	_ =	swait.ge [sflag:s17], $0x4000  }
0x28: {  	[sflag:s17] =	ssyncset.done $0x0  }
0x29: {  	s31 =	simm.s32 $0x100;
	[sflag:s17] =	ssyncadd.s32 $0xFFFFC000  }
0x2a: {  	[tilespmem:s13], [sflag:$0x1] =	stream.indirect.gather [spmem:s1], $0x80, s31, s12, $0xb8;
	[tilespmem:$0x1D400] =	vst v63  }
0x2b: {  	_ =	swait.ge [sflag:s18], $0x4000  }
0x2c: {  	s21 =	simm.s32 $0x1000;
	[sflag:s18] =	ssyncset.done $0x0  }
0x2d: {  	s22 =	simm.s32 $0x280;
	s20 =	simm.s32 $0x180;
	[sflag:s18] =	ssyncadd.s32 $0xFFFFC000  }
.LBB2_2:
0x2e: {  	[tilespmem:s14], [sflag:$0x2] =	stream.indirect.gather [spmem:s1], $0x80, s20, s12, $0xb8;
	[tilespmem:$0x1D400] =	vst v63  }
0x2f: {  	s23 =	smov.u32 s21;
	s20 =	smov.u32 s22  }
0x30: {  	p1 =	sne.s32 s21, $0x12000;
	s21 =	sadd.s32 $0x1000, s21;
	_ =	swait.ge [sflag:s15], $0x4000  }
0x31: {  	[sflag:s15] =	ssyncset.done $0x0  }
0x32: {  	s24 =	sadd.s32 s23, s9;
	[sflag:s15] =	ssyncadd.s32 $0xFFFFC000  }
0x33: {  	[hbm4b:s24+s2] =	stream.linear.scatter [tilespmem:s13], [sflag:$0x3], $0x4000, $0x38;
	[tilespmem:$0x1D400] =	vst v63  }
0x34: {  	_ =	swait.ge [sflag:s16], $0x4000  }
0x35: {  	[sflag:s16] =	ssyncset.done $0x0  }
0x36: {  	s23 =	sadd.s32 s23, s8;
	[sflag:s16] =	ssyncadd.s32 $0xFFFFC000  }
0x37: {  	[hbm4b:s23+s2] =	stream.linear.scatter [tilespmem:s14], [sflag:$0x4], $0x4000, $0x38;
	[tilespmem:$0x1D400] =	vst v63  }
0x38: {  	_ =	swait.ge [sflag:s17], $0x4000  }
0x39: {  	[sflag:s17] =	ssyncset.done $0x0  }
.Ltmp0:
0x3a: {  	s23 =	sadd.s32 $0xFFFFFF80, s22;
	[sflag:s17] =	ssyncadd.s32 $0xFFFFC000;
	(pc) =	sbr.rel @p1 .LBB2_2-.Ltmp0, $4  }
0x3b: {  	[tilespmem:s13], [sflag:$0x1] =	stream.indirect.gather [spmem:s1], $0x80, s23, s12, $0xb8;
	[tilespmem:$0x1D400] =	vst v63  }
0x3c: {  	_ =	swait.ge [sflag:s18], $0x4000  }
0x3d: {  	[sflag:s18] =	ssyncset.done $0x0  }
0x3e: {  	s22 =	sadd.s32 $0x100, s22;
	[sflag:s18] =	ssyncadd.s32 $0xFFFFC000  }
0x3f: {  	[tilespmem:s14], [sflag:$0x2] =	stream.indirect.gather [spmem:s1], $0x80, s20, s12, $0xb8;
	[tilespmem:$0x1D400] =	vst v63  }
0x40: {  	_ =	swait.ge [sflag:s15], $0x4000  }
0x41: {  	[sflag:s15] =	ssyncset.done $0x0  }
0x42: {  	[sflag:s15] =	ssyncadd.s32 $0xFFFFC000  }
0x43: {  	[hbm4b:s6+s2] =	stream.linear.scatter [tilespmem:s13], [sflag:$0x3], $0x4000, $0x38;
	[tilespmem:$0x1D400] =	vst v63  }
0x44: {  	_ =	swait.ge [sflag:s16], $0x4000  }
0x45: {  	[sflag:s16] =	ssyncset.done $0x0  }
0x46: {  	s19 =	sadd.s32 $0x1, s19;
	[sflag:s16] =	ssyncadd.s32 $0xFFFFC000  }
0x47: {  	[hbm4b:s7+s2] =	stream.linear.scatter [tilespmem:s14], [sflag:$0x4], $0x4000, $0x38;
	[tilespmem:$0x1D400] =	vst v63  }
0x48: {  	p1 =	sne.s32 s19, s5;
	_ =	swait.ge [sflag:s17], $0x4000  }
.Ltmp1:
0x49: {  	[sflag:s17] =	ssyncset.done $0x0;
	(pc) =	sbr.rel @p1 .LBB2_1-.Ltmp1, $4  }
0x4a: {  	[sflag:s17] =	ssyncadd.s32 $0xFFFFC000  }
0x4b: {  	_ =	swait.ge [sflag:s18], $0x4000  }
0x4c: {  	[sflag:s18] =	ssyncset.done $0x0  }
0x4d: {  	[sflag:s18] =	ssyncadd.s32 $0xFFFFC000  }
0x4e: {  	_ =	sfence.sel $0x180000  }
0x4f: {  	[bflag:$0x0] =	sbarrier.arrive $0xFFFF  }
0x50: {  	_ =	strace $0x90000053  }
0x51: {  	s0 =	sadd.s32 @!p0 $0x100000, s0;
	[bflag:$0x2] =	sbarrier.arrive $0xFFFF  }
0x52: {  	[sflag:s0] =	ssyncadd.tile.s32 @!p0 $0x1;
	_ =	shalt  }
.Lfunc_end2:
_tile_overlayer_lowered:
.L_overlay_start_2:
0x53: {  	(tag) =	ssettag $0x2  }
0x54: {  	s0 =	rddreg [dreg:$0x0];
	s2 =	stileid.u32  }
0x55: {  	s1 =	rddreg [dreg:$0x1];
	p0 =	sne.s32 s2, $0x0  }
0x56: {  	s3 =	rddreg [dreg:$0x2];
	[bflag:$0x3] =	sbarrier.arrive $0xFFFF;
	s2 =	simm.s32 @!p0 $0x1C05  }
0x57: {  	[timem:s3], [sflag:s2] =	dma.local @!p0 [hbm:s0], s1  }
0x58: {  	s0 =	simm.s32 @!p0 $0x5  }
0x59: {  	_ =	swait.ge @!p0 [sflag:s0], s1  }
0x5a: {  	s1 =	ssub.s32 @!p0 $0x0, s1;
	[sflag:s0] =	ssyncset.done @!p0 $0x0  }
0x5b: {  	[sflag:s0] =	ssyncadd.s32 @!p0 s1  }
0x5c: {  	[bflag:$0x3] =	sbarrier.arrive $0xFFFF  }
0x5d: {  	_ =	shalt  }

// kernel: kernel.29.cloned.1.call-start
scs
__scs_entry_jumppad:
0x0: {  	(pc) =	sbr.rel $0x88, $3  }
0x1: {  	(tag) =	ssettag $0x0;
	lr =	simm.s32 $0x1  }
0x2: {  	[smem:$0x3F69] =	sst lr;
	_ =	strace $0xD0000000  }
0x3: {  	_ = 	snop  }
0x4: {  	_ = 	snop  }
0x5: {  	_ = 	snop  }
0x6: {  	_ = 	snop  }
0x7: {  	_ = 	snop  }
__scs_overlays_trampoline_lowered:
0x8: {  	[smem:$0x3F78] =	sst s0  }
0x9: {  	[smem:$0x3F79] =	sst s1  }
0xa: {  	[smem:$0x3F7A] =	sst s2  }
0xb: {  	[smem:$0x3F7B] =	sst s3  }
0xc: {  	[smem:$0x3F7C] =	sst s4  }
0xd: {  	[smem:$0x3F7D] =	sst s5  }
0xe: {  	[smem:$0x3F7E] =	sst s6  }
0xf: {  	[smem:$0x3F7F] =	sst s7  }
0x10: {  	[smem:$0x3F80] =	sst s8  }
0x11: {  	[smem:$0x3F81] =	sst s9;
	s0 =	simm.s32 @!p0 $0x0  }
0x12: {  	s1 =	sld [smem:$0x3F67];
	s0 =	simm.s32 @p0 $0x1  }
0x13: {  	[smem:$0x3F82] =	sst s0;
	s0 =	simm.s32 @!p1 $0x0  }
0x14: {  	s2 =	sld [smem:$0x3F66];
	s0 =	simm.s32 @p1 $0x1  }
0x15: {  	[smem:$0x3F83] =	sst s0;
	s0 =	simm.s32 @!p2 $0x0  }
0x16: {  	s3 =	sld [smem:$0x3FDB];
	s0 =	simm.s32 @p2 $0x1  }
0x17: {  	s4 =	simm.s32 $0x1BF5;
	[smem:$0x3F85] =	sst s0  }
0x18: {  	s0 =	sld [smem:$0x3F68];
	_ =	swait.ge [sflag:s4], $0x0  }
0x19: {  	s7 =	sld [smem:$0x3F69]  }
0x1a: {  	s8 =	sadd.s32 $0xFFFFE003, lr  }
0x1b: {  	s9 =	sadd.s32 $0xFFFFFEF7, lr;
	s5 =	simm.s32 $0xFFFFFFFF;
	p2 =	slt.u32 s8, $0xFFFFF086  }
0x1c: {  	p1 =	slt.u32 s9, $0xF7A;
	s5 =	simm.s32 @!p2 $0x0  }
0x1d: {  	s5 =	simm.s32 @p1 $0x1;
	p0 =	seq.s32 s7, s2  }
0x1e: {  	s7 =	smul.u32 @!p0 $0xF7A, s2;
	p2 =	seq.s32 @!p0 s5, $0x0  }
0x1f: {  	s9 =	smul.u32 $0xF7A, s1;
	s8 =	simm.s32 @!p0 $0x1BF5;
	p2 =	por !p2, p0  }
0x20: {  	[sflag:s8] =	ssyncset.s32 @!p0 $0xFFFFF086;
	s6 =	sadd.s32 @!p0 s3, s7;
	s7 =	simm.s32 @!p0 $0x108  }
0x21: {  	s3 =	sadd.s32 s3, s9;
	s6 =	sadd.s32 @!p0 $0x88, s6;
	s7 =	simm.s32 @p2 $0x1082  }
0x22: {  	[simem:s7], [sflag:s8] =	dma.local @!p0 [hbm:s6], $0xF7A  }
0x23: {  	s9 =	sor.u32 $0xD0000000, s2;
	s6 =	simm.s32 $0x108;
	_ =	swait.ge @!p0 [sflag:s8], $0x0  }
0x24: {  	s3 =	sadd.s32 $0x88, s3;
	s6 =	simm.s32 @!p1 $0x1082;
	[sflag:s4] =	ssyncset.s32 $0xFFFFF086  }
0x25: {  	[simem:s6], [sflag:s4] =	dma.local [hbm:s3], $0xF7A  }
0x26: {  	[smem:$0x3F69] =	sst s1;
	(tag) =	ssettag s2;
	_ =	strace s9  }
0x27: {  	s1 =	sld [smem:$0x3F79]  }
0x28: {  	s2 =	sld [smem:$0x3F7A]  }
0x29: {  	s4 =	sld [smem:$0x3F7C]  }
0x2a: {  	p0 =	seq.s32 s5, $0x0;
	s5 =	sld [smem:$0x3F7D]  }
0x2b: {  	s6 =	sld [smem:$0x3F7E]  }
0x2c: {  	s7 =	sld [smem:$0x3F7F]  }
0x2d: {  	s3 =	simm.s32 $0x108;
	s8 =	sld [smem:$0x3F80]  }
0x2e: {  	s3 =	simm.s32 @!p0 $0x1082;
	s9 =	sld [smem:$0x3F81]  }
0x2f: {  	lr =	sadd.s32 s0, s3;
	s0 =	sld [smem:$0x3F78]  }
0x30: {  	s3 =	sld [smem:$0x3F7B]  }
0x31: {  	[smem:$0x3F84] =	sst s10  }
0x32: {  	s10 =	sld [smem:$0x3F82];
	_ =	sdelay $0x3  }
0x33: {  	p0 =	seq.s32 s10, $0x1;
	s10 =	sld [smem:$0x3F84];
	_ =	sdelay $0x3  }
0x34: {  	[smem:$0x3F84] =	sst s10  }
0x35: {  	s10 =	sld [smem:$0x3F83];
	_ =	sdelay $0x3  }
0x36: {  	p1 =	seq.s32 s10, $0x1;
	s10 =	sld [smem:$0x3F84];
	_ =	sdelay $0x3  }
0x37: {  	[smem:$0x3F84] =	sst s10  }
0x38: {  	s10 =	sld [smem:$0x3F85]  }
0x39: {  	_ = 	snop;
	(pc) =	sbr.ind lr, $3  }
0x3a: {  	_ = 	snop  }
0x3b: {  	_ = 	snop  }
0x3c: {  	p2 =	seq.s32 s10, $0x1;
	s10 =	sld [smem:$0x3F84]  }
0x3d: {  	_ =	shalt  }
0x3e: {  	_ =	shalt  }
0x3f: {  	_ =	shalt  }
0x40: {  	_ =	shalt  }
0x41: {  	_ =	shalt  }
0x42: {  	_ =	shalt  }
0x43: {  	_ =	shalt  }
0x44: {  	_ =	shalt  }
0x45: {  	_ =	shalt  }
0x46: {  	_ =	shalt  }
0x47: {  	_ =	shalt  }
0x48: {  	_ =	shalt  }
0x49: {  	_ =	shalt  }
0x4a: {  	_ =	shalt  }
0x4b: {  	_ =	shalt  }
0x4c: {  	_ =	shalt  }
0x4d: {  	_ =	shalt  }
0x4e: {  	_ =	shalt  }
0x4f: {  	_ =	shalt  }
0x50: {  	_ =	shalt  }
0x51: {  	_ =	shalt  }
0x52: {  	_ =	shalt  }
0x53: {  	_ =	shalt  }
0x54: {  	_ =	shalt  }
0x55: {  	_ =	shalt  }
0x56: {  	_ =	shalt  }
0x57: {  	_ =	shalt  }
0x58: {  	_ =	shalt  }
0x59: {  	_ =	shalt  }
0x5a: {  	_ =	shalt  }
0x5b: {  	_ =	shalt  }
0x5c: {  	_ =	shalt  }
0x5d: {  	_ =	shalt  }
0x5e: {  	_ =	shalt  }
0x5f: {  	_ =	shalt  }
0x60: {  	_ =	shalt  }
0x61: {  	_ =	shalt  }
0x62: {  	_ =	shalt  }
0x63: {  	_ =	shalt  }
0x64: {  	_ =	shalt  }
0x65: {  	_ =	shalt  }
0x66: {  	_ =	shalt  }
0x67: {  	_ =	shalt  }
0x68: {  	_ =	shalt  }
0x69: {  	_ =	shalt  }
0x6a: {  	_ =	shalt  }
0x6b: {  	_ =	shalt  }
0x6c: {  	_ =	shalt  }
0x6d: {  	_ =	shalt  }
0x6e: {  	_ =	shalt  }
0x6f: {  	_ =	shalt  }
0x70: {  	_ =	shalt  }
0x71: {  	_ =	shalt  }
0x72: {  	_ =	shalt  }
0x73: {  	_ =	shalt  }
0x74: {  	_ =	shalt  }
0x75: {  	_ =	shalt  }
0x76: {  	_ =	shalt  }
0x77: {  	_ =	shalt  }
0x78: {  	_ =	shalt  }
0x79: {  	_ =	shalt  }
0x7a: {  	_ =	shalt  }
0x7b: {  	_ =	shalt  }
0x7c: {  	_ =	shalt  }
0x7d: {  	_ =	shalt  }
0x7e: {  	_ =	shalt  }
0x7f: {  	_ =	shalt  }
0x80: {  	_ =	shalt  }
0x81: {  	_ =	shalt  }
0x82: {  	_ =	shalt  }
0x83: {  	_ =	shalt  }
0x84: {  	_ =	shalt  }
0x85: {  	_ =	shalt  }
0x86: {  	_ =	shalt  }
0x87: {  	_ =	shalt  }
.Lfunc_end0:
.L_simem_size_0:
called_computation.5_lowered:
.L_overlay_start_0:
0x88: {  	s2 =	sld [smem:$0x3FD9]  }
0x89: {  	s3 =	sld [smem:$0x3FFE];
	_ =	sdelay $0x1  }
0x8a: {  	s1 =	srdreg.scid  }
0x8b: {  	s0 =	sand.u32 $0x1, s1  }
0x8c: {  	s17 =	sshll.u32 s0, $0xA;
	s2 =	sadd.s32 s3, s2  }
0x8d: {  	s2 =	sadd.s32 s2, s17  }
0x8e: {  	[smem:$0x3F90] =	sst s2  }
0x8f: {  	_ = 	snop  }
0x90: {  	s2 =	sld [smem:$0x3FD0];
	(tm) =	ssettm $0x1  }
0x91: {  	s18 =	sld [smem:$0x3FFB];
	_ =	sdelay $0x3  }
0x92: {  	_ =	strace s18  }
0x93: {  	s3 =	sld [smem:$0x3FFC];
	_ =	sdelay $0x3  }
0x94: {  	_ =	strace s3  }
0x95: {  	s3 =	sld [smem:$0x3FFD];
	_ =	sdelay $0x3  }
0x96: {  	_ =	strace s3  }
0x97: {  	_ =	strace $0x8FFFFFFF  }
0x98: {  	s19 =	sld [smem:$0x3FDB];
	_ =	sdelay $0x1  }
0x99: {  	s4 =	simm.s32 $_scs_section_size  }
0x9a: {  	s5 =	simm.s32 $_size__tile_overlayer_lowered;
	s6 =	simm.s32 $_tile_overlayer_lowered  }
0x9b: {  	s22 =	simm.s32 $0x1BFF;
	s21 =	sshll.u32 s6, $0x1;
	s3 =	sadd.s32 s4, s19  }
0x9c: {  	s7 =	simm.s32 $0x0;
	s20 =	sshll.u32 s5, $0x1;
	s5 =	sadd.s32 s21, s3  }
0x9d: {  	[timem:s7], [sflag:s22] =	dma.local [hbm:s5], s20  }
0x9e: {  	_ =	swait.ge [sflag:s22], s20  }
0x9f: {  	s4 =	ssub.s32 $0x0, s20;
	[sflag:s22] =	ssyncset.done $0x0  }
0xa0: {  	[sflag:s22] =	ssyncadd.s32 s4;
	_ =	sdelay $0x1  }
0xa1: {  	s23 =	simm.s32 $0x1B8B  }
0xa2: {  	_ =	swait.ge [sflag:s23], $0x1  }
0xa3: {  	[sflag:s23] =	ssyncset.done $0x0  }
0xa4: {  	s25 =	simm.s32 $0x1B8E;
	s24 =	sld [smem:$0x3FFE];
	[sflag:s23] =	ssyncadd.s32 $0xFFFFFFFF  }
0xa5: {  	s26 =	simm.s32 $execute0_lowered;
	[smem:$0x3FD2] =	sst s25  }
0xa6: {  	s5 =	sshll.u32 s26, $0x1;
	_ =	strace $0x80000055;
	[dreg:$0x1] =	wrdreg $0xFFFFFFFF  }
0xa7: {  	s28 =	simm.s32 $_size_execute0_lowered;
	s3 =	sadd.s32 s3, s5;
	[dreg:$0x0] =	wrdreg $0x0  }
0xa8: {  	s5 =	sshll.u32 s28, $0x1;
	[dreg:$0x2] =	wrdreg s3  }
0xa9: {  	[dreg:$0x3] =	wrdreg s5  }
0xaa: {  	[dreg:$0x4] =	wrdreg $0xC0  }
0xab: {  	_ =	task [dreg:s7], $0x5FFFF  }
0xac: {  	[dreg:$0x1] =	wrdreg $0xFFFFFFFF  }
0xad: {  	[dreg:$0x0] =	wrdreg $0x60  }
0xae: {  	[dreg:$0x2] =	wrdreg s24  }
0xaf: {  	[dreg:$0x3] =	wrdreg s2  }
0xb0: {  	[dreg:$0x4] =	wrdreg $0x14000  }
0xb1: {  	[dreg:$0x5] =	wrdreg $0x9  }
0xb2: {  	_ =	task.clear_ibuf [dreg:s7], $0x6FFFF;
	_ =	strace $0x90000055  }
0xb3: {  	s29 =	simm.s32 $0x9;
	_ =	strace $0x80000057  }
0xb4: {  	_ =	swait.ge [sflag:s29], $0x1  }
0xb5: {  	[sflag:s29] =	ssyncadd.s32 $0xFFFFFFFF  }
0xb6: {  	_ =	strace $0x90000057  }
0xb7: {  	_ =	sfence  }
0xb8: {  	s30 =	sld [smem:$0x0];
	_ =	sdelay $0x2  }
0xb9: {  	s31 =	sshll.u32 s1, $0xD;
	s1 =	sshrl.u32 s1, $0x2  }
0xba: {  	s3 =	sand.u32 $0x4000, s31;
	s1 =	sadd.s32 s1, s30  }
0xbb: {  	s0 =	sor.u32 s3, s0;
	s1 =	sshll.u32 s1, $0x11  }
0xbc: {  	s0 =	sor.u32 s1, s0  }
0xbd: {  	s0 =	sadd.s32 $0x8F2B, s0  }
0xbe: {  	[sflag:s0] =	ssyncadd.remote.s32 $0x1  }
0xbf: {  	_ =	sfence.sel $0xFFFF  }
0xc0: {  	[dreg:$0x0] =	wrdreg $0xFFFFFFFF;
	(pc) =	sbr.abs _section_cstart, $3  }
0xc1: {  	[dreg:$0x1] =	wrdreg $0xFFFFFFFF  }
0xc2: {  	_ =	task.clear_ibuf [dreg:s7], $0x2FFFF;
	_ =	strace $0x9FFFFFFF  }
0xc3: {  	(tm) =	ssettm $0x7FFFFFFF  }
tec
execute0_lowered:
.L_overlay_start_1:
0x0: {  	(tag) =	ssettag $0x1  }
0x1: {  	s4 =	rddreg [dreg:$0x0]  }
0x2: {  	s5 =	rddreg [dreg:$0x1];
	s0 =	srdreg.scid  }
0x3: {  	s8 =	stileid.u32;
	s1 =	rddreg [dreg:$0x2];
	s2 =	simm.s32 $0x0  }
0x4: {  	s14 =	simm.s32 $0x19400;
	s15 =	simm.s32 $0x1;
	s16 =	simm.s32 $0x2  }
0x5: {  	s17 =	simm.s32 $0x3;
	s18 =	simm.s32 $0x4;
	s19 =	simm.s32 $0x0  }
0x6: {  	s9 =	sand.u32 $0x1, s0;
	s0 =	rddreg [dreg:$0x3];
	s12 =	smul.u32 $0x50, s8  }
0x7: {  	s3 =	sshll.u32 s8, $0x1;
	[smem:$0x7FF] =	sst s2;
	s31 =	smul.u32 $0x28000, s8  }
0x8: {  	s13 =	sadd.s32 $0x2E0000, s4;
	p0 =	sne.s32 s8, $0x0;
	s28 =	smul.u32 $0x28, s9  }
0x9: {  	s3 =	sor.u32 s9, s3;
	s7 =	ssub.s32 $0x2, s9;
	s9 =	smul.u32 $0x14000, s9  }
0xa: {  	_ =	strace $0x80000056;
	s6 =	smul.u32 $0x280, s3;
	s11 =	sshrl.u32 s7, $0x1  }
0xb: {  	s10 =	smul.u32 $0x14000, s3;
	s3 =	sadd.s32 $0x10000, s4;
	s7 =	ssub.s32 s7, s11  }
0xc: {  	s30 =	sadd.s32 s28, s12;
	s11 =	sadd.s32 s31, s13;
	s12 =	simm.s32 $0x80  }
0xd: {  	s4 =	sadd.s32 s5, s6;
	s5 =	smax.u32 s7, $0x1;
	s29 =	sadd.s32 s13, s10  }
0xe: {  	s10 =	sshll.u32 s30, $0xB;
	s9 =	sadd.s32 s9, s11;
	s11 =	simm.s32 $0x5  }
0xf: {  	s6 =	sadd.s32 $0x13000, s29;
	s7 =	sadd.s32 $0x13800, s29;
	s10 =	sadd.s32 s10, s13  }
0x10: {  	s13 =	simm.s32 $0x15400;
	s8 =	sadd.s32 $0x800, s10;
	s10 =	sshrl.u32 @!p0 s1, $0x3  }
.LBB2_1:
0x11: {  	s20 =	simm.s32 @!p0 $0x1C05  }
0x12: {  	[spmem:s10], [sflag:s20] =	dma.local @!p0 [hbm:s3], $0x28000  }
0x13: {  	s20 =	simm.s32 @!p0 $0x5  }
0x14: {  	_ =	swait.ge @!p0 [sflag:s20], $0x28000  }
0x15: {  	[sflag:s20] =	ssyncset.done @!p0 $0x0  }
0x16: {  	[sflag:s20] =	ssyncadd.s32 @!p0 $0xFFFD8000  }
0x17: {  	[tilespmem:s2], [sflag:$0x5] =	stream.linear.gather [hbm4b:s4+s2], $0x1400, $0x38;
	[tilespmem:$0x1D400] =	vst v63  }
0x18: {  	_ =	swait.ge [sflag:s11], $0x1400  }
0x19: {  	[sflag:s11] =	ssyncset.done $0x0  }
0x1a: {  	[sflag:s11] =	ssyncadd.s32 $0xFFFFEC00  }
0x1b: {  	[bflag:$0x0] =	sbarrier.arrive $0xFFFF  }
0x1c: {  	[tilespmem:s13], [sflag:$0x1] =	stream.indirect.gather [spmem:s1], $0x80, s2, s12, $0xb8;
	[tilespmem:$0x1D400] =	vst v63  }
0x1d: {  	_ = 	snop  }
0x1e: {  	[tilespmem:s14], [sflag:$0x2] =	stream.indirect.gather [spmem:s1], $0x80, s12, s12, $0xb8;
	[tilespmem:$0x1D400] =	vst v63  }
0x1f: {  	_ =	swait.ge [sflag:s15], $0x4000  }
0x20: {  	[sflag:s15] =	ssyncset.done $0x0  }
0x21: {  	s29 =	sadd.s32 $0x0, s9;
	[sflag:s15] =	ssyncadd.s32 $0xFFFFC000  }
0x22: {  	[hbm4b:s29+s2] =	stream.linear.scatter [tilespmem:s13], [sflag:$0x3], $0x4000, $0x38;
	[tilespmem:$0x1D400] =	vst v63  }
0x23: {  	_ =	swait.ge [sflag:s16], $0x4000  }
0x24: {  	[sflag:s16] =	ssyncset.done $0x0  }
0x25: {  	s30 =	sadd.s32 $0x0, s8;
	[sflag:s16] =	ssyncadd.s32 $0xFFFFC000  }
0x26: {  	[hbm4b:s30+s2] =	stream.linear.scatter [tilespmem:s14], [sflag:$0x4], $0x4000, $0x38;
	[tilespmem:$0x1D400] =	vst v63  }
0x27: {  	_ =	swait.ge [sflag:s17], $0x4000  }
0x28: {  	[sflag:s17] =	ssyncset.done $0x0  }
0x29: {  	s31 =	simm.s32 $0x100;
	[sflag:s17] =	ssyncadd.s32 $0xFFFFC000  }
0x2a: {  	[tilespmem:s13], [sflag:$0x1] =	stream.indirect.gather [spmem:s1], $0x80, s31, s12, $0xb8;
	[tilespmem:$0x1D400] =	vst v63  }
0x2b: {  	_ =	swait.ge [sflag:s18], $0x4000  }
0x2c: {  	s21 =	simm.s32 $0x1000;
	[sflag:s18] =	ssyncset.done $0x0  }
0x2d: {  	s22 =	simm.s32 $0x280;
	s20 =	simm.s32 $0x180;
	[sflag:s18] =	ssyncadd.s32 $0xFFFFC000  }
.LBB2_2:
0x2e: {  	[tilespmem:s14], [sflag:$0x2] =	stream.indirect.gather [spmem:s1], $0x80, s20, s12, $0xb8;
	[tilespmem:$0x1D400] =	vst v63  }
0x2f: {  	s23 =	smov.u32 s21;
	s20 =	smov.u32 s22  }
0x30: {  	p1 =	sne.s32 s21, $0x12000;
	s21 =	sadd.s32 $0x1000, s21;
	_ =	swait.ge [sflag:s15], $0x4000  }
0x31: {  	[sflag:s15] =	ssyncset.done $0x0  }
0x32: {  	s24 =	sadd.s32 s23, s9;
	[sflag:s15] =	ssyncadd.s32 $0xFFFFC000  }
0x33: {  	[hbm4b:s24+s2] =	stream.linear.scatter [tilespmem:s13], [sflag:$0x3], $0x4000, $0x38;
	[tilespmem:$0x1D400] =	vst v63  }
0x34: {  	_ =	swait.ge [sflag:s16], $0x4000  }
0x35: {  	[sflag:s16] =	ssyncset.done $0x0  }
0x36: {  	s23 =	sadd.s32 s23, s8;
	[sflag:s16] =	ssyncadd.s32 $0xFFFFC000  }
0x37: {  	[hbm4b:s23+s2] =	stream.linear.scatter [tilespmem:s14], [sflag:$0x4], $0x4000, $0x38;
	[tilespmem:$0x1D400] =	vst v63  }
0x38: {  	_ =	swait.ge [sflag:s17], $0x4000  }
0x39: {  	[sflag:s17] =	ssyncset.done $0x0  }
.Ltmp0:
0x3a: {  	s23 =	sadd.s32 $0xFFFFFF80, s22;
	[sflag:s17] =	ssyncadd.s32 $0xFFFFC000;
	(pc) =	sbr.rel @p1 .LBB2_2-.Ltmp0, $4  }
0x3b: {  	[tilespmem:s13], [sflag:$0x1] =	stream.indirect.gather [spmem:s1], $0x80, s23, s12, $0xb8;
	[tilespmem:$0x1D400] =	vst v63  }
0x3c: {  	_ =	swait.ge [sflag:s18], $0x4000  }
0x3d: {  	[sflag:s18] =	ssyncset.done $0x0  }
0x3e: {  	s22 =	sadd.s32 $0x100, s22;
	[sflag:s18] =	ssyncadd.s32 $0xFFFFC000  }
0x3f: {  	[tilespmem:s14], [sflag:$0x2] =	stream.indirect.gather [spmem:s1], $0x80, s20, s12, $0xb8;
	[tilespmem:$0x1D400] =	vst v63  }
0x40: {  	_ =	swait.ge [sflag:s15], $0x4000  }
0x41: {  	[sflag:s15] =	ssyncset.done $0x0  }
0x42: {  	[sflag:s15] =	ssyncadd.s32 $0xFFFFC000  }
0x43: {  	[hbm4b:s6+s2] =	stream.linear.scatter [tilespmem:s13], [sflag:$0x3], $0x4000, $0x38;
	[tilespmem:$0x1D400] =	vst v63  }
0x44: {  	_ =	swait.ge [sflag:s16], $0x4000  }
0x45: {  	[sflag:s16] =	ssyncset.done $0x0  }
0x46: {  	s19 =	sadd.s32 $0x1, s19;
	[sflag:s16] =	ssyncadd.s32 $0xFFFFC000  }
0x47: {  	[hbm4b:s7+s2] =	stream.linear.scatter [tilespmem:s14], [sflag:$0x4], $0x4000, $0x38;
	[tilespmem:$0x1D400] =	vst v63  }
0x48: {  	p1 =	sne.s32 s19, s5;
	_ =	swait.ge [sflag:s17], $0x4000  }
.Ltmp1:
0x49: {  	[sflag:s17] =	ssyncset.done $0x0;
	(pc) =	sbr.rel @p1 .LBB2_1-.Ltmp1, $4  }
0x4a: {  	[sflag:s17] =	ssyncadd.s32 $0xFFFFC000  }
0x4b: {  	_ =	swait.ge [sflag:s18], $0x4000  }
0x4c: {  	[sflag:s18] =	ssyncset.done $0x0  }
0x4d: {  	[sflag:s18] =	ssyncadd.s32 $0xFFFFC000  }
0x4e: {  	_ =	sfence.sel $0x180000  }
0x4f: {  	[bflag:$0x0] =	sbarrier.arrive $0xFFFF  }
0x50: {  	_ =	strace $0x90000056  }
0x51: {  	s0 =	sadd.s32 @!p0 $0x100000, s0;
	[bflag:$0x2] =	sbarrier.arrive $0xFFFF  }
0x52: {  	[sflag:s0] =	ssyncadd.tile.s32 @!p0 $0x1;
	_ =	shalt  }
.Lfunc_end2:
_tile_overlayer_lowered:
.L_overlay_start_2:
0x53: {  	(tag) =	ssettag $0x2  }
0x54: {  	s0 =	rddreg [dreg:$0x0];
	s2 =	stileid.u32  }
0x55: {  	s1 =	rddreg [dreg:$0x1];
	p0 =	sne.s32 s2, $0x0  }
0x56: {  	s3 =	rddreg [dreg:$0x2];
	[bflag:$0x3] =	sbarrier.arrive $0xFFFF;
	s2 =	simm.s32 @!p0 $0x1C05  }
0x57: {  	[timem:s3], [sflag:s2] =	dma.local @!p0 [hbm:s0], s1  }
0x58: {  	s0 =	simm.s32 @!p0 $0x5  }
0x59: {  	_ =	swait.ge @!p0 [sflag:s0], s1  }
0x5a: {  	s1 =	ssub.s32 @!p0 $0x0, s1;
	[sflag:s0] =	ssyncset.done @!p0 $0x0  }
0x5b: {  	[sflag:s0] =	ssyncadd.s32 @!p0 s1  }
0x5c: {  	[bflag:$0x3] =	sbarrier.arrive $0xFFFF  }
0x5d: {  	_ =	shalt  }

</sc_bundles>
